<compile_context>
chip_gen: v7x
topology: tpu7x:2x2x1
jax: 0.10.2.dev20260603
libtpu: 0.0.44.dev20260713+nightly
codegen_flags: <defaults>
</compile_context>

<pallas_src>
import functools

import jax
import jax.numpy as jnp
from jax import lax
from jax.experimental import pallas as pl
from jax.experimental.pallas import tpu as pltpu
from jax.experimental.pallas import tpu_sc as plsc

N = 10000
E = 320000
D = 128

NC = 2
NS = 16
LANES = 16
NP = 10240
C = 80
ET = E // (NC * NS)
NCH = ET // C
RPS = NP // NS
NBLK = 5
BCH = NCH // NBLK
NB = 2
NR = 3

_MESH = dict(core_axis_name="c", subcore_axis_name="s",
             num_cores=NC, num_subcores=NS)



def _sc_degrees(e6, zeros):
    mesh = plsc.VectorSubcoreMesh(**_MESH)

    @functools.partial(
        pl.kernel,
        out_type=jax.ShapeDtypeStruct((NC, 2, NP), jnp.float32),
        mesh=mesh,
        scratch_types=[
            pltpu.VMEM((2, NB, BCH, C), jnp.int32),
            pltpu.VMEM((C,), jnp.float32),
            pltpu.VMEM_SHARED((NP,), jnp.float32),
            pltpu.VMEM_SHARED((NP,), jnp.float32),
            pltpu.SemaphoreType.DMA,
        ],
    )
    def k(e_hbm, z_hbm, out_hbm, idx, ones, acc_o, acc_i, semi):
        core = lax.axis_index("c")
        sub = lax.axis_index("s")

        @pl.loop(0, C // LANES)
        def _(r):
            ones[pl.ds(r * LANES, LANES)] = jnp.ones((LANES,), jnp.float32)

        pltpu.sync_copy(e_hbm.at[0, core, sub, 0], idx.at[0, 0])
        pltpu.sync_copy(e_hbm.at[1, core, sub, 0], idx.at[1, 0])
        pltpu.sync_copy(z_hbm, acc_o.at[pl.ds(sub * RPS, RPS)])
        pltpu.sync_copy(z_hbm, acc_i.at[pl.ds(sub * RPS, RPS)])
        plsc.subcore_barrier()

        for b in range(NBLK):
            sidx = idx.at[0, b % NB]
            didx = idx.at[1, b % NB]
            if b + 1 < NBLK:
                pltpu.async_copy(e_hbm.at[0, core, sub, b + 1],
                                 idx.at[0, (b + 1) % NB], semi)
                pltpu.async_copy(e_hbm.at[1, core, sub, b + 1],
                                 idx.at[1, (b + 1) % NB], semi)

            @pl.loop(0, BCH)
            def _(j):
                pltpu.sync_copy(ones, acc_o.at[sidx.at[j]], add=True)
                pltpu.sync_copy(ones, acc_i.at[didx.at[j]], add=True)

            if b + 1 < NBLK:
                pltpu.make_async_copy(e_hbm.at[0, core, sub, b + 1],
                                      idx.at[0, (b + 1) % NB], semi).wait()
                pltpu.make_async_copy(e_hbm.at[1, core, sub, b + 1],
                                      idx.at[1, (b + 1) % NB], semi).wait()

        plsc.subcore_barrier()
        pltpu.sync_copy(acc_o.at[pl.ds(sub * RPS, RPS)],
                        out_hbm.at[core, 0, pl.ds(sub * RPS, RPS)])
        pltpu.sync_copy(acc_i.at[pl.ds(sub * RPS, RPS)],
                        out_hbm.at[core, 1, pl.ds(sub * RPS, RPS)])

    return k(e6, zeros)


def _sc_edge_pass(h, e6, zeros):
    mesh = plsc.VectorSubcoreMesh(**_MESH)

    @functools.partial(
        pl.kernel,
        out_type=jax.ShapeDtypeStruct((NC, NP, D), jnp.float32),
        mesh=mesh,
        scratch_types=[
            pltpu.VMEM((2, NB, BCH, C), jnp.int32),
            pltpu.VMEM((NR, C, D), jnp.float32),
            pltpu.VMEM_SHARED((NP, D), jnp.float32),
            [pltpu.SemaphoreType.DMA] * NR,
            pltpu.SemaphoreType.DMA,
        ],
    )
    def k(h_hbm, e_hbm, z_hbm, out_hbm,
          idx, rows, acc, sems, semi):
        core = lax.axis_index("c")
        sub = lax.axis_index("s")

        pltpu.sync_copy(e_hbm.at[0, core, sub, 0], idx.at[0, 0])
        pltpu.sync_copy(e_hbm.at[1, core, sub, 0], idx.at[1, 0])
        pltpu.sync_copy(z_hbm, acc.at[pl.ds(sub * RPS, RPS)])
        plsc.subcore_barrier()

        @pl.loop(0, NBLK)
        def _(b):
            sidx = idx.at[0, b % NB]
            didx = idx.at[1, b % NB]

            @pl.when(b + 1 < NBLK)
            def _():
                pltpu.async_copy(e_hbm.at[0, core, sub, b + 1],
                                 idx.at[0, (b + 1) % NB], semi)
                pltpu.async_copy(e_hbm.at[1, core, sub, b + 1],
                                 idx.at[1, (b + 1) % NB], semi)

            for k0 in range(NR - 1):
                pltpu.async_copy(h_hbm.at[sidx.at[k0]], rows.at[k0],
                                 sems[k0])

            @pl.loop(0, BCH // NR)
            def _(t):
                c0 = t * NR
                for k in range(NR):
                    c = c0 + k
                    pltpu.make_async_copy(h_hbm.at[sidx.at[c]], rows.at[k],
                                          sems[k]).wait()
                    pltpu.sync_copy(rows.at[k], acc.at[didx.at[c]],
                                    add=True)
                    nk = (k + NR - 1) % NR
                    nc = c + NR - 1

                    @pl.when(nc < BCH)
                    def _():
                        pltpu.async_copy(h_hbm.at[sidx.at[nc]], rows.at[nk],
                                         sems[nk])

            for k in range(BCH - BCH // NR * NR):
                c = BCH // NR * NR + k
                pltpu.make_async_copy(h_hbm.at[sidx.at[c]], rows.at[k],
                                      sems[k]).wait()
                pltpu.sync_copy(rows.at[k], acc.at[didx.at[c]], add=True)

            @pl.when(b + 1 < NBLK)
            def _():
                pltpu.make_async_copy(e_hbm.at[0, core, sub, b + 1],
                                      idx.at[0, (b + 1) % NB], semi).wait()
                pltpu.make_async_copy(e_hbm.at[1, core, sub, b + 1],
                                      idx.at[1, (b + 1) % NB], semi).wait()

        plsc.subcore_barrier()
        pltpu.sync_copy(acc.at[pl.ds(sub * RPS, RPS)],
                        out_hbm.at[core, pl.ds(sub * RPS, RPS)])

    return k(h, e6, zeros)



_R = 2048
_G = NP // _R


def _nrm(dg):
    return jnp.where(dg > 0, lax.rsqrt(jnp.maximum(dg, 1.0)), 0.0)


_DEG_SPEC = pl.BlockSpec((NC, 2, _R), lambda i: (0, 0, i))


def _tc_mm(x, w):
    def body(x_ref, w_ref, o_ref):
        o_ref[...] = jnp.dot(x_ref[...], w_ref[...],
                             preferred_element_type=jnp.float32)

    return pl.pallas_call(
        body,
        grid=(_G,),
        in_specs=[pl.BlockSpec((_R, D), lambda i: (i, 0)),
                  pl.BlockSpec((D, D), lambda i: (0, 0))],
        out_specs=pl.BlockSpec((_R, D), lambda i: (i, 0)),
        out_shape=jax.ShapeDtypeStruct((NP, D), jnp.float32),
    )(x, w)


def _tc_norm_scale(degp, u):
    def body(dp_ref, u_ref, h_ref):
        ns = _nrm(dp_ref[0, 0] + dp_ref[1, 0]).reshape(_R, 1)
        h_ref[...] = u_ref[...] * ns

    return pl.pallas_call(
        body,
        grid=(_G,),
        in_specs=[_DEG_SPEC,
                  pl.BlockSpec((_R, D), lambda i: (i, 0))],
        out_specs=pl.BlockSpec((_R, D), lambda i: (i, 0)),
        out_shape=jax.ShapeDtypeStruct((NP, D), jnp.float32),
    )(degp, u)


def _tc_layer2(p, degp, b1, gamma, beta, w):
    def body(p_ref, dp_ref, b_ref, g_ref, bt_ref, w_ref, o_ref,
             h_scr, st_scr):
        i = pl.program_id(0)

        @pl.when(i < _G)
        def _():
            nd = _nrm(dp_ref[0, 1] + dp_ref[1, 1]).reshape(_R, 1)
            h = (p_ref[0] + p_ref[1]) * nd + b_ref[...]
            h_scr[pl.ds(i * _R, _R), :] = h
            row = i * _R + lax.broadcasted_iota(jnp.int32, (_R, 1), 0)
            hm = jnp.where(row < N, h, 0.0)
            st = jnp.concatenate(
                [jnp.sum(hm, axis=0, keepdims=True),
                 jnp.sum(hm * hm, axis=0, keepdims=True)], axis=0)

            @pl.when(i == 0)
            def _():
                st_scr[...] = st

            @pl.when(i != 0)
            def _():
                st_scr[...] += st

        @pl.when(i >= _G)
        def _():
            mean = st_scr[0:1] / N
            var = st_scr[1:2] / N - mean * mean
            a = g_ref[...] * lax.rsqrt(var + 1e-5)
            c = bt_ref[...] - mean * a
            ns = _nrm(dp_ref[0, 0] + dp_ref[1, 0]).reshape(_R, 1)
            h = h_scr[pl.ds((i - _G) * _R, _R), :]
            hh = jnp.maximum(h * a + c, 0.0) * ns
            o_ref[...] = jnp.dot(hh, w_ref[...],
                                 preferred_element_type=jnp.float32)

    return pl.pallas_call(
        body,
        grid=(2 * _G,),
        in_specs=[
            pl.BlockSpec((NC, _R, D),
                         lambda i: (0, jnp.where(i < _G, i, _G - 1), 0)),
            pl.BlockSpec((NC, 2, _R), lambda i: (0, 0, i % _G)),
            pl.BlockSpec((1, D), lambda i: (0, 0)),
            pl.BlockSpec((1, D), lambda i: (0, 0)),
            pl.BlockSpec((1, D), lambda i: (0, 0)),
            pl.BlockSpec((D, D), lambda i: (0, 0)),
        ],
        out_specs=pl.BlockSpec((_R, D), lambda i: (i % _G, 0)),
        out_shape=jax.ShapeDtypeStruct((NP, D), jnp.float32),
        scratch_shapes=[pltpu.VMEM((NP, D), jnp.float32),
                        pltpu.VMEM((2, D), jnp.float32)],
    )(p, degp, b1, gamma, beta, w)


def _tc_final(q, degp, b2):
    def body(q_ref, dp_ref, b_ref, o_ref):
        nd = _nrm(dp_ref[0, 1] + dp_ref[1, 1]).reshape(_R, 1)
        o_ref[...] = (q_ref[0] + q_ref[1]) * nd + b_ref[...]

    return pl.pallas_call(
        body,
        grid=(_G,),
        in_specs=[pl.BlockSpec((NC, _R, D), lambda i: (0, i, 0)),
                  _DEG_SPEC,
                  pl.BlockSpec((1, D), lambda i: (0, 0))],
        out_specs=pl.BlockSpec((_R, D), lambda i: (i, 0)),
        out_shape=jax.ShapeDtypeStruct((N, D), jnp.float32),
    )(q, degp, b2)



def kernel(x, edge_index, W1, b1, gamma, beta, W2, b2):
    e6 = edge_index.reshape(2, NC, NS, NBLK, BCH, C)
    zeros = jnp.zeros((RPS, D), jnp.float32)
    zeros1 = jnp.zeros((RPS,), jnp.float32)
    x_p = jnp.concatenate(
        [x, jnp.zeros((NP - N, D), jnp.float32)], axis=0)

    u = _tc_mm(x_p, W1)
    degp = _sc_degrees(e6, zeros1)
    h1 = _tc_norm_scale(degp, u)

    p = _sc_edge_pass(h1, e6, zeros)
    h2 = _tc_layer2(p, degp, b1.reshape(1, D), gamma.reshape(1, D),
                    beta.reshape(1, D), W2)
    q = _sc_edge_pass(h2, e6, zeros)
    return _tc_final(q, degp, b2.reshape(1, D))

# --- scband reference (transcript-rebuilt; emitter-appended) ---
"""Pipeline reference for scband-gcn-21964462752266 (READ-ONLY COPY).

The authoritative reference and input builder live on the scoring server;
editing this copy changes nothing except your own understanding.
"""

import jax, jax.numpy as jnp
import numpy as np

N = 10000
E = 320000
D_IN = 128
D_HID = 128
D_OUT = 128


def setup_inputs(seed: int = 0) -> dict:
    key = jax.random.key(seed)
    ks = jax.random.split(key, 8)
    x = jax.random.normal(ks[0], (N, D_IN), dtype=jnp.float32)
    edge_index = jax.random.randint(ks[1], (2, E), 0, N, dtype=jnp.int32)
    W1 = jax.random.normal(ks[2], (D_IN, D_HID), dtype=jnp.float32) * (1.0 / np.sqrt(D_IN))
    b1 = jnp.zeros((D_HID,), dtype=jnp.float32)
    gamma = jnp.ones((D_HID,), dtype=jnp.float32)
    beta = jnp.zeros((D_HID,), dtype=jnp.float32)
    W2 = jax.random.normal(ks[3], (D_HID, D_OUT), dtype=jnp.float32) * (1.0 / np.sqrt(D_HID))
    b2 = jnp.zeros((D_OUT,), dtype=jnp.float32)
    return {"x": x, "edge_index": edge_index, "W1": W1, "b1": b1, "gamma": gamma, "beta": beta, "W2": W2, "b2": b2}


def _gcn_conv(x, src, dst, W, b):
    # DGL GraphConv with norm='both': D_out^{-1/2} on src feats, sum-aggregate, D_in^{-1/2} on dst
    ones = jnp.ones((src.shape[0],), dtype=x.dtype)
    deg_out = jnp.zeros((N,), dtype=x.dtype).at[src].add(ones)
    deg_in = jnp.zeros((N,), dtype=x.dtype).at[dst].add(ones)
    norm_src = jnp.where(deg_out > 0, jax.lax.rsqrt(jnp.maximum(deg_out, 1.0)), 0.0)
    norm_dst = jnp.where(deg_in > 0, jax.lax.rsqrt(jnp.maximum(deg_in, 1.0)), 0.0)
    h = x * norm_src[:, None]
    h = h @ W
    msg = jnp.take(h, src, axis=0)
    agg = jnp.zeros((N, h.shape[1]), dtype=h.dtype).at[dst].add(msg)
    agg = agg * norm_dst[:, None]
    return agg + b


def _batchnorm(h, gamma, beta, eps=1e-5):
    mean = jnp.mean(h, axis=0)
    var = jnp.var(h, axis=0)
    return (h - mean) * jax.lax.rsqrt(var + eps) * gamma + beta


def reference(x, edge_index, W1, b1, gamma, beta, W2, b2):
    src = edge_index[0]
    dst = edge_index[1]
    h = _gcn_conv(x, src, dst, W1, b1)
    h = _batchnorm(h, gamma, beta)
    h = jax.nn.relu(h)
    # dropout is identity in eval mode
    out = _gcn_conv(h, src, dst, W2, b2)
    return out

if __name__ == "__main__":
    import jax
    _d = setup_inputs()
    print(jax.jit(kernel)(*tuple(_d.values())))

</pallas_src>

<mosaic_0001>
#map = affine_map<(d0, d1) -> (0, 0)>
#map1 = affine_map<(d0, d1) -> (0, 0, 0, 0, 0, 0)>
#map2 = affine_map<(d0, d1) -> (0, 0, 0)>
module attributes {stable_mosaic.version = 14 : i64} {
  func.func @k(%arg0: i32, %arg1: i32, %arg2: memref<10240x128xf32, #tpu.memory_space<hbm>>, %arg3: memref<2x2x16x5x25x80xi32, #tpu.memory_space<hbm>>, %arg4: memref<640x128xf32, #tpu.memory_space<hbm>>, %arg5: memref<2x10240x128xf32, #tpu.memory_space<hbm>>, %arg6: memref<2x2x25x80xi32, #tpu.memory_space<vmem>>, %arg7: memref<3x80x128xf32, #tpu.memory_space<vmem>>, %arg8: memref<10240x128xf32, #tpu.memory_space<vmem_shared>>, %arg9: memref<!tpu.dma_semaphore, #tpu.memory_space<semaphore_mem>>, %arg10: memref<!tpu.dma_semaphore, #tpu.memory_space<semaphore_mem>>, %arg11: memref<!tpu.dma_semaphore, #tpu.memory_space<semaphore_mem>>, %arg12: memref<!tpu.dma_semaphore, #tpu.memory_space<semaphore_mem>>) attributes {dimension_semantics = [#tpu.dimension_semantics<core_parallel>, #tpu.dimension_semantics<subcore_parallel>], iteration_bounds = array<i64: 2, 16>, scalar_prefetch = 0 : i64, scratch_operands = 7 : i64, tpu.core_type = #tpu.core_type<sc_vector_subcore>, window_params = [{transform_indices = #map}, {transform_indices = #map1}, {transform_indices = #map}, {transform_indices = #map2}]} {
    %run_scoped3A = arith.constant 0 : i32
    %run_scoped3A_0 = arith.constant 0 : i32
    %run_scoped3A_1 = arith.constant 0 : i32
    %run_scoped3A_2 = arith.constant 0 : i32
    "tpu.region"() ({
      %run_scoped3A_17 = tpu.sem_alloc : memref<!tpu.dma_semaphore, #tpu.memory_space<semaphore_mem>>
      %dma_start3A = arith.constant 0 : i32
      %dma_start3A_18 = arith.constant 0 : i32
      %dma_start3A_19 = tpu.memref_slice %arg6[%run_scoped3A_1, %run_scoped3A_2, %dma_start3A, %dma_start3A_18] : memref<2x2x25x80xi32, #tpu.memory_space<vmem>> -> memref<1x1x25x80xi32, #tpu.memory_space<vmem>>
      %dma_start3A_20 = tpu.memref_squeeze %dma_start3A_19 : memref<1x1x25x80xi32, #tpu.memory_space<vmem>> -> memref<25x80xi32, #tpu.memory_space<vmem>>
      %dma_start3A_21 = arith.constant 0 : i32
      %dma_start3A_22 = arith.constant 0 : i32
      %dma_start3A_23 = tpu.memref_slice %arg3[%run_scoped3A, %arg0, %arg1, %run_scoped3A_0, %dma_start3A_21, %dma_start3A_22] : memref<2x2x16x5x25x80xi32, #tpu.memory_space<hbm>> -> memref<1x1x1x1x25x80xi32, #tpu.memory_space<hbm>>
      %dma_start3A_24 = tpu.memref_squeeze %dma_start3A_23 : memref<1x1x1x1x25x80xi32, #tpu.memory_space<hbm>> -> memref<25x80xi32, #tpu.memory_space<hbm>>
      %dma_start3A_25 = arith.constant 0 : i32
      %dma_start3A_26 = arith.constant 0 : i32
      %dma_start3A_27 = tpu.memref_slice %arg6[%run_scoped3A_1, %run_scoped3A_2, %dma_start3A_25, %dma_start3A_26] : memref<2x2x25x80xi32, #tpu.memory_space<vmem>> -> memref<1x1x25x80xi32, #tpu.memory_space<vmem>>
      %dma_start3A_28 = tpu.memref_squeeze %dma_start3A_27 : memref<1x1x25x80xi32, #tpu.memory_space<vmem>> -> memref<25x80xi32, #tpu.memory_space<vmem>>
      %dma_start3A_29 = arith.constant 0 : i32
      %dma_start3A_30 = arith.constant 0 : i32
      %dma_start3A_31 = tpu.memref_slice %arg3[%run_scoped3A, %arg0, %arg1, %run_scoped3A_0, %dma_start3A_29, %dma_start3A_30] : memref<2x2x16x5x25x80xi32, #tpu.memory_space<hbm>> -> memref<1x1x1x1x25x80xi32, #tpu.memory_space<hbm>>
      %dma_start3A_32 = tpu.memref_squeeze %dma_start3A_31 : memref<1x1x1x1x25x80xi32, #tpu.memory_space<hbm>> -> memref<25x80xi32, #tpu.memory_space<hbm>>
      tpu.enqueue_dma source(%dma_start3A_32 : memref<25x80xi32, #tpu.memory_space<hbm>>) target(%dma_start3A_28 : memref<25x80xi32, #tpu.memory_space<vmem>>) target_semaphore(%run_scoped3A_17 : memref<!tpu.dma_semaphore, #tpu.memory_space<semaphore_mem>>)
      %dma_wait3A = arith.constant 0 : i32
      %dma_wait3A_33 = arith.constant 0 : i32
      %dma_wait3A_34 = tpu.memref_slice %arg6[%run_scoped3A_1, %run_scoped3A_2, %dma_wait3A, %dma_wait3A_33] : memref<2x2x25x80xi32, #tpu.memory_space<vmem>> -> memref<1x1x25x80xi32, #tpu.memory_space<vmem>>
      %dma_wait3A_35 = tpu.memref_squeeze %dma_wait3A_34 : memref<1x1x25x80xi32, #tpu.memory_space<vmem>> -> memref<25x80xi32, #tpu.memory_space<vmem>>
      %dma_wait3A_36 = arith.constant 0 : i32
      %dma_wait3A_37 = arith.constant 0 : i32
      %dma_wait3A_38 = tpu.memref_slice %arg3[%run_scoped3A, %arg0, %arg1, %run_scoped3A_0, %dma_wait3A_36, %dma_wait3A_37] : memref<2x2x16x5x25x80xi32, #tpu.memory_space<hbm>> -> memref<1x1x1x1x25x80xi32, #tpu.memory_space<hbm>>
      %dma_wait3A_39 = tpu.memref_squeeze %dma_wait3A_38 : memref<1x1x1x1x25x80xi32, #tpu.memory_space<hbm>> -> memref<25x80xi32, #tpu.memory_space<hbm>>
      %dma_wait3A_40 = arith.constant 0 : i32
      %dma_wait3A_41 = arith.constant 0 : i32
      %dma_wait3A_42 = tpu.memref_slice %arg6[%run_scoped3A_1, %run_scoped3A_2, %dma_wait3A_40, %dma_wait3A_41] : memref<2x2x25x80xi32, #tpu.memory_space<vmem>> -> memref<1x1x25x80xi32, #tpu.memory_space<vmem>>
      %dma_wait3A_43 = tpu.memref_squeeze %dma_wait3A_42 : memref<1x1x25x80xi32, #tpu.memory_space<vmem>> -> memref<25x80xi32, #tpu.memory_space<vmem>>
      %dma_wait3A_44 = arith.constant 0 : i32
      %dma_wait3A_45 = arith.constant 0 : i32
      %dma_wait3A_46 = tpu.memref_slice %arg3[%run_scoped3A, %arg0, %arg1, %run_scoped3A_0, %dma_wait3A_44, %dma_wait3A_45] : memref<2x2x16x5x25x80xi32, #tpu.memory_space<hbm>> -> memref<1x1x1x1x25x80xi32, #tpu.memory_space<hbm>>
      %dma_wait3A_47 = tpu.memref_squeeze %dma_wait3A_46 : memref<1x1x1x1x25x80xi32, #tpu.memory_space<hbm>> -> memref<25x80xi32, #tpu.memory_space<hbm>>
      tpu.wait_dma2 semaphore(%run_scoped3A_17 : memref<!tpu.dma_semaphore, #tpu.memory_space<semaphore_mem>>) src(%dma_wait3A_47 : memref<25x80xi32, #tpu.memory_space<hbm>>) dst(%dma_wait3A_43 : memref<25x80xi32, #tpu.memory_space<vmem>>)
      tpu.yield
    }) : () -> ()
    %run_scoped3A_3 = arith.constant 1 : i32
    %run_scoped3A_4 = arith.constant 0 : i32
    %run_scoped3A_5 = arith.constant 1 : i32
    %run_scoped3A_6 = arith.constant 0 : i32
    "tpu.region"() ({
      %run_scoped3A_17 = tpu.sem_alloc : memref<!tpu.dma_semaphore, #tpu.memory_space<semaphore_mem>>
      %dma_start3A = arith.constant 0 : i32
      %dma_start3A_18 = arith.constant 0 : i32
      %dma_start3A_19 = tpu.memref_slice %arg6[%run_scoped3A_5, %run_scoped3A_6, %dma_start3A, %dma_start3A_18] : memref<2x2x25x80xi32, #tpu.memory_space<vmem>> -> memref<1x1x25x80xi32, #tpu.memory_space<vmem>>
      %dma_start3A_20 = tpu.memref_squeeze %dma_start3A_19 : memref<1x1x25x80xi32, #tpu.memory_space<vmem>> -> memref<25x80xi32, #tpu.memory_space<vmem>>
      %dma_start3A_21 = arith.constant 0 : i32
      %dma_start3A_22 = arith.constant 0 : i32
      %dma_start3A_23 = tpu.memref_slice %arg3[%run_scoped3A_3, %arg0, %arg1, %run_scoped3A_4, %dma_start3A_21, %dma_start3A_22] : memref<2x2x16x5x25x80xi32, #tpu.memory_space<hbm>> -> memref<1x1x1x1x25x80xi32, #tpu.memory_space<hbm>>
      %dma_start3A_24 = tpu.memref_squeeze %dma_start3A_23 : memref<1x1x1x1x25x80xi32, #tpu.memory_space<hbm>> -> memref<25x80xi32, #tpu.memory_space<hbm>>
      %dma_start3A_25 = arith.constant 0 : i32
      %dma_start3A_26 = arith.constant 0 : i32
      %dma_start3A_27 = tpu.memref_slice %arg6[%run_scoped3A_5, %run_scoped3A_6, %dma_start3A_25, %dma_start3A_26] : memref<2x2x25x80xi32, #tpu.memory_space<vmem>> -> memref<1x1x25x80xi32, #tpu.memory_space<vmem>>
      %dma_start3A_28 = tpu.memref_squeeze %dma_start3A_27 : memref<1x1x25x80xi32, #tpu.memory_space<vmem>> -> memref<25x80xi32, #tpu.memory_space<vmem>>
      %dma_start3A_29 = arith.constant 0 : i32
      %dma_start3A_30 = arith.constant 0 : i32
      %dma_start3A_31 = tpu.memref_slice %arg3[%run_scoped3A_3, %arg0, %arg1, %run_scoped3A_4, %dma_start3A_29, %dma_start3A_30] : memref<2x2x16x5x25x80xi32, #tpu.memory_space<hbm>> -> memref<1x1x1x1x25x80xi32, #tpu.memory_space<hbm>>
      %dma_start3A_32 = tpu.memref_squeeze %dma_start3A_31 : memref<1x1x1x1x25x80xi32, #tpu.memory_space<hbm>> -> memref<25x80xi32, #tpu.memory_space<hbm>>
      tpu.enqueue_dma source(%dma_start3A_32 : memref<25x80xi32, #tpu.memory_space<hbm>>) target(%dma_start3A_28 : memref<25x80xi32, #tpu.memory_space<vmem>>) target_semaphore(%run_scoped3A_17 : memref<!tpu.dma_semaphore, #tpu.memory_space<semaphore_mem>>)
      %dma_wait3A = arith.constant 0 : i32
      %dma_wait3A_33 = arith.constant 0 : i32
      %dma_wait3A_34 = tpu.memref_slice %arg6[%run_scoped3A_5, %run_scoped3A_6, %dma_wait3A, %dma_wait3A_33] : memref<2x2x25x80xi32, #tpu.memory_space<vmem>> -> memref<1x1x25x80xi32, #tpu.memory_space<vmem>>
      %dma_wait3A_35 = tpu.memref_squeeze %dma_wait3A_34 : memref<1x1x25x80xi32, #tpu.memory_space<vmem>> -> memref<25x80xi32, #tpu.memory_space<vmem>>
      %dma_wait3A_36 = arith.constant 0 : i32
      %dma_wait3A_37 = arith.constant 0 : i32
      %dma_wait3A_38 = tpu.memref_slice %arg3[%run_scoped3A_3, %arg0, %arg1, %run_scoped3A_4, %dma_wait3A_36, %dma_wait3A_37] : memref<2x2x16x5x25x80xi32, #tpu.memory_space<hbm>> -> memref<1x1x1x1x25x80xi32, #tpu.memory_space<hbm>>
      %dma_wait3A_39 = tpu.memref_squeeze %dma_wait3A_38 : memref<1x1x1x1x25x80xi32, #tpu.memory_space<hbm>> -> memref<25x80xi32, #tpu.memory_space<hbm>>
      %dma_wait3A_40 = arith.constant 0 : i32
      %dma_wait3A_41 = arith.constant 0 : i32
      %dma_wait3A_42 = tpu.memref_slice %arg6[%run_scoped3A_5, %run_scoped3A_6, %dma_wait3A_40, %dma_wait3A_41] : memref<2x2x25x80xi32, #tpu.memory_space<vmem>> -> memref<1x1x25x80xi32, #tpu.memory_space<vmem>>
      %dma_wait3A_43 = tpu.memref_squeeze %dma_wait3A_42 : memref<1x1x25x80xi32, #tpu.memory_space<vmem>> -> memref<25x80xi32, #tpu.memory_space<vmem>>
      %dma_wait3A_44 = arith.constant 0 : i32
      %dma_wait3A_45 = arith.constant 0 : i32
      %dma_wait3A_46 = tpu.memref_slice %arg3[%run_scoped3A_3, %arg0, %arg1, %run_scoped3A_4, %dma_wait3A_44, %dma_wait3A_45] : memref<2x2x16x5x25x80xi32, #tpu.memory_space<hbm>> -> memref<1x1x1x1x25x80xi32, #tpu.memory_space<hbm>>
      %dma_wait3A_47 = tpu.memref_squeeze %dma_wait3A_46 : memref<1x1x1x1x25x80xi32, #tpu.memory_space<hbm>> -> memref<25x80xi32, #tpu.memory_space<hbm>>
      tpu.wait_dma2 semaphore(%run_scoped3A_17 : memref<!tpu.dma_semaphore, #tpu.memory_space<semaphore_mem>>) src(%dma_wait3A_47 : memref<25x80xi32, #tpu.memory_space<hbm>>) dst(%dma_wait3A_43 : memref<25x80xi32, #tpu.memory_space<vmem>>)
      tpu.yield
    }) : () -> ()
    %mul3A = arith.constant 640 : i32
    %mul3A_7 = arith.muli %arg1, %mul3A : i32
    "tpu.region"() ({
      %run_scoped3A_17 = tpu.sem_alloc : memref<!tpu.dma_semaphore, #tpu.memory_space<semaphore_mem>>
      %dma_start3A = arith.constant 0 : i32
      %dma_start3A_18 = tpu.memref_slice %arg8[%mul3A_7, %dma_start3A] : memref<10240x128xf32, #tpu.memory_space<vmem_shared>> -> memref<640x128xf32, #tpu.memory_space<vmem_shared>>
      tpu.enqueue_dma source(%arg4 : memref<640x128xf32, #tpu.memory_space<hbm>>) target(%dma_start3A_18 : memref<640x128xf32, #tpu.memory_space<vmem_shared>>) target_semaphore(%run_scoped3A_17 : memref<!tpu.dma_semaphore, #tpu.memory_space<semaphore_mem>>)
      %dma_wait3A = arith.constant 0 : i32
      %dma_wait3A_19 = tpu.memref_slice %arg8[%mul3A_7, %dma_wait3A] : memref<10240x128xf32, #tpu.memory_space<vmem_shared>> -> memref<640x128xf32, #tpu.memory_space<vmem_shared>>
      tpu.wait_dma2 semaphore(%run_scoped3A_17 : memref<!tpu.dma_semaphore, #tpu.memory_space<semaphore_mem>>) src(%arg4 : memref<640x128xf32, #tpu.memory_space<hbm>>) dst(%dma_wait3A_19 : memref<640x128xf32, #tpu.memory_space<vmem_shared>>)
      tpu.yield
    }) : () -> ()
    %barrier3A = arith.constant 0 : index
    tpu.barrier barrier_id(%barrier3A)
    %scan3A = arith.constant 0 : i32
    %scan3A_8 = arith.constant 5 : i32
    %scan3A_9 = arith.addi %scan3A, %scan3A_8 : i32
    %scan3A_10 = arith.constant 1 : i32
    scf.for %scan3A_17 = %scan3A to %scan3A_9 step %scan3A_10  : i32 {
      %mul3A_18 = arith.constant 1 : i32
      %mul3A_19 = arith.muli %scan3A_17, %mul3A_18 : i32
      %add3A = arith.constant 0 : i32
      %add3A_20 = arith.addi %add3A, %mul3A_19 : i32
      %jit3A = arith.constant 2 : i32
      %eq3A = arith.constant 0 : i32
      %eq3A_21 = arith.cmpi eq, %jit3A, %eq3A : i32
      %jit3A_22 = arith.constant 1 : i32
      %select_n3A = arith.select %eq3A_21, %jit3A_22, %jit3A : i32
      %rem3A = arith.remsi %add3A_20, %select_n3A : i32
      %ne3A = arith.constant 0 : i32
      %ne3A_23 = arith.cmpi ne, %rem3A, %ne3A : i32
      %lt3A = arith.constant 0 : i32
      %lt3A_24 = arith.cmpi slt, %rem3A, %lt3A : i32
      %lt3A_25 = arith.constant 0 : i32
      %lt3A_26 = arith.cmpi slt, %select_n3A, %lt3A_25 : i32
      %ne3A_27 = arith.xori %lt3A_24, %lt3A_26 : i1
      %and3A = arith.andi %ne3A_27, %ne3A_23 : i1
      %add3A_28 = arith.addi %rem3A, %select_n3A : i32
      %select_n3A_29 = arith.select %and3A, %add3A_28, %rem3A : i32
      %jit3A_30 = arith.constant 2 : i32
      %eq3A_31 = arith.constant 0 : i32
      %eq3A_32 = arith.cmpi eq, %jit3A_30, %eq3A_31 : i32
      %jit3A_33 = arith.constant 1 : i32
      %select_n3A_34 = arith.select %eq3A_32, %jit3A_33, %jit3A_30 : i32
      %rem3A_35 = arith.remsi %add3A_20, %select_n3A_34 : i32
      %ne3A_36 = arith.constant 0 : i32
      %ne3A_37 = arith.cmpi ne, %rem3A_35, %ne3A_36 : i32
      %lt3A_38 = arith.constant 0 : i32
      %lt3A_39 = arith.cmpi slt, %rem3A_35, %lt3A_38 : i32
      %lt3A_40 = arith.constant 0 : i32
      %lt3A_41 = arith.cmpi slt, %select_n3A_34, %lt3A_40 : i32
      %ne3A_42 = arith.xori %lt3A_39, %lt3A_41 : i1
      %and3A_43 = arith.andi %ne3A_42, %ne3A_37 : i1
      %add3A_44 = arith.addi %rem3A_35, %select_n3A_34 : i32
      %select_n3A_45 = arith.select %and3A_43, %add3A_44, %rem3A_35 : i32
      %add3A_46 = arith.constant 1 : i32
      %add3A_47 = arith.addi %add3A_20, %add3A_46 : i32
      %lt3A_48 = arith.constant 5 : i32
      %lt3A_49 = arith.cmpi slt, %add3A_47, %lt3A_48 : i32
      %convert_element_type3A = arith.extui %lt3A_49 : i1 to i32
      %cond3A = arith.constant 0 : i32
      %cond3A_50 = arith.cmpi ne, %convert_element_type3A, %cond3A : i32
      scf.if %cond3A_50 {
        %add3A_117 = arith.constant 1 : i32
        %add3A_118 = arith.addi %add3A_20, %add3A_117 : i32
        %add3A_119 = arith.constant 1 : i32
        %add3A_120 = arith.addi %add3A_20, %add3A_119 : i32
        %jit3A_121 = arith.constant 2 : i32
        %eq3A_122 = arith.constant 0 : i32
        %eq3A_123 = arith.cmpi eq, %jit3A_121, %eq3A_122 : i32
        %jit3A_124 = arith.constant 1 : i32
        %select_n3A_125 = arith.select %eq3A_123, %jit3A_124, %jit3A_121 : i32
        %rem3A_126 = arith.remsi %add3A_120, %select_n3A_125 : i32
        %ne3A_127 = arith.constant 0 : i32
        %ne3A_128 = arith.cmpi ne, %rem3A_126, %ne3A_127 : i32
        %lt3A_129 = arith.constant 0 : i32
        %lt3A_130 = arith.cmpi slt, %rem3A_126, %lt3A_129 : i32
        %lt3A_131 = arith.constant 0 : i32
        %lt3A_132 = arith.cmpi slt, %select_n3A_125, %lt3A_131 : i32
        %ne3A_133 = arith.xori %lt3A_130, %lt3A_132 : i1
        %and3A_134 = arith.andi %ne3A_133, %ne3A_128 : i1
        %add3A_135 = arith.addi %rem3A_126, %select_n3A_125 : i32
        %select_n3A_136 = arith.select %and3A_134, %add3A_135, %rem3A_126 : i32
        %dma_start3A_137 = arith.constant 0 : i32
        %dma_start3A_138 = arith.constant 0 : i32
        %dma_start3A_139 = arith.constant 0 : i32
        %dma_start3A_140 = arith.constant 0 : i32
        %dma_start3A_141 = tpu.memref_slice %arg6[%dma_start3A_138, %select_n3A_136, %dma_start3A_139, %dma_start3A_140] : memref<2x2x25x80xi32, #tpu.memory_space<vmem>> -> memref<1x1x25x80xi32, #tpu.memory_space<vmem>>
        %dma_start3A_142 = tpu.memref_squeeze %dma_start3A_141 : memref<1x1x25x80xi32, #tpu.memory_space<vmem>> -> memref<25x80xi32, #tpu.memory_space<vmem>>
        %dma_start3A_143 = arith.constant 0 : i32
        %dma_start3A_144 = arith.constant 0 : i32
        %dma_start3A_145 = tpu.memref_slice %arg3[%dma_start3A_137, %arg0, %arg1, %add3A_118, %dma_start3A_143, %dma_start3A_144] : memref<2x2x16x5x25x80xi32, #tpu.memory_space<hbm>> -> memref<1x1x1x1x25x80xi32, #tpu.memory_space<hbm>>
        %dma_start3A_146 = tpu.memref_squeeze %dma_start3A_145 : memref<1x1x1x1x25x80xi32, #tpu.memory_space<hbm>> -> memref<25x80xi32, #tpu.memory_space<hbm>>
        %dma_start3A_147 = arith.constant 0 : i32
        %dma_start3A_148 = arith.constant 0 : i32
        %dma_start3A_149 = tpu.memref_slice %arg6[%dma_start3A_138, %select_n3A_136, %dma_start3A_147, %dma_start3A_148] : memref<2x2x25x80xi32, #tpu.memory_space<vmem>> -> memref<1x1x25x80xi32, #tpu.memory_space<vmem>>
        %dma_start3A_150 = tpu.memref_squeeze %dma_start3A_149 : memref<1x1x25x80xi32, #tpu.memory_space<vmem>> -> memref<25x80xi32, #tpu.memory_space<vmem>>
        %dma_start3A_151 = arith.constant 0 : i32
        %dma_start3A_152 = arith.constant 0 : i32
        %dma_start3A_153 = tpu.memref_slice %arg3[%dma_start3A_137, %arg0, %arg1, %add3A_118, %dma_start3A_151, %dma_start3A_152] : memref<2x2x16x5x25x80xi32, #tpu.memory_space<hbm>> -> memref<1x1x1x1x25x80xi32, #tpu.memory_space<hbm>>
        %dma_start3A_154 = tpu.memref_squeeze %dma_start3A_153 : memref<1x1x1x1x25x80xi32, #tpu.memory_space<hbm>> -> memref<25x80xi32, #tpu.memory_space<hbm>>
        tpu.enqueue_dma source(%dma_start3A_154 : memref<25x80xi32, #tpu.memory_space<hbm>>) target(%dma_start3A_150 : memref<25x80xi32, #tpu.memory_space<vmem>>) target_semaphore(%arg12 : memref<!tpu.dma_semaphore, #tpu.memory_space<semaphore_mem>>)
        %add3A_155 = arith.constant 1 : i32
        %add3A_156 = arith.addi %add3A_20, %add3A_155 : i32
        %add3A_157 = arith.constant 1 : i32
        %add3A_158 = arith.addi %add3A_20, %add3A_157 : i32
        %jit3A_159 = arith.constant 2 : i32
        %eq3A_160 = arith.constant 0 : i32
        %eq3A_161 = arith.cmpi eq, %jit3A_159, %eq3A_160 : i32
        %jit3A_162 = arith.constant 1 : i32
        %select_n3A_163 = arith.select %eq3A_161, %jit3A_162, %jit3A_159 : i32
        %rem3A_164 = arith.remsi %add3A_158, %select_n3A_163 : i32
        %ne3A_165 = arith.constant 0 : i32
        %ne3A_166 = arith.cmpi ne, %rem3A_164, %ne3A_165 : i32
        %lt3A_167 = arith.constant 0 : i32
        %lt3A_168 = arith.cmpi slt, %rem3A_164, %lt3A_167 : i32
        %lt3A_169 = arith.constant 0 : i32
        %lt3A_170 = arith.cmpi slt, %select_n3A_163, %lt3A_169 : i32
        %ne3A_171 = arith.xori %lt3A_168, %lt3A_170 : i1
        %and3A_172 = arith.andi %ne3A_171, %ne3A_166 : i1
        %add3A_173 = arith.addi %rem3A_164, %select_n3A_163 : i32
        %select_n3A_174 = arith.select %and3A_172, %add3A_173, %rem3A_164 : i32
        %dma_start3A_175 = arith.constant 1 : i32
        %dma_start3A_176 = arith.constant 1 : i32
        %dma_start3A_177 = arith.constant 0 : i32
        %dma_start3A_178 = arith.constant 0 : i32
        %dma_start3A_179 = tpu.memref_slice %arg6[%dma_start3A_176, %select_n3A_174, %dma_start3A_177, %dma_start3A_178] : memref<2x2x25x80xi32, #tpu.memory_space<vmem>> -> memref<1x1x25x80xi32, #tpu.memory_space<vmem>>
        %dma_start3A_180 = tpu.memref_squeeze %dma_start3A_179 : memref<1x1x25x80xi32, #tpu.memory_space<vmem>> -> memref<25x80xi32, #tpu.memory_space<vmem>>
        %dma_start3A_181 = arith.constant 0 : i32
        %dma_start3A_182 = arith.constant 0 : i32
        %dma_start3A_183 = tpu.memref_slice %arg3[%dma_start3A_175, %arg0, %arg1, %add3A_156, %dma_start3A_181, %dma_start3A_182] : memref<2x2x16x5x25x80xi32, #tpu.memory_space<hbm>> -> memref<1x1x1x1x25x80xi32, #tpu.memory_space<hbm>>
        %dma_start3A_184 = tpu.memref_squeeze %dma_start3A_183 : memref<1x1x1x1x25x80xi32, #tpu.memory_space<hbm>> -> memref<25x80xi32, #tpu.memory_space<hbm>>
        %dma_start3A_185 = arith.constant 0 : i32
        %dma_start3A_186 = arith.constant 0 : i32
        %dma_start3A_187 = tpu.memref_slice %arg6[%dma_start3A_176, %select_n3A_174, %dma_start3A_185, %dma_start3A_186] : memref<2x2x25x80xi32, #tpu.memory_space<vmem>> -> memref<1x1x25x80xi32, #tpu.memory_space<vmem>>
        %dma_start3A_188 = tpu.memref_squeeze %dma_start3A_187 : memref<1x1x25x80xi32, #tpu.memory_space<vmem>> -> memref<25x80xi32, #tpu.memory_space<vmem>>
        %dma_start3A_189 = arith.constant 0 : i32
        %dma_start3A_190 = arith.constant 0 : i32
        %dma_start3A_191 = tpu.memref_slice %arg3[%dma_start3A_175, %arg0, %arg1, %add3A_156, %dma_start3A_189, %dma_start3A_190] : memref<2x2x16x5x25x80xi32, #tpu.memory_space<hbm>> -> memref<1x1x1x1x25x80xi32, #tpu.memory_space<hbm>>
        %dma_start3A_192 = tpu.memref_squeeze %dma_start3A_191 : memref<1x1x1x1x25x80xi32, #tpu.memory_space<hbm>> -> memref<25x80xi32, #tpu.memory_space<hbm>>
        tpu.enqueue_dma source(%dma_start3A_192 : memref<25x80xi32, #tpu.memory_space<hbm>>) target(%dma_start3A_188 : memref<25x80xi32, #tpu.memory_space<vmem>>) target_semaphore(%arg12 : memref<!tpu.dma_semaphore, #tpu.memory_space<semaphore_mem>>)
      } else {
      }
      %dma_start3A = arith.constant 0 : i32
      %dma_start3A_51 = arith.constant 0 : i32
      %dma_start3A_52 = arith.constant 0 : i32
      %dma_start3A_53 = arith.constant 0 : i32
      %dma_start3A_54 = arith.constant 0 : i32
      %dma_start3A_55 = tpu.memref_slice %arg7[%dma_start3A_52, %dma_start3A_53, %dma_start3A_54] : memref<3x80x128xf32, #tpu.memory_space<vmem>> -> memref<1x80x128xf32, #tpu.memory_space<vmem>>
      %dma_start3A_56 = tpu.memref_squeeze %dma_start3A_55 : memref<1x80x128xf32, #tpu.memory_space<vmem>> -> memref<80x128xf32, #tpu.memory_space<vmem>>
      %dma_start3A_57 = arith.constant 0 : i32
      %dma_start3A_58 = arith.constant 0 : i32
      %dma_start3A_59 = tpu.memref_slice %arg6[%dma_start3A, %select_n3A_29, %dma_start3A_57, %dma_start3A_58] : memref<2x2x25x80xi32, #tpu.memory_space<vmem>> -> memref<1x1x25x80xi32, #tpu.memory_space<vmem>>
      %dma_start3A_60 = tpu.memref_squeeze %dma_start3A_59 : memref<1x1x25x80xi32, #tpu.memory_space<vmem>> -> memref<25x80xi32, #tpu.memory_space<vmem>>
      %dma_start3A_61 = arith.constant 0 : i32
      %dma_start3A_62 = tpu.memref_slice %dma_start3A_60[%dma_start3A_51, %dma_start3A_61] : memref<25x80xi32, #tpu.memory_space<vmem>> -> memref<1x80xi32, #tpu.memory_space<vmem>>
      %dma_start3A_63 = tpu.memref_squeeze %dma_start3A_62 : memref<1x80xi32, #tpu.memory_space<vmem>> -> memref<80xi32, #tpu.memory_space<vmem>>
      %dma_start3A_64 = arith.constant 0 : i32
      %dma_start3A_65 = arith.constant 0 : i32
      %dma_start3A_66 = tpu.memref_slice %arg2[%dma_start3A_64, %dma_start3A_65] : memref<10240x128xf32, #tpu.memory_space<hbm>> -> memref<10240x128xf32, #tpu.memory_space<hbm>>
      tpu.enqueue_indirect_dma source(%dma_start3A_66 : memref<10240x128xf32, #tpu.memory_space<hbm>>) target(%dma_start3A_56 : memref<80x128xf32, #tpu.memory_space<vmem>>) offsets(%dma_start3A_63 : memref<80xi32, #tpu.memory_space<vmem>>) semaphore(%arg9 : memref<!tpu.dma_semaphore, #tpu.memory_space<semaphore_mem>>)
      %dma_start3A_67 = arith.constant 0 : i32
      %dma_start3A_68 = arith.constant 1 : i32
      %dma_start3A_69 = arith.constant 1 : i32
      %dma_start3A_70 = arith.constant 0 : i32
      %dma_start3A_71 = arith.constant 0 : i32
      %dma_start3A_72 = tpu.memref_slice %arg7[%dma_start3A_69, %dma_start3A_70, %dma_start3A_71] : memref<3x80x128xf32, #tpu.memory_space<vmem>> -> memref<1x80x128xf32, #tpu.memory_space<vmem>>
      %dma_start3A_73 = tpu.memref_squeeze %dma_start3A_72 : memref<1x80x128xf32, #tpu.memory_space<vmem>> -> memref<80x128xf32, #tpu.memory_space<vmem>>
      %dma_start3A_74 = arith.constant 0 : i32
      %dma_start3A_75 = arith.constant 0 : i32
      %dma_start3A_76 = tpu.memref_slice %arg6[%dma_start3A_67, %select_n3A_29, %dma_start3A_74, %dma_start3A_75] : memref<2x2x25x80xi32, #tpu.memory_space<vmem>> -> memref<1x1x25x80xi32, #tpu.memory_space<vmem>>
      %dma_start3A_77 = tpu.memref_squeeze %dma_start3A_76 : memref<1x1x25x80xi32, #tpu.memory_space<vmem>> -> memref<25x80xi32, #tpu.memory_space<vmem>>
      %dma_start3A_78 = arith.constant 0 : i32
      %dma_start3A_79 = tpu.memref_slice %dma_start3A_77[%dma_start3A_68, %dma_start3A_78] : memref<25x80xi32, #tpu.memory_space<vmem>> -> memref<1x80xi32, #tpu.memory_space<vmem>>
      %dma_start3A_80 = tpu.memref_squeeze %dma_start3A_79 : memref<1x80xi32, #tpu.memory_space<vmem>> -> memref<80xi32, #tpu.memory_space<vmem>>
      %dma_start3A_81 = arith.constant 0 : i32
      %dma_start3A_82 = arith.constant 0 : i32
      %dma_start3A_83 = tpu.memref_slice %arg2[%dma_start3A_81, %dma_start3A_82] : memref<10240x128xf32, #tpu.memory_space<hbm>> -> memref<10240x128xf32, #tpu.memory_space<hbm>>
      tpu.enqueue_indirect_dma source(%dma_start3A_83 : memref<10240x128xf32, #tpu.memory_space<hbm>>) target(%dma_start3A_73 : memref<80x128xf32, #tpu.memory_space<vmem>>) offsets(%dma_start3A_80 : memref<80xi32, #tpu.memory_space<vmem>>) semaphore(%arg10 : memref<!tpu.dma_semaphore, #tpu.memory_space<semaphore_mem>>)
      %scan3A_84 = arith.constant 0 : i32
      %scan3A_85 = arith.constant 1 : i32
      %scan3A_86 = arith.constant 0 : i32
      %scan3A_87 = arith.constant 8 : i32
      %scan3A_88 = arith.addi %scan3A_86, %scan3A_87 : i32
      %scan3A_89 = arith.constant 1 : i32
      scf.for %scan3A_117 = %scan3A_86 to %scan3A_88 step %scan3A_89  : i32 {
        %mul3A_118 = arith.constant 1 : i32
        %mul3A_119 = arith.muli %scan3A_117, %mul3A_118 : i32
        %add3A_120 = arith.constant 0 : i32
        %add3A_121 = arith.addi %add3A_120, %mul3A_119 : i32
        %mul3A_122 = arith.constant 3 : i32
        %mul3A_123 = arith.muli %add3A_121, %mul3A_122 : i32
        %add3A_124 = arith.constant 0 : i32
        %add3A_125 = arith.addi %mul3A_123, %add3A_124 : i32
        %dma_wait3A_126 = arith.constant 0 : i32
        %dma_wait3A_127 = arith.constant 0 : i32
        %dma_wait3A_128 = arith.constant 0 : i32
        %dma_wait3A_129 = tpu.memref_slice %arg7[%dma_wait3A_126, %dma_wait3A_127, %dma_wait3A_128] : memref<3x80x128xf32, #tpu.memory_space<vmem>> -> memref<1x80x128xf32, #tpu.memory_space<vmem>>
        %dma_wait3A_130 = tpu.memref_squeeze %dma_wait3A_129 : memref<1x80x128xf32, #tpu.memory_space<vmem>> -> memref<80x128xf32, #tpu.memory_space<vmem>>
        %dma_wait3A_131 = arith.constant 0 : i32
        %dma_wait3A_132 = arith.constant 0 : i32
        %dma_wait3A_133 = tpu.memref_slice %arg6[%scan3A_84, %select_n3A_29, %dma_wait3A_131, %dma_wait3A_132] : memref<2x2x25x80xi32, #tpu.memory_space<vmem>> -> memref<1x1x25x80xi32, #tpu.memory_space<vmem>>
        %dma_wait3A_134 = tpu.memref_squeeze %dma_wait3A_133 : memref<1x1x25x80xi32, #tpu.memory_space<vmem>> -> memref<25x80xi32, #tpu.memory_space<vmem>>
        %dma_wait3A_135 = arith.constant 0 : i32
        %dma_wait3A_136 = tpu.memref_slice %dma_wait3A_134[%add3A_125, %dma_wait3A_135] : memref<25x80xi32, #tpu.memory_space<vmem>> -> memref<1x80xi32, #tpu.memory_space<vmem>>
        %dma_wait3A_137 = tpu.memref_squeeze %dma_wait3A_136 : memref<1x80xi32, #tpu.memory_space<vmem>> -> memref<80xi32, #tpu.memory_space<vmem>>
        %dma_wait3A_138 = arith.constant 0 : i32
        %dma_wait3A_139 = arith.constant 0 : i32
        %dma_wait3A_140 = tpu.memref_slice %arg2[%dma_wait3A_138, %dma_wait3A_139] : memref<10240x128xf32, #tpu.memory_space<hbm>> -> memref<10240x128xf32, #tpu.memory_space<hbm>>
        tpu.wait_indirect_dma semaphore(%arg9 : memref<!tpu.dma_semaphore, #tpu.memory_space<semaphore_mem>>) src(%dma_wait3A_140 : memref<10240x128xf32, #tpu.memory_space<hbm>>) dst(%dma_wait3A_130 : memref<80x128xf32, #tpu.memory_space<vmem>>)
        %run_scoped3A_141 = arith.constant 0 : i32
        "tpu.region"() ({
          %run_scoped3A_204 = tpu.sem_alloc : memref<!tpu.dma_semaphore, #tpu.memory_space<semaphore_mem>>
          %dma_start3A_205 = arith.constant 0 : i32
          %dma_start3A_206 = arith.constant 0 : i32
          %dma_start3A_207 = tpu.memref_slice %arg7[%run_scoped3A_141, %dma_start3A_205, %dma_start3A_206] : memref<3x80x128xf32, #tpu.memory_space<vmem>> -> memref<1x80x128xf32, #tpu.memory_space<vmem>>
          %dma_start3A_208 = tpu.memref_squeeze %dma_start3A_207 : memref<1x80x128xf32, #tpu.memory_space<vmem>> -> memref<80x128xf32, #tpu.memory_space<vmem>>
          %dma_start3A_209 = arith.constant 0 : i32
          %dma_start3A_210 = arith.constant 0 : i32
          %dma_start3A_211 = tpu.memref_slice %arg6[%scan3A_85, %select_n3A_45, %dma_start3A_209, %dma_start3A_210] : memref<2x2x25x80xi32, #tpu.memory_space<vmem>> -> memref<1x1x25x80xi32, #tpu.memory_space<vmem>>
          %dma_start3A_212 = tpu.memref_squeeze %dma_start3A_211 : memref<1x1x25x80xi32, #tpu.memory_space<vmem>> -> memref<25x80xi32, #tpu.memory_space<vmem>>
          %dma_start3A_213 = arith.constant 0 : i32
          %dma_start3A_214 = tpu.memref_slice %dma_start3A_212[%add3A_125, %dma_start3A_213] : memref<25x80xi32, #tpu.memory_space<vmem>> -> memref<1x80xi32, #tpu.memory_space<vmem>>
          %dma_start3A_215 = tpu.memref_squeeze %dma_start3A_214 : memref<1x80xi32, #tpu.memory_space<vmem>> -> memref<80xi32, #tpu.memory_space<vmem>>
          %dma_start3A_216 = arith.constant 0 : i32
          %dma_start3A_217 = arith.constant 0 : i32
          %dma_start3A_218 = tpu.memref_slice %arg8[%dma_start3A_216, %dma_start3A_217] : memref<10240x128xf32, #tpu.memory_space<vmem_shared>> -> memref<10240x128xf32, #tpu.memory_space<vmem_shared>>
          tpu.enqueue_indirect_dma source(%dma_start3A_208 : memref<80x128xf32, #tpu.memory_space<vmem>>) target(%dma_start3A_218 : memref<10240x128xf32, #tpu.memory_space<vmem_shared>>) offsets(%dma_start3A_215 : memref<80xi32, #tpu.memory_space<vmem>>) semaphore(%run_scoped3A_204 : memref<!tpu.dma_semaphore, #tpu.memory_space<semaphore_mem>>) {add = true}
          %dma_wait3A_219 = arith.constant 0 : i32
          %dma_wait3A_220 = arith.constant 0 : i32
          %dma_wait3A_221 = tpu.memref_slice %arg7[%run_scoped3A_141, %dma_wait3A_219, %dma_wait3A_220] : memref<3x80x128xf32, #tpu.memory_space<vmem>> -> memref<1x80x128xf32, #tpu.memory_space<vmem>>
          %dma_wait3A_222 = tpu.memref_squeeze %dma_wait3A_221 : memref<1x80x128xf32, #tpu.memory_space<vmem>> -> memref<80x128xf32, #tpu.memory_space<vmem>>
          %dma_wait3A_223 = arith.constant 0 : i32
          %dma_wait3A_224 = arith.constant 0 : i32
          %dma_wait3A_225 = tpu.memref_slice %arg6[%scan3A_85, %select_n3A_45, %dma_wait3A_223, %dma_wait3A_224] : memref<2x2x25x80xi32, #tpu.memory_space<vmem>> -> memref<1x1x25x80xi32, #tpu.memory_space<vmem>>
          %dma_wait3A_226 = tpu.memref_squeeze %dma_wait3A_225 : memref<1x1x25x80xi32, #tpu.memory_space<vmem>> -> memref<25x80xi32, #tpu.memory_space<vmem>>
          %dma_wait3A_227 = arith.constant 0 : i32
          %dma_wait3A_228 = tpu.memref_slice %dma_wait3A_226[%add3A_125, %dma_wait3A_227] : memref<25x80xi32, #tpu.memory_space<vmem>> -> memref<1x80xi32, #tpu.memory_space<vmem>>
          %dma_wait3A_229 = tpu.memref_squeeze %dma_wait3A_228 : memref<1x80xi32, #tpu.memory_space<vmem>> -> memref<80xi32, #tpu.memory_space<vmem>>
          %dma_wait3A_230 = arith.constant 0 : i32
          %dma_wait3A_231 = arith.constant 0 : i32
          %dma_wait3A_232 = tpu.memref_slice %arg8[%dma_wait3A_230, %dma_wait3A_231] : memref<10240x128xf32, #tpu.memory_space<vmem_shared>> -> memref<10240x128xf32, #tpu.memory_space<vmem_shared>>
          tpu.wait_indirect_dma semaphore(%run_scoped3A_204 : memref<!tpu.dma_semaphore, #tpu.memory_space<semaphore_mem>>) src(%dma_wait3A_222 : memref<80x128xf32, #tpu.memory_space<vmem>>) dst(%dma_wait3A_232 : memref<10240x128xf32, #tpu.memory_space<vmem_shared>>)
          tpu.yield
        }) : () -> ()
        %add3A_142 = arith.constant 3 : i32
        %add3A_143 = arith.addi %add3A_125, %add3A_142 : i32
        %sub3A = arith.constant 1 : i32
        %sub3A_144 = arith.subi %add3A_143, %sub3A : i32
        %lt3A_145 = arith.constant 25 : i32
        %lt3A_146 = arith.cmpi slt, %sub3A_144, %lt3A_145 : i32
        %convert_element_type3A_147 = arith.extui %lt3A_146 : i1 to i32
        %cond3A_148 = arith.constant 0 : i32
        %cond3A_149 = arith.cmpi ne, %convert_element_type3A_147, %cond3A_148 : i32
        scf.if %cond3A_149 {
          %dma_start3A_204 = arith.constant 2 : i32
          %dma_start3A_205 = arith.constant 0 : i32
          %dma_start3A_206 = arith.constant 0 : i32
          %dma_start3A_207 = tpu.memref_slice %arg7[%dma_start3A_204, %dma_start3A_205, %dma_start3A_206] : memref<3x80x128xf32, #tpu.memory_space<vmem>> -> memref<1x80x128xf32, #tpu.memory_space<vmem>>
          %dma_start3A_208 = tpu.memref_squeeze %dma_start3A_207 : memref<1x80x128xf32, #tpu.memory_space<vmem>> -> memref<80x128xf32, #tpu.memory_space<vmem>>
          %dma_start3A_209 = arith.constant 0 : i32
          %dma_start3A_210 = arith.constant 0 : i32
          %dma_start3A_211 = tpu.memref_slice %arg6[%scan3A_84, %select_n3A_29, %dma_start3A_209, %dma_start3A_210] : memref<2x2x25x80xi32, #tpu.memory_space<vmem>> -> memref<1x1x25x80xi32, #tpu.memory_space<vmem>>
          %dma_start3A_212 = tpu.memref_squeeze %dma_start3A_211 : memref<1x1x25x80xi32, #tpu.memory_space<vmem>> -> memref<25x80xi32, #tpu.memory_space<vmem>>
          %dma_start3A_213 = arith.constant 0 : i32
          %dma_start3A_214 = tpu.memref_slice %dma_start3A_212[%sub3A_144, %dma_start3A_213] : memref<25x80xi32, #tpu.memory_space<vmem>> -> memref<1x80xi32, #tpu.memory_space<vmem>>
          %dma_start3A_215 = tpu.memref_squeeze %dma_start3A_214 : memref<1x80xi32, #tpu.memory_space<vmem>> -> memref<80xi32, #tpu.memory_space<vmem>>
          %dma_start3A_216 = arith.constant 0 : i32
          %dma_start3A_217 = arith.constant 0 : i32
          %dma_start3A_218 = tpu.memref_slice %arg2[%dma_start3A_216, %dma_start3A_217] : memref<10240x128xf32, #tpu.memory_space<hbm>> -> memref<10240x128xf32, #tpu.memory_space<hbm>>
          tpu.enqueue_indirect_dma source(%dma_start3A_218 : memref<10240x128xf32, #tpu.memory_space<hbm>>) target(%dma_start3A_208 : memref<80x128xf32, #tpu.memory_space<vmem>>) offsets(%dma_start3A_215 : memref<80xi32, #tpu.memory_space<vmem>>) semaphore(%arg11 : memref<!tpu.dma_semaphore, #tpu.memory_space<semaphore_mem>>)
        } else {
        }
        %add3A_150 = arith.constant 1 : i32
        %add3A_151 = arith.addi %mul3A_123, %add3A_150 : i32
        %dma_wait3A_152 = arith.constant 1 : i32
        %dma_wait3A_153 = arith.constant 0 : i32
        %dma_wait3A_154 = arith.constant 0 : i32
        %dma_wait3A_155 = tpu.memref_slice %arg7[%dma_wait3A_152, %dma_wait3A_153, %dma_wait3A_154] : memref<3x80x128xf32, #tpu.memory_space<vmem>> -> memref<1x80x128xf32, #tpu.memory_space<vmem>>
        %dma_wait3A_156 = tpu.memref_squeeze %dma_wait3A_155 : memref<1x80x128xf32, #tpu.memory_space<vmem>> -> memref<80x128xf32, #tpu.memory_space<vmem>>
        %dma_wait3A_157 = arith.constant 0 : i32
        %dma_wait3A_158 = arith.constant 0 : i32
        %dma_wait3A_159 = tpu.memref_slice %arg6[%scan3A_84, %select_n3A_29, %dma_wait3A_157, %dma_wait3A_158] : memref<2x2x25x80xi32, #tpu.memory_space<vmem>> -> memref<1x1x25x80xi32, #tpu.memory_space<vmem>>
        %dma_wait3A_160 = tpu.memref_squeeze %dma_wait3A_159 : memref<1x1x25x80xi32, #tpu.memory_space<vmem>> -> memref<25x80xi32, #tpu.memory_space<vmem>>
        %dma_wait3A_161 = arith.constant 0 : i32
        %dma_wait3A_162 = tpu.memref_slice %dma_wait3A_160[%add3A_151, %dma_wait3A_161] : memref<25x80xi32, #tpu.memory_space<vmem>> -> memref<1x80xi32, #tpu.memory_space<vmem>>
        %dma_wait3A_163 = tpu.memref_squeeze %dma_wait3A_162 : memref<1x80xi32, #tpu.memory_space<vmem>> -> memref<80xi32, #tpu.memory_space<vmem>>
        %dma_wait3A_164 = arith.constant 0 : i32
        %dma_wait3A_165 = arith.constant 0 : i32
        %dma_wait3A_166 = tpu.memref_slice %arg2[%dma_wait3A_164, %dma_wait3A_165] : memref<10240x128xf32, #tpu.memory_space<hbm>> -> memref<10240x128xf32, #tpu.memory_space<hbm>>
        tpu.wait_indirect_dma semaphore(%arg10 : memref<!tpu.dma_semaphore, #tpu.memory_space<semaphore_mem>>) src(%dma_wait3A_166 : memref<10240x128xf32, #tpu.memory_space<hbm>>) dst(%dma_wait3A_156 : memref<80x128xf32, #tpu.memory_space<vmem>>)
        %run_scoped3A_167 = arith.constant 1 : i32
        "tpu.region"() ({
          %run_scoped3A_204 = tpu.sem_alloc : memref<!tpu.dma_semaphore, #tpu.memory_space<semaphore_mem>>
          %dma_start3A_205 = arith.constant 0 : i32
          %dma_start3A_206 = arith.constant 0 : i32
          %dma_start3A_207 = tpu.memref_slice %arg7[%run_scoped3A_167, %dma_start3A_205, %dma_start3A_206] : memref<3x80x128xf32, #tpu.memory_space<vmem>> -> memref<1x80x128xf32, #tpu.memory_space<vmem>>
          %dma_start3A_208 = tpu.memref_squeeze %dma_start3A_207 : memref<1x80x128xf32, #tpu.memory_space<vmem>> -> memref<80x128xf32, #tpu.memory_space<vmem>>
          %dma_start3A_209 = arith.constant 0 : i32
          %dma_start3A_210 = arith.constant 0 : i32
          %dma_start3A_211 = tpu.memref_slice %arg6[%scan3A_85, %select_n3A_45, %dma_start3A_209, %dma_start3A_210] : memref<2x2x25x80xi32, #tpu.memory_space<vmem>> -> memref<1x1x25x80xi32, #tpu.memory_space<vmem>>
          %dma_start3A_212 = tpu.memref_squeeze %dma_start3A_211 : memref<1x1x25x80xi32, #tpu.memory_space<vmem>> -> memref<25x80xi32, #tpu.memory_space<vmem>>
          %dma_start3A_213 = arith.constant 0 : i32
          %dma_start3A_214 = tpu.memref_slice %dma_start3A_212[%add3A_151, %dma_start3A_213] : memref<25x80xi32, #tpu.memory_space<vmem>> -> memref<1x80xi32, #tpu.memory_space<vmem>>
          %dma_start3A_215 = tpu.memref_squeeze %dma_start3A_214 : memref<1x80xi32, #tpu.memory_space<vmem>> -> memref<80xi32, #tpu.memory_space<vmem>>
          %dma_start3A_216 = arith.constant 0 : i32
          %dma_start3A_217 = arith.constant 0 : i32
          %dma_start3A_218 = tpu.memref_slice %arg8[%dma_start3A_216, %dma_start3A_217] : memref<10240x128xf32, #tpu.memory_space<vmem_shared>> -> memref<10240x128xf32, #tpu.memory_space<vmem_shared>>
          tpu.enqueue_indirect_dma source(%dma_start3A_208 : memref<80x128xf32, #tpu.memory_space<vmem>>) target(%dma_start3A_218 : memref<10240x128xf32, #tpu.memory_space<vmem_shared>>) offsets(%dma_start3A_215 : memref<80xi32, #tpu.memory_space<vmem>>) semaphore(%run_scoped3A_204 : memref<!tpu.dma_semaphore, #tpu.memory_space<semaphore_mem>>) {add = true}
          %dma_wait3A_219 = arith.constant 0 : i32
          %dma_wait3A_220 = arith.constant 0 : i32
          %dma_wait3A_221 = tpu.memref_slice %arg7[%run_scoped3A_167, %dma_wait3A_219, %dma_wait3A_220] : memref<3x80x128xf32, #tpu.memory_space<vmem>> -> memref<1x80x128xf32, #tpu.memory_space<vmem>>
          %dma_wait3A_222 = tpu.memref_squeeze %dma_wait3A_221 : memref<1x80x128xf32, #tpu.memory_space<vmem>> -> memref<80x128xf32, #tpu.memory_space<vmem>>
          %dma_wait3A_223 = arith.constant 0 : i32
          %dma_wait3A_224 = arith.constant 0 : i32
          %dma_wait3A_225 = tpu.memref_slice %arg6[%scan3A_85, %select_n3A_45, %dma_wait3A_223, %dma_wait3A_224] : memref<2x2x25x80xi32, #tpu.memory_space<vmem>> -> memref<1x1x25x80xi32, #tpu.memory_space<vmem>>
          %dma_wait3A_226 = tpu.memref_squeeze %dma_wait3A_225 : memref<1x1x25x80xi32, #tpu.memory_space<vmem>> -> memref<25x80xi32, #tpu.memory_space<vmem>>
          %dma_wait3A_227 = arith.constant 0 : i32
          %dma_wait3A_228 = tpu.memref_slice %dma_wait3A_226[%add3A_151, %dma_wait3A_227] : memref<25x80xi32, #tpu.memory_space<vmem>> -> memref<1x80xi32, #tpu.memory_space<vmem>>
          %dma_wait3A_229 = tpu.memref_squeeze %dma_wait3A_228 : memref<1x80xi32, #tpu.memory_space<vmem>> -> memref<80xi32, #tpu.memory_space<vmem>>
          %dma_wait3A_230 = arith.constant 0 : i32
          %dma_wait3A_231 = arith.constant 0 : i32
          %dma_wait3A_232 = tpu.memref_slice %arg8[%dma_wait3A_230, %dma_wait3A_231] : memref<10240x128xf32, #tpu.memory_space<vmem_shared>> -> memref<10240x128xf32, #tpu.memory_space<vmem_shared>>
          tpu.wait_indirect_dma semaphore(%run_scoped3A_204 : memref<!tpu.dma_semaphore, #tpu.memory_space<semaphore_mem>>) src(%dma_wait3A_222 : memref<80x128xf32, #tpu.memory_space<vmem>>) dst(%dma_wait3A_232 : memref<10240x128xf32, #tpu.memory_space<vmem_shared>>)
          tpu.yield
        }) : () -> ()
        %add3A_168 = arith.constant 3 : i32
        %add3A_169 = arith.addi %add3A_151, %add3A_168 : i32
        %sub3A_170 = arith.constant 1 : i32
        %sub3A_171 = arith.subi %add3A_169, %sub3A_170 : i32
        %lt3A_172 = arith.constant 25 : i32
        %lt3A_173 = arith.cmpi slt, %sub3A_171, %lt3A_172 : i32
        %convert_element_type3A_174 = arith.extui %lt3A_173 : i1 to i32
        %cond3A_175 = arith.constant 0 : i32
        %cond3A_176 = arith.cmpi ne, %convert_element_type3A_174, %cond3A_175 : i32
        scf.if %cond3A_176 {
          %dma_start3A_204 = arith.constant 0 : i32
          %dma_start3A_205 = arith.constant 0 : i32
          %dma_start3A_206 = arith.constant 0 : i32
          %dma_start3A_207 = tpu.memref_slice %arg7[%dma_start3A_204, %dma_start3A_205, %dma_start3A_206] : memref<3x80x128xf32, #tpu.memory_space<vmem>> -> memref<1x80x128xf32, #tpu.memory_space<vmem>>
          %dma_start3A_208 = tpu.memref_squeeze %dma_start3A_207 : memref<1x80x128xf32, #tpu.memory_space<vmem>> -> memref<80x128xf32, #tpu.memory_space<vmem>>
          %dma_start3A_209 = arith.constant 0 : i32
          %dma_start3A_210 = arith.constant 0 : i32
          %dma_start3A_211 = tpu.memref_slice %arg6[%scan3A_84, %select_n3A_29, %dma_start3A_209, %dma_start3A_210] : memref<2x2x25x80xi32, #tpu.memory_space<vmem>> -> memref<1x1x25x80xi32, #tpu.memory_space<vmem>>
          %dma_start3A_212 = tpu.memref_squeeze %dma_start3A_211 : memref<1x1x25x80xi32, #tpu.memory_space<vmem>> -> memref<25x80xi32, #tpu.memory_space<vmem>>
          %dma_start3A_213 = arith.constant 0 : i32
          %dma_start3A_214 = tpu.memref_slice %dma_start3A_212[%sub3A_171, %dma_start3A_213] : memref<25x80xi32, #tpu.memory_space<vmem>> -> memref<1x80xi32, #tpu.memory_space<vmem>>
          %dma_start3A_215 = tpu.memref_squeeze %dma_start3A_214 : memref<1x80xi32, #tpu.memory_space<vmem>> -> memref<80xi32, #tpu.memory_space<vmem>>
          %dma_start3A_216 = arith.constant 0 : i32
          %dma_start3A_217 = arith.constant 0 : i32
          %dma_start3A_218 = tpu.memref_slice %arg2[%dma_start3A_216, %dma_start3A_217] : memref<10240x128xf32, #tpu.memory_space<hbm>> -> memref<10240x128xf32, #tpu.memory_space<hbm>>
          tpu.enqueue_indirect_dma source(%dma_start3A_218 : memref<10240x128xf32, #tpu.memory_space<hbm>>) target(%dma_start3A_208 : memref<80x128xf32, #tpu.memory_space<vmem>>) offsets(%dma_start3A_215 : memref<80xi32, #tpu.memory_space<vmem>>) semaphore(%arg9 : memref<!tpu.dma_semaphore, #tpu.memory_space<semaphore_mem>>)
        } else {
        }
        %add3A_177 = arith.constant 2 : i32
        %add3A_178 = arith.addi %mul3A_123, %add3A_177 : i32
        %dma_wait3A_179 = arith.constant 2 : i32
        %dma_wait3A_180 = arith.constant 0 : i32
        %dma_wait3A_181 = arith.constant 0 : i32
        %dma_wait3A_182 = tpu.memref_slice %arg7[%dma_wait3A_179, %dma_wait3A_180, %dma_wait3A_181] : memref<3x80x128xf32, #tpu.memory_space<vmem>> -> memref<1x80x128xf32, #tpu.memory_space<vmem>>
        %dma_wait3A_183 = tpu.memref_squeeze %dma_wait3A_182 : memref<1x80x128xf32, #tpu.memory_space<vmem>> -> memref<80x128xf32, #tpu.memory_space<vmem>>
        %dma_wait3A_184 = arith.constant 0 : i32
        %dma_wait3A_185 = arith.constant 0 : i32
        %dma_wait3A_186 = tpu.memref_slice %arg6[%scan3A_84, %select_n3A_29, %dma_wait3A_184, %dma_wait3A_185] : memref<2x2x25x80xi32, #tpu.memory_space<vmem>> -> memref<1x1x25x80xi32, #tpu.memory_space<vmem>>
        %dma_wait3A_187 = tpu.memref_squeeze %dma_wait3A_186 : memref<1x1x25x80xi32, #tpu.memory_space<vmem>> -> memref<25x80xi32, #tpu.memory_space<vmem>>
        %dma_wait3A_188 = arith.constant 0 : i32
        %dma_wait3A_189 = tpu.memref_slice %dma_wait3A_187[%add3A_178, %dma_wait3A_188] : memref<25x80xi32, #tpu.memory_space<vmem>> -> memref<1x80xi32, #tpu.memory_space<vmem>>
        %dma_wait3A_190 = tpu.memref_squeeze %dma_wait3A_189 : memref<1x80xi32, #tpu.memory_space<vmem>> -> memref<80xi32, #tpu.memory_space<vmem>>
        %dma_wait3A_191 = arith.constant 0 : i32
        %dma_wait3A_192 = arith.constant 0 : i32
        %dma_wait3A_193 = tpu.memref_slice %arg2[%dma_wait3A_191, %dma_wait3A_192] : memref<10240x128xf32, #tpu.memory_space<hbm>> -> memref<10240x128xf32, #tpu.memory_space<hbm>>
        tpu.wait_indirect_dma semaphore(%arg11 : memref<!tpu.dma_semaphore, #tpu.memory_space<semaphore_mem>>) src(%dma_wait3A_193 : memref<10240x128xf32, #tpu.memory_space<hbm>>) dst(%dma_wait3A_183 : memref<80x128xf32, #tpu.memory_space<vmem>>)
        %run_scoped3A_194 = arith.constant 2 : i32
        "tpu.region"() ({
          %run_scoped3A_204 = tpu.sem_alloc : memref<!tpu.dma_semaphore, #tpu.memory_space<semaphore_mem>>
          %dma_start3A_205 = arith.constant 0 : i32
          %dma_start3A_206 = arith.constant 0 : i32
          %dma_start3A_207 = tpu.memref_slice %arg7[%run_scoped3A_194, %dma_start3A_205, %dma_start3A_206] : memref<3x80x128xf32, #tpu.memory_space<vmem>> -> memref<1x80x128xf32, #tpu.memory_space<vmem>>
          %dma_start3A_208 = tpu.memref_squeeze %dma_start3A_207 : memref<1x80x128xf32, #tpu.memory_space<vmem>> -> memref<80x128xf32, #tpu.memory_space<vmem>>
          %dma_start3A_209 = arith.constant 0 : i32
          %dma_start3A_210 = arith.constant 0 : i32
          %dma_start3A_211 = tpu.memref_slice %arg6[%scan3A_85, %select_n3A_45, %dma_start3A_209, %dma_start3A_210] : memref<2x2x25x80xi32, #tpu.memory_space<vmem>> -> memref<1x1x25x80xi32, #tpu.memory_space<vmem>>
          %dma_start3A_212 = tpu.memref_squeeze %dma_start3A_211 : memref<1x1x25x80xi32, #tpu.memory_space<vmem>> -> memref<25x80xi32, #tpu.memory_space<vmem>>
          %dma_start3A_213 = arith.constant 0 : i32
          %dma_start3A_214 = tpu.memref_slice %dma_start3A_212[%add3A_178, %dma_start3A_213] : memref<25x80xi32, #tpu.memory_space<vmem>> -> memref<1x80xi32, #tpu.memory_space<vmem>>
          %dma_start3A_215 = tpu.memref_squeeze %dma_start3A_214 : memref<1x80xi32, #tpu.memory_space<vmem>> -> memref<80xi32, #tpu.memory_space<vmem>>
          %dma_start3A_216 = arith.constant 0 : i32
          %dma_start3A_217 = arith.constant 0 : i32
          %dma_start3A_218 = tpu.memref_slice %arg8[%dma_start3A_216, %dma_start3A_217] : memref<10240x128xf32, #tpu.memory_space<vmem_shared>> -> memref<10240x128xf32, #tpu.memory_space<vmem_shared>>
          tpu.enqueue_indirect_dma source(%dma_start3A_208 : memref<80x128xf32, #tpu.memory_space<vmem>>) target(%dma_start3A_218 : memref<10240x128xf32, #tpu.memory_space<vmem_shared>>) offsets(%dma_start3A_215 : memref<80xi32, #tpu.memory_space<vmem>>) semaphore(%run_scoped3A_204 : memref<!tpu.dma_semaphore, #tpu.memory_space<semaphore_mem>>) {add = true}
          %dma_wait3A_219 = arith.constant 0 : i32
          %dma_wait3A_220 = arith.constant 0 : i32
          %dma_wait3A_221 = tpu.memref_slice %arg7[%run_scoped3A_194, %dma_wait3A_219, %dma_wait3A_220] : memref<3x80x128xf32, #tpu.memory_space<vmem>> -> memref<1x80x128xf32, #tpu.memory_space<vmem>>
          %dma_wait3A_222 = tpu.memref_squeeze %dma_wait3A_221 : memref<1x80x128xf32, #tpu.memory_space<vmem>> -> memref<80x128xf32, #tpu.memory_space<vmem>>
          %dma_wait3A_223 = arith.constant 0 : i32
          %dma_wait3A_224 = arith.constant 0 : i32
          %dma_wait3A_225 = tpu.memref_slice %arg6[%scan3A_85, %select_n3A_45, %dma_wait3A_223, %dma_wait3A_224] : memref<2x2x25x80xi32, #tpu.memory_space<vmem>> -> memref<1x1x25x80xi32, #tpu.memory_space<vmem>>
          %dma_wait3A_226 = tpu.memref_squeeze %dma_wait3A_225 : memref<1x1x25x80xi32, #tpu.memory_space<vmem>> -> memref<25x80xi32, #tpu.memory_space<vmem>>
          %dma_wait3A_227 = arith.constant 0 : i32
          %dma_wait3A_228 = tpu.memref_slice %dma_wait3A_226[%add3A_178, %dma_wait3A_227] : memref<25x80xi32, #tpu.memory_space<vmem>> -> memref<1x80xi32, #tpu.memory_space<vmem>>
          %dma_wait3A_229 = tpu.memref_squeeze %dma_wait3A_228 : memref<1x80xi32, #tpu.memory_space<vmem>> -> memref<80xi32, #tpu.memory_space<vmem>>
          %dma_wait3A_230 = arith.constant 0 : i32
          %dma_wait3A_231 = arith.constant 0 : i32
          %dma_wait3A_232 = tpu.memref_slice %arg8[%dma_wait3A_230, %dma_wait3A_231] : memref<10240x128xf32, #tpu.memory_space<vmem_shared>> -> memref<10240x128xf32, #tpu.memory_space<vmem_shared>>
          tpu.wait_indirect_dma semaphore(%run_scoped3A_204 : memref<!tpu.dma_semaphore, #tpu.memory_space<semaphore_mem>>) src(%dma_wait3A_222 : memref<80x128xf32, #tpu.memory_space<vmem>>) dst(%dma_wait3A_232 : memref<10240x128xf32, #tpu.memory_space<vmem_shared>>)
          tpu.yield
        }) : () -> ()
        %add3A_195 = arith.constant 3 : i32
        %add3A_196 = arith.addi %add3A_178, %add3A_195 : i32
        %sub3A_197 = arith.constant 1 : i32
        %sub3A_198 = arith.subi %add3A_196, %sub3A_197 : i32
        %lt3A_199 = arith.constant 25 : i32
        %lt3A_200 = arith.cmpi slt, %sub3A_198, %lt3A_199 : i32
        %convert_element_type3A_201 = arith.extui %lt3A_200 : i1 to i32
        %cond3A_202 = arith.constant 0 : i32
        %cond3A_203 = arith.cmpi ne, %convert_element_type3A_201, %cond3A_202 : i32
        scf.if %cond3A_203 {
          %dma_start3A_204 = arith.constant 1 : i32
          %dma_start3A_205 = arith.constant 0 : i32
          %dma_start3A_206 = arith.constant 0 : i32
          %dma_start3A_207 = tpu.memref_slice %arg7[%dma_start3A_204, %dma_start3A_205, %dma_start3A_206] : memref<3x80x128xf32, #tpu.memory_space<vmem>> -> memref<1x80x128xf32, #tpu.memory_space<vmem>>
          %dma_start3A_208 = tpu.memref_squeeze %dma_start3A_207 : memref<1x80x128xf32, #tpu.memory_space<vmem>> -> memref<80x128xf32, #tpu.memory_space<vmem>>
          %dma_start3A_209 = arith.constant 0 : i32
          %dma_start3A_210 = arith.constant 0 : i32
          %dma_start3A_211 = tpu.memref_slice %arg6[%scan3A_84, %select_n3A_29, %dma_start3A_209, %dma_start3A_210] : memref<2x2x25x80xi32, #tpu.memory_space<vmem>> -> memref<1x1x25x80xi32, #tpu.memory_space<vmem>>
          %dma_start3A_212 = tpu.memref_squeeze %dma_start3A_211 : memref<1x1x25x80xi32, #tpu.memory_space<vmem>> -> memref<25x80xi32, #tpu.memory_space<vmem>>
          %dma_start3A_213 = arith.constant 0 : i32
          %dma_start3A_214 = tpu.memref_slice %dma_start3A_212[%sub3A_198, %dma_start3A_213] : memref<25x80xi32, #tpu.memory_space<vmem>> -> memref<1x80xi32, #tpu.memory_space<vmem>>
          %dma_start3A_215 = tpu.memref_squeeze %dma_start3A_214 : memref<1x80xi32, #tpu.memory_space<vmem>> -> memref<80xi32, #tpu.memory_space<vmem>>
          %dma_start3A_216 = arith.constant 0 : i32
          %dma_start3A_217 = arith.constant 0 : i32
          %dma_start3A_218 = tpu.memref_slice %arg2[%dma_start3A_216, %dma_start3A_217] : memref<10240x128xf32, #tpu.memory_space<hbm>> -> memref<10240x128xf32, #tpu.memory_space<hbm>>
          tpu.enqueue_indirect_dma source(%dma_start3A_218 : memref<10240x128xf32, #tpu.memory_space<hbm>>) target(%dma_start3A_208 : memref<80x128xf32, #tpu.memory_space<vmem>>) offsets(%dma_start3A_215 : memref<80xi32, #tpu.memory_space<vmem>>) semaphore(%arg10 : memref<!tpu.dma_semaphore, #tpu.memory_space<semaphore_mem>>)
        } else {
        }
      }
      %scan3A_90 = arith.constant 8 : i32
      %dma_wait3A = arith.constant 0 : i32
      %dma_wait3A_91 = arith.constant 24 : i32
      %dma_wait3A_92 = arith.constant 0 : i32
      %dma_wait3A_93 = arith.constant 0 : i32
      %dma_wait3A_94 = arith.constant 0 : i32
      %dma_wait3A_95 = tpu.memref_slice %arg7[%dma_wait3A_92, %dma_wait3A_93, %dma_wait3A_94] : memref<3x80x128xf32, #tpu.memory_space<vmem>> -> memref<1x80x128xf32, #tpu.memory_space<vmem>>
      %dma_wait3A_96 = tpu.memref_squeeze %dma_wait3A_95 : memref<1x80x128xf32, #tpu.memory_space<vmem>> -> memref<80x128xf32, #tpu.memory_space<vmem>>
      %dma_wait3A_97 = arith.constant 0 : i32
      %dma_wait3A_98 = arith.constant 0 : i32
      %dma_wait3A_99 = tpu.memref_slice %arg6[%dma_wait3A, %select_n3A_29, %dma_wait3A_97, %dma_wait3A_98] : memref<2x2x25x80xi32, #tpu.memory_space<vmem>> -> memref<1x1x25x80xi32, #tpu.memory_space<vmem>>
      %dma_wait3A_100 = tpu.memref_squeeze %dma_wait3A_99 : memref<1x1x25x80xi32, #tpu.memory_space<vmem>> -> memref<25x80xi32, #tpu.memory_space<vmem>>
      %dma_wait3A_101 = arith.constant 0 : i32
      %dma_wait3A_102 = tpu.memref_slice %dma_wait3A_100[%dma_wait3A_91, %dma_wait3A_101] : memref<25x80xi32, #tpu.memory_space<vmem>> -> memref<1x80xi32, #tpu.memory_space<vmem>>
      %dma_wait3A_103 = tpu.memref_squeeze %dma_wait3A_102 : memref<1x80xi32, #tpu.memory_space<vmem>> -> memref<80xi32, #tpu.memory_space<vmem>>
      %dma_wait3A_104 = arith.constant 0 : i32
      %dma_wait3A_105 = arith.constant 0 : i32
      %dma_wait3A_106 = tpu.memref_slice %arg2[%dma_wait3A_104, %dma_wait3A_105] : memref<10240x128xf32, #tpu.memory_space<hbm>> -> memref<10240x128xf32, #tpu.memory_space<hbm>>
      tpu.wait_indirect_dma semaphore(%arg9 : memref<!tpu.dma_semaphore, #tpu.memory_space<semaphore_mem>>) src(%dma_wait3A_106 : memref<10240x128xf32, #tpu.memory_space<hbm>>) dst(%dma_wait3A_96 : memref<80x128xf32, #tpu.memory_space<vmem>>)
      %run_scoped3A_107 = arith.constant 0 : i32
      %run_scoped3A_108 = arith.constant 1 : i32
      %run_scoped3A_109 = arith.constant 24 : i32
      "tpu.region"() ({
        %run_scoped3A_117 = tpu.sem_alloc : memref<!tpu.dma_semaphore, #tpu.memory_space<semaphore_mem>>
        %dma_start3A_118 = arith.constant 0 : i32
        %dma_start3A_119 = arith.constant 0 : i32
        %dma_start3A_120 = tpu.memref_slice %arg7[%run_scoped3A_107, %dma_start3A_118, %dma_start3A_119] : memref<3x80x128xf32, #tpu.memory_space<vmem>> -> memref<1x80x128xf32, #tpu.memory_space<vmem>>
        %dma_start3A_121 = tpu.memref_squeeze %dma_start3A_120 : memref<1x80x128xf32, #tpu.memory_space<vmem>> -> memref<80x128xf32, #tpu.memory_space<vmem>>
        %dma_start3A_122 = arith.constant 0 : i32
        %dma_start3A_123 = arith.constant 0 : i32
        %dma_start3A_124 = tpu.memref_slice %arg6[%run_scoped3A_108, %select_n3A_45, %dma_start3A_122, %dma_start3A_123] : memref<2x2x25x80xi32, #tpu.memory_space<vmem>> -> memref<1x1x25x80xi32, #tpu.memory_space<vmem>>
        %dma_start3A_125 = tpu.memref_squeeze %dma_start3A_124 : memref<1x1x25x80xi32, #tpu.memory_space<vmem>> -> memref<25x80xi32, #tpu.memory_space<vmem>>
        %dma_start3A_126 = arith.constant 0 : i32
        %dma_start3A_127 = tpu.memref_slice %dma_start3A_125[%run_scoped3A_109, %dma_start3A_126] : memref<25x80xi32, #tpu.memory_space<vmem>> -> memref<1x80xi32, #tpu.memory_space<vmem>>
        %dma_start3A_128 = tpu.memref_squeeze %dma_start3A_127 : memref<1x80xi32, #tpu.memory_space<vmem>> -> memref<80xi32, #tpu.memory_space<vmem>>
        %dma_start3A_129 = arith.constant 0 : i32
        %dma_start3A_130 = arith.constant 0 : i32
        %dma_start3A_131 = tpu.memref_slice %arg8[%dma_start3A_129, %dma_start3A_130] : memref<10240x128xf32, #tpu.memory_space<vmem_shared>> -> memref<10240x128xf32, #tpu.memory_space<vmem_shared>>
        tpu.enqueue_indirect_dma source(%dma_start3A_121 : memref<80x128xf32, #tpu.memory_space<vmem>>) target(%dma_start3A_131 : memref<10240x128xf32, #tpu.memory_space<vmem_shared>>) offsets(%dma_start3A_128 : memref<80xi32, #tpu.memory_space<vmem>>) semaphore(%run_scoped3A_117 : memref<!tpu.dma_semaphore, #tpu.memory_space<semaphore_mem>>) {add = true}
        %dma_wait3A_132 = arith.constant 0 : i32
        %dma_wait3A_133 = arith.constant 0 : i32
        %dma_wait3A_134 = tpu.memref_slice %arg7[%run_scoped3A_107, %dma_wait3A_132, %dma_wait3A_133] : memref<3x80x128xf32, #tpu.memory_space<vmem>> -> memref<1x80x128xf32, #tpu.memory_space<vmem>>
        %dma_wait3A_135 = tpu.memref_squeeze %dma_wait3A_134 : memref<1x80x128xf32, #tpu.memory_space<vmem>> -> memref<80x128xf32, #tpu.memory_space<vmem>>
        %dma_wait3A_136 = arith.constant 0 : i32
        %dma_wait3A_137 = arith.constant 0 : i32
        %dma_wait3A_138 = tpu.memref_slice %arg6[%run_scoped3A_108, %select_n3A_45, %dma_wait3A_136, %dma_wait3A_137] : memref<2x2x25x80xi32, #tpu.memory_space<vmem>> -> memref<1x1x25x80xi32, #tpu.memory_space<vmem>>
        %dma_wait3A_139 = tpu.memref_squeeze %dma_wait3A_138 : memref<1x1x25x80xi32, #tpu.memory_space<vmem>> -> memref<25x80xi32, #tpu.memory_space<vmem>>
        %dma_wait3A_140 = arith.constant 0 : i32
        %dma_wait3A_141 = tpu.memref_slice %dma_wait3A_139[%run_scoped3A_109, %dma_wait3A_140] : memref<25x80xi32, #tpu.memory_space<vmem>> -> memref<1x80xi32, #tpu.memory_space<vmem>>
        %dma_wait3A_142 = tpu.memref_squeeze %dma_wait3A_141 : memref<1x80xi32, #tpu.memory_space<vmem>> -> memref<80xi32, #tpu.memory_space<vmem>>
        %dma_wait3A_143 = arith.constant 0 : i32
        %dma_wait3A_144 = arith.constant 0 : i32
        %dma_wait3A_145 = tpu.memref_slice %arg8[%dma_wait3A_143, %dma_wait3A_144] : memref<10240x128xf32, #tpu.memory_space<vmem_shared>> -> memref<10240x128xf32, #tpu.memory_space<vmem_shared>>
        tpu.wait_indirect_dma semaphore(%run_scoped3A_117 : memref<!tpu.dma_semaphore, #tpu.memory_space<semaphore_mem>>) src(%dma_wait3A_135 : memref<80x128xf32, #tpu.memory_space<vmem>>) dst(%dma_wait3A_145 : memref<10240x128xf32, #tpu.memory_space<vmem_shared>>)
        tpu.yield
      }) : () -> ()
      %add3A_110 = arith.constant 1 : i32
      %add3A_111 = arith.addi %add3A_20, %add3A_110 : i32
      %lt3A_112 = arith.constant 5 : i32
      %lt3A_113 = arith.cmpi slt, %add3A_111, %lt3A_112 : i32
      %convert_element_type3A_114 = arith.extui %lt3A_113 : i1 to i32
      %cond3A_115 = arith.constant 0 : i32
      %cond3A_116 = arith.cmpi ne, %convert_element_type3A_114, %cond3A_115 : i32
      scf.if %cond3A_116 {
        %add3A_117 = arith.constant 1 : i32
        %add3A_118 = arith.addi %add3A_20, %add3A_117 : i32
        %add3A_119 = arith.constant 1 : i32
        %add3A_120 = arith.addi %add3A_20, %add3A_119 : i32
        %jit3A_121 = arith.constant 2 : i32
        %eq3A_122 = arith.constant 0 : i32
        %eq3A_123 = arith.cmpi eq, %jit3A_121, %eq3A_122 : i32
        %jit3A_124 = arith.constant 1 : i32
        %select_n3A_125 = arith.select %eq3A_123, %jit3A_124, %jit3A_121 : i32
        %rem3A_126 = arith.remsi %add3A_120, %select_n3A_125 : i32
        %ne3A_127 = arith.constant 0 : i32
        %ne3A_128 = arith.cmpi ne, %rem3A_126, %ne3A_127 : i32
        %lt3A_129 = arith.constant 0 : i32
        %lt3A_130 = arith.cmpi slt, %rem3A_126, %lt3A_129 : i32
        %lt3A_131 = arith.constant 0 : i32
        %lt3A_132 = arith.cmpi slt, %select_n3A_125, %lt3A_131 : i32
        %ne3A_133 = arith.xori %lt3A_130, %lt3A_132 : i1
        %and3A_134 = arith.andi %ne3A_133, %ne3A_128 : i1
        %add3A_135 = arith.addi %rem3A_126, %select_n3A_125 : i32
        %select_n3A_136 = arith.select %and3A_134, %add3A_135, %rem3A_126 : i32
        %dma_wait3A_137 = arith.constant 0 : i32
        %dma_wait3A_138 = arith.constant 0 : i32
        %dma_wait3A_139 = arith.constant 0 : i32
        %dma_wait3A_140 = arith.constant 0 : i32
        %dma_wait3A_141 = tpu.memref_slice %arg6[%dma_wait3A_138, %select_n3A_136, %dma_wait3A_139, %dma_wait3A_140] : memref<2x2x25x80xi32, #tpu.memory_space<vmem>> -> memref<1x1x25x80xi32, #tpu.memory_space<vmem>>
        %dma_wait3A_142 = tpu.memref_squeeze %dma_wait3A_141 : memref<1x1x25x80xi32, #tpu.memory_space<vmem>> -> memref<25x80xi32, #tpu.memory_space<vmem>>
        %dma_wait3A_143 = arith.constant 0 : i32
        %dma_wait3A_144 = arith.constant 0 : i32
        %dma_wait3A_145 = tpu.memref_slice %arg3[%dma_wait3A_137, %arg0, %arg1, %add3A_118, %dma_wait3A_143, %dma_wait3A_144] : memref<2x2x16x5x25x80xi32, #tpu.memory_space<hbm>> -> memref<1x1x1x1x25x80xi32, #tpu.memory_space<hbm>>
        %dma_wait3A_146 = tpu.memref_squeeze %dma_wait3A_145 : memref<1x1x1x1x25x80xi32, #tpu.memory_space<hbm>> -> memref<25x80xi32, #tpu.memory_space<hbm>>
        %dma_wait3A_147 = arith.constant 0 : i32
        %dma_wait3A_148 = arith.constant 0 : i32
        %dma_wait3A_149 = tpu.memref_slice %arg6[%dma_wait3A_138, %select_n3A_136, %dma_wait3A_147, %dma_wait3A_148] : memref<2x2x25x80xi32, #tpu.memory_space<vmem>> -> memref<1x1x25x80xi32, #tpu.memory_space<vmem>>
        %dma_wait3A_150 = tpu.memref_squeeze %dma_wait3A_149 : memref<1x1x25x80xi32, #tpu.memory_space<vmem>> -> memref<25x80xi32, #tpu.memory_space<vmem>>
        %dma_wait3A_151 = arith.constant 0 : i32
        %dma_wait3A_152 = arith.constant 0 : i32
        %dma_wait3A_153 = tpu.memref_slice %arg3[%dma_wait3A_137, %arg0, %arg1, %add3A_118, %dma_wait3A_151, %dma_wait3A_152] : memref<2x2x16x5x25x80xi32, #tpu.memory_space<hbm>> -> memref<1x1x1x1x25x80xi32, #tpu.memory_space<hbm>>
        %dma_wait3A_154 = tpu.memref_squeeze %dma_wait3A_153 : memref<1x1x1x1x25x80xi32, #tpu.memory_space<hbm>> -> memref<25x80xi32, #tpu.memory_space<hbm>>
        tpu.wait_dma2 semaphore(%arg12 : memref<!tpu.dma_semaphore, #tpu.memory_space<semaphore_mem>>) src(%dma_wait3A_154 : memref<25x80xi32, #tpu.memory_space<hbm>>) dst(%dma_wait3A_150 : memref<25x80xi32, #tpu.memory_space<vmem>>)
        %add3A_155 = arith.constant 1 : i32
        %add3A_156 = arith.addi %add3A_20, %add3A_155 : i32
        %add3A_157 = arith.constant 1 : i32
        %add3A_158 = arith.addi %add3A_20, %add3A_157 : i32
        %jit3A_159 = arith.constant 2 : i32
        %eq3A_160 = arith.constant 0 : i32
        %eq3A_161 = arith.cmpi eq, %jit3A_159, %eq3A_160 : i32
        %jit3A_162 = arith.constant 1 : i32
        %select_n3A_163 = arith.select %eq3A_161, %jit3A_162, %jit3A_159 : i32
        %rem3A_164 = arith.remsi %add3A_158, %select_n3A_163 : i32
        %ne3A_165 = arith.constant 0 : i32
        %ne3A_166 = arith.cmpi ne, %rem3A_164, %ne3A_165 : i32
        %lt3A_167 = arith.constant 0 : i32
        %lt3A_168 = arith.cmpi slt, %rem3A_164, %lt3A_167 : i32
        %lt3A_169 = arith.constant 0 : i32
        %lt3A_170 = arith.cmpi slt, %select_n3A_163, %lt3A_169 : i32
        %ne3A_171 = arith.xori %lt3A_168, %lt3A_170 : i1
        %and3A_172 = arith.andi %ne3A_171, %ne3A_166 : i1
        %add3A_173 = arith.addi %rem3A_164, %select_n3A_163 : i32
        %select_n3A_174 = arith.select %and3A_172, %add3A_173, %rem3A_164 : i32
        %dma_wait3A_175 = arith.constant 1 : i32
        %dma_wait3A_176 = arith.constant 1 : i32
        %dma_wait3A_177 = arith.constant 0 : i32
        %dma_wait3A_178 = arith.constant 0 : i32
        %dma_wait3A_179 = tpu.memref_slice %arg6[%dma_wait3A_176, %select_n3A_174, %dma_wait3A_177, %dma_wait3A_178] : memref<2x2x25x80xi32, #tpu.memory_space<vmem>> -> memref<1x1x25x80xi32, #tpu.memory_space<vmem>>
        %dma_wait3A_180 = tpu.memref_squeeze %dma_wait3A_179 : memref<1x1x25x80xi32, #tpu.memory_space<vmem>> -> memref<25x80xi32, #tpu.memory_space<vmem>>
        %dma_wait3A_181 = arith.constant 0 : i32
        %dma_wait3A_182 = arith.constant 0 : i32
        %dma_wait3A_183 = tpu.memref_slice %arg3[%dma_wait3A_175, %arg0, %arg1, %add3A_156, %dma_wait3A_181, %dma_wait3A_182] : memref<2x2x16x5x25x80xi32, #tpu.memory_space<hbm>> -> memref<1x1x1x1x25x80xi32, #tpu.memory_space<hbm>>
        %dma_wait3A_184 = tpu.memref_squeeze %dma_wait3A_183 : memref<1x1x1x1x25x80xi32, #tpu.memory_space<hbm>> -> memref<25x80xi32, #tpu.memory_space<hbm>>
        %dma_wait3A_185 = arith.constant 0 : i32
        %dma_wait3A_186 = arith.constant 0 : i32
        %dma_wait3A_187 = tpu.memref_slice %arg6[%dma_wait3A_176, %select_n3A_174, %dma_wait3A_185, %dma_wait3A_186] : memref<2x2x25x80xi32, #tpu.memory_space<vmem>> -> memref<1x1x25x80xi32, #tpu.memory_space<vmem>>
        %dma_wait3A_188 = tpu.memref_squeeze %dma_wait3A_187 : memref<1x1x25x80xi32, #tpu.memory_space<vmem>> -> memref<25x80xi32, #tpu.memory_space<vmem>>
        %dma_wait3A_189 = arith.constant 0 : i32
        %dma_wait3A_190 = arith.constant 0 : i32
        %dma_wait3A_191 = tpu.memref_slice %arg3[%dma_wait3A_175, %arg0, %arg1, %add3A_156, %dma_wait3A_189, %dma_wait3A_190] : memref<2x2x16x5x25x80xi32, #tpu.memory_space<hbm>> -> memref<1x1x1x1x25x80xi32, #tpu.memory_space<hbm>>
        %dma_wait3A_192 = tpu.memref_squeeze %dma_wait3A_191 : memref<1x1x1x1x25x80xi32, #tpu.memory_space<hbm>> -> memref<25x80xi32, #tpu.memory_space<hbm>>
        tpu.wait_dma2 semaphore(%arg12 : memref<!tpu.dma_semaphore, #tpu.memory_space<semaphore_mem>>) src(%dma_wait3A_192 : memref<25x80xi32, #tpu.memory_space<hbm>>) dst(%dma_wait3A_188 : memref<25x80xi32, #tpu.memory_space<vmem>>)
      } else {
      }
    }
    %scan3A_11 = arith.constant 5 : i32
    %barrier3A_12 = arith.constant 0 : index
    tpu.barrier barrier_id(%barrier3A_12)
    %mul3A_13 = arith.constant 640 : i32
    %mul3A_14 = arith.muli %arg1, %mul3A_13 : i32
    %mul3A_15 = arith.constant 640 : i32
    %mul3A_16 = arith.muli %arg1, %mul3A_15 : i32
    "tpu.region"() ({
      %run_scoped3A_17 = tpu.sem_alloc : memref<!tpu.dma_semaphore, #tpu.memory_space<semaphore_mem>>
      %dma_start3A = arith.constant 0 : i32
      %dma_start3A_18 = tpu.memref_slice %arg5[%arg0, %mul3A_16, %dma_start3A] : memref<2x10240x128xf32, #tpu.memory_space<hbm>> -> memref<1x640x128xf32, #tpu.memory_space<hbm>>
      %dma_start3A_19 = tpu.memref_squeeze %dma_start3A_18 : memref<1x640x128xf32, #tpu.memory_space<hbm>> -> memref<640x128xf32, #tpu.memory_space<hbm>>
      %dma_start3A_20 = arith.constant 0 : i32
      %dma_start3A_21 = tpu.memref_slice %arg8[%mul3A_14, %dma_start3A_20] : memref<10240x128xf32, #tpu.memory_space<vmem_shared>> -> memref<640x128xf32, #tpu.memory_space<vmem_shared>>
      tpu.enqueue_dma source(%dma_start3A_21 : memref<640x128xf32, #tpu.memory_space<vmem_shared>>) target(%dma_start3A_19 : memref<640x128xf32, #tpu.memory_space<hbm>>) target_semaphore(%run_scoped3A_17 : memref<!tpu.dma_semaphore, #tpu.memory_space<semaphore_mem>>)
      %dma_wait3A = arith.constant 0 : i32
      %dma_wait3A_22 = tpu.memref_slice %arg5[%arg0, %mul3A_16, %dma_wait3A] : memref<2x10240x128xf32, #tpu.memory_space<hbm>> -> memref<1x640x128xf32, #tpu.memory_space<hbm>>
      %dma_wait3A_23 = tpu.memref_squeeze %dma_wait3A_22 : memref<1x640x128xf32, #tpu.memory_space<hbm>> -> memref<640x128xf32, #tpu.memory_space<hbm>>
      %dma_wait3A_24 = arith.constant 0 : i32
      %dma_wait3A_25 = tpu.memref_slice %arg8[%mul3A_14, %dma_wait3A_24] : memref<10240x128xf32, #tpu.memory_space<vmem_shared>> -> memref<640x128xf32, #tpu.memory_space<vmem_shared>>
      tpu.wait_dma2 semaphore(%run_scoped3A_17 : memref<!tpu.dma_semaphore, #tpu.memory_space<semaphore_mem>>) src(%dma_wait3A_25 : memref<640x128xf32, #tpu.memory_space<vmem_shared>>) dst(%dma_wait3A_23 : memref<640x128xf32, #tpu.memory_space<hbm>>)
      tpu.yield
    }) : () -> ()
    return
  }
}

#map = affine_map<(d0, d1) -> (0, 0)>
#map1 = affine_map<(d0, d1) -> (0, 0, 0, 0, 0, 0)>
#map2 = affine_map<(d0, d1) -> (0, 0, 0)>
module attributes {stable_mosaic.version = 14 : i64} {
  func.func @k(%arg0: i32, %arg1: i32, %arg2: memref<10240x128xf32, #tpu.memory_space<hbm>>, %arg3: memref<2x2x16x5x25x80xi32, #tpu.memory_space<hbm>>, %arg4: memref<640x128xf32, #tpu.memory_space<hbm>>, %arg5: memref<2x10240x128xf32, #tpu.memory_space<hbm>>, %arg6: memref<2x2x25x80xi32, #tpu.memory_space<vmem>>, %arg7: memref<3x80x128xf32, #tpu.memory_space<vmem>>, %arg8: memref<10240x128xf32, #tpu.memory_space<vmem_shared>>, %arg9: memref<!tpu.dma_semaphore, #tpu.memory_space<semaphore_mem>>, %arg10: memref<!tpu.dma_semaphore, #tpu.memory_space<semaphore_mem>>, %arg11: memref<!tpu.dma_semaphore, #tpu.memory_space<semaphore_mem>>, %arg12: memref<!tpu.dma_semaphore, #tpu.memory_space<semaphore_mem>>) attributes {dimension_semantics = [#tpu.dimension_semantics<core_parallel>, #tpu.dimension_semantics<subcore_parallel>], iteration_bounds = array<i64: 2, 16>, scalar_prefetch = 0 : i64, scratch_operands = 7 : i64, tpu.core_type = #tpu.core_type<sc_vector_subcore>, window_params = [{transform_indices = #map}, {transform_indices = #map1}, {transform_indices = #map}, {transform_indices = #map2}]} {
    %run_scoped3A = arith.constant 0 : i32
    %run_scoped3A_0 = arith.constant 0 : i32
    %run_scoped3A_1 = arith.constant 0 : i32
    %run_scoped3A_2 = arith.constant 0 : i32
    "tpu.region"() ({
      %run_scoped3A_17 = tpu.sem_alloc : memref<!tpu.dma_semaphore, #tpu.memory_space<semaphore_mem>>
      %dma_start3A = arith.constant 0 : i32
      %dma_start3A_18 = arith.constant 0 : i32
      %dma_start3A_19 = tpu.memref_slice %arg6[%run_scoped3A_1, %run_scoped3A_2, %dma_start3A, %dma_start3A_18] : memref<2x2x25x80xi32, #tpu.memory_space<vmem>> -> memref<1x1x25x80xi32, #tpu.memory_space<vmem>>
      %dma_start3A_20 = tpu.memref_squeeze %dma_start3A_19 : memref<1x1x25x80xi32, #tpu.memory_space<vmem>> -> memref<25x80xi32, #tpu.memory_space<vmem>>
      %dma_start3A_21 = arith.constant 0 : i32
      %dma_start3A_22 = arith.constant 0 : i32
      %dma_start3A_23 = tpu.memref_slice %arg3[%run_scoped3A, %arg0, %arg1, %run_scoped3A_0, %dma_start3A_21, %dma_start3A_22] : memref<2x2x16x5x25x80xi32, #tpu.memory_space<hbm>> -> memref<1x1x1x1x25x80xi32, #tpu.memory_space<hbm>>
      %dma_start3A_24 = tpu.memref_squeeze %dma_start3A_23 : memref<1x1x1x1x25x80xi32, #tpu.memory_space<hbm>> -> memref<25x80xi32, #tpu.memory_space<hbm>>
      %dma_start3A_25 = arith.constant 0 : i32
      %dma_start3A_26 = arith.constant 0 : i32
      %dma_start3A_27 = tpu.memref_slice %arg6[%run_scoped3A_1, %run_scoped3A_2, %dma_start3A_25, %dma_start3A_26] : memref<2x2x25x80xi32, #tpu.memory_space<vmem>> -> memref<1x1x25x80xi32, #tpu.memory_space<vmem>>
      %dma_start3A_28 = tpu.memref_squeeze %dma_start3A_27 : memref<1x1x25x80xi32, #tpu.memory_space<vmem>> -> memref<25x80xi32, #tpu.memory_space<vmem>>
      %dma_start3A_29 = arith.constant 0 : i32
      %dma_start3A_30 = arith.constant 0 : i32
      %dma_start3A_31 = tpu.memref_slice %arg3[%run_scoped3A, %arg0, %arg1, %run_scoped3A_0, %dma_start3A_29, %dma_start3A_30] : memref<2x2x16x5x25x80xi32, #tpu.memory_space<hbm>> -> memref<1x1x1x1x25x80xi32, #tpu.memory_space<hbm>>
      %dma_start3A_32 = tpu.memref_squeeze %dma_start3A_31 : memref<1x1x1x1x25x80xi32, #tpu.memory_space<hbm>> -> memref<25x80xi32, #tpu.memory_space<hbm>>
      tpu.enqueue_dma source(%dma_start3A_32 : memref<25x80xi32, #tpu.memory_space<hbm>>) target(%dma_start3A_28 : memref<25x80xi32, #tpu.memory_space<vmem>>) target_semaphore(%run_scoped3A_17 : memref<!tpu.dma_semaphore, #tpu.memory_space<semaphore_mem>>)
      %dma_wait3A = arith.constant 0 : i32
      %dma_wait3A_33 = arith.constant 0 : i32
      %dma_wait3A_34 = tpu.memref_slice %arg6[%run_scoped3A_1, %run_scoped3A_2, %dma_wait3A, %dma_wait3A_33] : memref<2x2x25x80xi32, #tpu.memory_space<vmem>> -> memref<1x1x25x80xi32, #tpu.memory_space<vmem>>
      %dma_wait3A_35 = tpu.memref_squeeze %dma_wait3A_34 : memref<1x1x25x80xi32, #tpu.memory_space<vmem>> -> memref<25x80xi32, #tpu.memory_space<vmem>>
      %dma_wait3A_36 = arith.constant 0 : i32
      %dma_wait3A_37 = arith.constant 0 : i32
      %dma_wait3A_38 = tpu.memref_slice %arg3[%run_scoped3A, %arg0, %arg1, %run_scoped3A_0, %dma_wait3A_36, %dma_wait3A_37] : memref<2x2x16x5x25x80xi32, #tpu.memory_space<hbm>> -> memref<1x1x1x1x25x80xi32, #tpu.memory_space<hbm>>
      %dma_wait3A_39 = tpu.memref_squeeze %dma_wait3A_38 : memref<1x1x1x1x25x80xi32, #tpu.memory_space<hbm>> -> memref<25x80xi32, #tpu.memory_space<hbm>>
      %dma_wait3A_40 = arith.constant 0 : i32
      %dma_wait3A_41 = arith.constant 0 : i32
      %dma_wait3A_42 = tpu.memref_slice %arg6[%run_scoped3A_1, %run_scoped3A_2, %dma_wait3A_40, %dma_wait3A_41] : memref<2x2x25x80xi32, #tpu.memory_space<vmem>> -> memref<1x1x25x80xi32, #tpu.memory_space<vmem>>
      %dma_wait3A_43 = tpu.memref_squeeze %dma_wait3A_42 : memref<1x1x25x80xi32, #tpu.memory_space<vmem>> -> memref<25x80xi32, #tpu.memory_space<vmem>>
      %dma_wait3A_44 = arith.constant 0 : i32
      %dma_wait3A_45 = arith.constant 0 : i32
      %dma_wait3A_46 = tpu.memref_slice %arg3[%run_scoped3A, %arg0, %arg1, %run_scoped3A_0, %dma_wait3A_44, %dma_wait3A_45] : memref<2x2x16x5x25x80xi32, #tpu.memory_space<hbm>> -> memref<1x1x1x1x25x80xi32, #tpu.memory_space<hbm>>
      %dma_wait3A_47 = tpu.memref_squeeze %dma_wait3A_46 : memref<1x1x1x1x25x80xi32, #tpu.memory_space<hbm>> -> memref<25x80xi32, #tpu.memory_space<hbm>>
      tpu.wait_dma2 semaphore(%run_scoped3A_17 : memref<!tpu.dma_semaphore, #tpu.memory_space<semaphore_mem>>) src(%dma_wait3A_47 : memref<25x80xi32, #tpu.memory_space<hbm>>) dst(%dma_wait3A_43 : memref<25x80xi32, #tpu.memory_space<vmem>>)
      tpu.yield
    }) : () -> ()
    %run_scoped3A_3 = arith.constant 1 : i32
    %run_scoped3A_4 = arith.constant 0 : i32
    %run_scoped3A_5 = arith.constant 1 : i32
    %run_scoped3A_6 = arith.constant 0 : i32
    "tpu.region"() ({
      %run_scoped3A_17 = tpu.sem_alloc : memref<!tpu.dma_semaphore, #tpu.memory_space<semaphore_mem>>
      %dma_start3A = arith.constant 0 : i32
      %dma_start3A_18 = arith.constant 0 : i32
      %dma_start3A_19 = tpu.memref_slice %arg6[%run_scoped3A_5, %run_scoped3A_6, %dma_start3A, %dma_start3A_18] : memref<2x2x25x80xi32, #tpu.memory_space<vmem>> -> memref<1x1x25x80xi32, #tpu.memory_space<vmem>>
      %dma_start3A_20 = tpu.memref_squeeze %dma_start3A_19 : memref<1x1x25x80xi32, #tpu.memory_space<vmem>> -> memref<25x80xi32, #tpu.memory_space<vmem>>
      %dma_start3A_21 = arith.constant 0 : i32
      %dma_start3A_22 = arith.constant 0 : i32
      %dma_start3A_23 = tpu.memref_slice %arg3[%run_scoped3A_3, %arg0, %arg1, %run_scoped3A_4, %dma_start3A_21, %dma_start3A_22] : memref<2x2x16x5x25x80xi32, #tpu.memory_space<hbm>> -> memref<1x1x1x1x25x80xi32, #tpu.memory_space<hbm>>
      %dma_start3A_24 = tpu.memref_squeeze %dma_start3A_23 : memref<1x1x1x1x25x80xi32, #tpu.memory_space<hbm>> -> memref<25x80xi32, #tpu.memory_space<hbm>>
      %dma_start3A_25 = arith.constant 0 : i32
      %dma_start3A_26 = arith.constant 0 : i32
      %dma_start3A_27 = tpu.memref_slice %arg6[%run_scoped3A_5, %run_scoped3A_6, %dma_start3A_25, %dma_start3A_26] : memref<2x2x25x80xi32, #tpu.memory_space<vmem>> -> memref<1x1x25x80xi32, #tpu.memory_space<vmem>>
      %dma_start3A_28 = tpu.memref_squeeze %dma_start3A_27 : memref<1x1x25x80xi32, #tpu.memory_space<vmem>> -> memref<25x80xi32, #tpu.memory_space<vmem>>
      %dma_start3A_29 = arith.constant 0 : i32
      %dma_start3A_30 = arith.constant 0 : i32
      %dma_start3A_31 = tpu.memref_slice %arg3[%run_scoped3A_3, %arg0, %arg1, %run_scoped3A_4, %dma_start3A_29, %dma_start3A_30] : memref<2x2x16x5x25x80xi32, #tpu.memory_space<hbm>> -> memref<1x1x1x1x25x80xi32, #tpu.memory_space<hbm>>
      %dma_start3A_32 = tpu.memref_squeeze %dma_start3A_31 : memref<1x1x1x1x25x80xi32, #tpu.memory_space<hbm>> -> memref<25x80xi32, #tpu.memory_space<hbm>>
      tpu.enqueue_dma source(%dma_start3A_32 : memref<25x80xi32, #tpu.memory_space<hbm>>) target(%dma_start3A_28 : memref<25x80xi32, #tpu.memory_space<vmem>>) target_semaphore(%run_scoped3A_17 : memref<!tpu.dma_semaphore, #tpu.memory_space<semaphore_mem>>)
      %dma_wait3A = arith.constant 0 : i32
      %dma_wait3A_33 = arith.constant 0 : i32
      %dma_wait3A_34 = tpu.memref_slice %arg6[%run_scoped3A_5, %run_scoped3A_6, %dma_wait3A, %dma_wait3A_33] : memref<2x2x25x80xi32, #tpu.memory_space<vmem>> -> memref<1x1x25x80xi32, #tpu.memory_space<vmem>>
      %dma_wait3A_35 = tpu.memref_squeeze %dma_wait3A_34 : memref<1x1x25x80xi32, #tpu.memory_space<vmem>> -> memref<25x80xi32, #tpu.memory_space<vmem>>
      %dma_wait3A_36 = arith.constant 0 : i32
      %dma_wait3A_37 = arith.constant 0 : i32
      %dma_wait3A_38 = tpu.memref_slice %arg3[%run_scoped3A_3, %arg0, %arg1, %run_scoped3A_4, %dma_wait3A_36, %dma_wait3A_37] : memref<2x2x16x5x25x80xi32, #tpu.memory_space<hbm>> -> memref<1x1x1x1x25x80xi32, #tpu.memory_space<hbm>>
      %dma_wait3A_39 = tpu.memref_squeeze %dma_wait3A_38 : memref<1x1x1x1x25x80xi32, #tpu.memory_space<hbm>> -> memref<25x80xi32, #tpu.memory_space<hbm>>
      %dma_wait3A_40 = arith.constant 0 : i32
      %dma_wait3A_41 = arith.constant 0 : i32
      %dma_wait3A_42 = tpu.memref_slice %arg6[%run_scoped3A_5, %run_scoped3A_6, %dma_wait3A_40, %dma_wait3A_41] : memref<2x2x25x80xi32, #tpu.memory_space<vmem>> -> memref<1x1x25x80xi32, #tpu.memory_space<vmem>>
      %dma_wait3A_43 = tpu.memref_squeeze %dma_wait3A_42 : memref<1x1x25x80xi32, #tpu.memory_space<vmem>> -> memref<25x80xi32, #tpu.memory_space<vmem>>
      %dma_wait3A_44 = arith.constant 0 : i32
      %dma_wait3A_45 = arith.constant 0 : i32
      %dma_wait3A_46 = tpu.memref_slice %arg3[%run_scoped3A_3, %arg0, %arg1, %run_scoped3A_4, %dma_wait3A_44, %dma_wait3A_45] : memref<2x2x16x5x25x80xi32, #tpu.memory_space<hbm>> -> memref<1x1x1x1x25x80xi32, #tpu.memory_space<hbm>>
      %dma_wait3A_47 = tpu.memref_squeeze %dma_wait3A_46 : memref<1x1x1x1x25x80xi32, #tpu.memory_space<hbm>> -> memref<25x80xi32, #tpu.memory_space<hbm>>
      tpu.wait_dma2 semaphore(%run_scoped3A_17 : memref<!tpu.dma_semaphore, #tpu.memory_space<semaphore_mem>>) src(%dma_wait3A_47 : memref<25x80xi32, #tpu.memory_space<hbm>>) dst(%dma_wait3A_43 : memref<25x80xi32, #tpu.memory_space<vmem>>)
      tpu.yield
    }) : () -> ()
    %mul3A = arith.constant 640 : i32
    %mul3A_7 = arith.muli %arg1, %mul3A : i32
    "tpu.region"() ({
      %run_scoped3A_17 = tpu.sem_alloc : memref<!tpu.dma_semaphore, #tpu.memory_space<semaphore_mem>>
      %dma_start3A = arith.constant 0 : i32
      %dma_start3A_18 = tpu.memref_slice %arg8[%mul3A_7, %dma_start3A] : memref<10240x128xf32, #tpu.memory_space<vmem_shared>> -> memref<640x128xf32, #tpu.memory_space<vmem_shared>>
      tpu.enqueue_dma source(%arg4 : memref<640x128xf32, #tpu.memory_space<hbm>>) target(%dma_start3A_18 : memref<640x128xf32, #tpu.memory_space<vmem_shared>>) target_semaphore(%run_scoped3A_17 : memref<!tpu.dma_semaphore, #tpu.memory_space<semaphore_mem>>)
      %dma_wait3A = arith.constant 0 : i32
      %dma_wait3A_19 = tpu.memref_slice %arg8[%mul3A_7, %dma_wait3A] : memref<10240x128xf32, #tpu.memory_space<vmem_shared>> -> memref<640x128xf32, #tpu.memory_space<vmem_shared>>
      tpu.wait_dma2 semaphore(%run_scoped3A_17 : memref<!tpu.dma_semaphore, #tpu.memory_space<semaphore_mem>>) src(%arg4 : memref<640x128xf32, #tpu.memory_space<hbm>>) dst(%dma_wait3A_19 : memref<640x128xf32, #tpu.memory_space<vmem_shared>>)
      tpu.yield
    }) : () -> ()
    %barrier3A = arith.constant 0 : index
    tpu.barrier barrier_id(%barrier3A)
    %scan3A = arith.constant 0 : i32
    %scan3A_8 = arith.constant 5 : i32
    %scan3A_9 = arith.addi %scan3A, %scan3A_8 : i32
    %scan3A_10 = arith.constant 1 : i32
    scf.for %scan3A_17 = %scan3A to %scan3A_9 step %scan3A_10  : i32 {
      %mul3A_18 = arith.constant 1 : i32
      %mul3A_19 = arith.muli %scan3A_17, %mul3A_18 : i32
      %add3A = arith.constant 0 : i32
      %add3A_20 = arith.addi %add3A, %mul3A_19 : i32
      %jit3A = arith.constant 2 : i32
      %eq3A = arith.constant 0 : i32
      %eq3A_21 = arith.cmpi eq, %jit3A, %eq3A : i32
      %jit3A_22 = arith.constant 1 : i32
      %select_n3A = arith.select %eq3A_21, %jit3A_22, %jit3A : i32
      %rem3A = arith.remsi %add3A_20, %select_n3A : i32
      %ne3A = arith.constant 0 : i32
      %ne3A_23 = arith.cmpi ne, %rem3A, %ne3A : i32
      %lt3A = arith.constant 0 : i32
      %lt3A_24 = arith.cmpi slt, %rem3A, %lt3A : i32
      %lt3A_25 = arith.constant 0 : i32
      %lt3A_26 = arith.cmpi slt, %select_n3A, %lt3A_25 : i32
      %ne3A_27 = arith.xori %lt3A_24, %lt3A_26 : i1
      %and3A = arith.andi %ne3A_27, %ne3A_23 : i1
      %add3A_28 = arith.addi %rem3A, %select_n3A : i32
      %select_n3A_29 = arith.select %and3A, %add3A_28, %rem3A : i32
      %jit3A_30 = arith.constant 2 : i32
      %eq3A_31 = arith.constant 0 : i32
      %eq3A_32 = arith.cmpi eq, %jit3A_30, %eq3A_31 : i32
      %jit3A_33 = arith.constant 1 : i32
      %select_n3A_34 = arith.select %eq3A_32, %jit3A_33, %jit3A_30 : i32
      %rem3A_35 = arith.remsi %add3A_20, %select_n3A_34 : i32
      %ne3A_36 = arith.constant 0 : i32
      %ne3A_37 = arith.cmpi ne, %rem3A_35, %ne3A_36 : i32
      %lt3A_38 = arith.constant 0 : i32
      %lt3A_39 = arith.cmpi slt, %rem3A_35, %lt3A_38 : i32
      %lt3A_40 = arith.constant 0 : i32
      %lt3A_41 = arith.cmpi slt, %select_n3A_34, %lt3A_40 : i32
      %ne3A_42 = arith.xori %lt3A_39, %lt3A_41 : i1
      %and3A_43 = arith.andi %ne3A_42, %ne3A_37 : i1
      %add3A_44 = arith.addi %rem3A_35, %select_n3A_34 : i32
      %select_n3A_45 = arith.select %and3A_43, %add3A_44, %rem3A_35 : i32
      %add3A_46 = arith.constant 1 : i32
      %add3A_47 = arith.addi %add3A_20, %add3A_46 : i32
      %lt3A_48 = arith.constant 5 : i32
      %lt3A_49 = arith.cmpi slt, %add3A_47, %lt3A_48 : i32
      %convert_element_type3A = arith.extui %lt3A_49 : i1 to i32
      %cond3A = arith.constant 0 : i32
      %cond3A_50 = arith.cmpi ne, %convert_element_type3A, %cond3A : i32
      scf.if %cond3A_50 {
        %add3A_117 = arith.constant 1 : i32
        %add3A_118 = arith.addi %add3A_20, %add3A_117 : i32
        %add3A_119 = arith.constant 1 : i32
        %add3A_120 = arith.addi %add3A_20, %add3A_119 : i32
        %jit3A_121 = arith.constant 2 : i32
        %eq3A_122 = arith.constant 0 : i32
        %eq3A_123 = arith.cmpi eq, %jit3A_121, %eq3A_122 : i32
        %jit3A_124 = arith.constant 1 : i32
        %select_n3A_125 = arith.select %eq3A_123, %jit3A_124, %jit3A_121 : i32
        %rem3A_126 = arith.remsi %add3A_120, %select_n3A_125 : i32
        %ne3A_127 = arith.constant 0 : i32
        %ne3A_128 = arith.cmpi ne, %rem3A_126, %ne3A_127 : i32
        %lt3A_129 = arith.constant 0 : i32
        %lt3A_130 = arith.cmpi slt, %rem3A_126, %lt3A_129 : i32
        %lt3A_131 = arith.constant 0 : i32
        %lt3A_132 = arith.cmpi slt, %select_n3A_125, %lt3A_131 : i32
        %ne3A_133 = arith.xori %lt3A_130, %lt3A_132 : i1
        %and3A_134 = arith.andi %ne3A_133, %ne3A_128 : i1
        %add3A_135 = arith.addi %rem3A_126, %select_n3A_125 : i32
        %select_n3A_136 = arith.select %and3A_134, %add3A_135, %rem3A_126 : i32
        %dma_start3A_137 = arith.constant 0 : i32
        %dma_start3A_138 = arith.constant 0 : i32
        %dma_start3A_139 = arith.constant 0 : i32
        %dma_start3A_140 = arith.constant 0 : i32
        %dma_start3A_141 = tpu.memref_slice %arg6[%dma_start3A_138, %select_n3A_136, %dma_start3A_139, %dma_start3A_140] : memref<2x2x25x80xi32, #tpu.memory_space<vmem>> -> memref<1x1x25x80xi32, #tpu.memory_space<vmem>>
        %dma_start3A_142 = tpu.memref_squeeze %dma_start3A_141 : memref<1x1x25x80xi32, #tpu.memory_space<vmem>> -> memref<25x80xi32, #tpu.memory_space<vmem>>
        %dma_start3A_143 = arith.constant 0 : i32
        %dma_start3A_144 = arith.constant 0 : i32
        %dma_start3A_145 = tpu.memref_slice %arg3[%dma_start3A_137, %arg0, %arg1, %add3A_118, %dma_start3A_143, %dma_start3A_144] : memref<2x2x16x5x25x80xi32, #tpu.memory_space<hbm>> -> memref<1x1x1x1x25x80xi32, #tpu.memory_space<hbm>>
        %dma_start3A_146 = tpu.memref_squeeze %dma_start3A_145 : memref<1x1x1x1x25x80xi32, #tpu.memory_space<hbm>> -> memref<25x80xi32, #tpu.memory_space<hbm>>
        %dma_start3A_147 = arith.constant 0 : i32
        %dma_start3A_148 = arith.constant 0 : i32
        %dma_start3A_149 = tpu.memref_slice %arg6[%dma_start3A_138, %select_n3A_136, %dma_start3A_147, %dma_start3A_148] : memref<2x2x25x80xi32, #tpu.memory_space<vmem>> -> memref<1x1x25x80xi32, #tpu.memory_space<vmem>>
        %dma_start3A_150 = tpu.memref_squeeze %dma_start3A_149 : memref<1x1x25x80xi32, #tpu.memory_space<vmem>> -> memref<25x80xi32, #tpu.memory_space<vmem>>
        %dma_start3A_151 = arith.constant 0 : i32
        %dma_start3A_152 = arith.constant 0 : i32
        %dma_start3A_153 = tpu.memref_slice %arg3[%dma_start3A_137, %arg0, %arg1, %add3A_118, %dma_start3A_151, %dma_start3A_152] : memref<2x2x16x5x25x80xi32, #tpu.memory_space<hbm>> -> memref<1x1x1x1x25x80xi32, #tpu.memory_space<hbm>>
        %dma_start3A_154 = tpu.memref_squeeze %dma_start3A_153 : memref<1x1x1x1x25x80xi32, #tpu.memory_space<hbm>> -> memref<25x80xi32, #tpu.memory_space<hbm>>
        tpu.enqueue_dma source(%dma_start3A_154 : memref<25x80xi32, #tpu.memory_space<hbm>>) target(%dma_start3A_150 : memref<25x80xi32, #tpu.memory_space<vmem>>) target_semaphore(%arg12 : memref<!tpu.dma_semaphore, #tpu.memory_space<semaphore_mem>>)
        %add3A_155 = arith.constant 1 : i32
        %add3A_156 = arith.addi %add3A_20, %add3A_155 : i32
        %add3A_157 = arith.constant 1 : i32
        %add3A_158 = arith.addi %add3A_20, %add3A_157 : i32
        %jit3A_159 = arith.constant 2 : i32
        %eq3A_160 = arith.constant 0 : i32
        %eq3A_161 = arith.cmpi eq, %jit3A_159, %eq3A_160 : i32
        %jit3A_162 = arith.constant 1 : i32
        %select_n3A_163 = arith.select %eq3A_161, %jit3A_162, %jit3A_159 : i32
        %rem3A_164 = arith.remsi %add3A_158, %select_n3A_163 : i32
        %ne3A_165 = arith.constant 0 : i32
        %ne3A_166 = arith.cmpi ne, %rem3A_164, %ne3A_165 : i32
        %lt3A_167 = arith.constant 0 : i32
        %lt3A_168 = arith.cmpi slt, %rem3A_164, %lt3A_167 : i32
        %lt3A_169 = arith.constant 0 : i32
        %lt3A_170 = arith.cmpi slt, %select_n3A_163, %lt3A_169 : i32
        %ne3A_171 = arith.xori %lt3A_168, %lt3A_170 : i1
        %and3A_172 = arith.andi %ne3A_171, %ne3A_166 : i1
        %add3A_173 = arith.addi %rem3A_164, %select_n3A_163 : i32
        %select_n3A_174 = arith.select %and3A_172, %add3A_173, %rem3A_164 : i32
        %dma_start3A_175 = arith.constant 1 : i32
        %dma_start3A_176 = arith.constant 1 : i32
        %dma_start3A_177 = arith.constant 0 : i32
        %dma_start3A_178 = arith.constant 0 : i32
        %dma_start3A_179 = tpu.memref_slice %arg6[%dma_start3A_176, %select_n3A_174, %dma_start3A_177, %dma_start3A_178] : memref<2x2x25x80xi32, #tpu.memory_space<vmem>> -> memref<1x1x25x80xi32, #tpu.memory_space<vmem>>
        %dma_start3A_180 = tpu.memref_squeeze %dma_start3A_179 : memref<1x1x25x80xi32, #tpu.memory_space<vmem>> -> memref<25x80xi32, #tpu.memory_space<vmem>>
        %dma_start3A_181 = arith.constant 0 : i32
        %dma_start3A_182 = arith.constant 0 : i32
        %dma_start3A_183 = tpu.memref_slice %arg3[%dma_start3A_175, %arg0, %arg1, %add3A_156, %dma_start3A_181, %dma_start3A_182] : memref<2x2x16x5x25x80xi32, #tpu.memory_space<hbm>> -> memref<1x1x1x1x25x80xi32, #tpu.memory_space<hbm>>
        %dma_start3A_184 = tpu.memref_squeeze %dma_start3A_183 : memref<1x1x1x1x25x80xi32, #tpu.memory_space<hbm>> -> memref<25x80xi32, #tpu.memory_space<hbm>>
        %dma_start3A_185 = arith.constant 0 : i32
        %dma_start3A_186 = arith.constant 0 : i32
        %dma_start3A_187 = tpu.memref_slice %arg6[%dma_start3A_176, %select_n3A_174, %dma_start3A_185, %dma_start3A_186] : memref<2x2x25x80xi32, #tpu.memory_space<vmem>> -> memref<1x1x25x80xi32, #tpu.memory_space<vmem>>
        %dma_start3A_188 = tpu.memref_squeeze %dma_start3A_187 : memref<1x1x25x80xi32, #tpu.memory_space<vmem>> -> memref<25x80xi32, #tpu.memory_space<vmem>>
        %dma_start3A_189 = arith.constant 0 : i32
        %dma_start3A_190 = arith.constant 0 : i32
        %dma_start3A_191 = tpu.memref_slice %arg3[%dma_start3A_175, %arg0, %arg1, %add3A_156, %dma_start3A_189, %dma_start3A_190] : memref<2x2x16x5x25x80xi32, #tpu.memory_space<hbm>> -> memref<1x1x1x1x25x80xi32, #tpu.memory_space<hbm>>
        %dma_start3A_192 = tpu.memref_squeeze %dma_start3A_191 : memref<1x1x1x1x25x80xi32, #tpu.memory_space<hbm>> -> memref<25x80xi32, #tpu.memory_space<hbm>>
        tpu.enqueue_dma source(%dma_start3A_192 : memref<25x80xi32, #tpu.memory_space<hbm>>) target(%dma_start3A_188 : memref<25x80xi32, #tpu.memory_space<vmem>>) target_semaphore(%arg12 : memref<!tpu.dma_semaphore, #tpu.memory_space<semaphore_mem>>)
      } else {
      }
      %dma_start3A = arith.constant 0 : i32
      %dma_start3A_51 = arith.constant 0 : i32
      %dma_start3A_52 = arith.constant 0 : i32
      %dma_start3A_53 = arith.constant 0 : i32
      %dma_start3A_54 = arith.constant 0 : i32
      %dma_start3A_55 = tpu.memref_slice %arg7[%dma_start3A_52, %dma_start3A_53, %dma_start3A_54] : memref<3x80x128xf32, #tpu.memory_space<vmem>> -> memref<1x80x128xf32, #tpu.memory_space<vmem>>
      %dma_start3A_56 = tpu.memref_squeeze %dma_start3A_55 : memref<1x80x128xf32, #tpu.memory_space<vmem>> -> memref<80x128xf32, #tpu.memory_space<vmem>>
      %dma_start3A_57 = arith.constant 0 : i32
      %dma_start3A_58 = arith.constant 0 : i32
      %dma_start3A_59 = tpu.memref_slice %arg6[%dma_start3A, %select_n3A_29, %dma_start3A_57, %dma_start3A_58] : memref<2x2x25x80xi32, #tpu.memory_space<vmem>> -> memref<1x1x25x80xi32, #tpu.memory_space<vmem>>
      %dma_start3A_60 = tpu.memref_squeeze %dma_start3A_59 : memref<1x1x25x80xi32, #tpu.memory_space<vmem>> -> memref<25x80xi32, #tpu.memory_space<vmem>>
      %dma_start3A_61 = arith.constant 0 : i32
      %dma_start3A_62 = tpu.memref_slice %dma_start3A_60[%dma_start3A_51, %dma_start3A_61] : memref<25x80xi32, #tpu.memory_space<vmem>> -> memref<1x80xi32, #tpu.memory_space<vmem>>
      %dma_start3A_63 = tpu.memref_squeeze %dma_start3A_62 : memref<1x80xi32, #tpu.memory_space<vmem>> -> memref<80xi32, #tpu.memory_space<vmem>>
      %dma_start3A_64 = arith.constant 0 : i32
      %dma_start3A_65 = arith.constant 0 : i32
      %dma_start3A_66 = tpu.memref_slice %arg2[%dma_start3A_64, %dma_start3A_65] : memref<10240x128xf32, #tpu.memory_space<hbm>> -> memref<10240x128xf32, #tpu.memory_space<hbm>>
      tpu.enqueue_indirect_dma source(%dma_start3A_66 : memref<10240x128xf32, #tpu.memory_space<hbm>>) target(%dma_start3A_56 : memref<80x128xf32, #tpu.memory_space<vmem>>) offsets(%dma_start3A_63 : memref<80xi32, #tpu.memory_space<vmem>>) semaphore(%arg9 : memref<!tpu.dma_semaphore, #tpu.memory_space<semaphore_mem>>)
      %dma_start3A_67 = arith.constant 0 : i32
      %dma_start3A_68 = arith.constant 1 : i32
      %dma_start3A_69 = arith.constant 1 : i32
      %dma_start3A_70 = arith.constant 0 : i32
      %dma_start3A_71 = arith.constant 0 : i32
      %dma_start3A_72 = tpu.memref_slice %arg7[%dma_start3A_69, %dma_start3A_70, %dma_start3A_71] : memref<3x80x128xf32, #tpu.memory_space<vmem>> -> memref<1x80x128xf32, #tpu.memory_space<vmem>>
      %dma_start3A_73 = tpu.memref_squeeze %dma_start3A_72 : memref<1x80x128xf32, #tpu.memory_space<vmem>> -> memref<80x128xf32, #tpu.memory_space<vmem>>
      %dma_start3A_74 = arith.constant 0 : i32
      %dma_start3A_75 = arith.constant 0 : i32
      %dma_start3A_76 = tpu.memref_slice %arg6[%dma_start3A_67, %select_n3A_29, %dma_start3A_74, %dma_start3A_75] : memref<2x2x25x80xi32, #tpu.memory_space<vmem>> -> memref<1x1x25x80xi32, #tpu.memory_space<vmem>>
      %dma_start3A_77 = tpu.memref_squeeze %dma_start3A_76 : memref<1x1x25x80xi32, #tpu.memory_space<vmem>> -> memref<25x80xi32, #tpu.memory_space<vmem>>
      %dma_start3A_78 = arith.constant 0 : i32
      %dma_start3A_79 = tpu.memref_slice %dma_start3A_77[%dma_start3A_68, %dma_start3A_78] : memref<25x80xi32, #tpu.memory_space<vmem>> -> memref<1x80xi32, #tpu.memory_space<vmem>>
      %dma_start3A_80 = tpu.memref_squeeze %dma_start3A_79 : memref<1x80xi32, #tpu.memory_space<vmem>> -> memref<80xi32, #tpu.memory_space<vmem>>
      %dma_start3A_81 = arith.constant 0 : i32
      %dma_start3A_82 = arith.constant 0 : i32
      %dma_start3A_83 = tpu.memref_slice %arg2[%dma_start3A_81, %dma_start3A_82] : memref<10240x128xf32, #tpu.memory_space<hbm>> -> memref<10240x128xf32, #tpu.memory_space<hbm>>
      tpu.enqueue_indirect_dma source(%dma_start3A_83 : memref<10240x128xf32, #tpu.memory_space<hbm>>) target(%dma_start3A_73 : memref<80x128xf32, #tpu.memory_space<vmem>>) offsets(%dma_start3A_80 : memref<80xi32, #tpu.memory_space<vmem>>) semaphore(%arg10 : memref<!tpu.dma_semaphore, #tpu.memory_space<semaphore_mem>>)
      %scan3A_84 = arith.constant 0 : i32
      %scan3A_85 = arith.constant 1 : i32
      %scan3A_86 = arith.constant 0 : i32
      %scan3A_87 = arith.constant 8 : i32
      %scan3A_88 = arith.addi %scan3A_86, %scan3A_87 : i32
      %scan3A_89 = arith.constant 1 : i32
      scf.for %scan3A_117 = %scan3A_86 to %scan3A_88 step %scan3A_89  : i32 {
        %mul3A_118 = arith.constant 1 : i32
        %mul3A_119 = arith.muli %scan3A_117, %mul3A_118 : i32
        %add3A_120 = arith.constant 0 : i32
        %add3A_121 = arith.addi %add3A_120, %mul3A_119 : i32
        %mul3A_122 = arith.constant 3 : i32
        %mul3A_123 = arith.muli %add3A_121, %mul3A_122 : i32
        %add3A_124 = arith.constant 0 : i32
        %add3A_125 = arith.addi %mul3A_123, %add3A_124 : i32
        %dma_wait3A_126 = arith.constant 0 : i32
        %dma_wait3A_127 = arith.constant 0 : i32
        %dma_wait3A_128 = arith.constant 0 : i32
        %dma_wait3A_129 = tpu.memref_slice %arg7[%dma_wait3A_126, %dma_wait3A_127, %dma_wait3A_128] : memref<3x80x128xf32, #tpu.memory_space<vmem>> -> memref<1x80x128xf32, #tpu.memory_space<vmem>>
        %dma_wait3A_130 = tpu.memref_squeeze %dma_wait3A_129 : memref<1x80x128xf32, #tpu.memory_space<vmem>> -> memref<80x128xf32, #tpu.memory_space<vmem>>
        %dma_wait3A_131 = arith.constant 0 : i32
        %dma_wait3A_132 = arith.constant 0 : i32
        %dma_wait3A_133 = tpu.memref_slice %arg6[%scan3A_84, %select_n3A_29, %dma_wait3A_131, %dma_wait3A_132] : memref<2x2x25x80xi32, #tpu.memory_space<vmem>> -> memref<1x1x25x80xi32, #tpu.memory_space<vmem>>
        %dma_wait3A_134 = tpu.memref_squeeze %dma_wait3A_133 : memref<1x1x25x80xi32, #tpu.memory_space<vmem>> -> memref<25x80xi32, #tpu.memory_space<vmem>>
        %dma_wait3A_135 = arith.constant 0 : i32
        %dma_wait3A_136 = tpu.memref_slice %dma_wait3A_134[%add3A_125, %dma_wait3A_135] : memref<25x80xi32, #tpu.memory_space<vmem>> -> memref<1x80xi32, #tpu.memory_space<vmem>>
        %dma_wait3A_137 = tpu.memref_squeeze %dma_wait3A_136 : memref<1x80xi32, #tpu.memory_space<vmem>> -> memref<80xi32, #tpu.memory_space<vmem>>
        %dma_wait3A_138 = arith.constant 0 : i32
        %dma_wait3A_139 = arith.constant 0 : i32
        %dma_wait3A_140 = tpu.memref_slice %arg2[%dma_wait3A_138, %dma_wait3A_139] : memref<10240x128xf32, #tpu.memory_space<hbm>> -> memref<10240x128xf32, #tpu.memory_space<hbm>>
        tpu.wait_indirect_dma semaphore(%arg9 : memref<!tpu.dma_semaphore, #tpu.memory_space<semaphore_mem>>) src(%dma_wait3A_140 : memref<10240x128xf32, #tpu.memory_space<hbm>>) dst(%dma_wait3A_130 : memref<80x128xf32, #tpu.memory_space<vmem>>)
        %run_scoped3A_141 = arith.constant 0 : i32
        "tpu.region"() ({
          %run_scoped3A_204 = tpu.sem_alloc : memref<!tpu.dma_semaphore, #tpu.memory_space<semaphore_mem>>
          %dma_start3A_205 = arith.constant 0 : i32
          %dma_start3A_206 = arith.constant 0 : i32
          %dma_start3A_207 = tpu.memref_slice %arg7[%run_scoped3A_141, %dma_start3A_205, %dma_start3A_206] : memref<3x80x128xf32, #tpu.memory_space<vmem>> -> memref<1x80x128xf32, #tpu.memory_space<vmem>>
          %dma_start3A_208 = tpu.memref_squeeze %dma_start3A_207 : memref<1x80x128xf32, #tpu.memory_space<vmem>> -> memref<80x128xf32, #tpu.memory_space<vmem>>
          %dma_start3A_209 = arith.constant 0 : i32
          %dma_start3A_210 = arith.constant 0 : i32
          %dma_start3A_211 = tpu.memref_slice %arg6[%scan3A_85, %select_n3A_45, %dma_start3A_209, %dma_start3A_210] : memref<2x2x25x80xi32, #tpu.memory_space<vmem>> -> memref<1x1x25x80xi32, #tpu.memory_space<vmem>>
          %dma_start3A_212 = tpu.memref_squeeze %dma_start3A_211 : memref<1x1x25x80xi32, #tpu.memory_space<vmem>> -> memref<25x80xi32, #tpu.memory_space<vmem>>
          %dma_start3A_213 = arith.constant 0 : i32
          %dma_start3A_214 = tpu.memref_slice %dma_start3A_212[%add3A_125, %dma_start3A_213] : memref<25x80xi32, #tpu.memory_space<vmem>> -> memref<1x80xi32, #tpu.memory_space<vmem>>
          %dma_start3A_215 = tpu.memref_squeeze %dma_start3A_214 : memref<1x80xi32, #tpu.memory_space<vmem>> -> memref<80xi32, #tpu.memory_space<vmem>>
          %dma_start3A_216 = arith.constant 0 : i32
          %dma_start3A_217 = arith.constant 0 : i32
          %dma_start3A_218 = tpu.memref_slice %arg8[%dma_start3A_216, %dma_start3A_217] : memref<10240x128xf32, #tpu.memory_space<vmem_shared>> -> memref<10240x128xf32, #tpu.memory_space<vmem_shared>>
          tpu.enqueue_indirect_dma source(%dma_start3A_208 : memref<80x128xf32, #tpu.memory_space<vmem>>) target(%dma_start3A_218 : memref<10240x128xf32, #tpu.memory_space<vmem_shared>>) offsets(%dma_start3A_215 : memref<80xi32, #tpu.memory_space<vmem>>) semaphore(%run_scoped3A_204 : memref<!tpu.dma_semaphore, #tpu.memory_space<semaphore_mem>>) {add = true}
          %dma_wait3A_219 = arith.constant 0 : i32
          %dma_wait3A_220 = arith.constant 0 : i32
          %dma_wait3A_221 = tpu.memref_slice %arg7[%run_scoped3A_141, %dma_wait3A_219, %dma_wait3A_220] : memref<3x80x128xf32, #tpu.memory_space<vmem>> -> memref<1x80x128xf32, #tpu.memory_space<vmem>>
          %dma_wait3A_222 = tpu.memref_squeeze %dma_wait3A_221 : memref<1x80x128xf32, #tpu.memory_space<vmem>> -> memref<80x128xf32, #tpu.memory_space<vmem>>
          %dma_wait3A_223 = arith.constant 0 : i32
          %dma_wait3A_224 = arith.constant 0 : i32
          %dma_wait3A_225 = tpu.memref_slice %arg6[%scan3A_85, %select_n3A_45, %dma_wait3A_223, %dma_wait3A_224] : memref<2x2x25x80xi32, #tpu.memory_space<vmem>> -> memref<1x1x25x80xi32, #tpu.memory_space<vmem>>
          %dma_wait3A_226 = tpu.memref_squeeze %dma_wait3A_225 : memref<1x1x25x80xi32, #tpu.memory_space<vmem>> -> memref<25x80xi32, #tpu.memory_space<vmem>>
          %dma_wait3A_227 = arith.constant 0 : i32
          %dma_wait3A_228 = tpu.memref_slice %dma_wait3A_226[%add3A_125, %dma_wait3A_227] : memref<25x80xi32, #tpu.memory_space<vmem>> -> memref<1x80xi32, #tpu.memory_space<vmem>>
          %dma_wait3A_229 = tpu.memref_squeeze %dma_wait3A_228 : memref<1x80xi32, #tpu.memory_space<vmem>> -> memref<80xi32, #tpu.memory_space<vmem>>
          %dma_wait3A_230 = arith.constant 0 : i32
          %dma_wait3A_231 = arith.constant 0 : i32
          %dma_wait3A_232 = tpu.memref_slice %arg8[%dma_wait3A_230, %dma_wait3A_231] : memref<10240x128xf32, #tpu.memory_space<vmem_shared>> -> memref<10240x128xf32, #tpu.memory_space<vmem_shared>>
          tpu.wait_indirect_dma semaphore(%run_scoped3A_204 : memref<!tpu.dma_semaphore, #tpu.memory_space<semaphore_mem>>) src(%dma_wait3A_222 : memref<80x128xf32, #tpu.memory_space<vmem>>) dst(%dma_wait3A_232 : memref<10240x128xf32, #tpu.memory_space<vmem_shared>>)
          tpu.yield
        }) : () -> ()
        %add3A_142 = arith.constant 3 : i32
        %add3A_143 = arith.addi %add3A_125, %add3A_142 : i32
        %sub3A = arith.constant 1 : i32
        %sub3A_144 = arith.subi %add3A_143, %sub3A : i32
        %lt3A_145 = arith.constant 25 : i32
        %lt3A_146 = arith.cmpi slt, %sub3A_144, %lt3A_145 : i32
        %convert_element_type3A_147 = arith.extui %lt3A_146 : i1 to i32
        %cond3A_148 = arith.constant 0 : i32
        %cond3A_149 = arith.cmpi ne, %convert_element_type3A_147, %cond3A_148 : i32
        scf.if %cond3A_149 {
          %dma_start3A_204 = arith.constant 2 : i32
          %dma_start3A_205 = arith.constant 0 : i32
          %dma_start3A_206 = arith.constant 0 : i32
          %dma_start3A_207 = tpu.memref_slice %arg7[%dma_start3A_204, %dma_start3A_205, %dma_start3A_206] : memref<3x80x128xf32, #tpu.memory_space<vmem>> -> memref<1x80x128xf32, #tpu.memory_space<vmem>>
          %dma_start3A_208 = tpu.memref_squeeze %dma_start3A_207 : memref<1x80x128xf32, #tpu.memory_space<vmem>> -> memref<80x128xf32, #tpu.memory_space<vmem>>
          %dma_start3A_209 = arith.constant 0 : i32
          %dma_start3A_210 = arith.constant 0 : i32
          %dma_start3A_211 = tpu.memref_slice %arg6[%scan3A_84, %select_n3A_29, %dma_start3A_209, %dma_start3A_210] : memref<2x2x25x80xi32, #tpu.memory_space<vmem>> -> memref<1x1x25x80xi32, #tpu.memory_space<vmem>>
          %dma_start3A_212 = tpu.memref_squeeze %dma_start3A_211 : memref<1x1x25x80xi32, #tpu.memory_space<vmem>> -> memref<25x80xi32, #tpu.memory_space<vmem>>
          %dma_start3A_213 = arith.constant 0 : i32
          %dma_start3A_214 = tpu.memref_slice %dma_start3A_212[%sub3A_144, %dma_start3A_213] : memref<25x80xi32, #tpu.memory_space<vmem>> -> memref<1x80xi32, #tpu.memory_space<vmem>>
          %dma_start3A_215 = tpu.memref_squeeze %dma_start3A_214 : memref<1x80xi32, #tpu.memory_space<vmem>> -> memref<80xi32, #tpu.memory_space<vmem>>
          %dma_start3A_216 = arith.constant 0 : i32
          %dma_start3A_217 = arith.constant 0 : i32
          %dma_start3A_218 = tpu.memref_slice %arg2[%dma_start3A_216, %dma_start3A_217] : memref<10240x128xf32, #tpu.memory_space<hbm>> -> memref<10240x128xf32, #tpu.memory_space<hbm>>
          tpu.enqueue_indirect_dma source(%dma_start3A_218 : memref<10240x128xf32, #tpu.memory_space<hbm>>) target(%dma_start3A_208 : memref<80x128xf32, #tpu.memory_space<vmem>>) offsets(%dma_start3A_215 : memref<80xi32, #tpu.memory_space<vmem>>) semaphore(%arg11 : memref<!tpu.dma_semaphore, #tpu.memory_space<semaphore_mem>>)
        } else {
        }
        %add3A_150 = arith.constant 1 : i32
        %add3A_151 = arith.addi %mul3A_123, %add3A_150 : i32
        %dma_wait3A_152 = arith.constant 1 : i32
        %dma_wait3A_153 = arith.constant 0 : i32
        %dma_wait3A_154 = arith.constant 0 : i32
        %dma_wait3A_155 = tpu.memref_slice %arg7[%dma_wait3A_152, %dma_wait3A_153, %dma_wait3A_154] : memref<3x80x128xf32, #tpu.memory_space<vmem>> -> memref<1x80x128xf32, #tpu.memory_space<vmem>>
        %dma_wait3A_156 = tpu.memref_squeeze %dma_wait3A_155 : memref<1x80x128xf32, #tpu.memory_space<vmem>> -> memref<80x128xf32, #tpu.memory_space<vmem>>
        %dma_wait3A_157 = arith.constant 0 : i32
        %dma_wait3A_158 = arith.constant 0 : i32
        %dma_wait3A_159 = tpu.memref_slice %arg6[%scan3A_84, %select_n3A_29, %dma_wait3A_157, %dma_wait3A_158] : memref<2x2x25x80xi32, #tpu.memory_space<vmem>> -> memref<1x1x25x80xi32, #tpu.memory_space<vmem>>
        %dma_wait3A_160 = tpu.memref_squeeze %dma_wait3A_159 : memref<1x1x25x80xi32, #tpu.memory_space<vmem>> -> memref<25x80xi32, #tpu.memory_space<vmem>>
        %dma_wait3A_161 = arith.constant 0 : i32
        %dma_wait3A_162 = tpu.memref_slice %dma_wait3A_160[%add3A_151, %dma_wait3A_161] : memref<25x80xi32, #tpu.memory_space<vmem>> -> memref<1x80xi32, #tpu.memory_space<vmem>>
        %dma_wait3A_163 = tpu.memref_squeeze %dma_wait3A_162 : memref<1x80xi32, #tpu.memory_space<vmem>> -> memref<80xi32, #tpu.memory_space<vmem>>
        %dma_wait3A_164 = arith.constant 0 : i32
        %dma_wait3A_165 = arith.constant 0 : i32
        %dma_wait3A_166 = tpu.memref_slice %arg2[%dma_wait3A_164, %dma_wait3A_165] : memref<10240x128xf32, #tpu.memory_space<hbm>> -> memref<10240x128xf32, #tpu.memory_space<hbm>>
        tpu.wait_indirect_dma semaphore(%arg10 : memref<!tpu.dma_semaphore, #tpu.memory_space<semaphore_mem>>) src(%dma_wait3A_166 : memref<10240x128xf32, #tpu.memory_space<hbm>>) dst(%dma_wait3A_156 : memref<80x128xf32, #tpu.memory_space<vmem>>)
        %run_scoped3A_167 = arith.constant 1 : i32
        "tpu.region"() ({
          %run_scoped3A_204 = tpu.sem_alloc : memref<!tpu.dma_semaphore, #tpu.memory_space<semaphore_mem>>
          %dma_start3A_205 = arith.constant 0 : i32
          %dma_start3A_206 = arith.constant 0 : i32
          %dma_start3A_207 = tpu.memref_slice %arg7[%run_scoped3A_167, %dma_start3A_205, %dma_start3A_206] : memref<3x80x128xf32, #tpu.memory_space<vmem>> -> memref<1x80x128xf32, #tpu.memory_space<vmem>>
          %dma_start3A_208 = tpu.memref_squeeze %dma_start3A_207 : memref<1x80x128xf32, #tpu.memory_space<vmem>> -> memref<80x128xf32, #tpu.memory_space<vmem>>
          %dma_start3A_209 = arith.constant 0 : i32
          %dma_start3A_210 = arith.constant 0 : i32
          %dma_start3A_211 = tpu.memref_slice %arg6[%scan3A_85, %select_n3A_45, %dma_start3A_209, %dma_start3A_210] : memref<2x2x25x80xi32, #tpu.memory_space<vmem>> -> memref<1x1x25x80xi32, #tpu.memory_space<vmem>>
          %dma_start3A_212 = tpu.memref_squeeze %dma_start3A_211 : memref<1x1x25x80xi32, #tpu.memory_space<vmem>> -> memref<25x80xi32, #tpu.memory_space<vmem>>
          %dma_start3A_213 = arith.constant 0 : i32
          %dma_start3A_214 = tpu.memref_slice %dma_start3A_212[%add3A_151, %dma_start3A_213] : memref<25x80xi32, #tpu.memory_space<vmem>> -> memref<1x80xi32, #tpu.memory_space<vmem>>
          %dma_start3A_215 = tpu.memref_squeeze %dma_start3A_214 : memref<1x80xi32, #tpu.memory_space<vmem>> -> memref<80xi32, #tpu.memory_space<vmem>>
          %dma_start3A_216 = arith.constant 0 : i32
          %dma_start3A_217 = arith.constant 0 : i32
          %dma_start3A_218 = tpu.memref_slice %arg8[%dma_start3A_216, %dma_start3A_217] : memref<10240x128xf32, #tpu.memory_space<vmem_shared>> -> memref<10240x128xf32, #tpu.memory_space<vmem_shared>>
          tpu.enqueue_indirect_dma source(%dma_start3A_208 : memref<80x128xf32, #tpu.memory_space<vmem>>) target(%dma_start3A_218 : memref<10240x128xf32, #tpu.memory_space<vmem_shared>>) offsets(%dma_start3A_215 : memref<80xi32, #tpu.memory_space<vmem>>) semaphore(%run_scoped3A_204 : memref<!tpu.dma_semaphore, #tpu.memory_space<semaphore_mem>>) {add = true}
          %dma_wait3A_219 = arith.constant 0 : i32
          %dma_wait3A_220 = arith.constant 0 : i32
          %dma_wait3A_221 = tpu.memref_slice %arg7[%run_scoped3A_167, %dma_wait3A_219, %dma_wait3A_220] : memref<3x80x128xf32, #tpu.memory_space<vmem>> -> memref<1x80x128xf32, #tpu.memory_space<vmem>>
          %dma_wait3A_222 = tpu.memref_squeeze %dma_wait3A_221 : memref<1x80x128xf32, #tpu.memory_space<vmem>> -> memref<80x128xf32, #tpu.memory_space<vmem>>
          %dma_wait3A_223 = arith.constant 0 : i32
          %dma_wait3A_224 = arith.constant 0 : i32
          %dma_wait3A_225 = tpu.memref_slice %arg6[%scan3A_85, %select_n3A_45, %dma_wait3A_223, %dma_wait3A_224] : memref<2x2x25x80xi32, #tpu.memory_space<vmem>> -> memref<1x1x25x80xi32, #tpu.memory_space<vmem>>
          %dma_wait3A_226 = tpu.memref_squeeze %dma_wait3A_225 : memref<1x1x25x80xi32, #tpu.memory_space<vmem>> -> memref<25x80xi32, #tpu.memory_space<vmem>>
          %dma_wait3A_227 = arith.constant 0 : i32
          %dma_wait3A_228 = tpu.memref_slice %dma_wait3A_226[%add3A_151, %dma_wait3A_227] : memref<25x80xi32, #tpu.memory_space<vmem>> -> memref<1x80xi32, #tpu.memory_space<vmem>>
          %dma_wait3A_229 = tpu.memref_squeeze %dma_wait3A_228 : memref<1x80xi32, #tpu.memory_space<vmem>> -> memref<80xi32, #tpu.memory_space<vmem>>
          %dma_wait3A_230 = arith.constant 0 : i32
          %dma_wait3A_231 = arith.constant 0 : i32
          %dma_wait3A_232 = tpu.memref_slice %arg8[%dma_wait3A_230, %dma_wait3A_231] : memref<10240x128xf32, #tpu.memory_space<vmem_shared>> -> memref<10240x128xf32, #tpu.memory_space<vmem_shared>>
          tpu.wait_indirect_dma semaphore(%run_scoped3A_204 : memref<!tpu.dma_semaphore, #tpu.memory_space<semaphore_mem>>) src(%dma_wait3A_222 : memref<80x128xf32, #tpu.memory_space<vmem>>) dst(%dma_wait3A_232 : memref<10240x128xf32, #tpu.memory_space<vmem_shared>>)
          tpu.yield
        }) : () -> ()
        %add3A_168 = arith.constant 3 : i32
        %add3A_169 = arith.addi %add3A_151, %add3A_168 : i32
        %sub3A_170 = arith.constant 1 : i32
        %sub3A_171 = arith.subi %add3A_169, %sub3A_170 : i32
        %lt3A_172 = arith.constant 25 : i32
        %lt3A_173 = arith.cmpi slt, %sub3A_171, %lt3A_172 : i32
        %convert_element_type3A_174 = arith.extui %lt3A_173 : i1 to i32
        %cond3A_175 = arith.constant 0 : i32
        %cond3A_176 = arith.cmpi ne, %convert_element_type3A_174, %cond3A_175 : i32
        scf.if %cond3A_176 {
          %dma_start3A_204 = arith.constant 0 : i32
          %dma_start3A_205 = arith.constant 0 : i32
          %dma_start3A_206 = arith.constant 0 : i32
          %dma_start3A_207 = tpu.memref_slice %arg7[%dma_start3A_204, %dma_start3A_205, %dma_start3A_206] : memref<3x80x128xf32, #tpu.memory_space<vmem>> -> memref<1x80x128xf32, #tpu.memory_space<vmem>>
          %dma_start3A_208 = tpu.memref_squeeze %dma_start3A_207 : memref<1x80x128xf32, #tpu.memory_space<vmem>> -> memref<80x128xf32, #tpu.memory_space<vmem>>
          %dma_start3A_209 = arith.constant 0 : i32
          %dma_start3A_210 = arith.constant 0 : i32
          %dma_start3A_211 = tpu.memref_slice %arg6[%scan3A_84, %select_n3A_29, %dma_start3A_209, %dma_start3A_210] : memref<2x2x25x80xi32, #tpu.memory_space<vmem>> -> memref<1x1x25x80xi32, #tpu.memory_space<vmem>>
          %dma_start3A_212 = tpu.memref_squeeze %dma_start3A_211 : memref<1x1x25x80xi32, #tpu.memory_space<vmem>> -> memref<25x80xi32, #tpu.memory_space<vmem>>
          %dma_start3A_213 = arith.constant 0 : i32
          %dma_start3A_214 = tpu.memref_slice %dma_start3A_212[%sub3A_171, %dma_start3A_213] : memref<25x80xi32, #tpu.memory_space<vmem>> -> memref<1x80xi32, #tpu.memory_space<vmem>>
          %dma_start3A_215 = tpu.memref_squeeze %dma_start3A_214 : memref<1x80xi32, #tpu.memory_space<vmem>> -> memref<80xi32, #tpu.memory_space<vmem>>
          %dma_start3A_216 = arith.constant 0 : i32
          %dma_start3A_217 = arith.constant 0 : i32
          %dma_start3A_218 = tpu.memref_slice %arg2[%dma_start3A_216, %dma_start3A_217] : memref<10240x128xf32, #tpu.memory_space<hbm>> -> memref<10240x128xf32, #tpu.memory_space<hbm>>
          tpu.enqueue_indirect_dma source(%dma_start3A_218 : memref<10240x128xf32, #tpu.memory_space<hbm>>) target(%dma_start3A_208 : memref<80x128xf32, #tpu.memory_space<vmem>>) offsets(%dma_start3A_215 : memref<80xi32, #tpu.memory_space<vmem>>) semaphore(%arg9 : memref<!tpu.dma_semaphore, #tpu.memory_space<semaphore_mem>>)
        } else {
        }
        %add3A_177 = arith.constant 2 : i32
        %add3A_178 = arith.addi %mul3A_123, %add3A_177 : i32
        %dma_wait3A_179 = arith.constant 2 : i32
        %dma_wait3A_180 = arith.constant 0 : i32
        %dma_wait3A_181 = arith.constant 0 : i32
        %dma_wait3A_182 = tpu.memref_slice %arg7[%dma_wait3A_179, %dma_wait3A_180, %dma_wait3A_181] : memref<3x80x128xf32, #tpu.memory_space<vmem>> -> memref<1x80x128xf32, #tpu.memory_space<vmem>>
        %dma_wait3A_183 = tpu.memref_squeeze %dma_wait3A_182 : memref<1x80x128xf32, #tpu.memory_space<vmem>> -> memref<80x128xf32, #tpu.memory_space<vmem>>
        %dma_wait3A_184 = arith.constant 0 : i32
        %dma_wait3A_185 = arith.constant 0 : i32
        %dma_wait3A_186 = tpu.memref_slice %arg6[%scan3A_84, %select_n3A_29, %dma_wait3A_184, %dma_wait3A_185] : memref<2x2x25x80xi32, #tpu.memory_space<vmem>> -> memref<1x1x25x80xi32, #tpu.memory_space<vmem>>
        %dma_wait3A_187 = tpu.memref_squeeze %dma_wait3A_186 : memref<1x1x25x80xi32, #tpu.memory_space<vmem>> -> memref<25x80xi32, #tpu.memory_space<vmem>>
        %dma_wait3A_188 = arith.constant 0 : i32
        %dma_wait3A_189 = tpu.memref_slice %dma_wait3A_187[%add3A_178, %dma_wait3A_188] : memref<25x80xi32, #tpu.memory_space<vmem>> -> memref<1x80xi32, #tpu.memory_space<vmem>>
        %dma_wait3A_190 = tpu.memref_squeeze %dma_wait3A_189 : memref<1x80xi32, #tpu.memory_space<vmem>> -> memref<80xi32, #tpu.memory_space<vmem>>
        %dma_wait3A_191 = arith.constant 0 : i32
        %dma_wait3A_192 = arith.constant 0 : i32
        %dma_wait3A_193 = tpu.memref_slice %arg2[%dma_wait3A_191, %dma_wait3A_192] : memref<10240x128xf32, #tpu.memory_space<hbm>> -> memref<10240x128xf32, #tpu.memory_space<hbm>>
        tpu.wait_indirect_dma semaphore(%arg11 : memref<!tpu.dma_semaphore, #tpu.memory_space<semaphore_mem>>) src(%dma_wait3A_193 : memref<10240x128xf32, #tpu.memory_space<hbm>>) dst(%dma_wait3A_183 : memref<80x128xf32, #tpu.memory_space<vmem>>)
        %run_scoped3A_194 = arith.constant 2 : i32
        "tpu.region"() ({
          %run_scoped3A_204 = tpu.sem_alloc : memref<!tpu.dma_semaphore, #tpu.memory_space<semaphore_mem>>
          %dma_start3A_205 = arith.constant 0 : i32
          %dma_start3A_206 = arith.constant 0 : i32
          %dma_start3A_207 = tpu.memref_slice %arg7[%run_scoped3A_194, %dma_start3A_205, %dma_start3A_206] : memref<3x80x128xf32, #tpu.memory_space<vmem>> -> memref<1x80x128xf32, #tpu.memory_space<vmem>>
          %dma_start3A_208 = tpu.memref_squeeze %dma_start3A_207 : memref<1x80x128xf32, #tpu.memory_space<vmem>> -> memref<80x128xf32, #tpu.memory_space<vmem>>
          %dma_start3A_209 = arith.constant 0 : i32
          %dma_start3A_210 = arith.constant 0 : i32
          %dma_start3A_211 = tpu.memref_slice %arg6[%scan3A_85, %select_n3A_45, %dma_start3A_209, %dma_start3A_210] : memref<2x2x25x80xi32, #tpu.memory_space<vmem>> -> memref<1x1x25x80xi32, #tpu.memory_space<vmem>>
          %dma_start3A_212 = tpu.memref_squeeze %dma_start3A_211 : memref<1x1x25x80xi32, #tpu.memory_space<vmem>> -> memref<25x80xi32, #tpu.memory_space<vmem>>
          %dma_start3A_213 = arith.constant 0 : i32
          %dma_start3A_214 = tpu.memref_slice %dma_start3A_212[%add3A_178, %dma_start3A_213] : memref<25x80xi32, #tpu.memory_space<vmem>> -> memref<1x80xi32, #tpu.memory_space<vmem>>
          %dma_start3A_215 = tpu.memref_squeeze %dma_start3A_214 : memref<1x80xi32, #tpu.memory_space<vmem>> -> memref<80xi32, #tpu.memory_space<vmem>>
          %dma_start3A_216 = arith.constant 0 : i32
          %dma_start3A_217 = arith.constant 0 : i32
          %dma_start3A_218 = tpu.memref_slice %arg8[%dma_start3A_216, %dma_start3A_217] : memref<10240x128xf32, #tpu.memory_space<vmem_shared>> -> memref<10240x128xf32, #tpu.memory_space<vmem_shared>>
          tpu.enqueue_indirect_dma source(%dma_start3A_208 : memref<80x128xf32, #tpu.memory_space<vmem>>) target(%dma_start3A_218 : memref<10240x128xf32, #tpu.memory_space<vmem_shared>>) offsets(%dma_start3A_215 : memref<80xi32, #tpu.memory_space<vmem>>) semaphore(%run_scoped3A_204 : memref<!tpu.dma_semaphore, #tpu.memory_space<semaphore_mem>>) {add = true}
          %dma_wait3A_219 = arith.constant 0 : i32
          %dma_wait3A_220 = arith.constant 0 : i32
          %dma_wait3A_221 = tpu.memref_slice %arg7[%run_scoped3A_194, %dma_wait3A_219, %dma_wait3A_220] : memref<3x80x128xf32, #tpu.memory_space<vmem>> -> memref<1x80x128xf32, #tpu.memory_space<vmem>>
          %dma_wait3A_222 = tpu.memref_squeeze %dma_wait3A_221 : memref<1x80x128xf32, #tpu.memory_space<vmem>> -> memref<80x128xf32, #tpu.memory_space<vmem>>
          %dma_wait3A_223 = arith.constant 0 : i32
          %dma_wait3A_224 = arith.constant 0 : i32
          %dma_wait3A_225 = tpu.memref_slice %arg6[%scan3A_85, %select_n3A_45, %dma_wait3A_223, %dma_wait3A_224] : memref<2x2x25x80xi32, #tpu.memory_space<vmem>> -> memref<1x1x25x80xi32, #tpu.memory_space<vmem>>
          %dma_wait3A_226 = tpu.memref_squeeze %dma_wait3A_225 : memref<1x1x25x80xi32, #tpu.memory_space<vmem>> -> memref<25x80xi32, #tpu.memory_space<vmem>>
          %dma_wait3A_227 = arith.constant 0 : i32
          %dma_wait3A_228 = tpu.memref_slice %dma_wait3A_226[%add3A_178, %dma_wait3A_227] : memref<25x80xi32, #tpu.memory_space<vmem>> -> memref<1x80xi32, #tpu.memory_space<vmem>>
          %dma_wait3A_229 = tpu.memref_squeeze %dma_wait3A_228 : memref<1x80xi32, #tpu.memory_space<vmem>> -> memref<80xi32, #tpu.memory_space<vmem>>
          %dma_wait3A_230 = arith.constant 0 : i32
          %dma_wait3A_231 = arith.constant 0 : i32
          %dma_wait3A_232 = tpu.memref_slice %arg8[%dma_wait3A_230, %dma_wait3A_231] : memref<10240x128xf32, #tpu.memory_space<vmem_shared>> -> memref<10240x128xf32, #tpu.memory_space<vmem_shared>>
          tpu.wait_indirect_dma semaphore(%run_scoped3A_204 : memref<!tpu.dma_semaphore, #tpu.memory_space<semaphore_mem>>) src(%dma_wait3A_222 : memref<80x128xf32, #tpu.memory_space<vmem>>) dst(%dma_wait3A_232 : memref<10240x128xf32, #tpu.memory_space<vmem_shared>>)
          tpu.yield
        }) : () -> ()
        %add3A_195 = arith.constant 3 : i32
        %add3A_196 = arith.addi %add3A_178, %add3A_195 : i32
        %sub3A_197 = arith.constant 1 : i32
        %sub3A_198 = arith.subi %add3A_196, %sub3A_197 : i32
        %lt3A_199 = arith.constant 25 : i32
        %lt3A_200 = arith.cmpi slt, %sub3A_198, %lt3A_199 : i32
        %convert_element_type3A_201 = arith.extui %lt3A_200 : i1 to i32
        %cond3A_202 = arith.constant 0 : i32
        %cond3A_203 = arith.cmpi ne, %convert_element_type3A_201, %cond3A_202 : i32
        scf.if %cond3A_203 {
          %dma_start3A_204 = arith.constant 1 : i32
          %dma_start3A_205 = arith.constant 0 : i32
          %dma_start3A_206 = arith.constant 0 : i32
          %dma_start3A_207 = tpu.memref_slice %arg7[%dma_start3A_204, %dma_start3A_205, %dma_start3A_206] : memref<3x80x128xf32, #tpu.memory_space<vmem>> -> memref<1x80x128xf32, #tpu.memory_space<vmem>>
          %dma_start3A_208 = tpu.memref_squeeze %dma_start3A_207 : memref<1x80x128xf32, #tpu.memory_space<vmem>> -> memref<80x128xf32, #tpu.memory_space<vmem>>
          %dma_start3A_209 = arith.constant 0 : i32
          %dma_start3A_210 = arith.constant 0 : i32
          %dma_start3A_211 = tpu.memref_slice %arg6[%scan3A_84, %select_n3A_29, %dma_start3A_209, %dma_start3A_210] : memref<2x2x25x80xi32, #tpu.memory_space<vmem>> -> memref<1x1x25x80xi32, #tpu.memory_space<vmem>>
          %dma_start3A_212 = tpu.memref_squeeze %dma_start3A_211 : memref<1x1x25x80xi32, #tpu.memory_space<vmem>> -> memref<25x80xi32, #tpu.memory_space<vmem>>
          %dma_start3A_213 = arith.constant 0 : i32
          %dma_start3A_214 = tpu.memref_slice %dma_start3A_212[%sub3A_198, %dma_start3A_213] : memref<25x80xi32, #tpu.memory_space<vmem>> -> memref<1x80xi32, #tpu.memory_space<vmem>>
          %dma_start3A_215 = tpu.memref_squeeze %dma_start3A_214 : memref<1x80xi32, #tpu.memory_space<vmem>> -> memref<80xi32, #tpu.memory_space<vmem>>
          %dma_start3A_216 = arith.constant 0 : i32
          %dma_start3A_217 = arith.constant 0 : i32
          %dma_start3A_218 = tpu.memref_slice %arg2[%dma_start3A_216, %dma_start3A_217] : memref<10240x128xf32, #tpu.memory_space<hbm>> -> memref<10240x128xf32, #tpu.memory_space<hbm>>
          tpu.enqueue_indirect_dma source(%dma_start3A_218 : memref<10240x128xf32, #tpu.memory_space<hbm>>) target(%dma_start3A_208 : memref<80x128xf32, #tpu.memory_space<vmem>>) offsets(%dma_start3A_215 : memref<80xi32, #tpu.memory_space<vmem>>) semaphore(%arg10 : memref<!tpu.dma_semaphore, #tpu.memory_space<semaphore_mem>>)
        } else {
        }
      }
      %scan3A_90 = arith.constant 8 : i32
      %dma_wait3A = arith.constant 0 : i32
      %dma_wait3A_91 = arith.constant 24 : i32
      %dma_wait3A_92 = arith.constant 0 : i32
      %dma_wait3A_93 = arith.constant 0 : i32
      %dma_wait3A_94 = arith.constant 0 : i32
      %dma_wait3A_95 = tpu.memref_slice %arg7[%dma_wait3A_92, %dma_wait3A_93, %dma_wait3A_94] : memref<3x80x128xf32, #tpu.memory_space<vmem>> -> memref<1x80x128xf32, #tpu.memory_space<vmem>>
      %dma_wait3A_96 = tpu.memref_squeeze %dma_wait3A_95 : memref<1x80x128xf32, #tpu.memory_space<vmem>> -> memref<80x128xf32, #tpu.memory_space<vmem>>
      %dma_wait3A_97 = arith.constant 0 : i32
      %dma_wait3A_98 = arith.constant 0 : i32
      %dma_wait3A_99 = tpu.memref_slice %arg6[%dma_wait3A, %select_n3A_29, %dma_wait3A_97, %dma_wait3A_98] : memref<2x2x25x80xi32, #tpu.memory_space<vmem>> -> memref<1x1x25x80xi32, #tpu.memory_space<vmem>>
      %dma_wait3A_100 = tpu.memref_squeeze %dma_wait3A_99 : memref<1x1x25x80xi32, #tpu.memory_space<vmem>> -> memref<25x80xi32, #tpu.memory_space<vmem>>
      %dma_wait3A_101 = arith.constant 0 : i32
      %dma_wait3A_102 = tpu.memref_slice %dma_wait3A_100[%dma_wait3A_91, %dma_wait3A_101] : memref<25x80xi32, #tpu.memory_space<vmem>> -> memref<1x80xi32, #tpu.memory_space<vmem>>
      %dma_wait3A_103 = tpu.memref_squeeze %dma_wait3A_102 : memref<1x80xi32, #tpu.memory_space<vmem>> -> memref<80xi32, #tpu.memory_space<vmem>>
      %dma_wait3A_104 = arith.constant 0 : i32
      %dma_wait3A_105 = arith.constant 0 : i32
      %dma_wait3A_106 = tpu.memref_slice %arg2[%dma_wait3A_104, %dma_wait3A_105] : memref<10240x128xf32, #tpu.memory_space<hbm>> -> memref<10240x128xf32, #tpu.memory_space<hbm>>
      tpu.wait_indirect_dma semaphore(%arg9 : memref<!tpu.dma_semaphore, #tpu.memory_space<semaphore_mem>>) src(%dma_wait3A_106 : memref<10240x128xf32, #tpu.memory_space<hbm>>) dst(%dma_wait3A_96 : memref<80x128xf32, #tpu.memory_space<vmem>>)
      %run_scoped3A_107 = arith.constant 0 : i32
      %run_scoped3A_108 = arith.constant 1 : i32
      %run_scoped3A_109 = arith.constant 24 : i32
      "tpu.region"() ({
        %run_scoped3A_117 = tpu.sem_alloc : memref<!tpu.dma_semaphore, #tpu.memory_space<semaphore_mem>>
        %dma_start3A_118 = arith.constant 0 : i32
        %dma_start3A_119 = arith.constant 0 : i32
        %dma_start3A_120 = tpu.memref_slice %arg7[%run_scoped3A_107, %dma_start3A_118, %dma_start3A_119] : memref<3x80x128xf32, #tpu.memory_space<vmem>> -> memref<1x80x128xf32, #tpu.memory_space<vmem>>
        %dma_start3A_121 = tpu.memref_squeeze %dma_start3A_120 : memref<1x80x128xf32, #tpu.memory_space<vmem>> -> memref<80x128xf32, #tpu.memory_space<vmem>>
        %dma_start3A_122 = arith.constant 0 : i32
        %dma_start3A_123 = arith.constant 0 : i32
        %dma_start3A_124 = tpu.memref_slice %arg6[%run_scoped3A_108, %select_n3A_45, %dma_start3A_122, %dma_start3A_123] : memref<2x2x25x80xi32, #tpu.memory_space<vmem>> -> memref<1x1x25x80xi32, #tpu.memory_space<vmem>>
        %dma_start3A_125 = tpu.memref_squeeze %dma_start3A_124 : memref<1x1x25x80xi32, #tpu.memory_space<vmem>> -> memref<25x80xi32, #tpu.memory_space<vmem>>
        %dma_start3A_126 = arith.constant 0 : i32
        %dma_start3A_127 = tpu.memref_slice %dma_start3A_125[%run_scoped3A_109, %dma_start3A_126] : memref<25x80xi32, #tpu.memory_space<vmem>> -> memref<1x80xi32, #tpu.memory_space<vmem>>
        %dma_start3A_128 = tpu.memref_squeeze %dma_start3A_127 : memref<1x80xi32, #tpu.memory_space<vmem>> -> memref<80xi32, #tpu.memory_space<vmem>>
        %dma_start3A_129 = arith.constant 0 : i32
        %dma_start3A_130 = arith.constant 0 : i32
        %dma_start3A_131 = tpu.memref_slice %arg8[%dma_start3A_129, %dma_start3A_130] : memref<10240x128xf32, #tpu.memory_space<vmem_shared>> -> memref<10240x128xf32, #tpu.memory_space<vmem_shared>>
        tpu.enqueue_indirect_dma source(%dma_start3A_121 : memref<80x128xf32, #tpu.memory_space<vmem>>) target(%dma_start3A_131 : memref<10240x128xf32, #tpu.memory_space<vmem_shared>>) offsets(%dma_start3A_128 : memref<80xi32, #tpu.memory_space<vmem>>) semaphore(%run_scoped3A_117 : memref<!tpu.dma_semaphore, #tpu.memory_space<semaphore_mem>>) {add = true}
        %dma_wait3A_132 = arith.constant 0 : i32
        %dma_wait3A_133 = arith.constant 0 : i32
        %dma_wait3A_134 = tpu.memref_slice %arg7[%run_scoped3A_107, %dma_wait3A_132, %dma_wait3A_133] : memref<3x80x128xf32, #tpu.memory_space<vmem>> -> memref<1x80x128xf32, #tpu.memory_space<vmem>>
        %dma_wait3A_135 = tpu.memref_squeeze %dma_wait3A_134 : memref<1x80x128xf32, #tpu.memory_space<vmem>> -> memref<80x128xf32, #tpu.memory_space<vmem>>
        %dma_wait3A_136 = arith.constant 0 : i32
        %dma_wait3A_137 = arith.constant 0 : i32
        %dma_wait3A_138 = tpu.memref_slice %arg6[%run_scoped3A_108, %select_n3A_45, %dma_wait3A_136, %dma_wait3A_137] : memref<2x2x25x80xi32, #tpu.memory_space<vmem>> -> memref<1x1x25x80xi32, #tpu.memory_space<vmem>>
        %dma_wait3A_139 = tpu.memref_squeeze %dma_wait3A_138 : memref<1x1x25x80xi32, #tpu.memory_space<vmem>> -> memref<25x80xi32, #tpu.memory_space<vmem>>
        %dma_wait3A_140 = arith.constant 0 : i32
        %dma_wait3A_141 = tpu.memref_slice %dma_wait3A_139[%run_scoped3A_109, %dma_wait3A_140] : memref<25x80xi32, #tpu.memory_space<vmem>> -> memref<1x80xi32, #tpu.memory_space<vmem>>
        %dma_wait3A_142 = tpu.memref_squeeze %dma_wait3A_141 : memref<1x80xi32, #tpu.memory_space<vmem>> -> memref<80xi32, #tpu.memory_space<vmem>>
        %dma_wait3A_143 = arith.constant 0 : i32
        %dma_wait3A_144 = arith.constant 0 : i32
        %dma_wait3A_145 = tpu.memref_slice %arg8[%dma_wait3A_143, %dma_wait3A_144] : memref<10240x128xf32, #tpu.memory_space<vmem_shared>> -> memref<10240x128xf32, #tpu.memory_space<vmem_shared>>
        tpu.wait_indirect_dma semaphore(%run_scoped3A_117 : memref<!tpu.dma_semaphore, #tpu.memory_space<semaphore_mem>>) src(%dma_wait3A_135 : memref<80x128xf32, #tpu.memory_space<vmem>>) dst(%dma_wait3A_145 : memref<10240x128xf32, #tpu.memory_space<vmem_shared>>)
        tpu.yield
      }) : () -> ()
      %add3A_110 = arith.constant 1 : i32
      %add3A_111 = arith.addi %add3A_20, %add3A_110 : i32
      %lt3A_112 = arith.constant 5 : i32
      %lt3A_113 = arith.cmpi slt, %add3A_111, %lt3A_112 : i32
      %convert_element_type3A_114 = arith.extui %lt3A_113 : i1 to i32
      %cond3A_115 = arith.constant 0 : i32
      %cond3A_116 = arith.cmpi ne, %convert_element_type3A_114, %cond3A_115 : i32
      scf.if %cond3A_116 {
        %add3A_117 = arith.constant 1 : i32
        %add3A_118 = arith.addi %add3A_20, %add3A_117 : i32
        %add3A_119 = arith.constant 1 : i32
        %add3A_120 = arith.addi %add3A_20, %add3A_119 : i32
        %jit3A_121 = arith.constant 2 : i32
        %eq3A_122 = arith.constant 0 : i32
        %eq3A_123 = arith.cmpi eq, %jit3A_121, %eq3A_122 : i32
        %jit3A_124 = arith.constant 1 : i32
        %select_n3A_125 = arith.select %eq3A_123, %jit3A_124, %jit3A_121 : i32
        %rem3A_126 = arith.remsi %add3A_120, %select_n3A_125 : i32
        %ne3A_127 = arith.constant 0 : i32
        %ne3A_128 = arith.cmpi ne, %rem3A_126, %ne3A_127 : i32
        %lt3A_129 = arith.constant 0 : i32
        %lt3A_130 = arith.cmpi slt, %rem3A_126, %lt3A_129 : i32
        %lt3A_131 = arith.constant 0 : i32
        %lt3A_132 = arith.cmpi slt, %select_n3A_125, %lt3A_131 : i32
        %ne3A_133 = arith.xori %lt3A_130, %lt3A_132 : i1
        %and3A_134 = arith.andi %ne3A_133, %ne3A_128 : i1
        %add3A_135 = arith.addi %rem3A_126, %select_n3A_125 : i32
        %select_n3A_136 = arith.select %and3A_134, %add3A_135, %rem3A_126 : i32
        %dma_wait3A_137 = arith.constant 0 : i32
        %dma_wait3A_138 = arith.constant 0 : i32
        %dma_wait3A_139 = arith.constant 0 : i32
        %dma_wait3A_140 = arith.constant 0 : i32
        %dma_wait3A_141 = tpu.memref_slice %arg6[%dma_wait3A_138, %select_n3A_136, %dma_wait3A_139, %dma_wait3A_140] : memref<2x2x25x80xi32, #tpu.memory_space<vmem>> -> memref<1x1x25x80xi32, #tpu.memory_space<vmem>>
        %dma_wait3A_142 = tpu.memref_squeeze %dma_wait3A_141 : memref<1x1x25x80xi32, #tpu.memory_space<vmem>> -> memref<25x80xi32, #tpu.memory_space<vmem>>
        %dma_wait3A_143 = arith.constant 0 : i32
        %dma_wait3A_144 = arith.constant 0 : i32
        %dma_wait3A_145 = tpu.memref_slice %arg3[%dma_wait3A_137, %arg0, %arg1, %add3A_118, %dma_wait3A_143, %dma_wait3A_144] : memref<2x2x16x5x25x80xi32, #tpu.memory_space<hbm>> -> memref<1x1x1x1x25x80xi32, #tpu.memory_space<hbm>>
        %dma_wait3A_146 = tpu.memref_squeeze %dma_wait3A_145 : memref<1x1x1x1x25x80xi32, #tpu.memory_space<hbm>> -> memref<25x80xi32, #tpu.memory_space<hbm>>
        %dma_wait3A_147 = arith.constant 0 : i32
        %dma_wait3A_148 = arith.constant 0 : i32
        %dma_wait3A_149 = tpu.memref_slice %arg6[%dma_wait3A_138, %select_n3A_136, %dma_wait3A_147, %dma_wait3A_148] : memref<2x2x25x80xi32, #tpu.memory_space<vmem>> -> memref<1x1x25x80xi32, #tpu.memory_space<vmem>>
        %dma_wait3A_150 = tpu.memref_squeeze %dma_wait3A_149 : memref<1x1x25x80xi32, #tpu.memory_space<vmem>> -> memref<25x80xi32, #tpu.memory_space<vmem>>
        %dma_wait3A_151 = arith.constant 0 : i32
        %dma_wait3A_152 = arith.constant 0 : i32
        %dma_wait3A_153 = tpu.memref_slice %arg3[%dma_wait3A_137, %arg0, %arg1, %add3A_118, %dma_wait3A_151, %dma_wait3A_152] : memref<2x2x16x5x25x80xi32, #tpu.memory_space<hbm>> -> memref<1x1x1x1x25x80xi32, #tpu.memory_space<hbm>>
        %dma_wait3A_154 = tpu.memref_squeeze %dma_wait3A_153 : memref<1x1x1x1x25x80xi32, #tpu.memory_space<hbm>> -> memref<25x80xi32, #tpu.memory_space<hbm>>
        tpu.wait_dma2 semaphore(%arg12 : memref<!tpu.dma_semaphore, #tpu.memory_space<semaphore_mem>>) src(%dma_wait3A_154 : memref<25x80xi32, #tpu.memory_space<hbm>>) dst(%dma_wait3A_150 : memref<25x80xi32, #tpu.memory_space<vmem>>)
        %add3A_155 = arith.constant 1 : i32
        %add3A_156 = arith.addi %add3A_20, %add3A_155 : i32
        %add3A_157 = arith.constant 1 : i32
        %add3A_158 = arith.addi %add3A_20, %add3A_157 : i32
        %jit3A_159 = arith.constant 2 : i32
        %eq3A_160 = arith.constant 0 : i32
        %eq3A_161 = arith.cmpi eq, %jit3A_159, %eq3A_160 : i32
        %jit3A_162 = arith.constant 1 : i32
        %select_n3A_163 = arith.select %eq3A_161, %jit3A_162, %jit3A_159 : i32
        %rem3A_164 = arith.remsi %add3A_158, %select_n3A_163 : i32
        %ne3A_165 = arith.constant 0 : i32
        %ne3A_166 = arith.cmpi ne, %rem3A_164, %ne3A_165 : i32
        %lt3A_167 = arith.constant 0 : i32
        %lt3A_168 = arith.cmpi slt, %rem3A_164, %lt3A_167 : i32
        %lt3A_169 = arith.constant 0 : i32
        %lt3A_170 = arith.cmpi slt, %select_n3A_163, %lt3A_169 : i32
        %ne3A_171 = arith.xori %lt3A_168, %lt3A_170 : i1
        %and3A_172 = arith.andi %ne3A_171, %ne3A_166 : i1
        %add3A_173 = arith.addi %rem3A_164, %select_n3A_163 : i32
        %select_n3A_174 = arith.select %and3A_172, %add3A_173, %rem3A_164 : i32
        %dma_wait3A_175 = arith.constant 1 : i32
        %dma_wait3A_176 = arith.constant 1 : i32
        %dma_wait3A_177 = arith.constant 0 : i32
        %dma_wait3A_178 = arith.constant 0 : i32
        %dma_wait3A_179 = tpu.memref_slice %arg6[%dma_wait3A_176, %select_n3A_174, %dma_wait3A_177, %dma_wait3A_178] : memref<2x2x25x80xi32, #tpu.memory_space<vmem>> -> memref<1x1x25x80xi32, #tpu.memory_space<vmem>>
        %dma_wait3A_180 = tpu.memref_squeeze %dma_wait3A_179 : memref<1x1x25x80xi32, #tpu.memory_space<vmem>> -> memref<25x80xi32, #tpu.memory_space<vmem>>
        %dma_wait3A_181 = arith.constant 0 : i32
        %dma_wait3A_182 = arith.constant 0 : i32
        %dma_wait3A_183 = tpu.memref_slice %arg3[%dma_wait3A_175, %arg0, %arg1, %add3A_156, %dma_wait3A_181, %dma_wait3A_182] : memref<2x2x16x5x25x80xi32, #tpu.memory_space<hbm>> -> memref<1x1x1x1x25x80xi32, #tpu.memory_space<hbm>>
        %dma_wait3A_184 = tpu.memref_squeeze %dma_wait3A_183 : memref<1x1x1x1x25x80xi32, #tpu.memory_space<hbm>> -> memref<25x80xi32, #tpu.memory_space<hbm>>
        %dma_wait3A_185 = arith.constant 0 : i32
        %dma_wait3A_186 = arith.constant 0 : i32
        %dma_wait3A_187 = tpu.memref_slice %arg6[%dma_wait3A_176, %select_n3A_174, %dma_wait3A_185, %dma_wait3A_186] : memref<2x2x25x80xi32, #tpu.memory_space<vmem>> -> memref<1x1x25x80xi32, #tpu.memory_space<vmem>>
        %dma_wait3A_188 = tpu.memref_squeeze %dma_wait3A_187 : memref<1x1x25x80xi32, #tpu.memory_space<vmem>> -> memref<25x80xi32, #tpu.memory_space<vmem>>
        %dma_wait3A_189 = arith.constant 0 : i32
        %dma_wait3A_190 = arith.constant 0 : i32
        %dma_wait3A_191 = tpu.memref_slice %arg3[%dma_wait3A_175, %arg0, %arg1, %add3A_156, %dma_wait3A_189, %dma_wait3A_190] : memref<2x2x16x5x25x80xi32, #tpu.memory_space<hbm>> -> memref<1x1x1x1x25x80xi32, #tpu.memory_space<hbm>>
        %dma_wait3A_192 = tpu.memref_squeeze %dma_wait3A_191 : memref<1x1x1x1x25x80xi32, #tpu.memory_space<hbm>> -> memref<25x80xi32, #tpu.memory_space<hbm>>
        tpu.wait_dma2 semaphore(%arg12 : memref<!tpu.dma_semaphore, #tpu.memory_space<semaphore_mem>>) src(%dma_wait3A_192 : memref<25x80xi32, #tpu.memory_space<hbm>>) dst(%dma_wait3A_188 : memref<25x80xi32, #tpu.memory_space<vmem>>)
      } else {
      }
    }
    %scan3A_11 = arith.constant 5 : i32
    %barrier3A_12 = arith.constant 0 : index
    tpu.barrier barrier_id(%barrier3A_12)
    %mul3A_13 = arith.constant 640 : i32
    %mul3A_14 = arith.muli %arg1, %mul3A_13 : i32
    %mul3A_15 = arith.constant 640 : i32
    %mul3A_16 = arith.muli %arg1, %mul3A_15 : i32
    "tpu.region"() ({
      %run_scoped3A_17 = tpu.sem_alloc : memref<!tpu.dma_semaphore, #tpu.memory_space<semaphore_mem>>
      %dma_start3A = arith.constant 0 : i32
      %dma_start3A_18 = tpu.memref_slice %arg5[%arg0, %mul3A_16, %dma_start3A] : memref<2x10240x128xf32, #tpu.memory_space<hbm>> -> memref<1x640x128xf32, #tpu.memory_space<hbm>>
      %dma_start3A_19 = tpu.memref_squeeze %dma_start3A_18 : memref<1x640x128xf32, #tpu.memory_space<hbm>> -> memref<640x128xf32, #tpu.memory_space<hbm>>
      %dma_start3A_20 = arith.constant 0 : i32
      %dma_start3A_21 = tpu.memref_slice %arg8[%mul3A_14, %dma_start3A_20] : memref<10240x128xf32, #tpu.memory_space<vmem_shared>> -> memref<640x128xf32, #tpu.memory_space<vmem_shared>>
      tpu.enqueue_dma source(%dma_start3A_21 : memref<640x128xf32, #tpu.memory_space<vmem_shared>>) target(%dma_start3A_19 : memref<640x128xf32, #tpu.memory_space<hbm>>) target_semaphore(%run_scoped3A_17 : memref<!tpu.dma_semaphore, #tpu.memory_space<semaphore_mem>>)
      %dma_wait3A = arith.constant 0 : i32
      %dma_wait3A_22 = tpu.memref_slice %arg5[%arg0, %mul3A_16, %dma_wait3A] : memref<2x10240x128xf32, #tpu.memory_space<hbm>> -> memref<1x640x128xf32, #tpu.memory_space<hbm>>
      %dma_wait3A_23 = tpu.memref_squeeze %dma_wait3A_22 : memref<1x640x128xf32, #tpu.memory_space<hbm>> -> memref<640x128xf32, #tpu.memory_space<hbm>>
      %dma_wait3A_24 = arith.constant 0 : i32
      %dma_wait3A_25 = tpu.memref_slice %arg8[%mul3A_14, %dma_wait3A_24] : memref<10240x128xf32, #tpu.memory_space<vmem_shared>> -> memref<640x128xf32, #tpu.memory_space<vmem_shared>>
      tpu.wait_dma2 semaphore(%run_scoped3A_17 : memref<!tpu.dma_semaphore, #tpu.memory_space<semaphore_mem>>) src(%dma_wait3A_25 : memref<640x128xf32, #tpu.memory_space<vmem_shared>>) dst(%dma_wait3A_23 : memref<640x128xf32, #tpu.memory_space<hbm>>)
      tpu.yield
    }) : () -> ()
    return
  }
}

#map = affine_map<(d0, d1) -> (0, 0, 0, 0, 0, 0)>
#map1 = affine_map<(d0, d1) -> (0)>
#map2 = affine_map<(d0, d1) -> (0, 0, 0)>
module attributes {stable_mosaic.version = 14 : i64} {
  func.func @k(%arg0: i32, %arg1: i32, %arg2: memref<2x2x16x5x25x80xi32, #tpu.memory_space<hbm>>, %arg3: memref<640xf32, #tpu.memory_space<hbm>>, %arg4: memref<2x2x10240xf32, #tpu.memory_space<hbm>>, %arg5: memref<2x2x25x80xi32, #tpu.memory_space<vmem>>, %arg6: memref<80xf32, #tpu.memory_space<vmem>>, %arg7: memref<10240xf32, #tpu.memory_space<vmem_shared>>, %arg8: memref<10240xf32, #tpu.memory_space<vmem_shared>>, %arg9: memref<!tpu.dma_semaphore, #tpu.memory_space<semaphore_mem>>) attributes {dimension_semantics = [#tpu.dimension_semantics<core_parallel>, #tpu.dimension_semantics<subcore_parallel>], iteration_bounds = array<i64: 2, 16>, scalar_prefetch = 0 : i64, scratch_operands = 5 : i64, tpu.core_type = #tpu.core_type<sc_vector_subcore>, window_params = [{transform_indices = #map}, {transform_indices = #map1}, {transform_indices = #map2}]} {
    %scan3A = arith.constant 0 : i32
    %scan3A_0 = arith.constant 5 : i32
    %scan3A_1 = arith.addi %scan3A, %scan3A_0 : i32
    %scan3A_2 = arith.constant 1 : i32
    scf.for %scan3A_388 = %scan3A to %scan3A_1 step %scan3A_2  : i32 {
      %mul3A_389 = arith.constant 1 : i32
      %mul3A_390 = arith.muli %scan3A_388, %mul3A_389 : i32
      %add3A = arith.constant 0 : i32
      %add3A_391 = arith.addi %add3A, %mul3A_390 : i32
      %broadcast_in_dim3A = arith.constant 1.000000e+00 : f32
      %broadcast_in_dim3A_392 = vector.broadcast %broadcast_in_dim3A : f32 to vector<16xf32>
      %mul3A_393 = arith.constant 16 : i32
      %mul3A_394 = arith.muli %add3A_391, %mul3A_393 : i32
      %swap3A = arith.index_cast %mul3A_394 : i32 to index
      %swap3A_395 = tpu.vector_load %arg6[%swap3A] {strides = array<i32>} : memref<80xf32, #tpu.memory_space<vmem>>, vector<16xf32>,
      %swap3A_396 = vector.shape_cast %swap3A_395 : vector<16xf32> to vector<16xf32>
      %swap3A_397 = vector.shape_cast %broadcast_in_dim3A_392 : vector<16xf32> to vector<16xf32>
      tpu.vector_store %arg6[%swap3A], %swap3A_397 {strides = array<i32>} : memref<80xf32, #tpu.memory_space<vmem>>, vector<16xf32>,
    }
    %scan3A_3 = arith.constant 5 : i32
    %run_scoped3A = arith.constant 0 : i32
    %run_scoped3A_4 = arith.constant 0 : i32
    %run_scoped3A_5 = arith.constant 0 : i32
    %run_scoped3A_6 = arith.constant 0 : i32
    "tpu.region"() ({
      %run_scoped3A_388 = tpu.sem_alloc : memref<!tpu.dma_semaphore, #tpu.memory_space<semaphore_mem>>
      %dma_start3A_389 = arith.constant 0 : i32
      %dma_start3A_390 = arith.constant 0 : i32
      %dma_start3A_391 = tpu.memref_slice %arg5[%run_scoped3A_5, %run_scoped3A_6, %dma_start3A_389, %dma_start3A_390] : memref<2x2x25x80xi32, #tpu.memory_space<vmem>> -> memref<1x1x25x80xi32, #tpu.memory_space<vmem>>
      %dma_start3A_392 = tpu.memref_squeeze %dma_start3A_391 : memref<1x1x25x80xi32, #tpu.memory_space<vmem>> -> memref<25x80xi32, #tpu.memory_space<vmem>>
      %dma_start3A_393 = arith.constant 0 : i32
      %dma_start3A_394 = arith.constant 0 : i32
      %dma_start3A_395 = tpu.memref_slice %arg2[%run_scoped3A, %arg0, %arg1, %run_scoped3A_4, %dma_start3A_393, %dma_start3A_394] : memref<2x2x16x5x25x80xi32, #tpu.memory_space<hbm>> -> memref<1x1x1x1x25x80xi32, #tpu.memory_space<hbm>>
      %dma_start3A_396 = tpu.memref_squeeze %dma_start3A_395 : memref<1x1x1x1x25x80xi32, #tpu.memory_space<hbm>> -> memref<25x80xi32, #tpu.memory_space<hbm>>
      %dma_start3A_397 = arith.constant 0 : i32
      %dma_start3A_398 = arith.constant 0 : i32
      %dma_start3A_399 = tpu.memref_slice %arg5[%run_scoped3A_5, %run_scoped3A_6, %dma_start3A_397, %dma_start3A_398] : memref<2x2x25x80xi32, #tpu.memory_space<vmem>> -> memref<1x1x25x80xi32, #tpu.memory_space<vmem>>
      %dma_start3A_400 = tpu.memref_squeeze %dma_start3A_399 : memref<1x1x25x80xi32, #tpu.memory_space<vmem>> -> memref<25x80xi32, #tpu.memory_space<vmem>>
      %dma_start3A_401 = arith.constant 0 : i32
      %dma_start3A_402 = arith.constant 0 : i32
      %dma_start3A_403 = tpu.memref_slice %arg2[%run_scoped3A, %arg0, %arg1, %run_scoped3A_4, %dma_start3A_401, %dma_start3A_402] : memref<2x2x16x5x25x80xi32, #tpu.memory_space<hbm>> -> memref<1x1x1x1x25x80xi32, #tpu.memory_space<hbm>>
      %dma_start3A_404 = tpu.memref_squeeze %dma_start3A_403 : memref<1x1x1x1x25x80xi32, #tpu.memory_space<hbm>> -> memref<25x80xi32, #tpu.memory_space<hbm>>
      tpu.enqueue_dma source(%dma_start3A_404 : memref<25x80xi32, #tpu.memory_space<hbm>>) target(%dma_start3A_400 : memref<25x80xi32, #tpu.memory_space<vmem>>) target_semaphore(%run_scoped3A_388 : memref<!tpu.dma_semaphore, #tpu.memory_space<semaphore_mem>>)
      %dma_wait3A_405 = arith.constant 0 : i32
      %dma_wait3A_406 = arith.constant 0 : i32
      %dma_wait3A_407 = tpu.memref_slice %arg5[%run_scoped3A_5, %run_scoped3A_6, %dma_wait3A_405, %dma_wait3A_406] : memref<2x2x25x80xi32, #tpu.memory_space<vmem>> -> memref<1x1x25x80xi32, #tpu.memory_space<vmem>>
      %dma_wait3A_408 = tpu.memref_squeeze %dma_wait3A_407 : memref<1x1x25x80xi32, #tpu.memory_space<vmem>> -> memref<25x80xi32, #tpu.memory_space<vmem>>
      %dma_wait3A_409 = arith.constant 0 : i32
      %dma_wait3A_410 = arith.constant 0 : i32
      %dma_wait3A_411 = tpu.memref_slice %arg2[%run_scoped3A, %arg0, %arg1, %run_scoped3A_4, %dma_wait3A_409, %dma_wait3A_410] : memref<2x2x16x5x25x80xi32, #tpu.memory_space<hbm>> -> memref<1x1x1x1x25x80xi32, #tpu.memory_space<hbm>>
      %dma_wait3A_412 = tpu.memref_squeeze %dma_wait3A_411 : memref<1x1x1x1x25x80xi32, #tpu.memory_space<hbm>> -> memref<25x80xi32, #tpu.memory_space<hbm>>
      %dma_wait3A_413 = arith.constant 0 : i32
      %dma_wait3A_414 = arith.constant 0 : i32
      %dma_wait3A_415 = tpu.memref_slice %arg5[%run_scoped3A_5, %run_scoped3A_6, %dma_wait3A_413, %dma_wait3A_414] : memref<2x2x25x80xi32, #tpu.memory_space<vmem>> -> memref<1x1x25x80xi32, #tpu.memory_space<vmem>>
      %dma_wait3A_416 = tpu.memref_squeeze %dma_wait3A_415 : memref<1x1x25x80xi32, #tpu.memory_space<vmem>> -> memref<25x80xi32, #tpu.memory_space<vmem>>
      %dma_wait3A_417 = arith.constant 0 : i32
      %dma_wait3A_418 = arith.constant 0 : i32
      %dma_wait3A_419 = tpu.memref_slice %arg2[%run_scoped3A, %arg0, %arg1, %run_scoped3A_4, %dma_wait3A_417, %dma_wait3A_418] : memref<2x2x16x5x25x80xi32, #tpu.memory_space<hbm>> -> memref<1x1x1x1x25x80xi32, #tpu.memory_space<hbm>>
      %dma_wait3A_420 = tpu.memref_squeeze %dma_wait3A_419 : memref<1x1x1x1x25x80xi32, #tpu.memory_space<hbm>> -> memref<25x80xi32, #tpu.memory_space<hbm>>
      tpu.wait_dma2 semaphore(%run_scoped3A_388 : memref<!tpu.dma_semaphore, #tpu.memory_space<semaphore_mem>>) src(%dma_wait3A_420 : memref<25x80xi32, #tpu.memory_space<hbm>>) dst(%dma_wait3A_416 : memref<25x80xi32, #tpu.memory_space<vmem>>)
      tpu.yield
    }) : () -> ()
    %run_scoped3A_7 = arith.constant 1 : i32
    %run_scoped3A_8 = arith.constant 0 : i32
    %run_scoped3A_9 = arith.constant 1 : i32
    %run_scoped3A_10 = arith.constant 0 : i32
    "tpu.region"() ({
      %run_scoped3A_388 = tpu.sem_alloc : memref<!tpu.dma_semaphore, #tpu.memory_space<semaphore_mem>>
      %dma_start3A_389 = arith.constant 0 : i32
      %dma_start3A_390 = arith.constant 0 : i32
      %dma_start3A_391 = tpu.memref_slice %arg5[%run_scoped3A_9, %run_scoped3A_10, %dma_start3A_389, %dma_start3A_390] : memref<2x2x25x80xi32, #tpu.memory_space<vmem>> -> memref<1x1x25x80xi32, #tpu.memory_space<vmem>>
      %dma_start3A_392 = tpu.memref_squeeze %dma_start3A_391 : memref<1x1x25x80xi32, #tpu.memory_space<vmem>> -> memref<25x80xi32, #tpu.memory_space<vmem>>
      %dma_start3A_393 = arith.constant 0 : i32
      %dma_start3A_394 = arith.constant 0 : i32
      %dma_start3A_395 = tpu.memref_slice %arg2[%run_scoped3A_7, %arg0, %arg1, %run_scoped3A_8, %dma_start3A_393, %dma_start3A_394] : memref<2x2x16x5x25x80xi32, #tpu.memory_space<hbm>> -> memref<1x1x1x1x25x80xi32, #tpu.memory_space<hbm>>
      %dma_start3A_396 = tpu.memref_squeeze %dma_start3A_395 : memref<1x1x1x1x25x80xi32, #tpu.memory_space<hbm>> -> memref<25x80xi32, #tpu.memory_space<hbm>>
      %dma_start3A_397 = arith.constant 0 : i32
      %dma_start3A_398 = arith.constant 0 : i32
      %dma_start3A_399 = tpu.memref_slice %arg5[%run_scoped3A_9, %run_scoped3A_10, %dma_start3A_397, %dma_start3A_398] : memref<2x2x25x80xi32, #tpu.memory_space<vmem>> -> memref<1x1x25x80xi32, #tpu.memory_space<vmem>>
      %dma_start3A_400 = tpu.memref_squeeze %dma_start3A_399 : memref<1x1x25x80xi32, #tpu.memory_space<vmem>> -> memref<25x80xi32, #tpu.memory_space<vmem>>
      %dma_start3A_401 = arith.constant 0 : i32
      %dma_start3A_402 = arith.constant 0 : i32
      %dma_start3A_403 = tpu.memref_slice %arg2[%run_scoped3A_7, %arg0, %arg1, %run_scoped3A_8, %dma_start3A_401, %dma_start3A_402] : memref<2x2x16x5x25x80xi32, #tpu.memory_space<hbm>> -> memref<1x1x1x1x25x80xi32, #tpu.memory_space<hbm>>
      %dma_start3A_404 = tpu.memref_squeeze %dma_start3A_403 : memref<1x1x1x1x25x80xi32, #tpu.memory_space<hbm>> -> memref<25x80xi32, #tpu.memory_space<hbm>>
      tpu.enqueue_dma source(%dma_start3A_404 : memref<25x80xi32, #tpu.memory_space<hbm>>) target(%dma_start3A_400 : memref<25x80xi32, #tpu.memory_space<vmem>>) target_semaphore(%run_scoped3A_388 : memref<!tpu.dma_semaphore, #tpu.memory_space<semaphore_mem>>)
      %dma_wait3A_405 = arith.constant 0 : i32
      %dma_wait3A_406 = arith.constant 0 : i32
      %dma_wait3A_407 = tpu.memref_slice %arg5[%run_scoped3A_9, %run_scoped3A_10, %dma_wait3A_405, %dma_wait3A_406] : memref<2x2x25x80xi32, #tpu.memory_space<vmem>> -> memref<1x1x25x80xi32, #tpu.memory_space<vmem>>
      %dma_wait3A_408 = tpu.memref_squeeze %dma_wait3A_407 : memref<1x1x25x80xi32, #tpu.memory_space<vmem>> -> memref<25x80xi32, #tpu.memory_space<vmem>>
      %dma_wait3A_409 = arith.constant 0 : i32
      %dma_wait3A_410 = arith.constant 0 : i32
      %dma_wait3A_411 = tpu.memref_slice %arg2[%run_scoped3A_7, %arg0, %arg1, %run_scoped3A_8, %dma_wait3A_409, %dma_wait3A_410] : memref<2x2x16x5x25x80xi32, #tpu.memory_space<hbm>> -> memref<1x1x1x1x25x80xi32, #tpu.memory_space<hbm>>
      %dma_wait3A_412 = tpu.memref_squeeze %dma_wait3A_411 : memref<1x1x1x1x25x80xi32, #tpu.memory_space<hbm>> -> memref<25x80xi32, #tpu.memory_space<hbm>>
      %dma_wait3A_413 = arith.constant 0 : i32
      %dma_wait3A_414 = arith.constant 0 : i32
      %dma_wait3A_415 = tpu.memref_slice %arg5[%run_scoped3A_9, %run_scoped3A_10, %dma_wait3A_413, %dma_wait3A_414] : memref<2x2x25x80xi32, #tpu.memory_space<vmem>> -> memref<1x1x25x80xi32, #tpu.memory_space<vmem>>
      %dma_wait3A_416 = tpu.memref_squeeze %dma_wait3A_415 : memref<1x1x25x80xi32, #tpu.memory_space<vmem>> -> memref<25x80xi32, #tpu.memory_space<vmem>>
      %dma_wait3A_417 = arith.constant 0 : i32
      %dma_wait3A_418 = arith.constant 0 : i32
      %dma_wait3A_419 = tpu.memref_slice %arg2[%run_scoped3A_7, %arg0, %arg1, %run_scoped3A_8, %dma_wait3A_417, %dma_wait3A_418] : memref<2x2x16x5x25x80xi32, #tpu.memory_space<hbm>> -> memref<1x1x1x1x25x80xi32, #tpu.memory_space<hbm>>
      %dma_wait3A_420 = tpu.memref_squeeze %dma_wait3A_419 : memref<1x1x1x1x25x80xi32, #tpu.memory_space<hbm>> -> memref<25x80xi32, #tpu.memory_space<hbm>>
      tpu.wait_dma2 semaphore(%run_scoped3A_388 : memref<!tpu.dma_semaphore, #tpu.memory_space<semaphore_mem>>) src(%dma_wait3A_420 : memref<25x80xi32, #tpu.memory_space<hbm>>) dst(%dma_wait3A_416 : memref<25x80xi32, #tpu.memory_space<vmem>>)
      tpu.yield
    }) : () -> ()
    %mul3A = arith.constant 640 : i32
    %mul3A_11 = arith.muli %arg1, %mul3A : i32
    "tpu.region"() ({
      %run_scoped3A_388 = tpu.sem_alloc : memref<!tpu.dma_semaphore, #tpu.memory_space<semaphore_mem>>
      %dma_start3A_389 = tpu.memref_slice %arg7[%mul3A_11] : memref<10240xf32, #tpu.memory_space<vmem_shared>> -> memref<640xf32, #tpu.memory_space<vmem_shared>>
      tpu.enqueue_dma source(%arg3 : memref<640xf32, #tpu.memory_space<hbm>>) target(%dma_start3A_389 : memref<640xf32, #tpu.memory_space<vmem_shared>>) target_semaphore(%run_scoped3A_388 : memref<!tpu.dma_semaphore, #tpu.memory_space<semaphore_mem>>)
      %dma_wait3A_390 = tpu.memref_slice %arg7[%mul3A_11] : memref<10240xf32, #tpu.memory_space<vmem_shared>> -> memref<640xf32, #tpu.memory_space<vmem_shared>>
      tpu.wait_dma2 semaphore(%run_scoped3A_388 : memref<!tpu.dma_semaphore, #tpu.memory_space<semaphore_mem>>) src(%arg3 : memref<640xf32, #tpu.memory_space<hbm>>) dst(%dma_wait3A_390 : memref<640xf32, #tpu.memory_space<vmem_shared>>)
      tpu.yield
    }) : () -> ()
    %mul3A_12 = arith.constant 640 : i32
    %mul3A_13 = arith.muli %arg1, %mul3A_12 : i32
    "tpu.region"() ({
      %run_scoped3A_388 = tpu.sem_alloc : memref<!tpu.dma_semaphore, #tpu.memory_space<semaphore_mem>>
      %dma_start3A_389 = tpu.memref_slice %arg8[%mul3A_13] : memref<10240xf32, #tpu.memory_space<vmem_shared>> -> memref<640xf32, #tpu.memory_space<vmem_shared>>
      tpu.enqueue_dma source(%arg3 : memref<640xf32, #tpu.memory_space<hbm>>) target(%dma_start3A_389 : memref<640xf32, #tpu.memory_space<vmem_shared>>) target_semaphore(%run_scoped3A_388 : memref<!tpu.dma_semaphore, #tpu.memory_space<semaphore_mem>>)
      %dma_wait3A_390 = tpu.memref_slice %arg8[%mul3A_13] : memref<10240xf32, #tpu.memory_space<vmem_shared>> -> memref<640xf32, #tpu.memory_space<vmem_shared>>
      tpu.wait_dma2 semaphore(%run_scoped3A_388 : memref<!tpu.dma_semaphore, #tpu.memory_space<semaphore_mem>>) src(%arg3 : memref<640xf32, #tpu.memory_space<hbm>>) dst(%dma_wait3A_390 : memref<640xf32, #tpu.memory_space<vmem_shared>>)
      tpu.yield
    }) : () -> ()
    %barrier3A = arith.constant 0 : index
    tpu.barrier barrier_id(%barrier3A)
    %dma_start3A = arith.constant 0 : i32
    %dma_start3A_14 = arith.constant 1 : i32
    %dma_start3A_15 = arith.constant 0 : i32
    %dma_start3A_16 = arith.constant 1 : i32
    %dma_start3A_17 = arith.constant 0 : i32
    %dma_start3A_18 = arith.constant 0 : i32
    %dma_start3A_19 = tpu.memref_slice %arg5[%dma_start3A_15, %dma_start3A_16, %dma_start3A_17, %dma_start3A_18] : memref<2x2x25x80xi32, #tpu.memory_space<vmem>> -> memref<1x1x25x80xi32, #tpu.memory_space<vmem>>
    %dma_start3A_20 = tpu.memref_squeeze %dma_start3A_19 : memref<1x1x25x80xi32, #tpu.memory_space<vmem>> -> memref<25x80xi32, #tpu.memory_space<vmem>>
    %dma_start3A_21 = arith.constant 0 : i32
    %dma_start3A_22 = arith.constant 0 : i32
    %dma_start3A_23 = tpu.memref_slice %arg2[%dma_start3A, %arg0, %arg1, %dma_start3A_14, %dma_start3A_21, %dma_start3A_22] : memref<2x2x16x5x25x80xi32, #tpu.memory_space<hbm>> -> memref<1x1x1x1x25x80xi32, #tpu.memory_space<hbm>>
    %dma_start3A_24 = tpu.memref_squeeze %dma_start3A_23 : memref<1x1x1x1x25x80xi32, #tpu.memory_space<hbm>> -> memref<25x80xi32, #tpu.memory_space<hbm>>
    %dma_start3A_25 = arith.constant 0 : i32
    %dma_start3A_26 = arith.constant 0 : i32
    %dma_start3A_27 = tpu.memref_slice %arg5[%dma_start3A_15, %dma_start3A_16, %dma_start3A_25, %dma_start3A_26] : memref<2x2x25x80xi32, #tpu.memory_space<vmem>> -> memref<1x1x25x80xi32, #tpu.memory_space<vmem>>
    %dma_start3A_28 = tpu.memref_squeeze %dma_start3A_27 : memref<1x1x25x80xi32, #tpu.memory_space<vmem>> -> memref<25x80xi32, #tpu.memory_space<vmem>>
    %dma_start3A_29 = arith.constant 0 : i32
    %dma_start3A_30 = arith.constant 0 : i32
    %dma_start3A_31 = tpu.memref_slice %arg2[%dma_start3A, %arg0, %arg1, %dma_start3A_14, %dma_start3A_29, %dma_start3A_30] : memref<2x2x16x5x25x80xi32, #tpu.memory_space<hbm>> -> memref<1x1x1x1x25x80xi32, #tpu.memory_space<hbm>>
    %dma_start3A_32 = tpu.memref_squeeze %dma_start3A_31 : memref<1x1x1x1x25x80xi32, #tpu.memory_space<hbm>> -> memref<25x80xi32, #tpu.memory_space<hbm>>
    tpu.enqueue_dma source(%dma_start3A_32 : memref<25x80xi32, #tpu.memory_space<hbm>>) target(%dma_start3A_28 : memref<25x80xi32, #tpu.memory_space<vmem>>) target_semaphore(%arg9 : memref<!tpu.dma_semaphore, #tpu.memory_space<semaphore_mem>>)
    %dma_start3A_33 = arith.constant 1 : i32
    %dma_start3A_34 = arith.constant 1 : i32
    %dma_start3A_35 = arith.constant 1 : i32
    %dma_start3A_36 = arith.constant 1 : i32
    %dma_start3A_37 = arith.constant 0 : i32
    %dma_start3A_38 = arith.constant 0 : i32
    %dma_start3A_39 = tpu.memref_slice %arg5[%dma_start3A_35, %dma_start3A_36, %dma_start3A_37, %dma_start3A_38] : memref<2x2x25x80xi32, #tpu.memory_space<vmem>> -> memref<1x1x25x80xi32, #tpu.memory_space<vmem>>
    %dma_start3A_40 = tpu.memref_squeeze %dma_start3A_39 : memref<1x1x25x80xi32, #tpu.memory_space<vmem>> -> memref<25x80xi32, #tpu.memory_space<vmem>>
    %dma_start3A_41 = arith.constant 0 : i32
    %dma_start3A_42 = arith.constant 0 : i32
    %dma_start3A_43 = tpu.memref_slice %arg2[%dma_start3A_33, %arg0, %arg1, %dma_start3A_34, %dma_start3A_41, %dma_start3A_42] : memref<2x2x16x5x25x80xi32, #tpu.memory_space<hbm>> -> memref<1x1x1x1x25x80xi32, #tpu.memory_space<hbm>>
    %dma_start3A_44 = tpu.memref_squeeze %dma_start3A_43 : memref<1x1x1x1x25x80xi32, #tpu.memory_space<hbm>> -> memref<25x80xi32, #tpu.memory_space<hbm>>
    %dma_start3A_45 = arith.constant 0 : i32
    %dma_start3A_46 = arith.constant 0 : i32
    %dma_start3A_47 = tpu.memref_slice %arg5[%dma_start3A_35, %dma_start3A_36, %dma_start3A_45, %dma_start3A_46] : memref<2x2x25x80xi32, #tpu.memory_space<vmem>> -> memref<1x1x25x80xi32, #tpu.memory_space<vmem>>
    %dma_start3A_48 = tpu.memref_squeeze %dma_start3A_47 : memref<1x1x25x80xi32, #tpu.memory_space<vmem>> -> memref<25x80xi32, #tpu.memory_space<vmem>>
    %dma_start3A_49 = arith.constant 0 : i32
    %dma_start3A_50 = arith.constant 0 : i32
    %dma_start3A_51 = tpu.memref_slice %arg2[%dma_start3A_33, %arg0, %arg1, %dma_start3A_34, %dma_start3A_49, %dma_start3A_50] : memref<2x2x16x5x25x80xi32, #tpu.memory_space<hbm>> -> memref<1x1x1x1x25x80xi32, #tpu.memory_space<hbm>>
    %dma_start3A_52 = tpu.memref_squeeze %dma_start3A_51 : memref<1x1x1x1x25x80xi32, #tpu.memory_space<hbm>> -> memref<25x80xi32, #tpu.memory_space<hbm>>
    tpu.enqueue_dma source(%dma_start3A_52 : memref<25x80xi32, #tpu.memory_space<hbm>>) target(%dma_start3A_48 : memref<25x80xi32, #tpu.memory_space<vmem>>) target_semaphore(%arg9 : memref<!tpu.dma_semaphore, #tpu.memory_space<semaphore_mem>>)
    %scan3A_53 = arith.constant 0 : i32
    %scan3A_54 = arith.constant 0 : i32
    %scan3A_55 = arith.constant 1 : i32
    %scan3A_56 = arith.constant 0 : i32
    %scan3A_57 = arith.constant 0 : i32
    %scan3A_58 = arith.constant 25 : i32
    %scan3A_59 = arith.addi %scan3A_57, %scan3A_58 : i32
    %scan3A_60 = arith.constant 1 : i32
    scf.for %scan3A_388 = %scan3A_57 to %scan3A_59 step %scan3A_60  : i32 {
      %mul3A_389 = arith.constant 1 : i32
      %mul3A_390 = arith.muli %scan3A_388, %mul3A_389 : i32
      %add3A = arith.constant 0 : i32
      %add3A_391 = arith.addi %add3A, %mul3A_390 : i32
      "tpu.region"() ({
        %run_scoped3A_392 = tpu.sem_alloc : memref<!tpu.dma_semaphore, #tpu.memory_space<semaphore_mem>>
        %dma_start3A_393 = arith.constant 0 : i32
        %dma_start3A_394 = arith.constant 0 : i32
        %dma_start3A_395 = tpu.memref_slice %arg5[%scan3A_53, %scan3A_54, %dma_start3A_393, %dma_start3A_394] : memref<2x2x25x80xi32, #tpu.memory_space<vmem>> -> memref<1x1x25x80xi32, #tpu.memory_space<vmem>>
        %dma_start3A_396 = tpu.memref_squeeze %dma_start3A_395 : memref<1x1x25x80xi32, #tpu.memory_space<vmem>> -> memref<25x80xi32, #tpu.memory_space<vmem>>
        %dma_start3A_397 = arith.constant 0 : i32
        %dma_start3A_398 = tpu.memref_slice %dma_start3A_396[%add3A_391, %dma_start3A_397] : memref<25x80xi32, #tpu.memory_space<vmem>> -> memref<1x80xi32, #tpu.memory_space<vmem>>
        %dma_start3A_399 = tpu.memref_squeeze %dma_start3A_398 : memref<1x80xi32, #tpu.memory_space<vmem>> -> memref<80xi32, #tpu.memory_space<vmem>>
        %dma_start3A_400 = arith.constant 0 : i32
        %dma_start3A_401 = tpu.memref_slice %arg7[%dma_start3A_400] : memref<10240xf32, #tpu.memory_space<vmem_shared>> -> memref<10240xf32, #tpu.memory_space<vmem_shared>>
        tpu.enqueue_indirect_dma source(%arg6 : memref<80xf32, #tpu.memory_space<vmem>>) target(%dma_start3A_401 : memref<10240xf32, #tpu.memory_space<vmem_shared>>) offsets(%dma_start3A_399 : memref<80xi32, #tpu.memory_space<vmem>>) semaphore(%run_scoped3A_392 : memref<!tpu.dma_semaphore, #tpu.memory_space<semaphore_mem>>) {add = true}
        %dma_wait3A_402 = arith.constant 0 : i32
        %dma_wait3A_403 = arith.constant 0 : i32
        %dma_wait3A_404 = tpu.memref_slice %arg5[%scan3A_53, %scan3A_54, %dma_wait3A_402, %dma_wait3A_403] : memref<2x2x25x80xi32, #tpu.memory_space<vmem>> -> memref<1x1x25x80xi32, #tpu.memory_space<vmem>>
        %dma_wait3A_405 = tpu.memref_squeeze %dma_wait3A_404 : memref<1x1x25x80xi32, #tpu.memory_space<vmem>> -> memref<25x80xi32, #tpu.memory_space<vmem>>
        %dma_wait3A_406 = arith.constant 0 : i32
        %dma_wait3A_407 = tpu.memref_slice %dma_wait3A_405[%add3A_391, %dma_wait3A_406] : memref<25x80xi32, #tpu.memory_space<vmem>> -> memref<1x80xi32, #tpu.memory_space<vmem>>
        %dma_wait3A_408 = tpu.memref_squeeze %dma_wait3A_407 : memref<1x80xi32, #tpu.memory_space<vmem>> -> memref<80xi32, #tpu.memory_space<vmem>>
        %dma_wait3A_409 = arith.constant 0 : i32
        %dma_wait3A_410 = tpu.memref_slice %arg7[%dma_wait3A_409] : memref<10240xf32, #tpu.memory_space<vmem_shared>> -> memref<10240xf32, #tpu.memory_space<vmem_shared>>
        tpu.wait_indirect_dma semaphore(%run_scoped3A_392 : memref<!tpu.dma_semaphore, #tpu.memory_space<semaphore_mem>>) src(%arg6 : memref<80xf32, #tpu.memory_space<vmem>>) dst(%dma_wait3A_410 : memref<10240xf32, #tpu.memory_space<vmem_shared>>)
        tpu.yield
      }) : () -> ()
      "tpu.region"() ({
        %run_scoped3A_392 = tpu.sem_alloc : memref<!tpu.dma_semaphore, #tpu.memory_space<semaphore_mem>>
        %dma_start3A_393 = arith.constant 0 : i32
        %dma_start3A_394 = arith.constant 0 : i32
        %dma_start3A_395 = tpu.memref_slice %arg5[%scan3A_55, %scan3A_56, %dma_start3A_393, %dma_start3A_394] : memref<2x2x25x80xi32, #tpu.memory_space<vmem>> -> memref<1x1x25x80xi32, #tpu.memory_space<vmem>>
        %dma_start3A_396 = tpu.memref_squeeze %dma_start3A_395 : memref<1x1x25x80xi32, #tpu.memory_space<vmem>> -> memref<25x80xi32, #tpu.memory_space<vmem>>
        %dma_start3A_397 = arith.constant 0 : i32
        %dma_start3A_398 = tpu.memref_slice %dma_start3A_396[%add3A_391, %dma_start3A_397] : memref<25x80xi32, #tpu.memory_space<vmem>> -> memref<1x80xi32, #tpu.memory_space<vmem>>
        %dma_start3A_399 = tpu.memref_squeeze %dma_start3A_398 : memref<1x80xi32, #tpu.memory_space<vmem>> -> memref<80xi32, #tpu.memory_space<vmem>>
        %dma_start3A_400 = arith.constant 0 : i32
        %dma_start3A_401 = tpu.memref_slice %arg8[%dma_start3A_400] : memref<10240xf32, #tpu.memory_space<vmem_shared>> -> memref<10240xf32, #tpu.memory_space<vmem_shared>>
        tpu.enqueue_indirect_dma source(%arg6 : memref<80xf32, #tpu.memory_space<vmem>>) target(%dma_start3A_401 : memref<10240xf32, #tpu.memory_space<vmem_shared>>) offsets(%dma_start3A_399 : memref<80xi32, #tpu.memory_space<vmem>>) semaphore(%run_scoped3A_392 : memref<!tpu.dma_semaphore, #tpu.memory_space<semaphore_mem>>) {add = true}
        %dma_wait3A_402 = arith.constant 0 : i32
        %dma_wait3A_403 = arith.constant 0 : i32
        %dma_wait3A_404 = tpu.memref_slice %arg5[%scan3A_55, %scan3A_56, %dma_wait3A_402, %dma_wait3A_403] : memref<2x2x25x80xi32, #tpu.memory_space<vmem>> -> memref<1x1x25x80xi32, #tpu.memory_space<vmem>>
        %dma_wait3A_405 = tpu.memref_squeeze %dma_wait3A_404 : memref<1x1x25x80xi32, #tpu.memory_space<vmem>> -> memref<25x80xi32, #tpu.memory_space<vmem>>
        %dma_wait3A_406 = arith.constant 0 : i32
        %dma_wait3A_407 = tpu.memref_slice %dma_wait3A_405[%add3A_391, %dma_wait3A_406] : memref<25x80xi32, #tpu.memory_space<vmem>> -> memref<1x80xi32, #tpu.memory_space<vmem>>
        %dma_wait3A_408 = tpu.memref_squeeze %dma_wait3A_407 : memref<1x80xi32, #tpu.memory_space<vmem>> -> memref<80xi32, #tpu.memory_space<vmem>>
        %dma_wait3A_409 = arith.constant 0 : i32
        %dma_wait3A_410 = tpu.memref_slice %arg8[%dma_wait3A_409] : memref<10240xf32, #tpu.memory_space<vmem_shared>> -> memref<10240xf32, #tpu.memory_space<vmem_shared>>
        tpu.wait_indirect_dma semaphore(%run_scoped3A_392 : memref<!tpu.dma_semaphore, #tpu.memory_space<semaphore_mem>>) src(%arg6 : memref<80xf32, #tpu.memory_space<vmem>>) dst(%dma_wait3A_410 : memref<10240xf32, #tpu.memory_space<vmem_shared>>)
        tpu.yield
      }) : () -> ()
    }
    %scan3A_61 = arith.constant 25 : i32
    %dma_wait3A = arith.constant 0 : i32
    %dma_wait3A_62 = arith.constant 1 : i32
    %dma_wait3A_63 = arith.constant 0 : i32
    %dma_wait3A_64 = arith.constant 1 : i32
    %dma_wait3A_65 = arith.constant 0 : i32
    %dma_wait3A_66 = arith.constant 0 : i32
    %dma_wait3A_67 = tpu.memref_slice %arg5[%dma_wait3A_63, %dma_wait3A_64, %dma_wait3A_65, %dma_wait3A_66] : memref<2x2x25x80xi32, #tpu.memory_space<vmem>> -> memref<1x1x25x80xi32, #tpu.memory_space<vmem>>
    %dma_wait3A_68 = tpu.memref_squeeze %dma_wait3A_67 : memref<1x1x25x80xi32, #tpu.memory_space<vmem>> -> memref<25x80xi32, #tpu.memory_space<vmem>>
    %dma_wait3A_69 = arith.constant 0 : i32
    %dma_wait3A_70 = arith.constant 0 : i32
    %dma_wait3A_71 = tpu.memref_slice %arg2[%dma_wait3A, %arg0, %arg1, %dma_wait3A_62, %dma_wait3A_69, %dma_wait3A_70] : memref<2x2x16x5x25x80xi32, #tpu.memory_space<hbm>> -> memref<1x1x1x1x25x80xi32, #tpu.memory_space<hbm>>
    %dma_wait3A_72 = tpu.memref_squeeze %dma_wait3A_71 : memref<1x1x1x1x25x80xi32, #tpu.memory_space<hbm>> -> memref<25x80xi32, #tpu.memory_space<hbm>>
    %dma_wait3A_73 = arith.constant 0 : i32
    %dma_wait3A_74 = arith.constant 0 : i32
    %dma_wait3A_75 = tpu.memref_slice %arg5[%dma_wait3A_63, %dma_wait3A_64, %dma_wait3A_73, %dma_wait3A_74] : memref<2x2x25x80xi32, #tpu.memory_space<vmem>> -> memref<1x1x25x80xi32, #tpu.memory_space<vmem>>
    %dma_wait3A_76 = tpu.memref_squeeze %dma_wait3A_75 : memref<1x1x25x80xi32, #tpu.memory_space<vmem>> -> memref<25x80xi32, #tpu.memory_space<vmem>>
    %dma_wait3A_77 = arith.constant 0 : i32
    %dma_wait3A_78 = arith.constant 0 : i32
    %dma_wait3A_79 = tpu.memref_slice %arg2[%dma_wait3A, %arg0, %arg1, %dma_wait3A_62, %dma_wait3A_77, %dma_wait3A_78] : memref<2x2x16x5x25x80xi32, #tpu.memory_space<hbm>> -> memref<1x1x1x1x25x80xi32, #tpu.memory_space<hbm>>
    %dma_wait3A_80 = tpu.memref_squeeze %dma_wait3A_79 : memref<1x1x1x1x25x80xi32, #tpu.memory_space<hbm>> -> memref<25x80xi32, #tpu.memory_space<hbm>>
    tpu.wait_dma2 semaphore(%arg9 : memref<!tpu.dma_semaphore, #tpu.memory_space<semaphore_mem>>) src(%dma_wait3A_80 : memref<25x80xi32, #tpu.memory_space<hbm>>) dst(%dma_wait3A_76 : memref<25x80xi32, #tpu.memory_space<vmem>>)
    %dma_wait3A_81 = arith.constant 1 : i32
    %dma_wait3A_82 = arith.constant 1 : i32
    %dma_wait3A_83 = arith.constant 1 : i32
    %dma_wait3A_84 = arith.constant 1 : i32
    %dma_wait3A_85 = arith.constant 0 : i32
    %dma_wait3A_86 = arith.constant 0 : i32
    %dma_wait3A_87 = tpu.memref_slice %arg5[%dma_wait3A_83, %dma_wait3A_84, %dma_wait3A_85, %dma_wait3A_86] : memref<2x2x25x80xi32, #tpu.memory_space<vmem>> -> memref<1x1x25x80xi32, #tpu.memory_space<vmem>>
    %dma_wait3A_88 = tpu.memref_squeeze %dma_wait3A_87 : memref<1x1x25x80xi32, #tpu.memory_space<vmem>> -> memref<25x80xi32, #tpu.memory_space<vmem>>
    %dma_wait3A_89 = arith.constant 0 : i32
    %dma_wait3A_90 = arith.constant 0 : i32
    %dma_wait3A_91 = tpu.memref_slice %arg2[%dma_wait3A_81, %arg0, %arg1, %dma_wait3A_82, %dma_wait3A_89, %dma_wait3A_90] : memref<2x2x16x5x25x80xi32, #tpu.memory_space<hbm>> -> memref<1x1x1x1x25x80xi32, #tpu.memory_space<hbm>>
    %dma_wait3A_92 = tpu.memref_squeeze %dma_wait3A_91 : memref<1x1x1x1x25x80xi32, #tpu.memory_space<hbm>> -> memref<25x80xi32, #tpu.memory_space<hbm>>
    %dma_wait3A_93 = arith.constant 0 : i32
    %dma_wait3A_94 = arith.constant 0 : i32
    %dma_wait3A_95 = tpu.memref_slice %arg5[%dma_wait3A_83, %dma_wait3A_84, %dma_wait3A_93, %dma_wait3A_94] : memref<2x2x25x80xi32, #tpu.memory_space<vmem>> -> memref<1x1x25x80xi32, #tpu.memory_space<vmem>>
    %dma_wait3A_96 = tpu.memref_squeeze %dma_wait3A_95 : memref<1x1x25x80xi32, #tpu.memory_space<vmem>> -> memref<25x80xi32, #tpu.memory_space<vmem>>
    %dma_wait3A_97 = arith.constant 0 : i32
    %dma_wait3A_98 = arith.constant 0 : i32
    %dma_wait3A_99 = tpu.memref_slice %arg2[%dma_wait3A_81, %arg0, %arg1, %dma_wait3A_82, %dma_wait3A_97, %dma_wait3A_98] : memref<2x2x16x5x25x80xi32, #tpu.memory_space<hbm>> -> memref<1x1x1x1x25x80xi32, #tpu.memory_space<hbm>>
    %dma_wait3A_100 = tpu.memref_squeeze %dma_wait3A_99 : memref<1x1x1x1x25x80xi32, #tpu.memory_space<hbm>> -> memref<25x80xi32, #tpu.memory_space<hbm>>
    tpu.wait_dma2 semaphore(%arg9 : memref<!tpu.dma_semaphore, #tpu.memory_space<semaphore_mem>>) src(%dma_wait3A_100 : memref<25x80xi32, #tpu.memory_space<hbm>>) dst(%dma_wait3A_96 : memref<25x80xi32, #tpu.memory_space<vmem>>)
    %dma_start3A_101 = arith.constant 0 : i32
    %dma_start3A_102 = arith.constant 2 : i32
    %dma_start3A_103 = arith.constant 0 : i32
    %dma_start3A_104 = arith.constant 0 : i32
    %dma_start3A_105 = arith.constant 0 : i32
    %dma_start3A_106 = arith.constant 0 : i32
    %dma_start3A_107 = tpu.memref_slice %arg5[%dma_start3A_103, %dma_start3A_104, %dma_start3A_105, %dma_start3A_106] : memref<2x2x25x80xi32, #tpu.memory_space<vmem>> -> memref<1x1x25x80xi32, #tpu.memory_space<vmem>>
    %dma_start3A_108 = tpu.memref_squeeze %dma_start3A_107 : memref<1x1x25x80xi32, #tpu.memory_space<vmem>> -> memref<25x80xi32, #tpu.memory_space<vmem>>
    %dma_start3A_109 = arith.constant 0 : i32
    %dma_start3A_110 = arith.constant 0 : i32
    %dma_start3A_111 = tpu.memref_slice %arg2[%dma_start3A_101, %arg0, %arg1, %dma_start3A_102, %dma_start3A_109, %dma_start3A_110] : memref<2x2x16x5x25x80xi32, #tpu.memory_space<hbm>> -> memref<1x1x1x1x25x80xi32, #tpu.memory_space<hbm>>
    %dma_start3A_112 = tpu.memref_squeeze %dma_start3A_111 : memref<1x1x1x1x25x80xi32, #tpu.memory_space<hbm>> -> memref<25x80xi32, #tpu.memory_space<hbm>>
    %dma_start3A_113 = arith.constant 0 : i32
    %dma_start3A_114 = arith.constant 0 : i32
    %dma_start3A_115 = tpu.memref_slice %arg5[%dma_start3A_103, %dma_start3A_104, %dma_start3A_113, %dma_start3A_114] : memref<2x2x25x80xi32, #tpu.memory_space<vmem>> -> memref<1x1x25x80xi32, #tpu.memory_space<vmem>>
    %dma_start3A_116 = tpu.memref_squeeze %dma_start3A_115 : memref<1x1x25x80xi32, #tpu.memory_space<vmem>> -> memref<25x80xi32, #tpu.memory_space<vmem>>
    %dma_start3A_117 = arith.constant 0 : i32
    %dma_start3A_118 = arith.constant 0 : i32
    %dma_start3A_119 = tpu.memref_slice %arg2[%dma_start3A_101, %arg0, %arg1, %dma_start3A_102, %dma_start3A_117, %dma_start3A_118] : memref<2x2x16x5x25x80xi32, #tpu.memory_space<hbm>> -> memref<1x1x1x1x25x80xi32, #tpu.memory_space<hbm>>
    %dma_start3A_120 = tpu.memref_squeeze %dma_start3A_119 : memref<1x1x1x1x25x80xi32, #tpu.memory_space<hbm>> -> memref<25x80xi32, #tpu.memory_space<hbm>>
    tpu.enqueue_dma source(%dma_start3A_120 : memref<25x80xi32, #tpu.memory_space<hbm>>) target(%dma_start3A_116 : memref<25x80xi32, #tpu.memory_space<vmem>>) target_semaphore(%arg9 : memref<!tpu.dma_semaphore, #tpu.memory_space<semaphore_mem>>)
    %dma_start3A_121 = arith.constant 1 : i32
    %dma_start3A_122 = arith.constant 2 : i32
    %dma_start3A_123 = arith.constant 1 : i32
    %dma_start3A_124 = arith.constant 0 : i32
    %dma_start3A_125 = arith.constant 0 : i32
    %dma_start3A_126 = arith.constant 0 : i32
    %dma_start3A_127 = tpu.memref_slice %arg5[%dma_start3A_123, %dma_start3A_124, %dma_start3A_125, %dma_start3A_126] : memref<2x2x25x80xi32, #tpu.memory_space<vmem>> -> memref<1x1x25x80xi32, #tpu.memory_space<vmem>>
    %dma_start3A_128 = tpu.memref_squeeze %dma_start3A_127 : memref<1x1x25x80xi32, #tpu.memory_space<vmem>> -> memref<25x80xi32, #tpu.memory_space<vmem>>
    %dma_start3A_129 = arith.constant 0 : i32
    %dma_start3A_130 = arith.constant 0 : i32
    %dma_start3A_131 = tpu.memref_slice %arg2[%dma_start3A_121, %arg0, %arg1, %dma_start3A_122, %dma_start3A_129, %dma_start3A_130] : memref<2x2x16x5x25x80xi32, #tpu.memory_space<hbm>> -> memref<1x1x1x1x25x80xi32, #tpu.memory_space<hbm>>
    %dma_start3A_132 = tpu.memref_squeeze %dma_start3A_131 : memref<1x1x1x1x25x80xi32, #tpu.memory_space<hbm>> -> memref<25x80xi32, #tpu.memory_space<hbm>>
    %dma_start3A_133 = arith.constant 0 : i32
    %dma_start3A_134 = arith.constant 0 : i32
    %dma_start3A_135 = tpu.memref_slice %arg5[%dma_start3A_123, %dma_start3A_124, %dma_start3A_133, %dma_start3A_134] : memref<2x2x25x80xi32, #tpu.memory_space<vmem>> -> memref<1x1x25x80xi32, #tpu.memory_space<vmem>>
    %dma_start3A_136 = tpu.memref_squeeze %dma_start3A_135 : memref<1x1x25x80xi32, #tpu.memory_space<vmem>> -> memref<25x80xi32, #tpu.memory_space<vmem>>
    %dma_start3A_137 = arith.constant 0 : i32
    %dma_start3A_138 = arith.constant 0 : i32
    %dma_start3A_139 = tpu.memref_slice %arg2[%dma_start3A_121, %arg0, %arg1, %dma_start3A_122, %dma_start3A_137, %dma_start3A_138] : memref<2x2x16x5x25x80xi32, #tpu.memory_space<hbm>> -> memref<1x1x1x1x25x80xi32, #tpu.memory_space<hbm>>
    %dma_start3A_140 = tpu.memref_squeeze %dma_start3A_139 : memref<1x1x1x1x25x80xi32, #tpu.memory_space<hbm>> -> memref<25x80xi32, #tpu.memory_space<hbm>>
    tpu.enqueue_dma source(%dma_start3A_140 : memref<25x80xi32, #tpu.memory_space<hbm>>) target(%dma_start3A_136 : memref<25x80xi32, #tpu.memory_space<vmem>>) target_semaphore(%arg9 : memref<!tpu.dma_semaphore, #tpu.memory_space<semaphore_mem>>)
    %scan3A_141 = arith.constant 0 : i32
    %scan3A_142 = arith.constant 1 : i32
    %scan3A_143 = arith.constant 1 : i32
    %scan3A_144 = arith.constant 1 : i32
    %scan3A_145 = arith.constant 0 : i32
    %scan3A_146 = arith.constant 25 : i32
    %scan3A_147 = arith.addi %scan3A_145, %scan3A_146 : i32
    %scan3A_148 = arith.constant 1 : i32
    scf.for %scan3A_388 = %scan3A_145 to %scan3A_147 step %scan3A_148  : i32 {
      %mul3A_389 = arith.constant 1 : i32
      %mul3A_390 = arith.muli %scan3A_388, %mul3A_389 : i32
      %add3A = arith.constant 0 : i32
      %add3A_391 = arith.addi %add3A, %mul3A_390 : i32
      "tpu.region"() ({
        %run_scoped3A_392 = tpu.sem_alloc : memref<!tpu.dma_semaphore, #tpu.memory_space<semaphore_mem>>
        %dma_start3A_393 = arith.constant 0 : i32
        %dma_start3A_394 = arith.constant 0 : i32
        %dma_start3A_395 = tpu.memref_slice %arg5[%scan3A_141, %scan3A_142, %dma_start3A_393, %dma_start3A_394] : memref<2x2x25x80xi32, #tpu.memory_space<vmem>> -> memref<1x1x25x80xi32, #tpu.memory_space<vmem>>
        %dma_start3A_396 = tpu.memref_squeeze %dma_start3A_395 : memref<1x1x25x80xi32, #tpu.memory_space<vmem>> -> memref<25x80xi32, #tpu.memory_space<vmem>>
        %dma_start3A_397 = arith.constant 0 : i32
        %dma_start3A_398 = tpu.memref_slice %dma_start3A_396[%add3A_391, %dma_start3A_397] : memref<25x80xi32, #tpu.memory_space<vmem>> -> memref<1x80xi32, #tpu.memory_space<vmem>>
        %dma_start3A_399 = tpu.memref_squeeze %dma_start3A_398 : memref<1x80xi32, #tpu.memory_space<vmem>> -> memref<80xi32, #tpu.memory_space<vmem>>
        %dma_start3A_400 = arith.constant 0 : i32
        %dma_start3A_401 = tpu.memref_slice %arg7[%dma_start3A_400] : memref<10240xf32, #tpu.memory_space<vmem_shared>> -> memref<10240xf32, #tpu.memory_space<vmem_shared>>
        tpu.enqueue_indirect_dma source(%arg6 : memref<80xf32, #tpu.memory_space<vmem>>) target(%dma_start3A_401 : memref<10240xf32, #tpu.memory_space<vmem_shared>>) offsets(%dma_start3A_399 : memref<80xi32, #tpu.memory_space<vmem>>) semaphore(%run_scoped3A_392 : memref<!tpu.dma_semaphore, #tpu.memory_space<semaphore_mem>>) {add = true}
        %dma_wait3A_402 = arith.constant 0 : i32
        %dma_wait3A_403 = arith.constant 0 : i32
        %dma_wait3A_404 = tpu.memref_slice %arg5[%scan3A_141, %scan3A_142, %dma_wait3A_402, %dma_wait3A_403] : memref<2x2x25x80xi32, #tpu.memory_space<vmem>> -> memref<1x1x25x80xi32, #tpu.memory_space<vmem>>
        %dma_wait3A_405 = tpu.memref_squeeze %dma_wait3A_404 : memref<1x1x25x80xi32, #tpu.memory_space<vmem>> -> memref<25x80xi32, #tpu.memory_space<vmem>>
        %dma_wait3A_406 = arith.constant 0 : i32
        %dma_wait3A_407 = tpu.memref_slice %dma_wait3A_405[%add3A_391, %dma_wait3A_406] : memref<25x80xi32, #tpu.memory_space<vmem>> -> memref<1x80xi32, #tpu.memory_space<vmem>>
        %dma_wait3A_408 = tpu.memref_squeeze %dma_wait3A_407 : memref<1x80xi32, #tpu.memory_space<vmem>> -> memref<80xi32, #tpu.memory_space<vmem>>
        %dma_wait3A_409 = arith.constant 0 : i32
        %dma_wait3A_410 = tpu.memref_slice %arg7[%dma_wait3A_409] : memref<10240xf32, #tpu.memory_space<vmem_shared>> -> memref<10240xf32, #tpu.memory_space<vmem_shared>>
        tpu.wait_indirect_dma semaphore(%run_scoped3A_392 : memref<!tpu.dma_semaphore, #tpu.memory_space<semaphore_mem>>) src(%arg6 : memref<80xf32, #tpu.memory_space<vmem>>) dst(%dma_wait3A_410 : memref<10240xf32, #tpu.memory_space<vmem_shared>>)
        tpu.yield
      }) : () -> ()
      "tpu.region"() ({
        %run_scoped3A_392 = tpu.sem_alloc : memref<!tpu.dma_semaphore, #tpu.memory_space<semaphore_mem>>
        %dma_start3A_393 = arith.constant 0 : i32
        %dma_start3A_394 = arith.constant 0 : i32
        %dma_start3A_395 = tpu.memref_slice %arg5[%scan3A_143, %scan3A_144, %dma_start3A_393, %dma_start3A_394] : memref<2x2x25x80xi32, #tpu.memory_space<vmem>> -> memref<1x1x25x80xi32, #tpu.memory_space<vmem>>
        %dma_start3A_396 = tpu.memref_squeeze %dma_start3A_395 : memref<1x1x25x80xi32, #tpu.memory_space<vmem>> -> memref<25x80xi32, #tpu.memory_space<vmem>>
        %dma_start3A_397 = arith.constant 0 : i32
        %dma_start3A_398 = tpu.memref_slice %dma_start3A_396[%add3A_391, %dma_start3A_397] : memref<25x80xi32, #tpu.memory_space<vmem>> -> memref<1x80xi32, #tpu.memory_space<vmem>>
        %dma_start3A_399 = tpu.memref_squeeze %dma_start3A_398 : memref<1x80xi32, #tpu.memory_space<vmem>> -> memref<80xi32, #tpu.memory_space<vmem>>
        %dma_start3A_400 = arith.constant 0 : i32
        %dma_start3A_401 = tpu.memref_slice %arg8[%dma_start3A_400] : memref<10240xf32, #tpu.memory_space<vmem_shared>> -> memref<10240xf32, #tpu.memory_space<vmem_shared>>
        tpu.enqueue_indirect_dma source(%arg6 : memref<80xf32, #tpu.memory_space<vmem>>) target(%dma_start3A_401 : memref<10240xf32, #tpu.memory_space<vmem_shared>>) offsets(%dma_start3A_399 : memref<80xi32, #tpu.memory_space<vmem>>) semaphore(%run_scoped3A_392 : memref<!tpu.dma_semaphore, #tpu.memory_space<semaphore_mem>>) {add = true}
        %dma_wait3A_402 = arith.constant 0 : i32
        %dma_wait3A_403 = arith.constant 0 : i32
        %dma_wait3A_404 = tpu.memref_slice %arg5[%scan3A_143, %scan3A_144, %dma_wait3A_402, %dma_wait3A_403] : memref<2x2x25x80xi32, #tpu.memory_space<vmem>> -> memref<1x1x25x80xi32, #tpu.memory_space<vmem>>
        %dma_wait3A_405 = tpu.memref_squeeze %dma_wait3A_404 : memref<1x1x25x80xi32, #tpu.memory_space<vmem>> -> memref<25x80xi32, #tpu.memory_space<vmem>>
        %dma_wait3A_406 = arith.constant 0 : i32
        %dma_wait3A_407 = tpu.memref_slice %dma_wait3A_405[%add3A_391, %dma_wait3A_406] : memref<25x80xi32, #tpu.memory_space<vmem>> -> memref<1x80xi32, #tpu.memory_space<vmem>>
        %dma_wait3A_408 = tpu.memref_squeeze %dma_wait3A_407 : memref<1x80xi32, #tpu.memory_space<vmem>> -> memref<80xi32, #tpu.memory_space<vmem>>
        %dma_wait3A_409 = arith.constant 0 : i32
        %dma_wait3A_410 = tpu.memref_slice %arg8[%dma_wait3A_409] : memref<10240xf32, #tpu.memory_space<vmem_shared>> -> memref<10240xf32, #tpu.memory_space<vmem_shared>>
        tpu.wait_indirect_dma semaphore(%run_scoped3A_392 : memref<!tpu.dma_semaphore, #tpu.memory_space<semaphore_mem>>) src(%arg6 : memref<80xf32, #tpu.memory_space<vmem>>) dst(%dma_wait3A_410 : memref<10240xf32, #tpu.memory_space<vmem_shared>>)
        tpu.yield
      }) : () -> ()
    }
    %scan3A_149 = arith.constant 25 : i32
    %dma_wait3A_150 = arith.constant 0 : i32
    %dma_wait3A_151 = arith.constant 2 : i32
    %dma_wait3A_152 = arith.constant 0 : i32
    %dma_wait3A_153 = arith.constant 0 : i32
    %dma_wait3A_154 = arith.constant 0 : i32
    %dma_wait3A_155 = arith.constant 0 : i32
    %dma_wait3A_156 = tpu.memref_slice %arg5[%dma_wait3A_152, %dma_wait3A_153, %dma_wait3A_154, %dma_wait3A_155] : memref<2x2x25x80xi32, #tpu.memory_space<vmem>> -> memref<1x1x25x80xi32, #tpu.memory_space<vmem>>
    %dma_wait3A_157 = tpu.memref_squeeze %dma_wait3A_156 : memref<1x1x25x80xi32, #tpu.memory_space<vmem>> -> memref<25x80xi32, #tpu.memory_space<vmem>>
    %dma_wait3A_158 = arith.constant 0 : i32
    %dma_wait3A_159 = arith.constant 0 : i32
    %dma_wait3A_160 = tpu.memref_slice %arg2[%dma_wait3A_150, %arg0, %arg1, %dma_wait3A_151, %dma_wait3A_158, %dma_wait3A_159] : memref<2x2x16x5x25x80xi32, #tpu.memory_space<hbm>> -> memref<1x1x1x1x25x80xi32, #tpu.memory_space<hbm>>
    %dma_wait3A_161 = tpu.memref_squeeze %dma_wait3A_160 : memref<1x1x1x1x25x80xi32, #tpu.memory_space<hbm>> -> memref<25x80xi32, #tpu.memory_space<hbm>>
    %dma_wait3A_162 = arith.constant 0 : i32
    %dma_wait3A_163 = arith.constant 0 : i32
    %dma_wait3A_164 = tpu.memref_slice %arg5[%dma_wait3A_152, %dma_wait3A_153, %dma_wait3A_162, %dma_wait3A_163] : memref<2x2x25x80xi32, #tpu.memory_space<vmem>> -> memref<1x1x25x80xi32, #tpu.memory_space<vmem>>
    %dma_wait3A_165 = tpu.memref_squeeze %dma_wait3A_164 : memref<1x1x25x80xi32, #tpu.memory_space<vmem>> -> memref<25x80xi32, #tpu.memory_space<vmem>>
    %dma_wait3A_166 = arith.constant 0 : i32
    %dma_wait3A_167 = arith.constant 0 : i32
    %dma_wait3A_168 = tpu.memref_slice %arg2[%dma_wait3A_150, %arg0, %arg1, %dma_wait3A_151, %dma_wait3A_166, %dma_wait3A_167] : memref<2x2x16x5x25x80xi32, #tpu.memory_space<hbm>> -> memref<1x1x1x1x25x80xi32, #tpu.memory_space<hbm>>
    %dma_wait3A_169 = tpu.memref_squeeze %dma_wait3A_168 : memref<1x1x1x1x25x80xi32, #tpu.memory_space<hbm>> -> memref<25x80xi32, #tpu.memory_space<hbm>>
    tpu.wait_dma2 semaphore(%arg9 : memref<!tpu.dma_semaphore, #tpu.memory_space<semaphore_mem>>) src(%dma_wait3A_169 : memref<25x80xi32, #tpu.memory_space<hbm>>) dst(%dma_wait3A_165 : memref<25x80xi32, #tpu.memory_space<vmem>>)
    %dma_wait3A_170 = arith.constant 1 : i32
    %dma_wait3A_171 = arith.constant 2 : i32
    %dma_wait3A_172 = arith.constant 1 : i32
    %dma_wait3A_173 = arith.constant 0 : i32
    %dma_wait3A_174 = arith.constant 0 : i32
    %dma_wait3A_175 = arith.constant 0 : i32
    %dma_wait3A_176 = tpu.memref_slice %arg5[%dma_wait3A_172, %dma_wait3A_173, %dma_wait3A_174, %dma_wait3A_175] : memref<2x2x25x80xi32, #tpu.memory_space<vmem>> -> memref<1x1x25x80xi32, #tpu.memory_space<vmem>>
    %dma_wait3A_177 = tpu.memref_squeeze %dma_wait3A_176 : memref<1x1x25x80xi32, #tpu.memory_space<vmem>> -> memref<25x80xi32, #tpu.memory_space<vmem>>
    %dma_wait3A_178 = arith.constant 0 : i32
    %dma_wait3A_179 = arith.constant 0 : i32
    %dma_wait3A_180 = tpu.memref_slice %arg2[%dma_wait3A_170, %arg0, %arg1, %dma_wait3A_171, %dma_wait3A_178, %dma_wait3A_179] : memref<2x2x16x5x25x80xi32, #tpu.memory_space<hbm>> -> memref<1x1x1x1x25x80xi32, #tpu.memory_space<hbm>>
    %dma_wait3A_181 = tpu.memref_squeeze %dma_wait3A_180 : memref<1x1x1x1x25x80xi32, #tpu.memory_space<hbm>> -> memref<25x80xi32, #tpu.memory_space<hbm>>
    %dma_wait3A_182 = arith.constant 0 : i32
    %dma_wait3A_183 = arith.constant 0 : i32
    %dma_wait3A_184 = tpu.memref_slice %arg5[%dma_wait3A_172, %dma_wait3A_173, %dma_wait3A_182, %dma_wait3A_183] : memref<2x2x25x80xi32, #tpu.memory_space<vmem>> -> memref<1x1x25x80xi32, #tpu.memory_space<vmem>>
    %dma_wait3A_185 = tpu.memref_squeeze %dma_wait3A_184 : memref<1x1x25x80xi32, #tpu.memory_space<vmem>> -> memref<25x80xi32, #tpu.memory_space<vmem>>
    %dma_wait3A_186 = arith.constant 0 : i32
    %dma_wait3A_187 = arith.constant 0 : i32
    %dma_wait3A_188 = tpu.memref_slice %arg2[%dma_wait3A_170, %arg0, %arg1, %dma_wait3A_171, %dma_wait3A_186, %dma_wait3A_187] : memref<2x2x16x5x25x80xi32, #tpu.memory_space<hbm>> -> memref<1x1x1x1x25x80xi32, #tpu.memory_space<hbm>>
    %dma_wait3A_189 = tpu.memref_squeeze %dma_wait3A_188 : memref<1x1x1x1x25x80xi32, #tpu.memory_space<hbm>> -> memref<25x80xi32, #tpu.memory_space<hbm>>
    tpu.wait_dma2 semaphore(%arg9 : memref<!tpu.dma_semaphore, #tpu.memory_space<semaphore_mem>>) src(%dma_wait3A_189 : memref<25x80xi32, #tpu.memory_space<hbm>>) dst(%dma_wait3A_185 : memref<25x80xi32, #tpu.memory_space<vmem>>)
    %dma_start3A_190 = arith.constant 0 : i32
    %dma_start3A_191 = arith.constant 3 : i32
    %dma_start3A_192 = arith.constant 0 : i32
    %dma_start3A_193 = arith.constant 1 : i32
    %dma_start3A_194 = arith.constant 0 : i32
    %dma_start3A_195 = arith.constant 0 : i32
    %dma_start3A_196 = tpu.memref_slice %arg5[%dma_start3A_192, %dma_start3A_193, %dma_start3A_194, %dma_start3A_195] : memref<2x2x25x80xi32, #tpu.memory_space<vmem>> -> memref<1x1x25x80xi32, #tpu.memory_space<vmem>>
    %dma_start3A_197 = tpu.memref_squeeze %dma_start3A_196 : memref<1x1x25x80xi32, #tpu.memory_space<vmem>> -> memref<25x80xi32, #tpu.memory_space<vmem>>
    %dma_start3A_198 = arith.constant 0 : i32
    %dma_start3A_199 = arith.constant 0 : i32
    %dma_start3A_200 = tpu.memref_slice %arg2[%dma_start3A_190, %arg0, %arg1, %dma_start3A_191, %dma_start3A_198, %dma_start3A_199] : memref<2x2x16x5x25x80xi32, #tpu.memory_space<hbm>> -> memref<1x1x1x1x25x80xi32, #tpu.memory_space<hbm>>
    %dma_start3A_201 = tpu.memref_squeeze %dma_start3A_200 : memref<1x1x1x1x25x80xi32, #tpu.memory_space<hbm>> -> memref<25x80xi32, #tpu.memory_space<hbm>>
    %dma_start3A_202 = arith.constant 0 : i32
    %dma_start3A_203 = arith.constant 0 : i32
    %dma_start3A_204 = tpu.memref_slice %arg5[%dma_start3A_192, %dma_start3A_193, %dma_start3A_202, %dma_start3A_203] : memref<2x2x25x80xi32, #tpu.memory_space<vmem>> -> memref<1x1x25x80xi32, #tpu.memory_space<vmem>>
    %dma_start3A_205 = tpu.memref_squeeze %dma_start3A_204 : memref<1x1x25x80xi32, #tpu.memory_space<vmem>> -> memref<25x80xi32, #tpu.memory_space<vmem>>
    %dma_start3A_206 = arith.constant 0 : i32
    %dma_start3A_207 = arith.constant 0 : i32
    %dma_start3A_208 = tpu.memref_slice %arg2[%dma_start3A_190, %arg0, %arg1, %dma_start3A_191, %dma_start3A_206, %dma_start3A_207] : memref<2x2x16x5x25x80xi32, #tpu.memory_space<hbm>> -> memref<1x1x1x1x25x80xi32, #tpu.memory_space<hbm>>
    %dma_start3A_209 = tpu.memref_squeeze %dma_start3A_208 : memref<1x1x1x1x25x80xi32, #tpu.memory_space<hbm>> -> memref<25x80xi32, #tpu.memory_space<hbm>>
    tpu.enqueue_dma source(%dma_start3A_209 : memref<25x80xi32, #tpu.memory_space<hbm>>) target(%dma_start3A_205 : memref<25x80xi32, #tpu.memory_space<vmem>>) target_semaphore(%arg9 : memref<!tpu.dma_semaphore, #tpu.memory_space<semaphore_mem>>)
    %dma_start3A_210 = arith.constant 1 : i32
    %dma_start3A_211 = arith.constant 3 : i32
    %dma_start3A_212 = arith.constant 1 : i32
    %dma_start3A_213 = arith.constant 1 : i32
    %dma_start3A_214 = arith.constant 0 : i32
    %dma_start3A_215 = arith.constant 0 : i32
    %dma_start3A_216 = tpu.memref_slice %arg5[%dma_start3A_212, %dma_start3A_213, %dma_start3A_214, %dma_start3A_215] : memref<2x2x25x80xi32, #tpu.memory_space<vmem>> -> memref<1x1x25x80xi32, #tpu.memory_space<vmem>>
    %dma_start3A_217 = tpu.memref_squeeze %dma_start3A_216 : memref<1x1x25x80xi32, #tpu.memory_space<vmem>> -> memref<25x80xi32, #tpu.memory_space<vmem>>
    %dma_start3A_218 = arith.constant 0 : i32
    %dma_start3A_219 = arith.constant 0 : i32
    %dma_start3A_220 = tpu.memref_slice %arg2[%dma_start3A_210, %arg0, %arg1, %dma_start3A_211, %dma_start3A_218, %dma_start3A_219] : memref<2x2x16x5x25x80xi32, #tpu.memory_space<hbm>> -> memref<1x1x1x1x25x80xi32, #tpu.memory_space<hbm>>
    %dma_start3A_221 = tpu.memref_squeeze %dma_start3A_220 : memref<1x1x1x1x25x80xi32, #tpu.memory_space<hbm>> -> memref<25x80xi32, #tpu.memory_space<hbm>>
    %dma_start3A_222 = arith.constant 0 : i32
    %dma_start3A_223 = arith.constant 0 : i32
    %dma_start3A_224 = tpu.memref_slice %arg5[%dma_start3A_212, %dma_start3A_213, %dma_start3A_222, %dma_start3A_223] : memref<2x2x25x80xi32, #tpu.memory_space<vmem>> -> memref<1x1x25x80xi32, #tpu.memory_space<vmem>>
    %dma_start3A_225 = tpu.memref_squeeze %dma_start3A_224 : memref<1x1x25x80xi32, #tpu.memory_space<vmem>> -> memref<25x80xi32, #tpu.memory_space<vmem>>
    %dma_start3A_226 = arith.constant 0 : i32
    %dma_start3A_227 = arith.constant 0 : i32
    %dma_start3A_228 = tpu.memref_slice %arg2[%dma_start3A_210, %arg0, %arg1, %dma_start3A_211, %dma_start3A_226, %dma_start3A_227] : memref<2x2x16x5x25x80xi32, #tpu.memory_space<hbm>> -> memref<1x1x1x1x25x80xi32, #tpu.memory_space<hbm>>
    %dma_start3A_229 = tpu.memref_squeeze %dma_start3A_228 : memref<1x1x1x1x25x80xi32, #tpu.memory_space<hbm>> -> memref<25x80xi32, #tpu.memory_space<hbm>>
    tpu.enqueue_dma source(%dma_start3A_229 : memref<25x80xi32, #tpu.memory_space<hbm>>) target(%dma_start3A_225 : memref<25x80xi32, #tpu.memory_space<vmem>>) target_semaphore(%arg9 : memref<!tpu.dma_semaphore, #tpu.memory_space<semaphore_mem>>)
    %scan3A_230 = arith.constant 0 : i32
    %scan3A_231 = arith.constant 0 : i32
    %scan3A_232 = arith.constant 1 : i32
    %scan3A_233 = arith.constant 0 : i32
    %scan3A_234 = arith.constant 0 : i32
    %scan3A_235 = arith.constant 25 : i32
    %scan3A_236 = arith.addi %scan3A_234, %scan3A_235 : i32
    %scan3A_237 = arith.constant 1 : i32
    scf.for %scan3A_388 = %scan3A_234 to %scan3A_236 step %scan3A_237  : i32 {
      %mul3A_389 = arith.constant 1 : i32
      %mul3A_390 = arith.muli %scan3A_388, %mul3A_389 : i32
      %add3A = arith.constant 0 : i32
      %add3A_391 = arith.addi %add3A, %mul3A_390 : i32
      "tpu.region"() ({
        %run_scoped3A_392 = tpu.sem_alloc : memref<!tpu.dma_semaphore, #tpu.memory_space<semaphore_mem>>
        %dma_start3A_393 = arith.constant 0 : i32
        %dma_start3A_394 = arith.constant 0 : i32
        %dma_start3A_395 = tpu.memref_slice %arg5[%scan3A_230, %scan3A_231, %dma_start3A_393, %dma_start3A_394] : memref<2x2x25x80xi32, #tpu.memory_space<vmem>> -> memref<1x1x25x80xi32, #tpu.memory_space<vmem>>
        %dma_start3A_396 = tpu.memref_squeeze %dma_start3A_395 : memref<1x1x25x80xi32, #tpu.memory_space<vmem>> -> memref<25x80xi32, #tpu.memory_space<vmem>>
        %dma_start3A_397 = arith.constant 0 : i32
        %dma_start3A_398 = tpu.memref_slice %dma_start3A_396[%add3A_391, %dma_start3A_397] : memref<25x80xi32, #tpu.memory_space<vmem>> -> memref<1x80xi32, #tpu.memory_space<vmem>>
        %dma_start3A_399 = tpu.memref_squeeze %dma_start3A_398 : memref<1x80xi32, #tpu.memory_space<vmem>> -> memref<80xi32, #tpu.memory_space<vmem>>
        %dma_start3A_400 = arith.constant 0 : i32
        %dma_start3A_401 = tpu.memref_slice %arg7[%dma_start3A_400] : memref<10240xf32, #tpu.memory_space<vmem_shared>> -> memref<10240xf32, #tpu.memory_space<vmem_shared>>
        tpu.enqueue_indirect_dma source(%arg6 : memref<80xf32, #tpu.memory_space<vmem>>) target(%dma_start3A_401 : memref<10240xf32, #tpu.memory_space<vmem_shared>>) offsets(%dma_start3A_399 : memref<80xi32, #tpu.memory_space<vmem>>) semaphore(%run_scoped3A_392 : memref<!tpu.dma_semaphore, #tpu.memory_space<semaphore_mem>>) {add = true}
        %dma_wait3A_402 = arith.constant 0 : i32
        %dma_wait3A_403 = arith.constant 0 : i32
        %dma_wait3A_404 = tpu.memref_slice %arg5[%scan3A_230, %scan3A_231, %dma_wait3A_402, %dma_wait3A_403] : memref<2x2x25x80xi32, #tpu.memory_space<vmem>> -> memref<1x1x25x80xi32, #tpu.memory_space<vmem>>
        %dma_wait3A_405 = tpu.memref_squeeze %dma_wait3A_404 : memref<1x1x25x80xi32, #tpu.memory_space<vmem>> -> memref<25x80xi32, #tpu.memory_space<vmem>>
        %dma_wait3A_406 = arith.constant 0 : i32
        %dma_wait3A_407 = tpu.memref_slice %dma_wait3A_405[%add3A_391, %dma_wait3A_406] : memref<25x80xi32, #tpu.memory_space<vmem>> -> memref<1x80xi32, #tpu.memory_space<vmem>>
        %dma_wait3A_408 = tpu.memref_squeeze %dma_wait3A_407 : memref<1x80xi32, #tpu.memory_space<vmem>> -> memref<80xi32, #tpu.memory_space<vmem>>
        %dma_wait3A_409 = arith.constant 0 : i32
        %dma_wait3A_410 = tpu.memref_slice %arg7[%dma_wait3A_409] : memref<10240xf32, #tpu.memory_space<vmem_shared>> -> memref<10240xf32, #tpu.memory_space<vmem_shared>>
        tpu.wait_indirect_dma semaphore(%run_scoped3A_392 : memref<!tpu.dma_semaphore, #tpu.memory_space<semaphore_mem>>) src(%arg6 : memref<80xf32, #tpu.memory_space<vmem>>) dst(%dma_wait3A_410 : memref<10240xf32, #tpu.memory_space<vmem_shared>>)
        tpu.yield
      }) : () -> ()
      "tpu.region"() ({
        %run_scoped3A_392 = tpu.sem_alloc : memref<!tpu.dma_semaphore, #tpu.memory_space<semaphore_mem>>
        %dma_start3A_393 = arith.constant 0 : i32
        %dma_start3A_394 = arith.constant 0 : i32
        %dma_start3A_395 = tpu.memref_slice %arg5[%scan3A_232, %scan3A_233, %dma_start3A_393, %dma_start3A_394] : memref<2x2x25x80xi32, #tpu.memory_space<vmem>> -> memref<1x1x25x80xi32, #tpu.memory_space<vmem>>
        %dma_start3A_396 = tpu.memref_squeeze %dma_start3A_395 : memref<1x1x25x80xi32, #tpu.memory_space<vmem>> -> memref<25x80xi32, #tpu.memory_space<vmem>>
        %dma_start3A_397 = arith.constant 0 : i32
        %dma_start3A_398 = tpu.memref_slice %dma_start3A_396[%add3A_391, %dma_start3A_397] : memref<25x80xi32, #tpu.memory_space<vmem>> -> memref<1x80xi32, #tpu.memory_space<vmem>>
        %dma_start3A_399 = tpu.memref_squeeze %dma_start3A_398 : memref<1x80xi32, #tpu.memory_space<vmem>> -> memref<80xi32, #tpu.memory_space<vmem>>
        %dma_start3A_400 = arith.constant 0 : i32
        %dma_start3A_401 = tpu.memref_slice %arg8[%dma_start3A_400] : memref<10240xf32, #tpu.memory_space<vmem_shared>> -> memref<10240xf32, #tpu.memory_space<vmem_shared>>
        tpu.enqueue_indirect_dma source(%arg6 : memref<80xf32, #tpu.memory_space<vmem>>) target(%dma_start3A_401 : memref<10240xf32, #tpu.memory_space<vmem_shared>>) offsets(%dma_start3A_399 : memref<80xi32, #tpu.memory_space<vmem>>) semaphore(%run_scoped3A_392 : memref<!tpu.dma_semaphore, #tpu.memory_space<semaphore_mem>>) {add = true}
        %dma_wait3A_402 = arith.constant 0 : i32
        %dma_wait3A_403 = arith.constant 0 : i32
        %dma_wait3A_404 = tpu.memref_slice %arg5[%scan3A_232, %scan3A_233, %dma_wait3A_402, %dma_wait3A_403] : memref<2x2x25x80xi32, #tpu.memory_space<vmem>> -> memref<1x1x25x80xi32, #tpu.memory_space<vmem>>
        %dma_wait3A_405 = tpu.memref_squeeze %dma_wait3A_404 : memref<1x1x25x80xi32, #tpu.memory_space<vmem>> -> memref<25x80xi32, #tpu.memory_space<vmem>>
        %dma_wait3A_406 = arith.constant 0 : i32
        %dma_wait3A_407 = tpu.memref_slice %dma_wait3A_405[%add3A_391, %dma_wait3A_406] : memref<25x80xi32, #tpu.memory_space<vmem>> -> memref<1x80xi32, #tpu.memory_space<vmem>>
        %dma_wait3A_408 = tpu.memref_squeeze %dma_wait3A_407 : memref<1x80xi32, #tpu.memory_space<vmem>> -> memref<80xi32, #tpu.memory_space<vmem>>
        %dma_wait3A_409 = arith.constant 0 : i32
        %dma_wait3A_410 = tpu.memref_slice %arg8[%dma_wait3A_409] : memref<10240xf32, #tpu.memory_space<vmem_shared>> -> memref<10240xf32, #tpu.memory_space<vmem_shared>>
        tpu.wait_indirect_dma semaphore(%run_scoped3A_392 : memref<!tpu.dma_semaphore, #tpu.memory_space<semaphore_mem>>) src(%arg6 : memref<80xf32, #tpu.memory_space<vmem>>) dst(%dma_wait3A_410 : memref<10240xf32, #tpu.memory_space<vmem_shared>>)
        tpu.yield
      }) : () -> ()
    }
    %scan3A_238 = arith.constant 25 : i32
    %dma_wait3A_239 = arith.constant 0 : i32
    %dma_wait3A_240 = arith.constant 3 : i32
    %dma_wait3A_241 = arith.constant 0 : i32
    %dma_wait3A_242 = arith.constant 1 : i32
    %dma_wait3A_243 = arith.constant 0 : i32
    %dma_wait3A_244 = arith.constant 0 : i32
    %dma_wait3A_245 = tpu.memref_slice %arg5[%dma_wait3A_241, %dma_wait3A_242, %dma_wait3A_243, %dma_wait3A_244] : memref<2x2x25x80xi32, #tpu.memory_space<vmem>> -> memref<1x1x25x80xi32, #tpu.memory_space<vmem>>
    %dma_wait3A_246 = tpu.memref_squeeze %dma_wait3A_245 : memref<1x1x25x80xi32, #tpu.memory_space<vmem>> -> memref<25x80xi32, #tpu.memory_space<vmem>>
    %dma_wait3A_247 = arith.constant 0 : i32
    %dma_wait3A_248 = arith.constant 0 : i32
    %dma_wait3A_249 = tpu.memref_slice %arg2[%dma_wait3A_239, %arg0, %arg1, %dma_wait3A_240, %dma_wait3A_247, %dma_wait3A_248] : memref<2x2x16x5x25x80xi32, #tpu.memory_space<hbm>> -> memref<1x1x1x1x25x80xi32, #tpu.memory_space<hbm>>
    %dma_wait3A_250 = tpu.memref_squeeze %dma_wait3A_249 : memref<1x1x1x1x25x80xi32, #tpu.memory_space<hbm>> -> memref<25x80xi32, #tpu.memory_space<hbm>>
    %dma_wait3A_251 = arith.constant 0 : i32
    %dma_wait3A_252 = arith.constant 0 : i32
    %dma_wait3A_253 = tpu.memref_slice %arg5[%dma_wait3A_241, %dma_wait3A_242, %dma_wait3A_251, %dma_wait3A_252] : memref<2x2x25x80xi32, #tpu.memory_space<vmem>> -> memref<1x1x25x80xi32, #tpu.memory_space<vmem>>
    %dma_wait3A_254 = tpu.memref_squeeze %dma_wait3A_253 : memref<1x1x25x80xi32, #tpu.memory_space<vmem>> -> memref<25x80xi32, #tpu.memory_space<vmem>>
    %dma_wait3A_255 = arith.constant 0 : i32
    %dma_wait3A_256 = arith.constant 0 : i32
    %dma_wait3A_257 = tpu.memref_slice %arg2[%dma_wait3A_239, %arg0, %arg1, %dma_wait3A_240, %dma_wait3A_255, %dma_wait3A_256] : memref<2x2x16x5x25x80xi32, #tpu.memory_space<hbm>> -> memref<1x1x1x1x25x80xi32, #tpu.memory_space<hbm>>
    %dma_wait3A_258 = tpu.memref_squeeze %dma_wait3A_257 : memref<1x1x1x1x25x80xi32, #tpu.memory_space<hbm>> -> memref<25x80xi32, #tpu.memory_space<hbm>>
    tpu.wait_dma2 semaphore(%arg9 : memref<!tpu.dma_semaphore, #tpu.memory_space<semaphore_mem>>) src(%dma_wait3A_258 : memref<25x80xi32, #tpu.memory_space<hbm>>) dst(%dma_wait3A_254 : memref<25x80xi32, #tpu.memory_space<vmem>>)
    %dma_wait3A_259 = arith.constant 1 : i32
    %dma_wait3A_260 = arith.constant 3 : i32
    %dma_wait3A_261 = arith.constant 1 : i32
    %dma_wait3A_262 = arith.constant 1 : i32
    %dma_wait3A_263 = arith.constant 0 : i32
    %dma_wait3A_264 = arith.constant 0 : i32
    %dma_wait3A_265 = tpu.memref_slice %arg5[%dma_wait3A_261, %dma_wait3A_262, %dma_wait3A_263, %dma_wait3A_264] : memref<2x2x25x80xi32, #tpu.memory_space<vmem>> -> memref<1x1x25x80xi32, #tpu.memory_space<vmem>>
    %dma_wait3A_266 = tpu.memref_squeeze %dma_wait3A_265 : memref<1x1x25x80xi32, #tpu.memory_space<vmem>> -> memref<25x80xi32, #tpu.memory_space<vmem>>
    %dma_wait3A_267 = arith.constant 0 : i32
    %dma_wait3A_268 = arith.constant 0 : i32
    %dma_wait3A_269 = tpu.memref_slice %arg2[%dma_wait3A_259, %arg0, %arg1, %dma_wait3A_260, %dma_wait3A_267, %dma_wait3A_268] : memref<2x2x16x5x25x80xi32, #tpu.memory_space<hbm>> -> memref<1x1x1x1x25x80xi32, #tpu.memory_space<hbm>>
    %dma_wait3A_270 = tpu.memref_squeeze %dma_wait3A_269 : memref<1x1x1x1x25x80xi32, #tpu.memory_space<hbm>> -> memref<25x80xi32, #tpu.memory_space<hbm>>
    %dma_wait3A_271 = arith.constant 0 : i32
    %dma_wait3A_272 = arith.constant 0 : i32
    %dma_wait3A_273 = tpu.memref_slice %arg5[%dma_wait3A_261, %dma_wait3A_262, %dma_wait3A_271, %dma_wait3A_272] : memref<2x2x25x80xi32, #tpu.memory_space<vmem>> -> memref<1x1x25x80xi32, #tpu.memory_space<vmem>>
    %dma_wait3A_274 = tpu.memref_squeeze %dma_wait3A_273 : memref<1x1x25x80xi32, #tpu.memory_space<vmem>> -> memref<25x80xi32, #tpu.memory_space<vmem>>
    %dma_wait3A_275 = arith.constant 0 : i32
    %dma_wait3A_276 = arith.constant 0 : i32
    %dma_wait3A_277 = tpu.memref_slice %arg2[%dma_wait3A_259, %arg0, %arg1, %dma_wait3A_260, %dma_wait3A_275, %dma_wait3A_276] : memref<2x2x16x5x25x80xi32, #tpu.memory_space<hbm>> -> memref<1x1x1x1x25x80xi32, #tpu.memory_space<hbm>>
    %dma_wait3A_278 = tpu.memref_squeeze %dma_wait3A_277 : memref<1x1x1x1x25x80xi32, #tpu.memory_space<hbm>> -> memref<25x80xi32, #tpu.memory_space<hbm>>
    tpu.wait_dma2 semaphore(%arg9 : memref<!tpu.dma_semaphore, #tpu.memory_space<semaphore_mem>>) src(%dma_wait3A_278 : memref<25x80xi32, #tpu.memory_space<hbm>>) dst(%dma_wait3A_274 : memref<25x80xi32, #tpu.memory_space<vmem>>)
    %dma_start3A_279 = arith.constant 0 : i32
    %dma_start3A_280 = arith.constant 4 : i32
    %dma_start3A_281 = arith.constant 0 : i32
    %dma_start3A_282 = arith.constant 0 : i32
    %dma_start3A_283 = arith.constant 0 : i32
    %dma_start3A_284 = arith.constant 0 : i32
    %dma_start3A_285 = tpu.memref_slice %arg5[%dma_start3A_281, %dma_start3A_282, %dma_start3A_283, %dma_start3A_284] : memref<2x2x25x80xi32, #tpu.memory_space<vmem>> -> memref<1x1x25x80xi32, #tpu.memory_space<vmem>>
    %dma_start3A_286 = tpu.memref_squeeze %dma_start3A_285 : memref<1x1x25x80xi32, #tpu.memory_space<vmem>> -> memref<25x80xi32, #tpu.memory_space<vmem>>
    %dma_start3A_287 = arith.constant 0 : i32
    %dma_start3A_288 = arith.constant 0 : i32
    %dma_start3A_289 = tpu.memref_slice %arg2[%dma_start3A_279, %arg0, %arg1, %dma_start3A_280, %dma_start3A_287, %dma_start3A_288] : memref<2x2x16x5x25x80xi32, #tpu.memory_space<hbm>> -> memref<1x1x1x1x25x80xi32, #tpu.memory_space<hbm>>
    %dma_start3A_290 = tpu.memref_squeeze %dma_start3A_289 : memref<1x1x1x1x25x80xi32, #tpu.memory_space<hbm>> -> memref<25x80xi32, #tpu.memory_space<hbm>>
    %dma_start3A_291 = arith.constant 0 : i32
    %dma_start3A_292 = arith.constant 0 : i32
    %dma_start3A_293 = tpu.memref_slice %arg5[%dma_start3A_281, %dma_start3A_282, %dma_start3A_291, %dma_start3A_292] : memref<2x2x25x80xi32, #tpu.memory_space<vmem>> -> memref<1x1x25x80xi32, #tpu.memory_space<vmem>>
    %dma_start3A_294 = tpu.memref_squeeze %dma_start3A_293 : memref<1x1x25x80xi32, #tpu.memory_space<vmem>> -> memref<25x80xi32, #tpu.memory_space<vmem>>
    %dma_start3A_295 = arith.constant 0 : i32
    %dma_start3A_296 = arith.constant 0 : i32
    %dma_start3A_297 = tpu.memref_slice %arg2[%dma_start3A_279, %arg0, %arg1, %dma_start3A_280, %dma_start3A_295, %dma_start3A_296] : memref<2x2x16x5x25x80xi32, #tpu.memory_space<hbm>> -> memref<1x1x1x1x25x80xi32, #tpu.memory_space<hbm>>
    %dma_start3A_298 = tpu.memref_squeeze %dma_start3A_297 : memref<1x1x1x1x25x80xi32, #tpu.memory_space<hbm>> -> memref<25x80xi32, #tpu.memory_space<hbm>>
    tpu.enqueue_dma source(%dma_start3A_298 : memref<25x80xi32, #tpu.memory_space<hbm>>) target(%dma_start3A_294 : memref<25x80xi32, #tpu.memory_space<vmem>>) target_semaphore(%arg9 : memref<!tpu.dma_semaphore, #tpu.memory_space<semaphore_mem>>)
    %dma_start3A_299 = arith.constant 1 : i32
    %dma_start3A_300 = arith.constant 4 : i32
    %dma_start3A_301 = arith.constant 1 : i32
    %dma_start3A_302 = arith.constant 0 : i32
    %dma_start3A_303 = arith.constant 0 : i32
    %dma_start3A_304 = arith.constant 0 : i32
    %dma_start3A_305 = tpu.memref_slice %arg5[%dma_start3A_301, %dma_start3A_302, %dma_start3A_303, %dma_start3A_304] : memref<2x2x25x80xi32, #tpu.memory_space<vmem>> -> memref<1x1x25x80xi32, #tpu.memory_space<vmem>>
    %dma_start3A_306 = tpu.memref_squeeze %dma_start3A_305 : memref<1x1x25x80xi32, #tpu.memory_space<vmem>> -> memref<25x80xi32, #tpu.memory_space<vmem>>
    %dma_start3A_307 = arith.constant 0 : i32
    %dma_start3A_308 = arith.constant 0 : i32
    %dma_start3A_309 = tpu.memref_slice %arg2[%dma_start3A_299, %arg0, %arg1, %dma_start3A_300, %dma_start3A_307, %dma_start3A_308] : memref<2x2x16x5x25x80xi32, #tpu.memory_space<hbm>> -> memref<1x1x1x1x25x80xi32, #tpu.memory_space<hbm>>
    %dma_start3A_310 = tpu.memref_squeeze %dma_start3A_309 : memref<1x1x1x1x25x80xi32, #tpu.memory_space<hbm>> -> memref<25x80xi32, #tpu.memory_space<hbm>>
    %dma_start3A_311 = arith.constant 0 : i32
    %dma_start3A_312 = arith.constant 0 : i32
    %dma_start3A_313 = tpu.memref_slice %arg5[%dma_start3A_301, %dma_start3A_302, %dma_start3A_311, %dma_start3A_312] : memref<2x2x25x80xi32, #tpu.memory_space<vmem>> -> memref<1x1x25x80xi32, #tpu.memory_space<vmem>>
    %dma_start3A_314 = tpu.memref_squeeze %dma_start3A_313 : memref<1x1x25x80xi32, #tpu.memory_space<vmem>> -> memref<25x80xi32, #tpu.memory_space<vmem>>
    %dma_start3A_315 = arith.constant 0 : i32
    %dma_start3A_316 = arith.constant 0 : i32
    %dma_start3A_317 = tpu.memref_slice %arg2[%dma_start3A_299, %arg0, %arg1, %dma_start3A_300, %dma_start3A_315, %dma_start3A_316] : memref<2x2x16x5x25x80xi32, #tpu.memory_space<hbm>> -> memref<1x1x1x1x25x80xi32, #tpu.memory_space<hbm>>
    %dma_start3A_318 = tpu.memref_squeeze %dma_start3A_317 : memref<1x1x1x1x25x80xi32, #tpu.memory_space<hbm>> -> memref<25x80xi32, #tpu.memory_space<hbm>>
    tpu.enqueue_dma source(%dma_start3A_318 : memref<25x80xi32, #tpu.memory_space<hbm>>) target(%dma_start3A_314 : memref<25x80xi32, #tpu.memory_space<vmem>>) target_semaphore(%arg9 : memref<!tpu.dma_semaphore, #tpu.memory_space<semaphore_mem>>)
    %scan3A_319 = arith.constant 0 : i32
    %scan3A_320 = arith.constant 1 : i32
    %scan3A_321 = arith.constant 1 : i32
    %scan3A_322 = arith.constant 1 : i32
    %scan3A_323 = arith.constant 0 : i32
    %scan3A_324 = arith.constant 25 : i32
    %scan3A_325 = arith.addi %scan3A_323, %scan3A_324 : i32
    %scan3A_326 = arith.constant 1 : i32
    scf.for %scan3A_388 = %scan3A_323 to %scan3A_325 step %scan3A_326  : i32 {
      %mul3A_389 = arith.constant 1 : i32
      %mul3A_390 = arith.muli %scan3A_388, %mul3A_389 : i32
      %add3A = arith.constant 0 : i32
      %add3A_391 = arith.addi %add3A, %mul3A_390 : i32
      "tpu.region"() ({
        %run_scoped3A_392 = tpu.sem_alloc : memref<!tpu.dma_semaphore, #tpu.memory_space<semaphore_mem>>
        %dma_start3A_393 = arith.constant 0 : i32
        %dma_start3A_394 = arith.constant 0 : i32
        %dma_start3A_395 = tpu.memref_slice %arg5[%scan3A_319, %scan3A_320, %dma_start3A_393, %dma_start3A_394] : memref<2x2x25x80xi32, #tpu.memory_space<vmem>> -> memref<1x1x25x80xi32, #tpu.memory_space<vmem>>
        %dma_start3A_396 = tpu.memref_squeeze %dma_start3A_395 : memref<1x1x25x80xi32, #tpu.memory_space<vmem>> -> memref<25x80xi32, #tpu.memory_space<vmem>>
        %dma_start3A_397 = arith.constant 0 : i32
        %dma_start3A_398 = tpu.memref_slice %dma_start3A_396[%add3A_391, %dma_start3A_397] : memref<25x80xi32, #tpu.memory_space<vmem>> -> memref<1x80xi32, #tpu.memory_space<vmem>>
        %dma_start3A_399 = tpu.memref_squeeze %dma_start3A_398 : memref<1x80xi32, #tpu.memory_space<vmem>> -> memref<80xi32, #tpu.memory_space<vmem>>
        %dma_start3A_400 = arith.constant 0 : i32
        %dma_start3A_401 = tpu.memref_slice %arg7[%dma_start3A_400] : memref<10240xf32, #tpu.memory_space<vmem_shared>> -> memref<10240xf32, #tpu.memory_space<vmem_shared>>
        tpu.enqueue_indirect_dma source(%arg6 : memref<80xf32, #tpu.memory_space<vmem>>) target(%dma_start3A_401 : memref<10240xf32, #tpu.memory_space<vmem_shared>>) offsets(%dma_start3A_399 : memref<80xi32, #tpu.memory_space<vmem>>) semaphore(%run_scoped3A_392 : memref<!tpu.dma_semaphore, #tpu.memory_space<semaphore_mem>>) {add = true}
        %dma_wait3A_402 = arith.constant 0 : i32
        %dma_wait3A_403 = arith.constant 0 : i32
        %dma_wait3A_404 = tpu.memref_slice %arg5[%scan3A_319, %scan3A_320, %dma_wait3A_402, %dma_wait3A_403] : memref<2x2x25x80xi32, #tpu.memory_space<vmem>> -> memref<1x1x25x80xi32, #tpu.memory_space<vmem>>
        %dma_wait3A_405 = tpu.memref_squeeze %dma_wait3A_404 : memref<1x1x25x80xi32, #tpu.memory_space<vmem>> -> memref<25x80xi32, #tpu.memory_space<vmem>>
        %dma_wait3A_406 = arith.constant 0 : i32
        %dma_wait3A_407 = tpu.memref_slice %dma_wait3A_405[%add3A_391, %dma_wait3A_406] : memref<25x80xi32, #tpu.memory_space<vmem>> -> memref<1x80xi32, #tpu.memory_space<vmem>>
        %dma_wait3A_408 = tpu.memref_squeeze %dma_wait3A_407 : memref<1x80xi32, #tpu.memory_space<vmem>> -> memref<80xi32, #tpu.memory_space<vmem>>
        %dma_wait3A_409 = arith.constant 0 : i32
        %dma_wait3A_410 = tpu.memref_slice %arg7[%dma_wait3A_409] : memref<10240xf32, #tpu.memory_space<vmem_shared>> -> memref<10240xf32, #tpu.memory_space<vmem_shared>>
        tpu.wait_indirect_dma semaphore(%run_scoped3A_392 : memref<!tpu.dma_semaphore, #tpu.memory_space<semaphore_mem>>) src(%arg6 : memref<80xf32, #tpu.memory_space<vmem>>) dst(%dma_wait3A_410 : memref<10240xf32, #tpu.memory_space<vmem_shared>>)
        tpu.yield
      }) : () -> ()
      "tpu.region"() ({
        %run_scoped3A_392 = tpu.sem_alloc : memref<!tpu.dma_semaphore, #tpu.memory_space<semaphore_mem>>
        %dma_start3A_393 = arith.constant 0 : i32
        %dma_start3A_394 = arith.constant 0 : i32
        %dma_start3A_395 = tpu.memref_slice %arg5[%scan3A_321, %scan3A_322, %dma_start3A_393, %dma_start3A_394] : memref<2x2x25x80xi32, #tpu.memory_space<vmem>> -> memref<1x1x25x80xi32, #tpu.memory_space<vmem>>
        %dma_start3A_396 = tpu.memref_squeeze %dma_start3A_395 : memref<1x1x25x80xi32, #tpu.memory_space<vmem>> -> memref<25x80xi32, #tpu.memory_space<vmem>>
        %dma_start3A_397 = arith.constant 0 : i32
        %dma_start3A_398 = tpu.memref_slice %dma_start3A_396[%add3A_391, %dma_start3A_397] : memref<25x80xi32, #tpu.memory_space<vmem>> -> memref<1x80xi32, #tpu.memory_space<vmem>>
        %dma_start3A_399 = tpu.memref_squeeze %dma_start3A_398 : memref<1x80xi32, #tpu.memory_space<vmem>> -> memref<80xi32, #tpu.memory_space<vmem>>
        %dma_start3A_400 = arith.constant 0 : i32
        %dma_start3A_401 = tpu.memref_slice %arg8[%dma_start3A_400] : memref<10240xf32, #tpu.memory_space<vmem_shared>> -> memref<10240xf32, #tpu.memory_space<vmem_shared>>
        tpu.enqueue_indirect_dma source(%arg6 : memref<80xf32, #tpu.memory_space<vmem>>) target(%dma_start3A_401 : memref<10240xf32, #tpu.memory_space<vmem_shared>>) offsets(%dma_start3A_399 : memref<80xi32, #tpu.memory_space<vmem>>) semaphore(%run_scoped3A_392 : memref<!tpu.dma_semaphore, #tpu.memory_space<semaphore_mem>>) {add = true}
        %dma_wait3A_402 = arith.constant 0 : i32
        %dma_wait3A_403 = arith.constant 0 : i32
        %dma_wait3A_404 = tpu.memref_slice %arg5[%scan3A_321, %scan3A_322, %dma_wait3A_402, %dma_wait3A_403] : memref<2x2x25x80xi32, #tpu.memory_space<vmem>> -> memref<1x1x25x80xi32, #tpu.memory_space<vmem>>
        %dma_wait3A_405 = tpu.memref_squeeze %dma_wait3A_404 : memref<1x1x25x80xi32, #tpu.memory_space<vmem>> -> memref<25x80xi32, #tpu.memory_space<vmem>>
        %dma_wait3A_406 = arith.constant 0 : i32
        %dma_wait3A_407 = tpu.memref_slice %dma_wait3A_405[%add3A_391, %dma_wait3A_406] : memref<25x80xi32, #tpu.memory_space<vmem>> -> memref<1x80xi32, #tpu.memory_space<vmem>>
        %dma_wait3A_408 = tpu.memref_squeeze %dma_wait3A_407 : memref<1x80xi32, #tpu.memory_space<vmem>> -> memref<80xi32, #tpu.memory_space<vmem>>
        %dma_wait3A_409 = arith.constant 0 : i32
        %dma_wait3A_410 = tpu.memref_slice %arg8[%dma_wait3A_409] : memref<10240xf32, #tpu.memory_space<vmem_shared>> -> memref<10240xf32, #tpu.memory_space<vmem_shared>>
        tpu.wait_indirect_dma semaphore(%run_scoped3A_392 : memref<!tpu.dma_semaphore, #tpu.memory_space<semaphore_mem>>) src(%arg6 : memref<80xf32, #tpu.memory_space<vmem>>) dst(%dma_wait3A_410 : memref<10240xf32, #tpu.memory_space<vmem_shared>>)
        tpu.yield
      }) : () -> ()
    }
    %scan3A_327 = arith.constant 25 : i32
    %dma_wait3A_328 = arith.constant 0 : i32
    %dma_wait3A_329 = arith.constant 4 : i32
    %dma_wait3A_330 = arith.constant 0 : i32
    %dma_wait3A_331 = arith.constant 0 : i32
    %dma_wait3A_332 = arith.constant 0 : i32
    %dma_wait3A_333 = arith.constant 0 : i32
    %dma_wait3A_334 = tpu.memref_slice %arg5[%dma_wait3A_330, %dma_wait3A_331, %dma_wait3A_332, %dma_wait3A_333] : memref<2x2x25x80xi32, #tpu.memory_space<vmem>> -> memref<1x1x25x80xi32, #tpu.memory_space<vmem>>
    %dma_wait3A_335 = tpu.memref_squeeze %dma_wait3A_334 : memref<1x1x25x80xi32, #tpu.memory_space<vmem>> -> memref<25x80xi32, #tpu.memory_space<vmem>>
    %dma_wait3A_336 = arith.constant 0 : i32
    %dma_wait3A_337 = arith.constant 0 : i32
    %dma_wait3A_338 = tpu.memref_slice %arg2[%dma_wait3A_328, %arg0, %arg1, %dma_wait3A_329, %dma_wait3A_336, %dma_wait3A_337] : memref<2x2x16x5x25x80xi32, #tpu.memory_space<hbm>> -> memref<1x1x1x1x25x80xi32, #tpu.memory_space<hbm>>
    %dma_wait3A_339 = tpu.memref_squeeze %dma_wait3A_338 : memref<1x1x1x1x25x80xi32, #tpu.memory_space<hbm>> -> memref<25x80xi32, #tpu.memory_space<hbm>>
    %dma_wait3A_340 = arith.constant 0 : i32
    %dma_wait3A_341 = arith.constant 0 : i32
    %dma_wait3A_342 = tpu.memref_slice %arg5[%dma_wait3A_330, %dma_wait3A_331, %dma_wait3A_340, %dma_wait3A_341] : memref<2x2x25x80xi32, #tpu.memory_space<vmem>> -> memref<1x1x25x80xi32, #tpu.memory_space<vmem>>
    %dma_wait3A_343 = tpu.memref_squeeze %dma_wait3A_342 : memref<1x1x25x80xi32, #tpu.memory_space<vmem>> -> memref<25x80xi32, #tpu.memory_space<vmem>>
    %dma_wait3A_344 = arith.constant 0 : i32
    %dma_wait3A_345 = arith.constant 0 : i32
    %dma_wait3A_346 = tpu.memref_slice %arg2[%dma_wait3A_328, %arg0, %arg1, %dma_wait3A_329, %dma_wait3A_344, %dma_wait3A_345] : memref<2x2x16x5x25x80xi32, #tpu.memory_space<hbm>> -> memref<1x1x1x1x25x80xi32, #tpu.memory_space<hbm>>
    %dma_wait3A_347 = tpu.memref_squeeze %dma_wait3A_346 : memref<1x1x1x1x25x80xi32, #tpu.memory_space<hbm>> -> memref<25x80xi32, #tpu.memory_space<hbm>>
    tpu.wait_dma2 semaphore(%arg9 : memref<!tpu.dma_semaphore, #tpu.memory_space<semaphore_mem>>) src(%dma_wait3A_347 : memref<25x80xi32, #tpu.memory_space<hbm>>) dst(%dma_wait3A_343 : memref<25x80xi32, #tpu.memory_space<vmem>>)
    %dma_wait3A_348 = arith.constant 1 : i32
    %dma_wait3A_349 = arith.constant 4 : i32
    %dma_wait3A_350 = arith.constant 1 : i32
    %dma_wait3A_351 = arith.constant 0 : i32
    %dma_wait3A_352 = arith.constant 0 : i32
    %dma_wait3A_353 = arith.constant 0 : i32
    %dma_wait3A_354 = tpu.memref_slice %arg5[%dma_wait3A_350, %dma_wait3A_351, %dma_wait3A_352, %dma_wait3A_353] : memref<2x2x25x80xi32, #tpu.memory_space<vmem>> -> memref<1x1x25x80xi32, #tpu.memory_space<vmem>>
    %dma_wait3A_355 = tpu.memref_squeeze %dma_wait3A_354 : memref<1x1x25x80xi32, #tpu.memory_space<vmem>> -> memref<25x80xi32, #tpu.memory_space<vmem>>
    %dma_wait3A_356 = arith.constant 0 : i32
    %dma_wait3A_357 = arith.constant 0 : i32
    %dma_wait3A_358 = tpu.memref_slice %arg2[%dma_wait3A_348, %arg0, %arg1, %dma_wait3A_349, %dma_wait3A_356, %dma_wait3A_357] : memref<2x2x16x5x25x80xi32, #tpu.memory_space<hbm>> -> memref<1x1x1x1x25x80xi32, #tpu.memory_space<hbm>>
    %dma_wait3A_359 = tpu.memref_squeeze %dma_wait3A_358 : memref<1x1x1x1x25x80xi32, #tpu.memory_space<hbm>> -> memref<25x80xi32, #tpu.memory_space<hbm>>
    %dma_wait3A_360 = arith.constant 0 : i32
    %dma_wait3A_361 = arith.constant 0 : i32
    %dma_wait3A_362 = tpu.memref_slice %arg5[%dma_wait3A_350, %dma_wait3A_351, %dma_wait3A_360, %dma_wait3A_361] : memref<2x2x25x80xi32, #tpu.memory_space<vmem>> -> memref<1x1x25x80xi32, #tpu.memory_space<vmem>>
    %dma_wait3A_363 = tpu.memref_squeeze %dma_wait3A_362 : memref<1x1x25x80xi32, #tpu.memory_space<vmem>> -> memref<25x80xi32, #tpu.memory_space<vmem>>
    %dma_wait3A_364 = arith.constant 0 : i32
    %dma_wait3A_365 = arith.constant 0 : i32
    %dma_wait3A_366 = tpu.memref_slice %arg2[%dma_wait3A_348, %arg0, %arg1, %dma_wait3A_349, %dma_wait3A_364, %dma_wait3A_365] : memref<2x2x16x5x25x80xi32, #tpu.memory_space<hbm>> -> memref<1x1x1x1x25x80xi32, #tpu.memory_space<hbm>>
    %dma_wait3A_367 = tpu.memref_squeeze %dma_wait3A_366 : memref<1x1x1x1x25x80xi32, #tpu.memory_space<hbm>> -> memref<25x80xi32, #tpu.memory_space<hbm>>
    tpu.wait_dma2 semaphore(%arg9 : memref<!tpu.dma_semaphore, #tpu.memory_space<semaphore_mem>>) src(%dma_wait3A_367 : memref<25x80xi32, #tpu.memory_space<hbm>>) dst(%dma_wait3A_363 : memref<25x80xi32, #tpu.memory_space<vmem>>)
    %scan3A_368 = arith.constant 0 : i32
    %scan3A_369 = arith.constant 0 : i32
    %scan3A_370 = arith.constant 1 : i32
    %scan3A_371 = arith.constant 0 : i32
    %scan3A_372 = arith.constant 0 : i32
    %scan3A_373 = arith.constant 25 : i32
    %scan3A_374 = arith.addi %scan3A_372, %scan3A_373 : i32
    %scan3A_375 = arith.constant 1 : i32
    scf.for %scan3A_388 = %scan3A_372 to %scan3A_374 step %scan3A_375  : i32 {
      %mul3A_389 = arith.constant 1 : i32
      %mul3A_390 = arith.muli %scan3A_388, %mul3A_389 : i32
      %add3A = arith.constant 0 : i32
      %add3A_391 = arith.addi %add3A, %mul3A_390 : i32
      "tpu.region"() ({
        %run_scoped3A_392 = tpu.sem_alloc : memref<!tpu.dma_semaphore, #tpu.memory_space<semaphore_mem>>
        %dma_start3A_393 = arith.constant 0 : i32
        %dma_start3A_394 = arith.constant 0 : i32
        %dma_start3A_395 = tpu.memref_slice %arg5[%scan3A_368, %scan3A_369, %dma_start3A_393, %dma_start3A_394] : memref<2x2x25x80xi32, #tpu.memory_space<vmem>> -> memref<1x1x25x80xi32, #tpu.memory_space<vmem>>
        %dma_start3A_396 = tpu.memref_squeeze %dma_start3A_395 : memref<1x1x25x80xi32, #tpu.memory_space<vmem>> -> memref<25x80xi32, #tpu.memory_space<vmem>>
        %dma_start3A_397 = arith.constant 0 : i32
        %dma_start3A_398 = tpu.memref_slice %dma_start3A_396[%add3A_391, %dma_start3A_397] : memref<25x80xi32, #tpu.memory_space<vmem>> -> memref<1x80xi32, #tpu.memory_space<vmem>>
        %dma_start3A_399 = tpu.memref_squeeze %dma_start3A_398 : memref<1x80xi32, #tpu.memory_space<vmem>> -> memref<80xi32, #tpu.memory_space<vmem>>
        %dma_start3A_400 = arith.constant 0 : i32
        %dma_start3A_401 = tpu.memref_slice %arg7[%dma_start3A_400] : memref<10240xf32, #tpu.memory_space<vmem_shared>> -> memref<10240xf32, #tpu.memory_space<vmem_shared>>
        tpu.enqueue_indirect_dma source(%arg6 : memref<80xf32, #tpu.memory_space<vmem>>) target(%dma_start3A_401 : memref<10240xf32, #tpu.memory_space<vmem_shared>>) offsets(%dma_start3A_399 : memref<80xi32, #tpu.memory_space<vmem>>) semaphore(%run_scoped3A_392 : memref<!tpu.dma_semaphore, #tpu.memory_space<semaphore_mem>>) {add = true}
        %dma_wait3A_402 = arith.constant 0 : i32
        %dma_wait3A_403 = arith.constant 0 : i32
        %dma_wait3A_404 = tpu.memref_slice %arg5[%scan3A_368, %scan3A_369, %dma_wait3A_402, %dma_wait3A_403] : memref<2x2x25x80xi32, #tpu.memory_space<vmem>> -> memref<1x1x25x80xi32, #tpu.memory_space<vmem>>
        %dma_wait3A_405 = tpu.memref_squeeze %dma_wait3A_404 : memref<1x1x25x80xi32, #tpu.memory_space<vmem>> -> memref<25x80xi32, #tpu.memory_space<vmem>>
        %dma_wait3A_406 = arith.constant 0 : i32
        %dma_wait3A_407 = tpu.memref_slice %dma_wait3A_405[%add3A_391, %dma_wait3A_406] : memref<25x80xi32, #tpu.memory_space<vmem>> -> memref<1x80xi32, #tpu.memory_space<vmem>>
        %dma_wait3A_408 = tpu.memref_squeeze %dma_wait3A_407 : memref<1x80xi32, #tpu.memory_space<vmem>> -> memref<80xi32, #tpu.memory_space<vmem>>
        %dma_wait3A_409 = arith.constant 0 : i32
        %dma_wait3A_410 = tpu.memref_slice %arg7[%dma_wait3A_409] : memref<10240xf32, #tpu.memory_space<vmem_shared>> -> memref<10240xf32, #tpu.memory_space<vmem_shared>>
        tpu.wait_indirect_dma semaphore(%run_scoped3A_392 : memref<!tpu.dma_semaphore, #tpu.memory_space<semaphore_mem>>) src(%arg6 : memref<80xf32, #tpu.memory_space<vmem>>) dst(%dma_wait3A_410 : memref<10240xf32, #tpu.memory_space<vmem_shared>>)
        tpu.yield
      }) : () -> ()
      "tpu.region"() ({
        %run_scoped3A_392 = tpu.sem_alloc : memref<!tpu.dma_semaphore, #tpu.memory_space<semaphore_mem>>
        %dma_start3A_393 = arith.constant 0 : i32
        %dma_start3A_394 = arith.constant 0 : i32
        %dma_start3A_395 = tpu.memref_slice %arg5[%scan3A_370, %scan3A_371, %dma_start3A_393, %dma_start3A_394] : memref<2x2x25x80xi32, #tpu.memory_space<vmem>> -> memref<1x1x25x80xi32, #tpu.memory_space<vmem>>
        %dma_start3A_396 = tpu.memref_squeeze %dma_start3A_395 : memref<1x1x25x80xi32, #tpu.memory_space<vmem>> -> memref<25x80xi32, #tpu.memory_space<vmem>>
        %dma_start3A_397 = arith.constant 0 : i32
        %dma_start3A_398 = tpu.memref_slice %dma_start3A_396[%add3A_391, %dma_start3A_397] : memref<25x80xi32, #tpu.memory_space<vmem>> -> memref<1x80xi32, #tpu.memory_space<vmem>>
        %dma_start3A_399 = tpu.memref_squeeze %dma_start3A_398 : memref<1x80xi32, #tpu.memory_space<vmem>> -> memref<80xi32, #tpu.memory_space<vmem>>
        %dma_start3A_400 = arith.constant 0 : i32
        %dma_start3A_401 = tpu.memref_slice %arg8[%dma_start3A_400] : memref<10240xf32, #tpu.memory_space<vmem_shared>> -> memref<10240xf32, #tpu.memory_space<vmem_shared>>
        tpu.enqueue_indirect_dma source(%arg6 : memref<80xf32, #tpu.memory_space<vmem>>) target(%dma_start3A_401 : memref<10240xf32, #tpu.memory_space<vmem_shared>>) offsets(%dma_start3A_399 : memref<80xi32, #tpu.memory_space<vmem>>) semaphore(%run_scoped3A_392 : memref<!tpu.dma_semaphore, #tpu.memory_space<semaphore_mem>>) {add = true}
        %dma_wait3A_402 = arith.constant 0 : i32
        %dma_wait3A_403 = arith.constant 0 : i32
        %dma_wait3A_404 = tpu.memref_slice %arg5[%scan3A_370, %scan3A_371, %dma_wait3A_402, %dma_wait3A_403] : memref<2x2x25x80xi32, #tpu.memory_space<vmem>> -> memref<1x1x25x80xi32, #tpu.memory_space<vmem>>
        %dma_wait3A_405 = tpu.memref_squeeze %dma_wait3A_404 : memref<1x1x25x80xi32, #tpu.memory_space<vmem>> -> memref<25x80xi32, #tpu.memory_space<vmem>>
        %dma_wait3A_406 = arith.constant 0 : i32
        %dma_wait3A_407 = tpu.memref_slice %dma_wait3A_405[%add3A_391, %dma_wait3A_406] : memref<25x80xi32, #tpu.memory_space<vmem>> -> memref<1x80xi32, #tpu.memory_space<vmem>>
        %dma_wait3A_408 = tpu.memref_squeeze %dma_wait3A_407 : memref<1x80xi32, #tpu.memory_space<vmem>> -> memref<80xi32, #tpu.memory_space<vmem>>
        %dma_wait3A_409 = arith.constant 0 : i32
        %dma_wait3A_410 = tpu.memref_slice %arg8[%dma_wait3A_409] : memref<10240xf32, #tpu.memory_space<vmem_shared>> -> memref<10240xf32, #tpu.memory_space<vmem_shared>>
        tpu.wait_indirect_dma semaphore(%run_scoped3A_392 : memref<!tpu.dma_semaphore, #tpu.memory_space<semaphore_mem>>) src(%arg6 : memref<80xf32, #tpu.memory_space<vmem>>) dst(%dma_wait3A_410 : memref<10240xf32, #tpu.memory_space<vmem_shared>>)
        tpu.yield
      }) : () -> ()
    }
    %scan3A_376 = arith.constant 25 : i32
    %barrier3A_377 = arith.constant 0 : index
    tpu.barrier barrier_id(%barrier3A_377)
    %mul3A_378 = arith.constant 640 : i32
    %mul3A_379 = arith.muli %arg1, %mul3A_378 : i32
    %mul3A_380 = arith.constant 640 : i32
    %mul3A_381 = arith.muli %arg1, %mul3A_380 : i32
    %run_scoped3A_382 = arith.constant 0 : i32
    "tpu.region"() ({
      %run_scoped3A_388 = tpu.sem_alloc : memref<!tpu.dma_semaphore, #tpu.memory_space<semaphore_mem>>
      %dma_start3A_389 = tpu.memref_slice %arg4[%arg0, %run_scoped3A_382, %mul3A_381] : memref<2x2x10240xf32, #tpu.memory_space<hbm>> -> memref<1x1x640xf32, #tpu.memory_space<hbm>>
      %dma_start3A_390 = tpu.memref_squeeze %dma_start3A_389 : memref<1x1x640xf32, #tpu.memory_space<hbm>> -> memref<640xf32, #tpu.memory_space<hbm>>
      %dma_start3A_391 = tpu.memref_slice %arg7[%mul3A_379] : memref<10240xf32, #tpu.memory_space<vmem_shared>> -> memref<640xf32, #tpu.memory_space<vmem_shared>>
      tpu.enqueue_dma source(%dma_start3A_391 : memref<640xf32, #tpu.memory_space<vmem_shared>>) target(%dma_start3A_390 : memref<640xf32, #tpu.memory_space<hbm>>) target_semaphore(%run_scoped3A_388 : memref<!tpu.dma_semaphore, #tpu.memory_space<semaphore_mem>>)
      %dma_wait3A_392 = tpu.memref_slice %arg4[%arg0, %run_scoped3A_382, %mul3A_381] : memref<2x2x10240xf32, #tpu.memory_space<hbm>> -> memref<1x1x640xf32, #tpu.memory_space<hbm>>
      %dma_wait3A_393 = tpu.memref_squeeze %dma_wait3A_392 : memref<1x1x640xf32, #tpu.memory_space<hbm>> -> memref<640xf32, #tpu.memory_space<hbm>>
      %dma_wait3A_394 = tpu.memref_slice %arg7[%mul3A_379] : memref<10240xf32, #tpu.memory_space<vmem_shared>> -> memref<640xf32, #tpu.memory_space<vmem_shared>>
      tpu.wait_dma2 semaphore(%run_scoped3A_388 : memref<!tpu.dma_semaphore, #tpu.memory_space<semaphore_mem>>) src(%dma_wait3A_394 : memref<640xf32, #tpu.memory_space<vmem_shared>>) dst(%dma_wait3A_393 : memref<640xf32, #tpu.memory_space<hbm>>)
      tpu.yield
    }) : () -> ()
    %mul3A_383 = arith.constant 640 : i32
    %mul3A_384 = arith.muli %arg1, %mul3A_383 : i32
    %mul3A_385 = arith.constant 640 : i32
    %mul3A_386 = arith.muli %arg1, %mul3A_385 : i32
    %run_scoped3A_387 = arith.constant 1 : i32
    "tpu.region"() ({
      %run_scoped3A_388 = tpu.sem_alloc : memref<!tpu.dma_semaphore, #tpu.memory_space<semaphore_mem>>
      %dma_start3A_389 = tpu.memref_slice %arg4[%arg0, %run_scoped3A_387, %mul3A_386] : memref<2x2x10240xf32, #tpu.memory_space<hbm>> -> memref<1x1x640xf32, #tpu.memory_space<hbm>>
      %dma_start3A_390 = tpu.memref_squeeze %dma_start3A_389 : memref<1x1x640xf32, #tpu.memory_space<hbm>> -> memref<640xf32, #tpu.memory_space<hbm>>
      %dma_start3A_391 = tpu.memref_slice %arg8[%mul3A_384] : memref<10240xf32, #tpu.memory_space<vmem_shared>> -> memref<640xf32, #tpu.memory_space<vmem_shared>>
      tpu.enqueue_dma source(%dma_start3A_391 : memref<640xf32, #tpu.memory_space<vmem_shared>>) target(%dma_start3A_390 : memref<640xf32, #tpu.memory_space<hbm>>) target_semaphore(%run_scoped3A_388 : memref<!tpu.dma_semaphore, #tpu.memory_space<semaphore_mem>>)
      %dma_wait3A_392 = tpu.memref_slice %arg4[%arg0, %run_scoped3A_387, %mul3A_386] : memref<2x2x10240xf32, #tpu.memory_space<hbm>> -> memref<1x1x640xf32, #tpu.memory_space<hbm>>
      %dma_wait3A_393 = tpu.memref_squeeze %dma_wait3A_392 : memref<1x1x640xf32, #tpu.memory_space<hbm>> -> memref<640xf32, #tpu.memory_space<hbm>>
      %dma_wait3A_394 = tpu.memref_slice %arg8[%mul3A_384] : memref<10240xf32, #tpu.memory_space<vmem_shared>> -> memref<640xf32, #tpu.memory_space<vmem_shared>>
      tpu.wait_dma2 semaphore(%run_scoped3A_388 : memref<!tpu.dma_semaphore, #tpu.memory_space<semaphore_mem>>) src(%dma_wait3A_394 : memref<640xf32, #tpu.memory_space<vmem_shared>>) dst(%dma_wait3A_393 : memref<640xf32, #tpu.memory_space<hbm>>)
      tpu.yield
    }) : () -> ()
    return
  }
}

module attributes {stable_mosaic.version = 14 : i64} {
  func.func @body(%arg0: i32, %arg1: memref<2048x128xf32, #tpu.memory_space<vmem>>, %arg2: memref<128x128xf32, #tpu.memory_space<vmem>>, %arg3: memref<2048x128xf32, #tpu.memory_space<vmem>>) attributes {dimension_semantics = [#tpu.dimension_semantics<arbitrary>], iteration_bounds = array<i64: 5>, scalar_prefetch = 0 : i64, scratch_operands = 0 : i64, tpu.core_type = #tpu.core_type<tc>, window_params = [{transform_indices = @transform_0, window_bounds = array<i64: 2048, 128>}, {pipeline_mode = #tpu.pipeline_mode<synchronous>, transform_indices = @transform_1, window_bounds = array<i64: 128, 128>}, {transform_indices = @transform_2, window_bounds = array<i64: 2048, 128>}]} {
    %get3A = arith.constant 0 : index
    %get3A_0 = arith.constant 0 : index
    %get3A_1 = vector.load %arg1[%get3A, %get3A_0] : memref<2048x128xf32, #tpu.memory_space<vmem>>, vector<2048x128xf32>
    %get3A_2 = arith.constant 0 : index
    %get3A_3 = arith.constant 0 : index
    %get3A_4 = vector.load %arg2[%get3A_2, %get3A_3] : memref<128x128xf32, #tpu.memory_space<vmem>>, vector<128x128xf32>
    %dot_general3A = arith.constant dense<0.000000e+00> : vector<2048x128xf32>
    %dot_general3A_5 = tpu.matmul %get3A_1, %get3A_4, %dot_general3A {dimension_numbers = #tpu.dot_dimension_numbers<[1], [0], [0], [1], [0, 0, 1, 1], [], []>, transpose_lhs_hint = false} : vector<2048x128xf32>, vector<128x128xf32>, vector<2048x128xf32> -> vector<2048x128xf32>
    %swap3A = arith.constant 0 : index
    %swap3A_6 = arith.constant 0 : index
    %swap3A_7 = vector.load %arg3[%swap3A, %swap3A_6] : memref<2048x128xf32, #tpu.memory_space<vmem>>, vector<2048x128xf32>
    tpu.vector_store %arg3[%swap3A, %swap3A_6], %dot_general3A_5 {strides = array<i32>} : memref<2048x128xf32, #tpu.memory_space<vmem>>, vector<2048x128xf32>,
    return
  }
  func.func @transform_0(%arg0: i32) -> (i32, i32) {
    %c0_i32 = arith.constant 0 : i32
    %c0_i32_0 = arith.constant 0 : i32
    return %arg0, %c0_i32 : i32, i32
  }
  func.func @transform_1(%arg0: i32) -> (i32, i32) {
    %c0_i32 = arith.constant 0 : i32
    %c0_i32_0 = arith.constant 0 : i32
    %c0_i32_1 = arith.constant 0 : i32
    return %c0_i32, %c0_i32_0 : i32, i32
  }
  func.func @transform_2(%arg0: i32) -> (i32, i32) {
    %c0_i32 = arith.constant 0 : i32
    %c0_i32_0 = arith.constant 0 : i32
    return %arg0, %c0_i32 : i32, i32
  }
}

module attributes {stable_mosaic.version = 14 : i64} {
  func.func @body(%arg0: i32, %arg1: memref<2x2x2048xf32, #tpu.memory_space<vmem>>, %arg2: memref<2048x128xf32, #tpu.memory_space<vmem>>, %arg3: memref<2048x128xf32, #tpu.memory_space<vmem>>) attributes {dimension_semantics = [#tpu.dimension_semantics<arbitrary>], iteration_bounds = array<i64: 5>, scalar_prefetch = 0 : i64, scratch_operands = 0 : i64, tpu.core_type = #tpu.core_type<tc>, window_params = [{transform_indices = @transform_0, window_bounds = array<i64: 2, 2, 2048>}, {transform_indices = @transform_1, window_bounds = array<i64: 2048, 128>}, {transform_indices = @transform_2, window_bounds = array<i64: 2048, 128>}]} {
    %get3A = arith.constant 0 : index
    %get3A_0 = arith.constant 0 : index
    %get3A_1 = arith.constant 0 : index
    %get3A_2 = vector.load %arg1[%get3A, %get3A_0, %get3A_1] : memref<2x2x2048xf32, #tpu.memory_space<vmem>>, vector<1x1x2048xf32>
    %get3A_3 = vector.shape_cast %get3A_2 : vector<1x1x2048xf32> to vector<2048xf32>
    %get3A_4 = arith.constant 1 : index
    %get3A_5 = arith.constant 0 : index
    %get3A_6 = arith.constant 0 : index
    %get3A_7 = vector.load %arg1[%get3A_4, %get3A_5, %get3A_6] : memref<2x2x2048xf32, #tpu.memory_space<vmem>>, vector<1x1x2048xf32>
    %get3A_8 = vector.shape_cast %get3A_7 : vector<1x1x2048xf32> to vector<2048xf32>
    %add3A = arith.addf %get3A_3, %get3A_8 : vector<2048xf32>
    %gt3A = arith.constant 0.000000e+00 : f32
    %gt3A_9 = vector.broadcast %gt3A : f32 to vector<2048xf32>
    %gt3A_10 = arith.cmpf ogt, %add3A, %gt3A_9 : vector<2048xf32>
    %max3A = arith.constant 1.000000e+00 : f32
    %max3A_11 = vector.broadcast %max3A : f32 to vector<2048xf32>
    %max3A_12 = arith.maximumf %add3A, %max3A_11 : vector<2048xf32>
    %rsqrt3A = math.rsqrt %max3A_12 : vector<2048xf32>
    %jit3A = arith.constant 0.000000e+00 : f32
    %broadcast_in_dim3A = vector.broadcast %jit3A : f32 to vector<2048xf32>
    %select_n3A = arith.select %gt3A_10, %rsqrt3A, %broadcast_in_dim3A : vector<2048xi1>, vector<2048xf32>
    %reshape3A = vector.shape_cast %select_n3A : vector<2048xf32> to vector<2048x1xf32>
    %get3A_13 = arith.constant 0 : index
    %get3A_14 = arith.constant 0 : index
    %get3A_15 = vector.load %arg2[%get3A_13, %get3A_14] : memref<2048x128xf32, #tpu.memory_space<vmem>>, vector<2048x128xf32>
    %mul3A = vector.broadcast %reshape3A : vector<2048x1xf32> to vector<2048x128xf32>
    %mul3A_16 = arith.mulf %get3A_15, %mul3A : vector<2048x128xf32>
    %swap3A = arith.constant 0 : index
    %swap3A_17 = arith.constant 0 : index
    %swap3A_18 = vector.load %arg3[%swap3A, %swap3A_17] : memref<2048x128xf32, #tpu.memory_space<vmem>>, vector<2048x128xf32>
    tpu.vector_store %arg3[%swap3A, %swap3A_17], %mul3A_16 {strides = array<i32>} : memref<2048x128xf32, #tpu.memory_space<vmem>>, vector<2048x128xf32>,
    return
  }
  func.func @transform_0(%arg0: i32) -> (i32, i32, i32) {
    %c0_i32 = arith.constant 0 : i32
    %c0_i32_0 = arith.constant 0 : i32
    %c0_i32_1 = arith.constant 0 : i32
    return %c0_i32, %c0_i32_0, %arg0 : i32, i32, i32
  }
  func.func @transform_1(%arg0: i32) -> (i32, i32) {
    %c0_i32 = arith.constant 0 : i32
    %c0_i32_0 = arith.constant 0 : i32
    return %arg0, %c0_i32 : i32, i32
  }
  func.func @transform_2(%arg0: i32) -> (i32, i32) {
    %c0_i32 = arith.constant 0 : i32
    %c0_i32_0 = arith.constant 0 : i32
    return %arg0, %c0_i32 : i32, i32
  }
}

module attributes {stable_mosaic.version = 14 : i64} {
  func.func @body(%arg0: i32, %arg1: memref<2x2048x128xf32, #tpu.memory_space<vmem>>, %arg2: memref<2x2x2048xf32, #tpu.memory_space<vmem>>, %arg3: memref<1x128xf32, #tpu.memory_space<vmem>>, %arg4: memref<1x128xf32, #tpu.memory_space<vmem>>, %arg5: memref<1x128xf32, #tpu.memory_space<vmem>>, %arg6: memref<128x128xf32, #tpu.memory_space<vmem>>, %arg7: memref<2048x128xf32, #tpu.memory_space<vmem>>, %arg8: memref<10240x128xf32, #tpu.memory_space<vmem>>, %arg9: memref<2x128xf32, #tpu.memory_space<vmem>>) attributes {dimension_semantics = [#tpu.dimension_semantics<arbitrary>], iteration_bounds = array<i64: 10>, scalar_prefetch = 0 : i64, scratch_operands = 2 : i64, tpu.core_type = #tpu.core_type<tc>, window_params = [{transform_indices = @transform_0, window_bounds = array<i64: 2, 2048, 128>}, {transform_indices = @transform_1, window_bounds = array<i64: 2, 2, 2048>}, {pipeline_mode = #tpu.pipeline_mode<synchronous>, transform_indices = @transform_2, window_bounds = array<i64: 1, 128>}, {pipeline_mode = #tpu.pipeline_mode<synchronous>, transform_indices = @transform_3, window_bounds = array<i64: 1, 128>}, {pipeline_mode = #tpu.pipeline_mode<synchronous>, transform_indices = @transform_4, window_bounds = array<i64: 1, 128>}, {pipeline_mode = #tpu.pipeline_mode<synchronous>, transform_indices = @transform_5, window_bounds = array<i64: 128, 128>}, {transform_indices = @transform_6, window_bounds = array<i64: 2048, 128>}]} {
    %lt3A = arith.constant 5 : i32
    %lt3A_0 = arith.cmpi slt, %arg0, %lt3A : i32
    %convert_element_type3A = arith.extui %lt3A_0 : i1 to i32
    %cond3A = arith.constant 0 : i32
    %cond3A_1 = arith.cmpi ne, %convert_element_type3A, %cond3A : i32
    scf.if %cond3A_1 {
      %get3A = arith.constant 0 : index
      %get3A_6 = arith.constant 1 : index
      %get3A_7 = arith.constant 0 : index
      %get3A_8 = vector.load %arg2[%get3A, %get3A_6, %get3A_7] : memref<2x2x2048xf32, #tpu.memory_space<vmem>>, vector<1x1x2048xf32>
      %get3A_9 = vector.shape_cast %get3A_8 : vector<1x1x2048xf32> to vector<2048xf32>
      %get3A_10 = arith.constant 1 : index
      %get3A_11 = arith.constant 1 : index
      %get3A_12 = arith.constant 0 : index
      %get3A_13 = vector.load %arg2[%get3A_10, %get3A_11, %get3A_12] : memref<2x2x2048xf32, #tpu.memory_space<vmem>>, vector<1x1x2048xf32>
      %get3A_14 = vector.shape_cast %get3A_13 : vector<1x1x2048xf32> to vector<2048xf32>
      %add3A = arith.addf %get3A_9, %get3A_14 : vector<2048xf32>
      %gt3A = arith.constant 0.000000e+00 : f32
      %gt3A_15 = vector.broadcast %gt3A : f32 to vector<2048xf32>
      %gt3A_16 = arith.cmpf ogt, %add3A, %gt3A_15 : vector<2048xf32>
      %max3A = arith.constant 1.000000e+00 : f32
      %max3A_17 = vector.broadcast %max3A : f32 to vector<2048xf32>
      %max3A_18 = arith.maximumf %add3A, %max3A_17 : vector<2048xf32>
      %rsqrt3A = math.rsqrt %max3A_18 : vector<2048xf32>
      %jit3A = arith.constant 0.000000e+00 : f32
      %broadcast_in_dim3A = vector.broadcast %jit3A : f32 to vector<2048xf32>
      %select_n3A = arith.select %gt3A_16, %rsqrt3A, %broadcast_in_dim3A : vector<2048xi1>, vector<2048xf32>
      %reshape3A = vector.shape_cast %select_n3A : vector<2048xf32> to vector<2048x1xf32>
      %get3A_19 = arith.constant 0 : index
      %get3A_20 = arith.constant 0 : index
      %get3A_21 = arith.constant 0 : index
      %get3A_22 = vector.load %arg1[%get3A_19, %get3A_20, %get3A_21] : memref<2x2048x128xf32, #tpu.memory_space<vmem>>, vector<1x2048x128xf32>
      %get3A_23 = vector.shape_cast %get3A_22 : vector<1x2048x128xf32> to vector<2048x128xf32>
      %get3A_24 = arith.constant 1 : index
      %get3A_25 = arith.constant 0 : index
      %get3A_26 = arith.constant 0 : index
      %get3A_27 = vector.load %arg1[%get3A_24, %get3A_25, %get3A_26] : memref<2x2048x128xf32, #tpu.memory_space<vmem>>, vector<1x2048x128xf32>
      %get3A_28 = vector.shape_cast %get3A_27 : vector<1x2048x128xf32> to vector<2048x128xf32>
      %add3A_29 = arith.addf %get3A_23, %get3A_28 : vector<2048x128xf32>
      %mul3A = vector.broadcast %reshape3A : vector<2048x1xf32> to vector<2048x128xf32>
      %mul3A_30 = arith.mulf %add3A_29, %mul3A : vector<2048x128xf32>
      %get3A_31 = arith.constant 0 : index
      %get3A_32 = arith.constant 0 : index
      %get3A_33 = vector.load %arg3[%get3A_31, %get3A_32] : memref<1x128xf32, #tpu.memory_space<vmem>>, vector<1x128xf32>
      %add3A_34 = vector.broadcast %get3A_33 : vector<1x128xf32> to vector<2048x128xf32>
      %add3A_35 = arith.addf %mul3A_30, %add3A_34 : vector<2048x128xf32>
      %mul3A_36 = arith.constant 2048 : i32
      %mul3A_37 = arith.muli %arg0, %mul3A_36 : i32
      %swap3A = arith.index_cast %mul3A_37 : i32 to index
      %swap3A_38 = arith.constant 0 : index
      %swap3A_39 = vector.load %arg8[%swap3A, %swap3A_38] : memref<10240x128xf32, #tpu.memory_space<vmem>>, vector<2048x128xf32>
      tpu.vector_store %arg8[%swap3A, %swap3A_38], %add3A_35 {strides = array<i32>} : memref<10240x128xf32, #tpu.memory_space<vmem>>, vector<2048x128xf32>,
      %mul3A_40 = arith.constant 2048 : i32
      %mul3A_41 = arith.muli %arg0, %mul3A_40 : i32
      %iota3A = tpu.iota {dimensions = array<i32: 0>} : vector<2048x1xi32>
      %add3A_42 = vector.broadcast %mul3A_41 : i32 to vector<2048x1xi32>
      %add3A_43 = arith.addi %add3A_42, %iota3A : vector<2048x1xi32>
      %lt3A_44 = arith.constant 10000 : i32
      %lt3A_45 = vector.broadcast %lt3A_44 : i32 to vector<2048x1xi32>
      %lt3A_46 = arith.cmpi slt, %add3A_43, %lt3A_45 : vector<2048x1xi32>
      %jit3A_47 = arith.constant 0.000000e+00 : f32
      %broadcast_in_dim3A_48 = vector.shape_cast %lt3A_46 : vector<2048x1xi1> to vector<2048x1xi1>
      %broadcast_in_dim3A_49 = vector.broadcast %broadcast_in_dim3A_48 : vector<2048x1xi1> to vector<2048x128xi1>
      %broadcast_in_dim3A_50 = vector.broadcast %jit3A_47 : f32 to vector<2048x128xf32>
      %select_n3A_51 = arith.select %broadcast_in_dim3A_49, %add3A_35, %broadcast_in_dim3A_50 : vector<2048x128xi1>, vector<2048x128xf32>
      %reduce_sum3A = arith.constant dense<0.000000e+00> : vector<128xf32>
      %reduce_sum3A_52 = vector.multi_reduction <add>, %select_n3A_51, %reduce_sum3A [0] : vector<2048x128xf32> to vector<128xf32>
      %broadcast_in_dim3A_53 = vector.shape_cast %reduce_sum3A_52 : vector<128xf32> to vector<1x128xf32>
      %mul3A_54 = arith.mulf %select_n3A_51, %select_n3A_51 : vector<2048x128xf32>
      %reduce_sum3A_55 = arith.constant dense<0.000000e+00> : vector<128xf32>
      %reduce_sum3A_56 = vector.multi_reduction <add>, %mul3A_54, %reduce_sum3A_55 [0] : vector<2048x128xf32> to vector<128xf32>
      %broadcast_in_dim3A_57 = vector.shape_cast %reduce_sum3A_56 : vector<128xf32> to vector<1x128xf32>
      %concatenate3A = tpu.concatenate %broadcast_in_dim3A_53, %broadcast_in_dim3A_57 in 0 : vector<1x128xf32>, vector<1x128xf32> -> vector<2x128xf32>
      %eq3A = arith.constant 0 : i32
      %eq3A_58 = arith.cmpi eq, %arg0, %eq3A : i32
      %convert_element_type3A_59 = arith.extui %eq3A_58 : i1 to i32
      %cond3A_60 = arith.constant 0 : i32
      %cond3A_61 = arith.cmpi ne, %convert_element_type3A_59, %cond3A_60 : i32
      scf.if %cond3A_61 {
        %swap3A_66 = arith.constant 0 : index
        %swap3A_67 = arith.constant 0 : index
        %swap3A_68 = vector.load %arg9[%swap3A_66, %swap3A_67] : memref<2x128xf32, #tpu.memory_space<vmem>>, vector<2x128xf32>
        tpu.vector_store %arg9[%swap3A_66, %swap3A_67], %concatenate3A {strides = array<i32>} : memref<2x128xf32, #tpu.memory_space<vmem>>, vector<2x128xf32>,
      } else {
      }
      %ne3A = arith.constant 0 : i32
      %ne3A_62 = arith.cmpi ne, %arg0, %ne3A : i32
      %convert_element_type3A_63 = arith.extui %ne3A_62 : i1 to i32
      %cond3A_64 = arith.constant 0 : i32
      %cond3A_65 = arith.cmpi ne, %convert_element_type3A_63, %cond3A_64 : i32
      scf.if %cond3A_65 {
        %get3A_66 = arith.constant 0 : index
        %get3A_67 = arith.constant 0 : index
        %get3A_68 = vector.load %arg9[%get3A_66, %get3A_67] : memref<2x128xf32, #tpu.memory_space<vmem>>, vector<2x128xf32>
        %add3A_69 = arith.addf %get3A_68, %concatenate3A : vector<2x128xf32>
        %swap3A_70 = arith.constant 0 : index
        %swap3A_71 = arith.constant 0 : index
        %swap3A_72 = vector.load %arg9[%swap3A_70, %swap3A_71] : memref<2x128xf32, #tpu.memory_space<vmem>>, vector<2x128xf32>
        tpu.vector_store %arg9[%swap3A_70, %swap3A_71], %add3A_69 {strides = array<i32>} : memref<2x128xf32, #tpu.memory_space<vmem>>, vector<2x128xf32>,
      } else {
      }
    } else {
    }
    %ge3A = arith.constant 5 : i32
    %ge3A_2 = arith.cmpi sge, %arg0, %ge3A : i32
    %convert_element_type3A_3 = arith.extui %ge3A_2 : i1 to i32
    %cond3A_4 = arith.constant 0 : i32
    %cond3A_5 = arith.cmpi ne, %convert_element_type3A_3, %cond3A_4 : i32
    scf.if %cond3A_5 {
      %get3A = arith.constant 0 : index
      %get3A_6 = arith.constant 0 : index
      %get3A_7 = vector.load %arg9[%get3A, %get3A_6] : memref<2x128xf32, #tpu.memory_space<vmem>>, vector<1x128xf32>
      %div3A = arith.constant 1.000000e+04 : f32
      %div3A_8 = vector.broadcast %div3A : f32 to vector<1x128xf32>
      %div3A_9 = arith.divf %get3A_7, %div3A_8 : vector<1x128xf32>
      %get3A_10 = arith.constant 1 : index
      %get3A_11 = arith.constant 0 : index
      %get3A_12 = vector.load %arg9[%get3A_10, %get3A_11] : memref<2x128xf32, #tpu.memory_space<vmem>>, vector<1x128xf32>
      %div3A_13 = arith.constant 1.000000e+04 : f32
      %div3A_14 = vector.broadcast %div3A_13 : f32 to vector<1x128xf32>
      %div3A_15 = arith.divf %get3A_12, %div3A_14 : vector<1x128xf32>
      %mul3A = arith.mulf %div3A_9, %div3A_9 : vector<1x128xf32>
      %sub3A = arith.subf %div3A_15, %mul3A : vector<1x128xf32>
      %get3A_16 = arith.constant 0 : index
      %get3A_17 = arith.constant 0 : index
      %get3A_18 = vector.load %arg4[%get3A_16, %get3A_17] : memref<1x128xf32, #tpu.memory_space<vmem>>, vector<1x128xf32>
      %add3A = arith.constant 9.99999974E-6 : f32
      %add3A_19 = vector.broadcast %add3A : f32 to vector<1x128xf32>
      %add3A_20 = arith.addf %sub3A, %add3A_19 : vector<1x128xf32>
      %rsqrt3A = math.rsqrt %add3A_20 : vector<1x128xf32>
      %mul3A_21 = arith.mulf %get3A_18, %rsqrt3A : vector<1x128xf32>
      %get3A_22 = arith.constant 0 : index
      %get3A_23 = arith.constant 0 : index
      %get3A_24 = vector.load %arg5[%get3A_22, %get3A_23] : memref<1x128xf32, #tpu.memory_space<vmem>>, vector<1x128xf32>
      %mul3A_25 = arith.mulf %div3A_9, %mul3A_21 : vector<1x128xf32>
      %sub3A_26 = arith.subf %get3A_24, %mul3A_25 : vector<1x128xf32>
      %get3A_27 = arith.constant 0 : index
      %get3A_28 = arith.constant 0 : index
      %get3A_29 = arith.constant 0 : index
      %get3A_30 = vector.load %arg2[%get3A_27, %get3A_28, %get3A_29] : memref<2x2x2048xf32, #tpu.memory_space<vmem>>, vector<1x1x2048xf32>
      %get3A_31 = vector.shape_cast %get3A_30 : vector<1x1x2048xf32> to vector<2048xf32>
      %get3A_32 = arith.constant 1 : index
      %get3A_33 = arith.constant 0 : index
      %get3A_34 = arith.constant 0 : index
      %get3A_35 = vector.load %arg2[%get3A_32, %get3A_33, %get3A_34] : memref<2x2x2048xf32, #tpu.memory_space<vmem>>, vector<1x1x2048xf32>
      %get3A_36 = vector.shape_cast %get3A_35 : vector<1x1x2048xf32> to vector<2048xf32>
      %add3A_37 = arith.addf %get3A_31, %get3A_36 : vector<2048xf32>
      %gt3A = arith.constant 0.000000e+00 : f32
      %gt3A_38 = vector.broadcast %gt3A : f32 to vector<2048xf32>
      %gt3A_39 = arith.cmpf ogt, %add3A_37, %gt3A_38 : vector<2048xf32>
      %max3A = arith.constant 1.000000e+00 : f32
      %max3A_40 = vector.broadcast %max3A : f32 to vector<2048xf32>
      %max3A_41 = arith.maximumf %add3A_37, %max3A_40 : vector<2048xf32>
      %rsqrt3A_42 = math.rsqrt %max3A_41 : vector<2048xf32>
      %jit3A = arith.constant 0.000000e+00 : f32
      %broadcast_in_dim3A = vector.broadcast %jit3A : f32 to vector<2048xf32>
      %select_n3A = arith.select %gt3A_39, %rsqrt3A_42, %broadcast_in_dim3A : vector<2048xi1>, vector<2048xf32>
      %reshape3A = vector.shape_cast %select_n3A : vector<2048xf32> to vector<2048x1xf32>
      %sub3A_43 = arith.constant 5 : i32
      %sub3A_44 = arith.subi %arg0, %sub3A_43 : i32
      %mul3A_45 = arith.constant 2048 : i32
      %mul3A_46 = arith.muli %sub3A_44, %mul3A_45 : i32
      %get3A_47 = arith.index_cast %mul3A_46 : i32 to index
      %get3A_48 = arith.constant 0 : index
      %get3A_49 = vector.load %arg8[%get3A_47, %get3A_48] : memref<10240x128xf32, #tpu.memory_space<vmem>>, vector<2048x128xf32>
      %mul3A_50 = vector.broadcast %mul3A_21 : vector<1x128xf32> to vector<2048x128xf32>
      %mul3A_51 = arith.mulf %get3A_49, %mul3A_50 : vector<2048x128xf32>
      %add3A_52 = vector.broadcast %sub3A_26 : vector<1x128xf32> to vector<2048x128xf32>
      %add3A_53 = arith.addf %mul3A_51, %add3A_52 : vector<2048x128xf32>
      %max3A_54 = arith.constant 0.000000e+00 : f32
      %max3A_55 = vector.broadcast %max3A_54 : f32 to vector<2048x128xf32>
      %max3A_56 = arith.maximumf %add3A_53, %max3A_55 : vector<2048x128xf32>
      %mul3A_57 = vector.broadcast %reshape3A : vector<2048x1xf32> to vector<2048x128xf32>
      %mul3A_58 = arith.mulf %max3A_56, %mul3A_57 : vector<2048x128xf32>
      %get3A_59 = arith.constant 0 : index
      %get3A_60 = arith.constant 0 : index
      %get3A_61 = vector.load %arg6[%get3A_59, %get3A_60] : memref<128x128xf32, #tpu.memory_space<vmem>>, vector<128x128xf32>
      %dot_general3A = arith.constant dense<0.000000e+00> : vector<2048x128xf32>
      %dot_general3A_62 = tpu.matmul %mul3A_58, %get3A_61, %dot_general3A {dimension_numbers = #tpu.dot_dimension_numbers<[1], [0], [0], [1], [0, 0, 1, 1], [], []>, transpose_lhs_hint = false} : vector<2048x128xf32>, vector<128x128xf32>, vector<2048x128xf32> -> vector<2048x128xf32>
      %swap3A = arith.constant 0 : index
      %swap3A_63 = arith.constant 0 : index
      %swap3A_64 = vector.load %arg7[%swap3A, %swap3A_63] : memref<2048x128xf32, #tpu.memory_space<vmem>>, vector<2048x128xf32>
      tpu.vector_store %arg7[%swap3A, %swap3A_63], %dot_general3A_62 {strides = array<i32>} : memref<2048x128xf32, #tpu.memory_space<vmem>>, vector<2048x128xf32>,
    } else {
    }
    return
  }
  func.func @transform_0(%arg0: i32) -> (i32, i32, i32) {
    %lt3A = arith.constant 5 : i32
    %lt3A_0 = arith.cmpi slt, %arg0, %lt3A : i32
    %jit3A = arith.constant 4 : i32
    %select_n3A = arith.select %lt3A_0, %arg0, %jit3A : i32
    %c0_i32 = arith.constant 0 : i32
    %c0_i32_1 = arith.constant 0 : i32
    %c0_i32_2 = arith.constant 0 : i32
    return %c0_i32, %select_n3A, %c0_i32_1 : i32, i32, i32
  }
  func.func @transform_1(%arg0: i32) -> (i32, i32, i32) {
    %jit3A = arith.constant 5 : i32
    %eq3A = arith.constant 0 : i32
    %eq3A_0 = arith.cmpi eq, %jit3A, %eq3A : i32
    %jit3A_1 = arith.constant 1 : i32
    %select_n3A = arith.select %eq3A_0, %jit3A_1, %jit3A : i32
    %rem3A = arith.remsi %arg0, %select_n3A : i32
    %ne3A = arith.constant 0 : i32
    %ne3A_2 = arith.cmpi ne, %rem3A, %ne3A : i32
    %lt3A = arith.constant 0 : i32
    %lt3A_3 = arith.cmpi slt, %rem3A, %lt3A : i32
    %lt3A_4 = arith.constant 0 : i32
    %lt3A_5 = arith.cmpi slt, %select_n3A, %lt3A_4 : i32
    %ne3A_6 = arith.xori %lt3A_3, %lt3A_5 : i1
    %and3A = arith.andi %ne3A_6, %ne3A_2 : i1
    %add3A = arith.addi %rem3A, %select_n3A : i32
    %select_n3A_7 = arith.select %and3A, %add3A, %rem3A : i32
    %c0_i32 = arith.constant 0 : i32
    %c0_i32_8 = arith.constant 0 : i32
    %c0_i32_9 = arith.constant 0 : i32
    return %c0_i32, %c0_i32_8, %select_n3A_7 : i32, i32, i32
  }
  func.func @transform_2(%arg0: i32) -> (i32, i32) {
    %c0_i32 = arith.constant 0 : i32
    %c0_i32_0 = arith.constant 0 : i32
    %c0_i32_1 = arith.constant 0 : i32
    return %c0_i32, %c0_i32_0 : i32, i32
  }
  func.func @transform_3(%arg0: i32) -> (i32, i32) {
    %c0_i32 = arith.constant 0 : i32
    %c0_i32_0 = arith.constant 0 : i32
    %c0_i32_1 = arith.constant 0 : i32
    return %c0_i32, %c0_i32_0 : i32, i32
  }
  func.func @transform_4(%arg0: i32) -> (i32, i32) {
    %c0_i32 = arith.constant 0 : i32
    %c0_i32_0 = arith.constant 0 : i32
    %c0_i32_1 = arith.constant 0 : i32
    return %c0_i32, %c0_i32_0 : i32, i32
  }
  func.func @transform_5(%arg0: i32) -> (i32, i32) {
    %c0_i32 = arith.constant 0 : i32
    %c0_i32_0 = arith.constant 0 : i32
    %c0_i32_1 = arith.constant 0 : i32
    return %c0_i32, %c0_i32_0 : i32, i32
  }
  func.func @transform_6(%arg0: i32) -> (i32, i32) {
    %jit3A = arith.constant 5 : i32
    %eq3A = arith.constant 0 : i32
    %eq3A_0 = arith.cmpi eq, %jit3A, %eq3A : i32
    %jit3A_1 = arith.constant 1 : i32
    %select_n3A = arith.select %eq3A_0, %jit3A_1, %jit3A : i32
    %rem3A = arith.remsi %arg0, %select_n3A : i32
    %ne3A = arith.constant 0 : i32
    %ne3A_2 = arith.cmpi ne, %rem3A, %ne3A : i32
    %lt3A = arith.constant 0 : i32
    %lt3A_3 = arith.cmpi slt, %rem3A, %lt3A : i32
    %lt3A_4 = arith.constant 0 : i32
    %lt3A_5 = arith.cmpi slt, %select_n3A, %lt3A_4 : i32
    %ne3A_6 = arith.xori %lt3A_3, %lt3A_5 : i1
    %and3A = arith.andi %ne3A_6, %ne3A_2 : i1
    %add3A = arith.addi %rem3A, %select_n3A : i32
    %select_n3A_7 = arith.select %and3A, %add3A, %rem3A : i32
    %c0_i32 = arith.constant 0 : i32
    %c0_i32_8 = arith.constant 0 : i32
    return %select_n3A_7, %c0_i32 : i32, i32
  }
}

module attributes {stable_mosaic.version = 14 : i64} {
  func.func @body(%arg0: i32, %arg1: memref<2x2048x128xf32, #tpu.memory_space<vmem>>, %arg2: memref<2x2x2048xf32, #tpu.memory_space<vmem>>, %arg3: memref<1x128xf32, #tpu.memory_space<vmem>>, %arg4: memref<2048x128xf32, #tpu.memory_space<vmem>>) attributes {dimension_semantics = [#tpu.dimension_semantics<arbitrary>], iteration_bounds = array<i64: 5>, scalar_prefetch = 0 : i64, scratch_operands = 0 : i64, tpu.core_type = #tpu.core_type<tc>, window_params = [{transform_indices = @transform_0, window_bounds = array<i64: 2, 2048, 128>}, {transform_indices = @transform_1, window_bounds = array<i64: 2, 2, 2048>}, {pipeline_mode = #tpu.pipeline_mode<synchronous>, transform_indices = @transform_2, window_bounds = array<i64: 1, 128>}, {transform_indices = @transform_3, window_bounds = array<i64: 2048, 128>}]} {
    %get3A = arith.constant 0 : index
    %get3A_0 = arith.constant 1 : index
    %get3A_1 = arith.constant 0 : index
    %get3A_2 = vector.load %arg2[%get3A, %get3A_0, %get3A_1] : memref<2x2x2048xf32, #tpu.memory_space<vmem>>, vector<1x1x2048xf32>
    %get3A_3 = vector.shape_cast %get3A_2 : vector<1x1x2048xf32> to vector<2048xf32>
    %get3A_4 = arith.constant 1 : index
    %get3A_5 = arith.constant 1 : index
    %get3A_6 = arith.constant 0 : index
    %get3A_7 = vector.load %arg2[%get3A_4, %get3A_5, %get3A_6] : memref<2x2x2048xf32, #tpu.memory_space<vmem>>, vector<1x1x2048xf32>
    %get3A_8 = vector.shape_cast %get3A_7 : vector<1x1x2048xf32> to vector<2048xf32>
    %add3A = arith.addf %get3A_3, %get3A_8 : vector<2048xf32>
    %gt3A = arith.constant 0.000000e+00 : f32
    %gt3A_9 = vector.broadcast %gt3A : f32 to vector<2048xf32>
    %gt3A_10 = arith.cmpf ogt, %add3A, %gt3A_9 : vector<2048xf32>
    %max3A = arith.constant 1.000000e+00 : f32
    %max3A_11 = vector.broadcast %max3A : f32 to vector<2048xf32>
    %max3A_12 = arith.maximumf %add3A, %max3A_11 : vector<2048xf32>
    %rsqrt3A = math.rsqrt %max3A_12 : vector<2048xf32>
    %jit3A = arith.constant 0.000000e+00 : f32
    %broadcast_in_dim3A = vector.broadcast %jit3A : f32 to vector<2048xf32>
    %select_n3A = arith.select %gt3A_10, %rsqrt3A, %broadcast_in_dim3A : vector<2048xi1>, vector<2048xf32>
    %reshape3A = vector.shape_cast %select_n3A : vector<2048xf32> to vector<2048x1xf32>
    %get3A_13 = arith.constant 0 : index
    %get3A_14 = arith.constant 0 : index
    %get3A_15 = arith.constant 0 : index
    %get3A_16 = vector.load %arg1[%get3A_13, %get3A_14, %get3A_15] : memref<2x2048x128xf32, #tpu.memory_space<vmem>>, vector<1x2048x128xf32>
    %get3A_17 = vector.shape_cast %get3A_16 : vector<1x2048x128xf32> to vector<2048x128xf32>
    %get3A_18 = arith.constant 1 : index
    %get3A_19 = arith.constant 0 : index
    %get3A_20 = arith.constant 0 : index
    %get3A_21 = vector.load %arg1[%get3A_18, %get3A_19, %get3A_20] : memref<2x2048x128xf32, #tpu.memory_space<vmem>>, vector<1x2048x128xf32>
    %get3A_22 = vector.shape_cast %get3A_21 : vector<1x2048x128xf32> to vector<2048x128xf32>
    %add3A_23 = arith.addf %get3A_17, %get3A_22 : vector<2048x128xf32>
    %mul3A = vector.broadcast %reshape3A : vector<2048x1xf32> to vector<2048x128xf32>
    %mul3A_24 = arith.mulf %add3A_23, %mul3A : vector<2048x128xf32>
    %get3A_25 = arith.constant 0 : index
    %get3A_26 = arith.constant 0 : index
    %get3A_27 = vector.load %arg3[%get3A_25, %get3A_26] : memref<1x128xf32, #tpu.memory_space<vmem>>, vector<1x128xf32>
    %add3A_28 = vector.broadcast %get3A_27 : vector<1x128xf32> to vector<2048x128xf32>
    %add3A_29 = arith.addf %mul3A_24, %add3A_28 : vector<2048x128xf32>
    %swap3A = arith.constant 0 : index
    %swap3A_30 = arith.constant 0 : index
    %swap3A_31 = vector.load %arg4[%swap3A, %swap3A_30] : memref<2048x128xf32, #tpu.memory_space<vmem>>, vector<2048x128xf32>
    tpu.vector_store %arg4[%swap3A, %swap3A_30], %add3A_29 {strides = array<i32>} : memref<2048x128xf32, #tpu.memory_space<vmem>>, vector<2048x128xf32>,
    return
  }
  func.func @transform_0(%arg0: i32) -> (i32, i32, i32) {
    %c0_i32 = arith.constant 0 : i32
    %c0_i32_0 = arith.constant 0 : i32
    %c0_i32_1 = arith.constant 0 : i32
    return %c0_i32, %arg0, %c0_i32_0 : i32, i32, i32
  }
  func.func @transform_1(%arg0: i32) -> (i32, i32, i32) {
    %c0_i32 = arith.constant 0 : i32
    %c0_i32_0 = arith.constant 0 : i32
    %c0_i32_1 = arith.constant 0 : i32
    return %c0_i32, %c0_i32_0, %arg0 : i32, i32, i32
  }
  func.func @transform_2(%arg0: i32) -> (i32, i32) {
    %c0_i32 = arith.constant 0 : i32
    %c0_i32_0 = arith.constant 0 : i32
    %c0_i32_1 = arith.constant 0 : i32
    return %c0_i32, %c0_i32_0 : i32, i32
  }
  func.func @transform_3(%arg0: i32) -> (i32, i32) {
    %c0_i32 = arith.constant 0 : i32
    %c0_i32_0 = arith.constant 0 : i32
    return %arg0, %c0_i32 : i32, i32
  }
}

</mosaic_0001>

<sc_bundles>
// kernel: kernel.12.cloned.1.call-start
scs
__scs_entry_jumppad:
0x0: {  	(pc) =	sbr.rel $0x88, $3  }
0x1: {  	(tag) =	ssettag $0x0;
	lr =	simm.s32 $0x1  }
0x2: {  	[smem:$0x3F99] =	sst lr;
	_ =	strace $0xD0000000  }
0x3: {  	_ = 	snop  }
0x4: {  	_ = 	snop  }
0x5: {  	_ = 	snop  }
0x6: {  	_ = 	snop  }
0x7: {  	_ = 	snop  }
__scs_overlays_trampoline_lowered:
0x8: {  	[smem:$0x3FA8] =	sst s0  }
0x9: {  	[smem:$0x3FA9] =	sst s1  }
0xa: {  	[smem:$0x3FAA] =	sst s2  }
0xb: {  	[smem:$0x3FAB] =	sst s3  }
0xc: {  	[smem:$0x3FAC] =	sst s4  }
0xd: {  	[smem:$0x3FAD] =	sst s5  }
0xe: {  	[smem:$0x3FAE] =	sst s6  }
0xf: {  	[smem:$0x3FAF] =	sst s7  }
0x10: {  	[smem:$0x3FB0] =	sst s8  }
0x11: {  	[smem:$0x3FB1] =	sst s9;
	s0 =	simm.s32 @!p0 $0x0  }
0x12: {  	s1 =	sld [smem:$0x3F97];
	s0 =	simm.s32 @p0 $0x1  }
0x13: {  	[smem:$0x3FB2] =	sst s0;
	s0 =	simm.s32 @!p1 $0x0  }
0x14: {  	s2 =	sld [smem:$0x3F96];
	s0 =	simm.s32 @p1 $0x1  }
0x15: {  	[smem:$0x3FB3] =	sst s0;
	s0 =	simm.s32 @!p2 $0x0  }
0x16: {  	s3 =	sld [smem:$0x3FDB];
	s0 =	simm.s32 @p2 $0x1  }
0x17: {  	s4 =	simm.s32 $0x1BF5;
	[smem:$0x3FB5] =	sst s0  }
0x18: {  	s0 =	sld [smem:$0x3F98];
	_ =	swait.ge [sflag:s4], $0x0  }
0x19: {  	s7 =	sld [smem:$0x3F99]  }
0x1a: {  	s8 =	sadd.s32 $0xFFFFE003, lr  }
0x1b: {  	s9 =	sadd.s32 $0xFFFFFEF7, lr;
	s5 =	simm.s32 $0xFFFFFFFF;
	p2 =	slt.u32 s8, $0xFFFFF086  }
0x1c: {  	p1 =	slt.u32 s9, $0xF7A;
	s5 =	simm.s32 @!p2 $0x0  }
0x1d: {  	s5 =	simm.s32 @p1 $0x1;
	p0 =	seq.s32 s7, s2  }
0x1e: {  	s7 =	smul.u32 @!p0 $0xF7A, s2;
	p2 =	seq.s32 @!p0 s5, $0x0  }
0x1f: {  	s9 =	smul.u32 $0xF7A, s1;
	s8 =	simm.s32 @!p0 $0x1BF5;
	p2 =	por !p2, p0  }
0x20: {  	[sflag:s8] =	ssyncset.s32 @!p0 $0xFFFFF086;
	s6 =	sadd.s32 @!p0 s3, s7;
	s7 =	simm.s32 @!p0 $0x108  }
0x21: {  	s3 =	sadd.s32 s3, s9;
	s6 =	sadd.s32 @!p0 $0x88, s6;
	s7 =	simm.s32 @p2 $0x1082  }
0x22: {  	[simem:s7], [sflag:s8] =	dma.local @!p0 [hbm:s6], $0xF7A  }
0x23: {  	s9 =	sor.u32 $0xD0000000, s2;
	s6 =	simm.s32 $0x108;
	_ =	swait.ge @!p0 [sflag:s8], $0x0  }
0x24: {  	s3 =	sadd.s32 $0x88, s3;
	s6 =	simm.s32 @!p1 $0x1082;
	[sflag:s4] =	ssyncset.s32 $0xFFFFF086  }
0x25: {  	[simem:s6], [sflag:s4] =	dma.local [hbm:s3], $0xF7A  }
0x26: {  	[smem:$0x3F99] =	sst s1;
	(tag) =	ssettag s2;
	_ =	strace s9  }
0x27: {  	s1 =	sld [smem:$0x3FA9]  }
0x28: {  	s2 =	sld [smem:$0x3FAA]  }
0x29: {  	s4 =	sld [smem:$0x3FAC]  }
0x2a: {  	p0 =	seq.s32 s5, $0x0;
	s5 =	sld [smem:$0x3FAD]  }
0x2b: {  	s6 =	sld [smem:$0x3FAE]  }
0x2c: {  	s7 =	sld [smem:$0x3FAF]  }
0x2d: {  	s3 =	simm.s32 $0x108;
	s8 =	sld [smem:$0x3FB0]  }
0x2e: {  	s3 =	simm.s32 @!p0 $0x1082;
	s9 =	sld [smem:$0x3FB1]  }
0x2f: {  	lr =	sadd.s32 s0, s3;
	s0 =	sld [smem:$0x3FA8]  }
0x30: {  	s3 =	sld [smem:$0x3FAB]  }
0x31: {  	[smem:$0x3FB4] =	sst s10  }
0x32: {  	s10 =	sld [smem:$0x3FB2];
	_ =	sdelay $0x3  }
0x33: {  	p0 =	seq.s32 s10, $0x1;
	s10 =	sld [smem:$0x3FB4];
	_ =	sdelay $0x3  }
0x34: {  	[smem:$0x3FB4] =	sst s10  }
0x35: {  	s10 =	sld [smem:$0x3FB3];
	_ =	sdelay $0x3  }
0x36: {  	p1 =	seq.s32 s10, $0x1;
	s10 =	sld [smem:$0x3FB4];
	_ =	sdelay $0x3  }
0x37: {  	[smem:$0x3FB4] =	sst s10  }
0x38: {  	s10 =	sld [smem:$0x3FB5]  }
0x39: {  	_ = 	snop;
	(pc) =	sbr.ind lr, $3  }
0x3a: {  	_ = 	snop  }
0x3b: {  	_ = 	snop  }
0x3c: {  	p2 =	seq.s32 s10, $0x1;
	s10 =	sld [smem:$0x3FB4]  }
0x3d: {  	_ =	shalt  }
0x3e: {  	_ =	shalt  }
0x3f: {  	_ =	shalt  }
0x40: {  	_ =	shalt  }
0x41: {  	_ =	shalt  }
0x42: {  	_ =	shalt  }
0x43: {  	_ =	shalt  }
0x44: {  	_ =	shalt  }
0x45: {  	_ =	shalt  }
0x46: {  	_ =	shalt  }
0x47: {  	_ =	shalt  }
0x48: {  	_ =	shalt  }
0x49: {  	_ =	shalt  }
0x4a: {  	_ =	shalt  }
0x4b: {  	_ =	shalt  }
0x4c: {  	_ =	shalt  }
0x4d: {  	_ =	shalt  }
0x4e: {  	_ =	shalt  }
0x4f: {  	_ =	shalt  }
0x50: {  	_ =	shalt  }
0x51: {  	_ =	shalt  }
0x52: {  	_ =	shalt  }
0x53: {  	_ =	shalt  }
0x54: {  	_ =	shalt  }
0x55: {  	_ =	shalt  }
0x56: {  	_ =	shalt  }
0x57: {  	_ =	shalt  }
0x58: {  	_ =	shalt  }
0x59: {  	_ =	shalt  }
0x5a: {  	_ =	shalt  }
0x5b: {  	_ =	shalt  }
0x5c: {  	_ =	shalt  }
0x5d: {  	_ =	shalt  }
0x5e: {  	_ =	shalt  }
0x5f: {  	_ =	shalt  }
0x60: {  	_ =	shalt  }
0x61: {  	_ =	shalt  }
0x62: {  	_ =	shalt  }
0x63: {  	_ =	shalt  }
0x64: {  	_ =	shalt  }
0x65: {  	_ =	shalt  }
0x66: {  	_ =	shalt  }
0x67: {  	_ =	shalt  }
0x68: {  	_ =	shalt  }
0x69: {  	_ =	shalt  }
0x6a: {  	_ =	shalt  }
0x6b: {  	_ =	shalt  }
0x6c: {  	_ =	shalt  }
0x6d: {  	_ =	shalt  }
0x6e: {  	_ =	shalt  }
0x6f: {  	_ =	shalt  }
0x70: {  	_ =	shalt  }
0x71: {  	_ =	shalt  }
0x72: {  	_ =	shalt  }
0x73: {  	_ =	shalt  }
0x74: {  	_ =	shalt  }
0x75: {  	_ =	shalt  }
0x76: {  	_ =	shalt  }
0x77: {  	_ =	shalt  }
0x78: {  	_ =	shalt  }
0x79: {  	_ =	shalt  }
0x7a: {  	_ =	shalt  }
0x7b: {  	_ =	shalt  }
0x7c: {  	_ =	shalt  }
0x7d: {  	_ =	shalt  }
0x7e: {  	_ =	shalt  }
0x7f: {  	_ =	shalt  }
0x80: {  	_ =	shalt  }
0x81: {  	_ =	shalt  }
0x82: {  	_ =	shalt  }
0x83: {  	_ =	shalt  }
0x84: {  	_ =	shalt  }
0x85: {  	_ =	shalt  }
0x86: {  	_ =	shalt  }
0x87: {  	_ =	shalt  }
.Lfunc_end0:
.L_simem_size_0:
called_computation.1_lowered:
.L_overlay_start_0:
0x88: {  	s2 =	sld [smem:$0x3FD9]  }
0x89: {  	s3 =	sld [smem:$0x3FFE];
	_ =	sdelay $0x1  }
0x8a: {  	s1 =	srdreg.scid  }
0x8b: {  	s0 =	sand.u32 $0x1, s1  }
0x8c: {  	s17 =	sshll.u32 s0, $0xA;
	s2 =	sadd.s32 s3, s2  }
0x8d: {  	s2 =	sadd.s32 s2, s17  }
0x8e: {  	[smem:$0x3FC0] =	sst s2  }
0x8f: {  	_ = 	snop  }
0x90: {  	s2 =	sld [smem:$0x3FD0];
	(tm) =	ssettm $0x1  }
0x91: {  	s18 =	sld [smem:$0x3FFB];
	_ =	sdelay $0x3  }
0x92: {  	_ =	strace s18  }
0x93: {  	s3 =	sld [smem:$0x3FFC];
	_ =	sdelay $0x3  }
0x94: {  	_ =	strace s3  }
0x95: {  	s3 =	sld [smem:$0x3FFD];
	_ =	sdelay $0x3  }
0x96: {  	_ =	strace s3  }
0x97: {  	_ =	strace $0x8FFFFFFF  }
0x98: {  	s19 =	sld [smem:$0x3FDB];
	_ =	sdelay $0x1  }
0x99: {  	s4 =	simm.s32 $_scs_section_size  }
0x9a: {  	s5 =	simm.s32 $_size__tile_overlayer_lowered;
	s6 =	simm.s32 $_tile_overlayer_lowered  }
0x9b: {  	s22 =	simm.s32 $0x1BFF;
	s21 =	sshll.u32 s6, $0x1;
	s3 =	sadd.s32 s4, s19  }
0x9c: {  	s7 =	simm.s32 $0x0;
	s20 =	sshll.u32 s5, $0x1;
	s5 =	sadd.s32 s21, s3  }
0x9d: {  	[timem:s7], [sflag:s22] =	dma.local [hbm:s5], s20  }
0x9e: {  	_ =	swait.ge [sflag:s22], s20  }
0x9f: {  	s4 =	ssub.s32 $0x0, s20;
	[sflag:s22] =	ssyncset.done $0x0  }
0xa0: {  	[sflag:s22] =	ssyncadd.s32 s4;
	_ =	sdelay $0x1  }
0xa1: {  	s23 =	simm.s32 $0x1B8B  }
0xa2: {  	_ =	swait.ge [sflag:s23], $0x1  }
0xa3: {  	[sflag:s23] =	ssyncset.done $0x0  }
0xa4: {  	s25 =	simm.s32 $0x1B8E;
	s24 =	sld [smem:$0x3FFE];
	[sflag:s23] =	ssyncadd.s32 $0xFFFFFFFF  }
0xa5: {  	s26 =	simm.s32 $execute0_lowered;
	[smem:$0x3FD2] =	sst s25  }
0xa6: {  	s5 =	sshll.u32 s26, $0x1;
	_ =	strace $0x80000049;
	[dreg:$0x1] =	wrdreg $0xFFFFFFFF  }
0xa7: {  	s28 =	simm.s32 $_size_execute0_lowered;
	s3 =	sadd.s32 s3, s5;
	[dreg:$0x0] =	wrdreg $0x0  }
0xa8: {  	s5 =	sshll.u32 s28, $0x1;
	[dreg:$0x2] =	wrdreg s3  }
0xa9: {  	[dreg:$0x3] =	wrdreg s5  }
0xaa: {  	[dreg:$0x4] =	wrdreg $0xC0  }
0xab: {  	_ =	task [dreg:s7], $0x5FFFF  }
0xac: {  	[dreg:$0x1] =	wrdreg $0xFFFFFFFF  }
0xad: {  	[dreg:$0x0] =	wrdreg $0x60  }
0xae: {  	[dreg:$0x2] =	wrdreg s24  }
0xaf: {  	[dreg:$0x3] =	wrdreg s2  }
0xb0: {  	[dreg:$0x4] =	wrdreg $0xB8000  }
0xb1: {  	[dreg:$0x5] =	wrdreg $0x9  }
0xb2: {  	_ =	task.clear_ibuf [dreg:s7], $0x6FFFF;
	_ =	strace $0x90000049  }
0xb3: {  	s29 =	simm.s32 $0x9;
	_ =	strace $0x8000004B  }
0xb4: {  	_ =	swait.ge [sflag:s29], $0x1  }
0xb5: {  	[sflag:s29] =	ssyncadd.s32 $0xFFFFFFFF  }
0xb6: {  	_ =	strace $0x9000004B  }
0xb7: {  	_ =	sfence  }
0xb8: {  	s30 =	sld [smem:$0x0];
	_ =	sdelay $0x2  }
0xb9: {  	s31 =	sshll.u32 s1, $0xD;
	s1 =	sshrl.u32 s1, $0x2  }
0xba: {  	s3 =	sand.u32 $0x4000, s31;
	s1 =	sadd.s32 s1, s30  }
0xbb: {  	s0 =	sor.u32 s3, s0;
	s1 =	sshll.u32 s1, $0x11  }
0xbc: {  	s0 =	sor.u32 s1, s0  }
0xbd: {  	s0 =	sadd.s32 $0x8F2B, s0  }
0xbe: {  	[sflag:s0] =	ssyncadd.remote.s32 $0x1  }
0xbf: {  	_ =	sfence.sel $0xFFFF  }
0xc0: {  	[dreg:$0x0] =	wrdreg $0xFFFFFFFF;
	(pc) =	sbr.abs _section_cstart, $3  }
0xc1: {  	[dreg:$0x1] =	wrdreg $0xFFFFFFFF  }
0xc2: {  	_ =	task.clear_ibuf [dreg:s7], $0x2FFFF;
	_ =	strace $0x9FFFFFFF  }
0xc3: {  	(tm) =	ssettm $0x7FFFFFFF  }
tec
execute0_lowered:
.L_overlay_start_1:
0x0: {  	(tag) =	ssettag $0x1  }
0x1: {  	s7 =	rddreg [dreg:$0x0]  }
0x2: {  	s2 =	rddreg [dreg:$0x1];
	s0 =	srdreg.scid  }
0x3: {  	s3 =	rddreg [dreg:$0x2];
	s1 =	stileid.u32;
	s4 =	simm.s32 $0x0  }
0x4: {  	s14 =	simm.s32 $0x2000;
	s17 =	simm.s32 $0x50;
	s18 =	simm.s32 $0x4000  }
0x5: {  	s19 =	simm.s32 $0x6800;
	s20 =	simm.s32 $0x1;
	s6 =	smul.u32 $0x14000, s1  }
0x6: {  	s21 =	simm.s32 $0x9000;
	s22 =	simm.s32 $0x2;
	s11 =	smul.u32 $0x5000, s1  }
0x7: {  	s23 =	simm.s32 $0x3;
	s8 =	sand.u32 $0x1, s0;
	s29 =	smul.u32 $0x50000, s1  }
0x8: {  	s24 =	simm.s32 $0x0;
	s0 =	rddreg [dreg:$0x3];
	s5 =	smul.u32 $0x140000, s8  }
0x9: {  	[smem:$0x7FF] =	sst s4;
	s15 =	sshll.u32 s1, $0x6;
	s9 =	smul.u32 $0x50000, s8  }
0xa: {  	_ =	strace $0x8000004A;
	s8 =	ssub.s32 $0x2, s8;
	s15 =	sor.u32 $0x1C05, s15  }
0xb: {  	s30 =	sshrl.u32 s8, $0x1;
	s10 =	sadd.s32 s6, s5;
	s5 =	sadd.s32 $0x2AA00, s7  }
0xc: {  	s6 =	sadd.s32 $0x2A00, s7;
	s12 =	sadd.s32 s11, s9;
	s13 =	ssub.s32 s8, s30  }
0xd: {  	s9 =	sshrl.u32 s29, $0x2;
	s10 =	sshrl.u32 s10, $0x3;
	s11 =	sshrl.u32 s12, $0x3  }
0xe: {  	s16 =	sadd.s32 s9, s3;
	s31 =	sadd.s32 $0xA1000, s12;
	s12 =	sadd.s32 $0x1000, s12  }
0xf: {  	s10 =	sadd.s32 s10, s7;
	s7 =	sadd.s32 s6, s11;
	s11 =	sshrl.u32 s31, $0x3  }
0x10: {  	s16 =	sshrl.u32 s16, $0x3;
	s8 =	sadd.s32 $0x14000, s7;
	s9 =	sadd.s32 $0x52A00, s10  }
0x11: {  	s10 =	smax.u32 s13, $0x1;
	s11 =	sadd.s32 s11, s6;
	s13 =	simm.s32 $0x5  }
.LBB2_1:
0x12: {  	[tilespmem:s4], [sflag:$0x5] =	stream.linear.gather [hbm4b:s7+s4], $0xC80, $0x38;
	[tilespmem:$0x1F800] =	vst v63  }
0x13: {  	_ =	swait.ge [sflag:s13], $0xC80  }
0x14: {  	[sflag:s13] =	ssyncset.done $0x0  }
0x15: {  	[sflag:s13] =	ssyncadd.s32 $0xFFFFF380  }
0x16: {  	[tilespmem:s14], [sflag:$0x5] =	stream.linear.gather [hbm4b:s8+s4], $0xC80, $0x38;
	[tilespmem:$0x1F800] =	vst v63  }
0x17: {  	_ =	swait.ge [sflag:s13], $0xC80  }
0x18: {  	[sflag:s13] =	ssyncset.done $0x0  }
0x19: {  	[sflag:s13] =	ssyncadd.s32 $0xFFFFF380  }
0x1a: {  	[spmem:s16], [sflag:s15] =	dma.local [hbm:s2], $0x2800  }
0x1b: {  	_ =	swait.ge [sflag:s13], $0x2800  }
0x1c: {  	[sflag:s13] =	ssyncset.done $0x0  }
0x1d: {  	[sflag:s13] =	ssyncadd.s32 $0xFFFFD800  }
0x1e: {  	s25 =	smov.u32 s11;
	s26 =	simm.s32 $0x0;
	[bflag:$0x0] =	sbarrier.arrive $0xFFFF  }
.LBB2_2:
0x1f: {  	p0 =	seq.s32 s26, $0x4000  }
0x20: {  	s28 =	sadd.s32 @!p0 s26, s12  }
0x21: {  	s29 =	sxor.u32 @!p0 $0xFFFFFFFF, s26;
	s28 =	sshrl.u32 @!p0 s28, $0x3  }
0x22: {  	s30 =	simm.s32 @!p0 $0x0;
	s29 =	sand.u32 @!p0 $0x1000, s29;
	s28 =	sadd.s32 @!p0 s6, s28  }
0x23: {  	[tilespmem:s29], [sflag:$0x4] =	stream.linear.gather @!p0 [hbm4b:s28+s30], $0xC80, $0x38;
	[tilespmem:$0x1F800] =	vst v63  }
0x24: {  	s28 =	sor.u32 @!p0 $0x2000, s29  }
0x25: {  	[tilespmem:s28], [sflag:$0x4] =	stream.linear.gather @!p0 [hbm4b:s25+s30], $0xC80, $0x38;
	[tilespmem:$0x1F800] =	vst v63  }
0x26: {  	s28 =	sand.u32 $0x1000, s26  }
0x27: {  	[tilespmem:s18], [sflag:$0x1] =	stream.indirect.gather [hbm4b:s5+s17], $0x80, s28, s17, $0xb8;
	[tilespmem:$0x1F800] =	vst v63  }
0x28: {  	s30 =	sor.u32 $0x80, s28  }
0x29: {  	[tilespmem:s19], [sflag:$0x2] =	stream.indirect.gather [hbm4b:s5+s17], $0x80, s30, s17, $0xb8;
	[tilespmem:$0x1F800] =	vst v63  }
0x2a: {  	_ =	swait.ge [sflag:s20], $0x2800  }
0x2b: {  	[sflag:s20] =	ssyncset.done $0x0  }
0x2c: {  	s31 =	sor.u32 $0x2000, s28;
	[sflag:s20] =	ssyncadd.s32 $0xFFFFD800  }
0x2d: {  	[spmem:s3] =	stream.indirect.scatter.add.f32 [tilespmem:s18], [sflag:$0x5], $0x80, s31, s17, $0xb8;
	[tilespmem:$0x1F800] =	vst v63  }
0x2e: {  	_ =	swait.ge [sflag:s13], $0x2800  }
0x2f: {  	[sflag:s13] =	ssyncset.done $0x0  }
0x30: {  	s30 =	sor.u32 $0x100, s28;
	[sflag:s13] =	ssyncadd.s32 $0xFFFFD800  }
0x31: {  	[tilespmem:s21], [sflag:$0x3] =	stream.indirect.gather [hbm4b:s5+s17], $0x80, s30, s17, $0xb8;
	[tilespmem:$0x1F800] =	vst v63  }
0x32: {  	_ =	swait.ge [sflag:s22], $0x2800  }
0x33: {  	[sflag:s22] =	ssyncset.done $0x0  }
0x34: {  	s31 =	sor.u32 $0x2080, s28;
	[sflag:s22] =	ssyncadd.s32 $0xFFFFD800  }
0x35: {  	[spmem:s3] =	stream.indirect.scatter.add.f32 [tilespmem:s19], [sflag:$0x5], $0x80, s31, s17, $0xb8;
	[tilespmem:$0x1F800] =	vst v63  }
0x36: {  	_ =	swait.ge [sflag:s13], $0x2800  }
0x37: {  	[sflag:s13] =	ssyncset.done $0x0  }
0x38: {  	s30 =	sor.u32 $0x180, s28;
	[sflag:s13] =	ssyncadd.s32 $0xFFFFD800  }
0x39: {  	[tilespmem:s18], [sflag:$0x1] =	stream.indirect.gather [hbm4b:s5+s17], $0x80, s30, s17, $0xb8;
	[tilespmem:$0x1F800] =	vst v63  }
0x3a: {  	_ =	swait.ge [sflag:s23], $0x2800  }
0x3b: {  	[sflag:s23] =	ssyncset.done $0x0  }
0x3c: {  	s31 =	sor.u32 $0x2100, s28;
	[sflag:s23] =	ssyncadd.s32 $0xFFFFD800  }
0x3d: {  	[spmem:s3] =	stream.indirect.scatter.add.f32 [tilespmem:s21], [sflag:$0x5], $0x80, s31, s17, $0xb8;
	[tilespmem:$0x1F800] =	vst v63  }
0x3e: {  	_ =	swait.ge [sflag:s13], $0x2800  }
0x3f: {  	[sflag:s13] =	ssyncset.done $0x0  }
0x40: {  	s30 =	sor.u32 $0x200, s28;
	[sflag:s13] =	ssyncadd.s32 $0xFFFFD800  }
0x41: {  	[tilespmem:s19], [sflag:$0x2] =	stream.indirect.gather [hbm4b:s5+s17], $0x80, s30, s17, $0xb8;
	[tilespmem:$0x1F800] =	vst v63  }
0x42: {  	_ =	swait.ge [sflag:s20], $0x2800  }
0x43: {  	[sflag:s20] =	ssyncset.done $0x0  }
0x44: {  	s31 =	sor.u32 $0x2180, s28;
	[sflag:s20] =	ssyncadd.s32 $0xFFFFD800  }
0x45: {  	[spmem:s3] =	stream.indirect.scatter.add.f32 [tilespmem:s18], [sflag:$0x5], $0x80, s31, s17, $0xb8;
	[tilespmem:$0x1F800] =	vst v63  }
0x46: {  	_ =	swait.ge [sflag:s13], $0x2800  }
0x47: {  	[sflag:s13] =	ssyncset.done $0x0  }
0x48: {  	s30 =	sor.u32 $0x280, s28;
	[sflag:s13] =	ssyncadd.s32 $0xFFFFD800  }
0x49: {  	[tilespmem:s21], [sflag:$0x3] =	stream.indirect.gather [hbm4b:s5+s17], $0x80, s30, s17, $0xb8;
	[tilespmem:$0x1F800] =	vst v63  }
0x4a: {  	_ =	swait.ge [sflag:s22], $0x2800  }
0x4b: {  	[sflag:s22] =	ssyncset.done $0x0  }
0x4c: {  	s31 =	sor.u32 $0x2200, s28;
	[sflag:s22] =	ssyncadd.s32 $0xFFFFD800  }
0x4d: {  	[spmem:s3] =	stream.indirect.scatter.add.f32 [tilespmem:s19], [sflag:$0x5], $0x80, s31, s17, $0xb8;
	[tilespmem:$0x1F800] =	vst v63  }
0x4e: {  	_ =	swait.ge [sflag:s13], $0x2800  }
0x4f: {  	[sflag:s13] =	ssyncset.done $0x0  }
0x50: {  	s30 =	sor.u32 $0x300, s28;
	[sflag:s13] =	ssyncadd.s32 $0xFFFFD800  }
0x51: {  	[tilespmem:s18], [sflag:$0x1] =	stream.indirect.gather [hbm4b:s5+s17], $0x80, s30, s17, $0xb8;
	[tilespmem:$0x1F800] =	vst v63  }
0x52: {  	_ =	swait.ge [sflag:s23], $0x2800  }
0x53: {  	[sflag:s23] =	ssyncset.done $0x0  }
0x54: {  	s31 =	sor.u32 $0x2280, s28;
	[sflag:s23] =	ssyncadd.s32 $0xFFFFD800  }
0x55: {  	[spmem:s3] =	stream.indirect.scatter.add.f32 [tilespmem:s21], [sflag:$0x5], $0x80, s31, s17, $0xb8;
	[tilespmem:$0x1F800] =	vst v63  }
0x56: {  	_ =	swait.ge [sflag:s13], $0x2800  }
0x57: {  	[sflag:s13] =	ssyncset.done $0x0  }
0x58: {  	s30 =	sor.u32 $0x380, s28;
	[sflag:s13] =	ssyncadd.s32 $0xFFFFD800  }
0x59: {  	[tilespmem:s19], [sflag:$0x2] =	stream.indirect.gather [hbm4b:s5+s17], $0x80, s30, s17, $0xb8;
	[tilespmem:$0x1F800] =	vst v63  }
0x5a: {  	_ =	swait.ge [sflag:s20], $0x2800  }
0x5b: {  	[sflag:s20] =	ssyncset.done $0x0  }
0x5c: {  	s31 =	sor.u32 $0x2300, s28;
	[sflag:s20] =	ssyncadd.s32 $0xFFFFD800  }
0x5d: {  	[spmem:s3] =	stream.indirect.scatter.add.f32 [tilespmem:s18], [sflag:$0x5], $0x80, s31, s17, $0xb8;
	[tilespmem:$0x1F800] =	vst v63  }
0x5e: {  	_ =	swait.ge [sflag:s13], $0x2800  }
0x5f: {  	[sflag:s13] =	ssyncset.done $0x0  }
0x60: {  	s30 =	sor.u32 $0x400, s28;
	[sflag:s13] =	ssyncadd.s32 $0xFFFFD800  }
0x61: {  	[tilespmem:s21], [sflag:$0x3] =	stream.indirect.gather [hbm4b:s5+s17], $0x80, s30, s17, $0xb8;
	[tilespmem:$0x1F800] =	vst v63  }
0x62: {  	_ =	swait.ge [sflag:s22], $0x2800  }
0x63: {  	[sflag:s22] =	ssyncset.done $0x0  }
0x64: {  	s31 =	sor.u32 $0x2380, s28;
	[sflag:s22] =	ssyncadd.s32 $0xFFFFD800  }
0x65: {  	[spmem:s3] =	stream.indirect.scatter.add.f32 [tilespmem:s19], [sflag:$0x5], $0x80, s31, s17, $0xb8;
	[tilespmem:$0x1F800] =	vst v63  }
0x66: {  	_ =	swait.ge [sflag:s13], $0x2800  }
0x67: {  	[sflag:s13] =	ssyncset.done $0x0  }
0x68: {  	s30 =	sor.u32 $0x480, s28;
	[sflag:s13] =	ssyncadd.s32 $0xFFFFD800  }
0x69: {  	[tilespmem:s18], [sflag:$0x1] =	stream.indirect.gather [hbm4b:s5+s17], $0x80, s30, s17, $0xb8;
	[tilespmem:$0x1F800] =	vst v63  }
0x6a: {  	_ =	swait.ge [sflag:s23], $0x2800  }
0x6b: {  	[sflag:s23] =	ssyncset.done $0x0  }
0x6c: {  	s31 =	sor.u32 $0x2400, s28;
	[sflag:s23] =	ssyncadd.s32 $0xFFFFD800  }
0x6d: {  	[spmem:s3] =	stream.indirect.scatter.add.f32 [tilespmem:s21], [sflag:$0x5], $0x80, s31, s17, $0xb8;
	[tilespmem:$0x1F800] =	vst v63  }
0x6e: {  	_ =	swait.ge [sflag:s13], $0x2800  }
0x6f: {  	[sflag:s13] =	ssyncset.done $0x0  }
0x70: {  	s30 =	sor.u32 $0x500, s28;
	[sflag:s13] =	ssyncadd.s32 $0xFFFFD800  }
0x71: {  	[tilespmem:s19], [sflag:$0x2] =	stream.indirect.gather [hbm4b:s5+s17], $0x80, s30, s17, $0xb8;
	[tilespmem:$0x1F800] =	vst v63  }
0x72: {  	_ =	swait.ge [sflag:s20], $0x2800  }
0x73: {  	[sflag:s20] =	ssyncset.done $0x0  }
0x74: {  	s31 =	sor.u32 $0x2480, s28;
	[sflag:s20] =	ssyncadd.s32 $0xFFFFD800  }
0x75: {  	[spmem:s3] =	stream.indirect.scatter.add.f32 [tilespmem:s18], [sflag:$0x5], $0x80, s31, s17, $0xb8;
	[tilespmem:$0x1F800] =	vst v63  }
0x76: {  	_ =	swait.ge [sflag:s13], $0x2800  }
0x77: {  	[sflag:s13] =	ssyncset.done $0x0  }
0x78: {  	s30 =	sor.u32 $0x580, s28;
	[sflag:s13] =	ssyncadd.s32 $0xFFFFD800  }
0x79: {  	[tilespmem:s21], [sflag:$0x3] =	stream.indirect.gather [hbm4b:s5+s17], $0x80, s30, s17, $0xb8;
	[tilespmem:$0x1F800] =	vst v63  }
0x7a: {  	_ =	swait.ge [sflag:s22], $0x2800  }
0x7b: {  	[sflag:s22] =	ssyncset.done $0x0  }
0x7c: {  	s31 =	sor.u32 $0x2500, s28;
	[sflag:s22] =	ssyncadd.s32 $0xFFFFD800  }
0x7d: {  	[spmem:s3] =	stream.indirect.scatter.add.f32 [tilespmem:s19], [sflag:$0x5], $0x80, s31, s17, $0xb8;
	[tilespmem:$0x1F800] =	vst v63  }
0x7e: {  	_ =	swait.ge [sflag:s13], $0x2800  }
0x7f: {  	[sflag:s13] =	ssyncset.done $0x0  }
0x80: {  	s30 =	sor.u32 $0x600, s28;
	[sflag:s13] =	ssyncadd.s32 $0xFFFFD800  }
0x81: {  	[tilespmem:s18], [sflag:$0x1] =	stream.indirect.gather [hbm4b:s5+s17], $0x80, s30, s17, $0xb8;
	[tilespmem:$0x1F800] =	vst v63  }
0x82: {  	_ =	swait.ge [sflag:s23], $0x2800  }
0x83: {  	[sflag:s23] =	ssyncset.done $0x0  }
0x84: {  	s31 =	sor.u32 $0x2580, s28;
	[sflag:s23] =	ssyncadd.s32 $0xFFFFD800  }
0x85: {  	[spmem:s3] =	stream.indirect.scatter.add.f32 [tilespmem:s21], [sflag:$0x5], $0x80, s31, s17, $0xb8;
	[tilespmem:$0x1F800] =	vst v63  }
0x86: {  	_ =	swait.ge [sflag:s13], $0x2800  }
0x87: {  	[sflag:s13] =	ssyncset.done $0x0  }
0x88: {  	s30 =	sor.u32 $0x680, s28;
	[sflag:s13] =	ssyncadd.s32 $0xFFFFD800  }
0x89: {  	[tilespmem:s19], [sflag:$0x2] =	stream.indirect.gather [hbm4b:s5+s17], $0x80, s30, s17, $0xb8;
	[tilespmem:$0x1F800] =	vst v63  }
0x8a: {  	_ =	swait.ge [sflag:s20], $0x2800  }
0x8b: {  	[sflag:s20] =	ssyncset.done $0x0  }
0x8c: {  	s31 =	sor.u32 $0x2600, s28;
	[sflag:s20] =	ssyncadd.s32 $0xFFFFD800  }
0x8d: {  	[spmem:s3] =	stream.indirect.scatter.add.f32 [tilespmem:s18], [sflag:$0x5], $0x80, s31, s17, $0xb8;
	[tilespmem:$0x1F800] =	vst v63  }
0x8e: {  	_ =	swait.ge [sflag:s13], $0x2800  }
0x8f: {  	[sflag:s13] =	ssyncset.done $0x0  }
0x90: {  	s30 =	sor.u32 $0x700, s28;
	[sflag:s13] =	ssyncadd.s32 $0xFFFFD800  }
0x91: {  	[tilespmem:s21], [sflag:$0x3] =	stream.indirect.gather [hbm4b:s5+s17], $0x80, s30, s17, $0xb8;
	[tilespmem:$0x1F800] =	vst v63  }
0x92: {  	_ =	swait.ge [sflag:s22], $0x2800  }
0x93: {  	[sflag:s22] =	ssyncset.done $0x0  }
0x94: {  	s31 =	sor.u32 $0x2680, s28;
	[sflag:s22] =	ssyncadd.s32 $0xFFFFD800  }
0x95: {  	[spmem:s3] =	stream.indirect.scatter.add.f32 [tilespmem:s19], [sflag:$0x5], $0x80, s31, s17, $0xb8;
	[tilespmem:$0x1F800] =	vst v63  }
0x96: {  	_ =	swait.ge [sflag:s13], $0x2800  }
0x97: {  	[sflag:s13] =	ssyncset.done $0x0  }
0x98: {  	s30 =	sor.u32 $0x780, s28;
	[sflag:s13] =	ssyncadd.s32 $0xFFFFD800  }
0x99: {  	[tilespmem:s18], [sflag:$0x1] =	stream.indirect.gather [hbm4b:s5+s17], $0x80, s30, s17, $0xb8;
	[tilespmem:$0x1F800] =	vst v63  }
0x9a: {  	_ =	swait.ge [sflag:s23], $0x2800  }
0x9b: {  	[sflag:s23] =	ssyncset.done $0x0  }
0x9c: {  	s31 =	sor.u32 $0x2700, s28;
	[sflag:s23] =	ssyncadd.s32 $0xFFFFD800  }
0x9d: {  	[spmem:s3] =	stream.indirect.scatter.add.f32 [tilespmem:s21], [sflag:$0x5], $0x80, s31, s17, $0xb8;
	[tilespmem:$0x1F800] =	vst v63  }
0x9e: {  	_ =	swait.ge [sflag:s13], $0x2800  }
0x9f: {  	[sflag:s13] =	ssyncset.done $0x0  }
0xa0: {  	s30 =	sor.u32 $0x800, s28;
	[sflag:s13] =	ssyncadd.s32 $0xFFFFD800  }
0xa1: {  	[tilespmem:s19], [sflag:$0x2] =	stream.indirect.gather [hbm4b:s5+s17], $0x80, s30, s17, $0xb8;
	[tilespmem:$0x1F800] =	vst v63  }
0xa2: {  	_ =	swait.ge [sflag:s20], $0x2800  }
0xa3: {  	[sflag:s20] =	ssyncset.done $0x0  }
0xa4: {  	s31 =	sor.u32 $0x2780, s28;
	[sflag:s20] =	ssyncadd.s32 $0xFFFFD800  }
0xa5: {  	[spmem:s3] =	stream.indirect.scatter.add.f32 [tilespmem:s18], [sflag:$0x5], $0x80, s31, s17, $0xb8;
	[tilespmem:$0x1F800] =	vst v63  }
0xa6: {  	_ =	swait.ge [sflag:s13], $0x2800  }
0xa7: {  	[sflag:s13] =	ssyncset.done $0x0  }
0xa8: {  	s30 =	sor.u32 $0x880, s28;
	[sflag:s13] =	ssyncadd.s32 $0xFFFFD800  }
0xa9: {  	[tilespmem:s21], [sflag:$0x3] =	stream.indirect.gather [hbm4b:s5+s17], $0x80, s30, s17, $0xb8;
	[tilespmem:$0x1F800] =	vst v63  }
0xaa: {  	_ =	swait.ge [sflag:s22], $0x2800  }
0xab: {  	[sflag:s22] =	ssyncset.done $0x0  }
0xac: {  	s31 =	sor.u32 $0x2800, s28;
	[sflag:s22] =	ssyncadd.s32 $0xFFFFD800  }
0xad: {  	[spmem:s3] =	stream.indirect.scatter.add.f32 [tilespmem:s19], [sflag:$0x5], $0x80, s31, s17, $0xb8;
	[tilespmem:$0x1F800] =	vst v63  }
0xae: {  	_ =	swait.ge [sflag:s13], $0x2800  }
0xaf: {  	[sflag:s13] =	ssyncset.done $0x0  }
0xb0: {  	s30 =	sor.u32 $0x900, s28;
	[sflag:s13] =	ssyncadd.s32 $0xFFFFD800  }
0xb1: {  	[tilespmem:s18], [sflag:$0x1] =	stream.indirect.gather [hbm4b:s5+s17], $0x80, s30, s17, $0xb8;
	[tilespmem:$0x1F800] =	vst v63  }
0xb2: {  	_ =	swait.ge [sflag:s23], $0x2800  }
0xb3: {  	[sflag:s23] =	ssyncset.done $0x0  }
0xb4: {  	s31 =	sor.u32 $0x2880, s28;
	[sflag:s23] =	ssyncadd.s32 $0xFFFFD800  }
0xb5: {  	[spmem:s3] =	stream.indirect.scatter.add.f32 [tilespmem:s21], [sflag:$0x5], $0x80, s31, s17, $0xb8;
	[tilespmem:$0x1F800] =	vst v63  }
0xb6: {  	_ =	swait.ge [sflag:s13], $0x2800  }
0xb7: {  	[sflag:s13] =	ssyncset.done $0x0  }
0xb8: {  	s30 =	sor.u32 $0x980, s28;
	[sflag:s13] =	ssyncadd.s32 $0xFFFFD800  }
0xb9: {  	[tilespmem:s19], [sflag:$0x2] =	stream.indirect.gather [hbm4b:s5+s17], $0x80, s30, s17, $0xb8;
	[tilespmem:$0x1F800] =	vst v63  }
0xba: {  	_ =	swait.ge [sflag:s20], $0x2800  }
0xbb: {  	[sflag:s20] =	ssyncset.done $0x0  }
0xbc: {  	s31 =	sor.u32 $0x2900, s28;
	[sflag:s20] =	ssyncadd.s32 $0xFFFFD800  }
0xbd: {  	[spmem:s3] =	stream.indirect.scatter.add.f32 [tilespmem:s18], [sflag:$0x5], $0x80, s31, s17, $0xb8;
	[tilespmem:$0x1F800] =	vst v63  }
0xbe: {  	_ =	swait.ge [sflag:s13], $0x2800  }
0xbf: {  	[sflag:s13] =	ssyncset.done $0x0  }
0xc0: {  	s30 =	sor.u32 $0xA00, s28;
	[sflag:s13] =	ssyncadd.s32 $0xFFFFD800  }
0xc1: {  	[tilespmem:s21], [sflag:$0x3] =	stream.indirect.gather [hbm4b:s5+s17], $0x80, s30, s17, $0xb8;
	[tilespmem:$0x1F800] =	vst v63  }
0xc2: {  	_ =	swait.ge [sflag:s22], $0x2800  }
0xc3: {  	[sflag:s22] =	ssyncset.done $0x0  }
0xc4: {  	s31 =	sor.u32 $0x2980, s28;
	[sflag:s22] =	ssyncadd.s32 $0xFFFFD800  }
0xc5: {  	[spmem:s3] =	stream.indirect.scatter.add.f32 [tilespmem:s19], [sflag:$0x5], $0x80, s31, s17, $0xb8;
	[tilespmem:$0x1F800] =	vst v63  }
0xc6: {  	_ =	swait.ge [sflag:s13], $0x2800  }
0xc7: {  	[sflag:s13] =	ssyncset.done $0x0  }
0xc8: {  	s30 =	sor.u32 $0xA80, s28;
	[sflag:s13] =	ssyncadd.s32 $0xFFFFD800  }
0xc9: {  	[tilespmem:s18], [sflag:$0x1] =	stream.indirect.gather [hbm4b:s5+s17], $0x80, s30, s17, $0xb8;
	[tilespmem:$0x1F800] =	vst v63  }
0xca: {  	_ =	swait.ge [sflag:s23], $0x2800  }
0xcb: {  	[sflag:s23] =	ssyncset.done $0x0  }
0xcc: {  	s31 =	sor.u32 $0x2A00, s28;
	[sflag:s23] =	ssyncadd.s32 $0xFFFFD800  }
0xcd: {  	[spmem:s3] =	stream.indirect.scatter.add.f32 [tilespmem:s21], [sflag:$0x5], $0x80, s31, s17, $0xb8;
	[tilespmem:$0x1F800] =	vst v63  }
0xce: {  	_ =	swait.ge [sflag:s13], $0x2800  }
0xcf: {  	[sflag:s13] =	ssyncset.done $0x0  }
0xd0: {  	s30 =	sor.u32 $0xB00, s28;
	[sflag:s13] =	ssyncadd.s32 $0xFFFFD800  }
0xd1: {  	[tilespmem:s19], [sflag:$0x2] =	stream.indirect.gather [hbm4b:s5+s17], $0x80, s30, s17, $0xb8;
	[tilespmem:$0x1F800] =	vst v63  }
0xd2: {  	_ =	swait.ge [sflag:s20], $0x2800  }
0xd3: {  	[sflag:s20] =	ssyncset.done $0x0  }
0xd4: {  	s31 =	sor.u32 $0x2A80, s28;
	[sflag:s20] =	ssyncadd.s32 $0xFFFFD800  }
0xd5: {  	[spmem:s3] =	stream.indirect.scatter.add.f32 [tilespmem:s18], [sflag:$0x5], $0x80, s31, s17, $0xb8;
	[tilespmem:$0x1F800] =	vst v63  }
0xd6: {  	_ =	swait.ge [sflag:s13], $0x2800  }
0xd7: {  	[sflag:s13] =	ssyncset.done $0x0  }
0xd8: {  	s30 =	sor.u32 $0xB80, s28;
	[sflag:s13] =	ssyncadd.s32 $0xFFFFD800  }
0xd9: {  	[tilespmem:s21], [sflag:$0x3] =	stream.indirect.gather [hbm4b:s5+s17], $0x80, s30, s17, $0xb8;
	[tilespmem:$0x1F800] =	vst v63  }
0xda: {  	_ =	swait.ge [sflag:s22], $0x2800  }
0xdb: {  	[sflag:s22] =	ssyncset.done $0x0  }
0xdc: {  	s31 =	sor.u32 $0x2B00, s28;
	[sflag:s22] =	ssyncadd.s32 $0xFFFFD800  }
0xdd: {  	[spmem:s3] =	stream.indirect.scatter.add.f32 [tilespmem:s19], [sflag:$0x5], $0x80, s31, s17, $0xb8;
	[tilespmem:$0x1F800] =	vst v63  }
0xde: {  	_ =	swait.ge [sflag:s13], $0x2800  }
0xdf: {  	[sflag:s13] =	ssyncset.done $0x0  }
0xe0: {  	s30 =	sor.u32 $0xC00, s28;
	[sflag:s13] =	ssyncadd.s32 $0xFFFFD800  }
0xe1: {  	[tilespmem:s18], [sflag:$0x1] =	stream.indirect.gather [hbm4b:s5+s17], $0x80, s30, s17, $0xb8;
	[tilespmem:$0x1F800] =	vst v63  }
0xe2: {  	_ =	swait.ge [sflag:s23], $0x2800  }
0xe3: {  	[sflag:s23] =	ssyncset.done $0x0  }
0xe4: {  	s31 =	sor.u32 $0x2B80, s28;
	[sflag:s23] =	ssyncadd.s32 $0xFFFFD800  }
0xe5: {  	[spmem:s3] =	stream.indirect.scatter.add.f32 [tilespmem:s21], [sflag:$0x5], $0x80, s31, s17, $0xb8;
	[tilespmem:$0x1F800] =	vst v63  }
0xe6: {  	_ =	swait.ge [sflag:s13], $0x2800  }
0xe7: {  	[sflag:s13] =	ssyncset.done $0x0  }
0xe8: {  	[sflag:s13] =	ssyncadd.s32 $0xFFFFD800  }
0xe9: {  	_ =	swait.ge [sflag:s20], $0x2800  }
0xea: {  	[sflag:s20] =	ssyncset.done $0x0  }
0xeb: {  	s28 =	sor.u32 $0x2C00, s28;
	[sflag:s20] =	ssyncadd.s32 $0xFFFFD800  }
0xec: {  	[spmem:s3] =	stream.indirect.scatter.add.f32 [tilespmem:s18], [sflag:$0x5], $0x80, s28, s17, $0xb8;
	[tilespmem:$0x1F800] =	vst v63  }
0xed: {  	_ =	swait.ge [sflag:s13], $0x2800  }
0xee: {  	s26 =	sadd.s32 @!p0 $0x1000, s26;
	[sflag:s13] =	ssyncset.done $0x0  }
0xef: {  	p1 =	sne.s32 @!p0 s26, $0x5000;
	s28 =	simm.s32 @!p0 $0x4;
	[sflag:s13] =	ssyncadd.s32 $0xFFFFD800  }
0xf0: {  	p1 =	por p0, !p1;
	_ =	swait.ge @!p0 [sflag:s28], $0xC80  }
.Ltmp0:
0xf1: {  	[sflag:s28] =	ssyncset.done @!p0 $0x0;
	(pc) =	sbr.rel @!p1 .LBB2_2-.Ltmp0, $4  }
0xf2: {  	[sflag:s28] =	ssyncadd.s32 @!p0 $0xFFFFF380  }
0xf3: {  	_ =	swait.ge @!p0 [sflag:s28], $0xC80  }
0xf4: {  	[sflag:s28] =	ssyncset.done @!p0 $0x0  }
0xf5: {  	s25 =	sadd.s32 @!p0 $0x200, s25;
	[sflag:s28] =	ssyncadd.s32 @!p0 $0xFFFFF380  }
0xf6: {  	s24 =	sadd.s32 $0x1, s24  }
0xf7: {  	p0 =	sne.s32 s24, s10  }
.Ltmp1:
0xf8: {  	[bflag:$0x0] =	sbarrier.arrive $0xFFFF;
	(pc) =	sbr.rel @p0 .LBB2_1-.Ltmp1, $4  }
0xf9: {  	[hbm:s9], [sflag:s15] =	dma.local [spmem:s16], $0x2800  }
0xfa: {  	_ =	swait.ge [sflag:s13], $0x2800  }
0xfb: {  	[sflag:s13] =	ssyncset.done $0x0  }
0xfc: {  	[sflag:s13] =	ssyncadd.s32 $0xFFFFD800  }
0xfd: {  	_ =	sfence.sel $0x180000  }
0xfe: {  	[bflag:$0x0] =	sbarrier.arrive $0xFFFF  }
0xff: {  	p0 =	sne.s32 s1, $0x0;
	_ =	strace $0x9000004A  }
0x100: {  	s0 =	sadd.s32 @!p0 $0x100000, s0;
	[bflag:$0x2] =	sbarrier.arrive $0xFFFF  }
0x101: {  	[sflag:s0] =	ssyncadd.tile.s32 @!p0 $0x1;
	_ =	shalt  }
.Lfunc_end2:
_tile_overlayer_lowered:
.L_overlay_start_2:
0x102: {  	(tag) =	ssettag $0x2  }
0x103: {  	s0 =	rddreg [dreg:$0x0];
	s2 =	stileid.u32  }
0x104: {  	s1 =	rddreg [dreg:$0x1];
	p0 =	sne.s32 s2, $0x0  }
0x105: {  	s3 =	rddreg [dreg:$0x2];
	[bflag:$0x3] =	sbarrier.arrive $0xFFFF;
	s2 =	simm.s32 @!p0 $0x1C05  }
0x106: {  	[timem:s3], [sflag:s2] =	dma.local @!p0 [hbm:s0], s1  }
0x107: {  	s0 =	simm.s32 @!p0 $0x5  }
0x108: {  	_ =	swait.ge @!p0 [sflag:s0], s1  }
0x109: {  	s1 =	ssub.s32 @!p0 $0x0, s1;
	[sflag:s0] =	ssyncset.done @!p0 $0x0  }
0x10a: {  	[sflag:s0] =	ssyncadd.s32 @!p0 s1  }
0x10b: {  	[bflag:$0x3] =	sbarrier.arrive $0xFFFF  }
0x10c: {  	_ =	shalt  }

// kernel: kernel.15.cloned.1.call-start
scs
__scs_entry_jumppad:
0x0: {  	(pc) =	sbr.rel $0x88, $3  }
0x1: {  	(tag) =	ssettag $0x0;
	lr =	simm.s32 $0x1  }
0x2: {  	[smem:$0x3F99] =	sst lr;
	_ =	strace $0xD0000000  }
0x3: {  	_ = 	snop  }
0x4: {  	_ = 	snop  }
0x5: {  	_ = 	snop  }
0x6: {  	_ = 	snop  }
0x7: {  	_ = 	snop  }
__scs_overlays_trampoline_lowered:
0x8: {  	[smem:$0x3FA8] =	sst s0  }
0x9: {  	[smem:$0x3FA9] =	sst s1  }
0xa: {  	[smem:$0x3FAA] =	sst s2  }
0xb: {  	[smem:$0x3FAB] =	sst s3  }
0xc: {  	[smem:$0x3FAC] =	sst s4  }
0xd: {  	[smem:$0x3FAD] =	sst s5  }
0xe: {  	[smem:$0x3FAE] =	sst s6  }
0xf: {  	[smem:$0x3FAF] =	sst s7  }
0x10: {  	[smem:$0x3FB0] =	sst s8  }
0x11: {  	[smem:$0x3FB1] =	sst s9;
	s0 =	simm.s32 @!p0 $0x0  }
0x12: {  	s1 =	sld [smem:$0x3F97];
	s0 =	simm.s32 @p0 $0x1  }
0x13: {  	[smem:$0x3FB2] =	sst s0;
	s0 =	simm.s32 @!p1 $0x0  }
0x14: {  	s2 =	sld [smem:$0x3F96];
	s0 =	simm.s32 @p1 $0x1  }
0x15: {  	[smem:$0x3FB3] =	sst s0;
	s0 =	simm.s32 @!p2 $0x0  }
0x16: {  	s3 =	sld [smem:$0x3FDB];
	s0 =	simm.s32 @p2 $0x1  }
0x17: {  	s4 =	simm.s32 $0x1BF5;
	[smem:$0x3FB5] =	sst s0  }
0x18: {  	s0 =	sld [smem:$0x3F98];
	_ =	swait.ge [sflag:s4], $0x0  }
0x19: {  	s7 =	sld [smem:$0x3F99]  }
0x1a: {  	s8 =	sadd.s32 $0xFFFFE003, lr  }
0x1b: {  	s9 =	sadd.s32 $0xFFFFFEF7, lr;
	s5 =	simm.s32 $0xFFFFFFFF;
	p2 =	slt.u32 s8, $0xFFFFF086  }
0x1c: {  	p1 =	slt.u32 s9, $0xF7A;
	s5 =	simm.s32 @!p2 $0x0  }
0x1d: {  	s5 =	simm.s32 @p1 $0x1;
	p0 =	seq.s32 s7, s2  }
0x1e: {  	s7 =	smul.u32 @!p0 $0xF7A, s2;
	p2 =	seq.s32 @!p0 s5, $0x0  }
0x1f: {  	s9 =	smul.u32 $0xF7A, s1;
	s8 =	simm.s32 @!p0 $0x1BF5;
	p2 =	por !p2, p0  }
0x20: {  	[sflag:s8] =	ssyncset.s32 @!p0 $0xFFFFF086;
	s6 =	sadd.s32 @!p0 s3, s7;
	s7 =	simm.s32 @!p0 $0x108  }
0x21: {  	s3 =	sadd.s32 s3, s9;
	s6 =	sadd.s32 @!p0 $0x88, s6;
	s7 =	simm.s32 @p2 $0x1082  }
0x22: {  	[simem:s7], [sflag:s8] =	dma.local @!p0 [hbm:s6], $0xF7A  }
0x23: {  	s9 =	sor.u32 $0xD0000000, s2;
	s6 =	simm.s32 $0x108;
	_ =	swait.ge @!p0 [sflag:s8], $0x0  }
0x24: {  	s3 =	sadd.s32 $0x88, s3;
	s6 =	simm.s32 @!p1 $0x1082;
	[sflag:s4] =	ssyncset.s32 $0xFFFFF086  }
0x25: {  	[simem:s6], [sflag:s4] =	dma.local [hbm:s3], $0xF7A  }
0x26: {  	[smem:$0x3F99] =	sst s1;
	(tag) =	ssettag s2;
	_ =	strace s9  }
0x27: {  	s1 =	sld [smem:$0x3FA9]  }
0x28: {  	s2 =	sld [smem:$0x3FAA]  }
0x29: {  	s4 =	sld [smem:$0x3FAC]  }
0x2a: {  	p0 =	seq.s32 s5, $0x0;
	s5 =	sld [smem:$0x3FAD]  }
0x2b: {  	s6 =	sld [smem:$0x3FAE]  }
0x2c: {  	s7 =	sld [smem:$0x3FAF]  }
0x2d: {  	s3 =	simm.s32 $0x108;
	s8 =	sld [smem:$0x3FB0]  }
0x2e: {  	s3 =	simm.s32 @!p0 $0x1082;
	s9 =	sld [smem:$0x3FB1]  }
0x2f: {  	lr =	sadd.s32 s0, s3;
	s0 =	sld [smem:$0x3FA8]  }
0x30: {  	s3 =	sld [smem:$0x3FAB]  }
0x31: {  	[smem:$0x3FB4] =	sst s10  }
0x32: {  	s10 =	sld [smem:$0x3FB2];
	_ =	sdelay $0x3  }
0x33: {  	p0 =	seq.s32 s10, $0x1;
	s10 =	sld [smem:$0x3FB4];
	_ =	sdelay $0x3  }
0x34: {  	[smem:$0x3FB4] =	sst s10  }
0x35: {  	s10 =	sld [smem:$0x3FB3];
	_ =	sdelay $0x3  }
0x36: {  	p1 =	seq.s32 s10, $0x1;
	s10 =	sld [smem:$0x3FB4];
	_ =	sdelay $0x3  }
0x37: {  	[smem:$0x3FB4] =	sst s10  }
0x38: {  	s10 =	sld [smem:$0x3FB5]  }
0x39: {  	_ = 	snop;
	(pc) =	sbr.ind lr, $3  }
0x3a: {  	_ = 	snop  }
0x3b: {  	_ = 	snop  }
0x3c: {  	p2 =	seq.s32 s10, $0x1;
	s10 =	sld [smem:$0x3FB4]  }
0x3d: {  	_ =	shalt  }
0x3e: {  	_ =	shalt  }
0x3f: {  	_ =	shalt  }
0x40: {  	_ =	shalt  }
0x41: {  	_ =	shalt  }
0x42: {  	_ =	shalt  }
0x43: {  	_ =	shalt  }
0x44: {  	_ =	shalt  }
0x45: {  	_ =	shalt  }
0x46: {  	_ =	shalt  }
0x47: {  	_ =	shalt  }
0x48: {  	_ =	shalt  }
0x49: {  	_ =	shalt  }
0x4a: {  	_ =	shalt  }
0x4b: {  	_ =	shalt  }
0x4c: {  	_ =	shalt  }
0x4d: {  	_ =	shalt  }
0x4e: {  	_ =	shalt  }
0x4f: {  	_ =	shalt  }
0x50: {  	_ =	shalt  }
0x51: {  	_ =	shalt  }
0x52: {  	_ =	shalt  }
0x53: {  	_ =	shalt  }
0x54: {  	_ =	shalt  }
0x55: {  	_ =	shalt  }
0x56: {  	_ =	shalt  }
0x57: {  	_ =	shalt  }
0x58: {  	_ =	shalt  }
0x59: {  	_ =	shalt  }
0x5a: {  	_ =	shalt  }
0x5b: {  	_ =	shalt  }
0x5c: {  	_ =	shalt  }
0x5d: {  	_ =	shalt  }
0x5e: {  	_ =	shalt  }
0x5f: {  	_ =	shalt  }
0x60: {  	_ =	shalt  }
0x61: {  	_ =	shalt  }
0x62: {  	_ =	shalt  }
0x63: {  	_ =	shalt  }
0x64: {  	_ =	shalt  }
0x65: {  	_ =	shalt  }
0x66: {  	_ =	shalt  }
0x67: {  	_ =	shalt  }
0x68: {  	_ =	shalt  }
0x69: {  	_ =	shalt  }
0x6a: {  	_ =	shalt  }
0x6b: {  	_ =	shalt  }
0x6c: {  	_ =	shalt  }
0x6d: {  	_ =	shalt  }
0x6e: {  	_ =	shalt  }
0x6f: {  	_ =	shalt  }
0x70: {  	_ =	shalt  }
0x71: {  	_ =	shalt  }
0x72: {  	_ =	shalt  }
0x73: {  	_ =	shalt  }
0x74: {  	_ =	shalt  }
0x75: {  	_ =	shalt  }
0x76: {  	_ =	shalt  }
0x77: {  	_ =	shalt  }
0x78: {  	_ =	shalt  }
0x79: {  	_ =	shalt  }
0x7a: {  	_ =	shalt  }
0x7b: {  	_ =	shalt  }
0x7c: {  	_ =	shalt  }
0x7d: {  	_ =	shalt  }
0x7e: {  	_ =	shalt  }
0x7f: {  	_ =	shalt  }
0x80: {  	_ =	shalt  }
0x81: {  	_ =	shalt  }
0x82: {  	_ =	shalt  }
0x83: {  	_ =	shalt  }
0x84: {  	_ =	shalt  }
0x85: {  	_ =	shalt  }
0x86: {  	_ =	shalt  }
0x87: {  	_ =	shalt  }
.Lfunc_end0:
.L_simem_size_0:
called_computation.2_lowered:
.L_overlay_start_0:
0x88: {  	s2 =	sld [smem:$0x3FD9]  }
0x89: {  	s3 =	sld [smem:$0x3FFE];
	_ =	sdelay $0x1  }
0x8a: {  	s1 =	srdreg.scid  }
0x8b: {  	s0 =	sand.u32 $0x1, s1  }
0x8c: {  	s17 =	sshll.u32 s0, $0xA;
	s2 =	sadd.s32 s3, s2  }
0x8d: {  	s2 =	sadd.s32 s2, s17  }
0x8e: {  	[smem:$0x3FC0] =	sst s2  }
0x8f: {  	_ = 	snop  }
0x90: {  	s2 =	sld [smem:$0x3FD0];
	(tm) =	ssettm $0x1  }
0x91: {  	s18 =	sld [smem:$0x3FFB];
	_ =	sdelay $0x3  }
0x92: {  	_ =	strace s18  }
0x93: {  	s3 =	sld [smem:$0x3FFC];
	_ =	sdelay $0x3  }
0x94: {  	_ =	strace s3  }
0x95: {  	s3 =	sld [smem:$0x3FFD];
	_ =	sdelay $0x3  }
0x96: {  	_ =	strace s3  }
0x97: {  	_ =	strace $0x8FFFFFFF  }
0x98: {  	s19 =	sld [smem:$0x3FDB];
	_ =	sdelay $0x1  }
0x99: {  	s4 =	simm.s32 $_scs_section_size  }
0x9a: {  	s5 =	simm.s32 $_size__tile_overlayer_lowered;
	s6 =	simm.s32 $_tile_overlayer_lowered  }
0x9b: {  	s22 =	simm.s32 $0x1BFF;
	s21 =	sshll.u32 s6, $0x1;
	s3 =	sadd.s32 s4, s19  }
0x9c: {  	s7 =	simm.s32 $0x0;
	s20 =	sshll.u32 s5, $0x1;
	s5 =	sadd.s32 s21, s3  }
0x9d: {  	[timem:s7], [sflag:s22] =	dma.local [hbm:s5], s20  }
0x9e: {  	_ =	swait.ge [sflag:s22], s20  }
0x9f: {  	s4 =	ssub.s32 $0x0, s20;
	[sflag:s22] =	ssyncset.done $0x0  }
0xa0: {  	[sflag:s22] =	ssyncadd.s32 s4;
	_ =	sdelay $0x1  }
0xa1: {  	s23 =	simm.s32 $0x1B8B  }
0xa2: {  	_ =	swait.ge [sflag:s23], $0x1  }
0xa3: {  	[sflag:s23] =	ssyncset.done $0x0  }
0xa4: {  	s25 =	simm.s32 $0x1B8E;
	s24 =	sld [smem:$0x3FFE];
	[sflag:s23] =	ssyncadd.s32 $0xFFFFFFFF  }
0xa5: {  	s26 =	simm.s32 $execute0_lowered;
	[smem:$0x3FD2] =	sst s25  }
0xa6: {  	s5 =	sshll.u32 s26, $0x1;
	_ =	strace $0x8000004C;
	[dreg:$0x1] =	wrdreg $0xFFFFFFFF  }
0xa7: {  	s28 =	simm.s32 $_size_execute0_lowered;
	s3 =	sadd.s32 s3, s5;
	[dreg:$0x0] =	wrdreg $0x0  }
0xa8: {  	s5 =	sshll.u32 s28, $0x1;
	[dreg:$0x2] =	wrdreg s3  }
0xa9: {  	[dreg:$0x3] =	wrdreg s5  }
0xaa: {  	[dreg:$0x4] =	wrdreg $0xC0  }
0xab: {  	_ =	task [dreg:s7], $0x5FFFF  }
0xac: {  	[dreg:$0x1] =	wrdreg $0xFFFFFFFF  }
0xad: {  	[dreg:$0x0] =	wrdreg $0x60  }
0xae: {  	[dreg:$0x2] =	wrdreg s24  }
0xaf: {  	[dreg:$0x3] =	wrdreg s2  }
0xb0: {  	[dreg:$0x4] =	wrdreg $0xB8000  }
0xb1: {  	[dreg:$0x5] =	wrdreg $0x9  }
0xb2: {  	_ =	task.clear_ibuf [dreg:s7], $0x6FFFF;
	_ =	strace $0x9000004C  }
0xb3: {  	s29 =	simm.s32 $0x9;
	_ =	strace $0x8000004E  }
0xb4: {  	_ =	swait.ge [sflag:s29], $0x1  }
0xb5: {  	[sflag:s29] =	ssyncadd.s32 $0xFFFFFFFF  }
0xb6: {  	_ =	strace $0x9000004E  }
0xb7: {  	_ =	sfence  }
0xb8: {  	s30 =	sld [smem:$0x0];
	_ =	sdelay $0x2  }
0xb9: {  	s31 =	sshll.u32 s1, $0xD;
	s1 =	sshrl.u32 s1, $0x2  }
0xba: {  	s3 =	sand.u32 $0x4000, s31;
	s1 =	sadd.s32 s1, s30  }
0xbb: {  	s0 =	sor.u32 s3, s0;
	s1 =	sshll.u32 s1, $0x11  }
0xbc: {  	s0 =	sor.u32 s1, s0  }
0xbd: {  	s0 =	sadd.s32 $0x8F2B, s0  }
0xbe: {  	[sflag:s0] =	ssyncadd.remote.s32 $0x1  }
0xbf: {  	_ =	sfence.sel $0xFFFF  }
0xc0: {  	[dreg:$0x0] =	wrdreg $0xFFFFFFFF;
	(pc) =	sbr.abs _section_cstart, $3  }
0xc1: {  	[dreg:$0x1] =	wrdreg $0xFFFFFFFF  }
0xc2: {  	_ =	task.clear_ibuf [dreg:s7], $0x2FFFF;
	_ =	strace $0x9FFFFFFF  }
0xc3: {  	(tm) =	ssettm $0x7FFFFFFF  }
tec
execute0_lowered:
.L_overlay_start_1:
0x0: {  	(tag) =	ssettag $0x1  }
0x1: {  	s7 =	rddreg [dreg:$0x0]  }
0x2: {  	s2 =	rddreg [dreg:$0x1];
	s0 =	srdreg.scid  }
0x3: {  	s3 =	rddreg [dreg:$0x2];
	s1 =	stileid.u32;
	s4 =	simm.s32 $0x0  }
0x4: {  	s14 =	simm.s32 $0x2000;
	s17 =	simm.s32 $0x50;
	s18 =	simm.s32 $0x4000  }
0x5: {  	s19 =	simm.s32 $0x6800;
	s20 =	simm.s32 $0x1;
	s6 =	smul.u32 $0x14000, s1  }
0x6: {  	s21 =	simm.s32 $0x9000;
	s22 =	simm.s32 $0x2;
	s11 =	smul.u32 $0x5000, s1  }
0x7: {  	s23 =	simm.s32 $0x3;
	s8 =	sand.u32 $0x1, s0;
	s29 =	smul.u32 $0x50000, s1  }
0x8: {  	s24 =	simm.s32 $0x0;
	s0 =	rddreg [dreg:$0x3];
	s5 =	smul.u32 $0x140000, s8  }
0x9: {  	[smem:$0x7FF] =	sst s4;
	s15 =	sshll.u32 s1, $0x6;
	s9 =	smul.u32 $0x50000, s8  }
0xa: {  	_ =	strace $0x8000004D;
	s8 =	ssub.s32 $0x2, s8;
	s15 =	sor.u32 $0x1C05, s15  }
0xb: {  	s30 =	sshrl.u32 s8, $0x1;
	s10 =	sadd.s32 s6, s5;
	s5 =	sadd.s32 $0x2AA00, s7  }
0xc: {  	s6 =	sadd.s32 $0x2A00, s7;
	s12 =	sadd.s32 s11, s9;
	s13 =	ssub.s32 s8, s30  }
0xd: {  	s9 =	sshrl.u32 s29, $0x2;
	s10 =	sshrl.u32 s10, $0x3;
	s11 =	sshrl.u32 s12, $0x3  }
0xe: {  	s16 =	sadd.s32 s9, s3;
	s31 =	sadd.s32 $0xA1000, s12;
	s12 =	sadd.s32 $0x1000, s12  }
0xf: {  	s10 =	sadd.s32 s10, s7;
	s7 =	sadd.s32 s6, s11;
	s11 =	sshrl.u32 s31, $0x3  }
0x10: {  	s16 =	sshrl.u32 s16, $0x3;
	s8 =	sadd.s32 $0x14000, s7;
	s9 =	sadd.s32 $0x52A00, s10  }
0x11: {  	s10 =	smax.u32 s13, $0x1;
	s11 =	sadd.s32 s11, s6;
	s13 =	simm.s32 $0x5  }
.LBB2_1:
0x12: {  	[tilespmem:s4], [sflag:$0x5] =	stream.linear.gather [hbm4b:s7+s4], $0xC80, $0x38;
	[tilespmem:$0x1F800] =	vst v63  }
0x13: {  	_ =	swait.ge [sflag:s13], $0xC80  }
0x14: {  	[sflag:s13] =	ssyncset.done $0x0  }
0x15: {  	[sflag:s13] =	ssyncadd.s32 $0xFFFFF380  }
0x16: {  	[tilespmem:s14], [sflag:$0x5] =	stream.linear.gather [hbm4b:s8+s4], $0xC80, $0x38;
	[tilespmem:$0x1F800] =	vst v63  }
0x17: {  	_ =	swait.ge [sflag:s13], $0xC80  }
0x18: {  	[sflag:s13] =	ssyncset.done $0x0  }
0x19: {  	[sflag:s13] =	ssyncadd.s32 $0xFFFFF380  }
0x1a: {  	[spmem:s16], [sflag:s15] =	dma.local [hbm:s2], $0x2800  }
0x1b: {  	_ =	swait.ge [sflag:s13], $0x2800  }
0x1c: {  	[sflag:s13] =	ssyncset.done $0x0  }
0x1d: {  	[sflag:s13] =	ssyncadd.s32 $0xFFFFD800  }
0x1e: {  	s25 =	smov.u32 s11;
	s26 =	simm.s32 $0x0;
	[bflag:$0x0] =	sbarrier.arrive $0xFFFF  }
.LBB2_2:
0x1f: {  	p0 =	seq.s32 s26, $0x4000  }
0x20: {  	s28 =	sadd.s32 @!p0 s26, s12  }
0x21: {  	s29 =	sxor.u32 @!p0 $0xFFFFFFFF, s26;
	s28 =	sshrl.u32 @!p0 s28, $0x3  }
0x22: {  	s30 =	simm.s32 @!p0 $0x0;
	s29 =	sand.u32 @!p0 $0x1000, s29;
	s28 =	sadd.s32 @!p0 s6, s28  }
0x23: {  	[tilespmem:s29], [sflag:$0x4] =	stream.linear.gather @!p0 [hbm4b:s28+s30], $0xC80, $0x38;
	[tilespmem:$0x1F800] =	vst v63  }
0x24: {  	s28 =	sor.u32 @!p0 $0x2000, s29  }
0x25: {  	[tilespmem:s28], [sflag:$0x4] =	stream.linear.gather @!p0 [hbm4b:s25+s30], $0xC80, $0x38;
	[tilespmem:$0x1F800] =	vst v63  }
0x26: {  	s28 =	sand.u32 $0x1000, s26  }
0x27: {  	[tilespmem:s18], [sflag:$0x1] =	stream.indirect.gather [hbm4b:s5+s17], $0x80, s28, s17, $0xb8;
	[tilespmem:$0x1F800] =	vst v63  }
0x28: {  	s30 =	sor.u32 $0x80, s28  }
0x29: {  	[tilespmem:s19], [sflag:$0x2] =	stream.indirect.gather [hbm4b:s5+s17], $0x80, s30, s17, $0xb8;
	[tilespmem:$0x1F800] =	vst v63  }
0x2a: {  	_ =	swait.ge [sflag:s20], $0x2800  }
0x2b: {  	[sflag:s20] =	ssyncset.done $0x0  }
0x2c: {  	s31 =	sor.u32 $0x2000, s28;
	[sflag:s20] =	ssyncadd.s32 $0xFFFFD800  }
0x2d: {  	[spmem:s3] =	stream.indirect.scatter.add.f32 [tilespmem:s18], [sflag:$0x5], $0x80, s31, s17, $0xb8;
	[tilespmem:$0x1F800] =	vst v63  }
0x2e: {  	_ =	swait.ge [sflag:s13], $0x2800  }
0x2f: {  	[sflag:s13] =	ssyncset.done $0x0  }
0x30: {  	s30 =	sor.u32 $0x100, s28;
	[sflag:s13] =	ssyncadd.s32 $0xFFFFD800  }
0x31: {  	[tilespmem:s21], [sflag:$0x3] =	stream.indirect.gather [hbm4b:s5+s17], $0x80, s30, s17, $0xb8;
	[tilespmem:$0x1F800] =	vst v63  }
0x32: {  	_ =	swait.ge [sflag:s22], $0x2800  }
0x33: {  	[sflag:s22] =	ssyncset.done $0x0  }
0x34: {  	s31 =	sor.u32 $0x2080, s28;
	[sflag:s22] =	ssyncadd.s32 $0xFFFFD800  }
0x35: {  	[spmem:s3] =	stream.indirect.scatter.add.f32 [tilespmem:s19], [sflag:$0x5], $0x80, s31, s17, $0xb8;
	[tilespmem:$0x1F800] =	vst v63  }
0x36: {  	_ =	swait.ge [sflag:s13], $0x2800  }
0x37: {  	[sflag:s13] =	ssyncset.done $0x0  }
0x38: {  	s30 =	sor.u32 $0x180, s28;
	[sflag:s13] =	ssyncadd.s32 $0xFFFFD800  }
0x39: {  	[tilespmem:s18], [sflag:$0x1] =	stream.indirect.gather [hbm4b:s5+s17], $0x80, s30, s17, $0xb8;
	[tilespmem:$0x1F800] =	vst v63  }
0x3a: {  	_ =	swait.ge [sflag:s23], $0x2800  }
0x3b: {  	[sflag:s23] =	ssyncset.done $0x0  }
0x3c: {  	s31 =	sor.u32 $0x2100, s28;
	[sflag:s23] =	ssyncadd.s32 $0xFFFFD800  }
0x3d: {  	[spmem:s3] =	stream.indirect.scatter.add.f32 [tilespmem:s21], [sflag:$0x5], $0x80, s31, s17, $0xb8;
	[tilespmem:$0x1F800] =	vst v63  }
0x3e: {  	_ =	swait.ge [sflag:s13], $0x2800  }
0x3f: {  	[sflag:s13] =	ssyncset.done $0x0  }
0x40: {  	s30 =	sor.u32 $0x200, s28;
	[sflag:s13] =	ssyncadd.s32 $0xFFFFD800  }
0x41: {  	[tilespmem:s19], [sflag:$0x2] =	stream.indirect.gather [hbm4b:s5+s17], $0x80, s30, s17, $0xb8;
	[tilespmem:$0x1F800] =	vst v63  }
0x42: {  	_ =	swait.ge [sflag:s20], $0x2800  }
0x43: {  	[sflag:s20] =	ssyncset.done $0x0  }
0x44: {  	s31 =	sor.u32 $0x2180, s28;
	[sflag:s20] =	ssyncadd.s32 $0xFFFFD800  }
0x45: {  	[spmem:s3] =	stream.indirect.scatter.add.f32 [tilespmem:s18], [sflag:$0x5], $0x80, s31, s17, $0xb8;
	[tilespmem:$0x1F800] =	vst v63  }
0x46: {  	_ =	swait.ge [sflag:s13], $0x2800  }
0x47: {  	[sflag:s13] =	ssyncset.done $0x0  }
0x48: {  	s30 =	sor.u32 $0x280, s28;
	[sflag:s13] =	ssyncadd.s32 $0xFFFFD800  }
0x49: {  	[tilespmem:s21], [sflag:$0x3] =	stream.indirect.gather [hbm4b:s5+s17], $0x80, s30, s17, $0xb8;
	[tilespmem:$0x1F800] =	vst v63  }
0x4a: {  	_ =	swait.ge [sflag:s22], $0x2800  }
0x4b: {  	[sflag:s22] =	ssyncset.done $0x0  }
0x4c: {  	s31 =	sor.u32 $0x2200, s28;
	[sflag:s22] =	ssyncadd.s32 $0xFFFFD800  }
0x4d: {  	[spmem:s3] =	stream.indirect.scatter.add.f32 [tilespmem:s19], [sflag:$0x5], $0x80, s31, s17, $0xb8;
	[tilespmem:$0x1F800] =	vst v63  }
0x4e: {  	_ =	swait.ge [sflag:s13], $0x2800  }
0x4f: {  	[sflag:s13] =	ssyncset.done $0x0  }
0x50: {  	s30 =	sor.u32 $0x300, s28;
	[sflag:s13] =	ssyncadd.s32 $0xFFFFD800  }
0x51: {  	[tilespmem:s18], [sflag:$0x1] =	stream.indirect.gather [hbm4b:s5+s17], $0x80, s30, s17, $0xb8;
	[tilespmem:$0x1F800] =	vst v63  }
0x52: {  	_ =	swait.ge [sflag:s23], $0x2800  }
0x53: {  	[sflag:s23] =	ssyncset.done $0x0  }
0x54: {  	s31 =	sor.u32 $0x2280, s28;
	[sflag:s23] =	ssyncadd.s32 $0xFFFFD800  }
0x55: {  	[spmem:s3] =	stream.indirect.scatter.add.f32 [tilespmem:s21], [sflag:$0x5], $0x80, s31, s17, $0xb8;
	[tilespmem:$0x1F800] =	vst v63  }
0x56: {  	_ =	swait.ge [sflag:s13], $0x2800  }
0x57: {  	[sflag:s13] =	ssyncset.done $0x0  }
0x58: {  	s30 =	sor.u32 $0x380, s28;
	[sflag:s13] =	ssyncadd.s32 $0xFFFFD800  }
0x59: {  	[tilespmem:s19], [sflag:$0x2] =	stream.indirect.gather [hbm4b:s5+s17], $0x80, s30, s17, $0xb8;
	[tilespmem:$0x1F800] =	vst v63  }
0x5a: {  	_ =	swait.ge [sflag:s20], $0x2800  }
0x5b: {  	[sflag:s20] =	ssyncset.done $0x0  }
0x5c: {  	s31 =	sor.u32 $0x2300, s28;
	[sflag:s20] =	ssyncadd.s32 $0xFFFFD800  }
0x5d: {  	[spmem:s3] =	stream.indirect.scatter.add.f32 [tilespmem:s18], [sflag:$0x5], $0x80, s31, s17, $0xb8;
	[tilespmem:$0x1F800] =	vst v63  }
0x5e: {  	_ =	swait.ge [sflag:s13], $0x2800  }
0x5f: {  	[sflag:s13] =	ssyncset.done $0x0  }
0x60: {  	s30 =	sor.u32 $0x400, s28;
	[sflag:s13] =	ssyncadd.s32 $0xFFFFD800  }
0x61: {  	[tilespmem:s21], [sflag:$0x3] =	stream.indirect.gather [hbm4b:s5+s17], $0x80, s30, s17, $0xb8;
	[tilespmem:$0x1F800] =	vst v63  }
0x62: {  	_ =	swait.ge [sflag:s22], $0x2800  }
0x63: {  	[sflag:s22] =	ssyncset.done $0x0  }
0x64: {  	s31 =	sor.u32 $0x2380, s28;
	[sflag:s22] =	ssyncadd.s32 $0xFFFFD800  }
0x65: {  	[spmem:s3] =	stream.indirect.scatter.add.f32 [tilespmem:s19], [sflag:$0x5], $0x80, s31, s17, $0xb8;
	[tilespmem:$0x1F800] =	vst v63  }
0x66: {  	_ =	swait.ge [sflag:s13], $0x2800  }
0x67: {  	[sflag:s13] =	ssyncset.done $0x0  }
0x68: {  	s30 =	sor.u32 $0x480, s28;
	[sflag:s13] =	ssyncadd.s32 $0xFFFFD800  }
0x69: {  	[tilespmem:s18], [sflag:$0x1] =	stream.indirect.gather [hbm4b:s5+s17], $0x80, s30, s17, $0xb8;
	[tilespmem:$0x1F800] =	vst v63  }
0x6a: {  	_ =	swait.ge [sflag:s23], $0x2800  }
0x6b: {  	[sflag:s23] =	ssyncset.done $0x0  }
0x6c: {  	s31 =	sor.u32 $0x2400, s28;
	[sflag:s23] =	ssyncadd.s32 $0xFFFFD800  }
0x6d: {  	[spmem:s3] =	stream.indirect.scatter.add.f32 [tilespmem:s21], [sflag:$0x5], $0x80, s31, s17, $0xb8;
	[tilespmem:$0x1F800] =	vst v63  }
0x6e: {  	_ =	swait.ge [sflag:s13], $0x2800  }
0x6f: {  	[sflag:s13] =	ssyncset.done $0x0  }
0x70: {  	s30 =	sor.u32 $0x500, s28;
	[sflag:s13] =	ssyncadd.s32 $0xFFFFD800  }
0x71: {  	[tilespmem:s19], [sflag:$0x2] =	stream.indirect.gather [hbm4b:s5+s17], $0x80, s30, s17, $0xb8;
	[tilespmem:$0x1F800] =	vst v63  }
0x72: {  	_ =	swait.ge [sflag:s20], $0x2800  }
0x73: {  	[sflag:s20] =	ssyncset.done $0x0  }
0x74: {  	s31 =	sor.u32 $0x2480, s28;
	[sflag:s20] =	ssyncadd.s32 $0xFFFFD800  }
0x75: {  	[spmem:s3] =	stream.indirect.scatter.add.f32 [tilespmem:s18], [sflag:$0x5], $0x80, s31, s17, $0xb8;
	[tilespmem:$0x1F800] =	vst v63  }
0x76: {  	_ =	swait.ge [sflag:s13], $0x2800  }
0x77: {  	[sflag:s13] =	ssyncset.done $0x0  }
0x78: {  	s30 =	sor.u32 $0x580, s28;
	[sflag:s13] =	ssyncadd.s32 $0xFFFFD800  }
0x79: {  	[tilespmem:s21], [sflag:$0x3] =	stream.indirect.gather [hbm4b:s5+s17], $0x80, s30, s17, $0xb8;
	[tilespmem:$0x1F800] =	vst v63  }
0x7a: {  	_ =	swait.ge [sflag:s22], $0x2800  }
0x7b: {  	[sflag:s22] =	ssyncset.done $0x0  }
0x7c: {  	s31 =	sor.u32 $0x2500, s28;
	[sflag:s22] =	ssyncadd.s32 $0xFFFFD800  }
0x7d: {  	[spmem:s3] =	stream.indirect.scatter.add.f32 [tilespmem:s19], [sflag:$0x5], $0x80, s31, s17, $0xb8;
	[tilespmem:$0x1F800] =	vst v63  }
0x7e: {  	_ =	swait.ge [sflag:s13], $0x2800  }
0x7f: {  	[sflag:s13] =	ssyncset.done $0x0  }
0x80: {  	s30 =	sor.u32 $0x600, s28;
	[sflag:s13] =	ssyncadd.s32 $0xFFFFD800  }
0x81: {  	[tilespmem:s18], [sflag:$0x1] =	stream.indirect.gather [hbm4b:s5+s17], $0x80, s30, s17, $0xb8;
	[tilespmem:$0x1F800] =	vst v63  }
0x82: {  	_ =	swait.ge [sflag:s23], $0x2800  }
0x83: {  	[sflag:s23] =	ssyncset.done $0x0  }
0x84: {  	s31 =	sor.u32 $0x2580, s28;
	[sflag:s23] =	ssyncadd.s32 $0xFFFFD800  }
0x85: {  	[spmem:s3] =	stream.indirect.scatter.add.f32 [tilespmem:s21], [sflag:$0x5], $0x80, s31, s17, $0xb8;
	[tilespmem:$0x1F800] =	vst v63  }
0x86: {  	_ =	swait.ge [sflag:s13], $0x2800  }
0x87: {  	[sflag:s13] =	ssyncset.done $0x0  }
0x88: {  	s30 =	sor.u32 $0x680, s28;
	[sflag:s13] =	ssyncadd.s32 $0xFFFFD800  }
0x89: {  	[tilespmem:s19], [sflag:$0x2] =	stream.indirect.gather [hbm4b:s5+s17], $0x80, s30, s17, $0xb8;
	[tilespmem:$0x1F800] =	vst v63  }
0x8a: {  	_ =	swait.ge [sflag:s20], $0x2800  }
0x8b: {  	[sflag:s20] =	ssyncset.done $0x0  }
0x8c: {  	s31 =	sor.u32 $0x2600, s28;
	[sflag:s20] =	ssyncadd.s32 $0xFFFFD800  }
0x8d: {  	[spmem:s3] =	stream.indirect.scatter.add.f32 [tilespmem:s18], [sflag:$0x5], $0x80, s31, s17, $0xb8;
	[tilespmem:$0x1F800] =	vst v63  }
0x8e: {  	_ =	swait.ge [sflag:s13], $0x2800  }
0x8f: {  	[sflag:s13] =	ssyncset.done $0x0  }
0x90: {  	s30 =	sor.u32 $0x700, s28;
	[sflag:s13] =	ssyncadd.s32 $0xFFFFD800  }
0x91: {  	[tilespmem:s21], [sflag:$0x3] =	stream.indirect.gather [hbm4b:s5+s17], $0x80, s30, s17, $0xb8;
	[tilespmem:$0x1F800] =	vst v63  }
0x92: {  	_ =	swait.ge [sflag:s22], $0x2800  }
0x93: {  	[sflag:s22] =	ssyncset.done $0x0  }
0x94: {  	s31 =	sor.u32 $0x2680, s28;
	[sflag:s22] =	ssyncadd.s32 $0xFFFFD800  }
0x95: {  	[spmem:s3] =	stream.indirect.scatter.add.f32 [tilespmem:s19], [sflag:$0x5], $0x80, s31, s17, $0xb8;
	[tilespmem:$0x1F800] =	vst v63  }
0x96: {  	_ =	swait.ge [sflag:s13], $0x2800  }
0x97: {  	[sflag:s13] =	ssyncset.done $0x0  }
0x98: {  	s30 =	sor.u32 $0x780, s28;
	[sflag:s13] =	ssyncadd.s32 $0xFFFFD800  }
0x99: {  	[tilespmem:s18], [sflag:$0x1] =	stream.indirect.gather [hbm4b:s5+s17], $0x80, s30, s17, $0xb8;
	[tilespmem:$0x1F800] =	vst v63  }
0x9a: {  	_ =	swait.ge [sflag:s23], $0x2800  }
0x9b: {  	[sflag:s23] =	ssyncset.done $0x0  }
0x9c: {  	s31 =	sor.u32 $0x2700, s28;
	[sflag:s23] =	ssyncadd.s32 $0xFFFFD800  }
0x9d: {  	[spmem:s3] =	stream.indirect.scatter.add.f32 [tilespmem:s21], [sflag:$0x5], $0x80, s31, s17, $0xb8;
	[tilespmem:$0x1F800] =	vst v63  }
0x9e: {  	_ =	swait.ge [sflag:s13], $0x2800  }
0x9f: {  	[sflag:s13] =	ssyncset.done $0x0  }
0xa0: {  	s30 =	sor.u32 $0x800, s28;
	[sflag:s13] =	ssyncadd.s32 $0xFFFFD800  }
0xa1: {  	[tilespmem:s19], [sflag:$0x2] =	stream.indirect.gather [hbm4b:s5+s17], $0x80, s30, s17, $0xb8;
	[tilespmem:$0x1F800] =	vst v63  }
0xa2: {  	_ =	swait.ge [sflag:s20], $0x2800  }
0xa3: {  	[sflag:s20] =	ssyncset.done $0x0  }
0xa4: {  	s31 =	sor.u32 $0x2780, s28;
	[sflag:s20] =	ssyncadd.s32 $0xFFFFD800  }
0xa5: {  	[spmem:s3] =	stream.indirect.scatter.add.f32 [tilespmem:s18], [sflag:$0x5], $0x80, s31, s17, $0xb8;
	[tilespmem:$0x1F800] =	vst v63  }
0xa6: {  	_ =	swait.ge [sflag:s13], $0x2800  }
0xa7: {  	[sflag:s13] =	ssyncset.done $0x0  }
0xa8: {  	s30 =	sor.u32 $0x880, s28;
	[sflag:s13] =	ssyncadd.s32 $0xFFFFD800  }
0xa9: {  	[tilespmem:s21], [sflag:$0x3] =	stream.indirect.gather [hbm4b:s5+s17], $0x80, s30, s17, $0xb8;
	[tilespmem:$0x1F800] =	vst v63  }
0xaa: {  	_ =	swait.ge [sflag:s22], $0x2800  }
0xab: {  	[sflag:s22] =	ssyncset.done $0x0  }
0xac: {  	s31 =	sor.u32 $0x2800, s28;
	[sflag:s22] =	ssyncadd.s32 $0xFFFFD800  }
0xad: {  	[spmem:s3] =	stream.indirect.scatter.add.f32 [tilespmem:s19], [sflag:$0x5], $0x80, s31, s17, $0xb8;
	[tilespmem:$0x1F800] =	vst v63  }
0xae: {  	_ =	swait.ge [sflag:s13], $0x2800  }
0xaf: {  	[sflag:s13] =	ssyncset.done $0x0  }
0xb0: {  	s30 =	sor.u32 $0x900, s28;
	[sflag:s13] =	ssyncadd.s32 $0xFFFFD800  }
0xb1: {  	[tilespmem:s18], [sflag:$0x1] =	stream.indirect.gather [hbm4b:s5+s17], $0x80, s30, s17, $0xb8;
	[tilespmem:$0x1F800] =	vst v63  }
0xb2: {  	_ =	swait.ge [sflag:s23], $0x2800  }
0xb3: {  	[sflag:s23] =	ssyncset.done $0x0  }
0xb4: {  	s31 =	sor.u32 $0x2880, s28;
	[sflag:s23] =	ssyncadd.s32 $0xFFFFD800  }
0xb5: {  	[spmem:s3] =	stream.indirect.scatter.add.f32 [tilespmem:s21], [sflag:$0x5], $0x80, s31, s17, $0xb8;
	[tilespmem:$0x1F800] =	vst v63  }
0xb6: {  	_ =	swait.ge [sflag:s13], $0x2800  }
0xb7: {  	[sflag:s13] =	ssyncset.done $0x0  }
0xb8: {  	s30 =	sor.u32 $0x980, s28;
	[sflag:s13] =	ssyncadd.s32 $0xFFFFD800  }
0xb9: {  	[tilespmem:s19], [sflag:$0x2] =	stream.indirect.gather [hbm4b:s5+s17], $0x80, s30, s17, $0xb8;
	[tilespmem:$0x1F800] =	vst v63  }
0xba: {  	_ =	swait.ge [sflag:s20], $0x2800  }
0xbb: {  	[sflag:s20] =	ssyncset.done $0x0  }
0xbc: {  	s31 =	sor.u32 $0x2900, s28;
	[sflag:s20] =	ssyncadd.s32 $0xFFFFD800  }
0xbd: {  	[spmem:s3] =	stream.indirect.scatter.add.f32 [tilespmem:s18], [sflag:$0x5], $0x80, s31, s17, $0xb8;
	[tilespmem:$0x1F800] =	vst v63  }
0xbe: {  	_ =	swait.ge [sflag:s13], $0x2800  }
0xbf: {  	[sflag:s13] =	ssyncset.done $0x0  }
0xc0: {  	s30 =	sor.u32 $0xA00, s28;
	[sflag:s13] =	ssyncadd.s32 $0xFFFFD800  }
0xc1: {  	[tilespmem:s21], [sflag:$0x3] =	stream.indirect.gather [hbm4b:s5+s17], $0x80, s30, s17, $0xb8;
	[tilespmem:$0x1F800] =	vst v63  }
0xc2: {  	_ =	swait.ge [sflag:s22], $0x2800  }
0xc3: {  	[sflag:s22] =	ssyncset.done $0x0  }
0xc4: {  	s31 =	sor.u32 $0x2980, s28;
	[sflag:s22] =	ssyncadd.s32 $0xFFFFD800  }
0xc5: {  	[spmem:s3] =	stream.indirect.scatter.add.f32 [tilespmem:s19], [sflag:$0x5], $0x80, s31, s17, $0xb8;
	[tilespmem:$0x1F800] =	vst v63  }
0xc6: {  	_ =	swait.ge [sflag:s13], $0x2800  }
0xc7: {  	[sflag:s13] =	ssyncset.done $0x0  }
0xc8: {  	s30 =	sor.u32 $0xA80, s28;
	[sflag:s13] =	ssyncadd.s32 $0xFFFFD800  }
0xc9: {  	[tilespmem:s18], [sflag:$0x1] =	stream.indirect.gather [hbm4b:s5+s17], $0x80, s30, s17, $0xb8;
	[tilespmem:$0x1F800] =	vst v63  }
0xca: {  	_ =	swait.ge [sflag:s23], $0x2800  }
0xcb: {  	[sflag:s23] =	ssyncset.done $0x0  }
0xcc: {  	s31 =	sor.u32 $0x2A00, s28;
	[sflag:s23] =	ssyncadd.s32 $0xFFFFD800  }
0xcd: {  	[spmem:s3] =	stream.indirect.scatter.add.f32 [tilespmem:s21], [sflag:$0x5], $0x80, s31, s17, $0xb8;
	[tilespmem:$0x1F800] =	vst v63  }
0xce: {  	_ =	swait.ge [sflag:s13], $0x2800  }
0xcf: {  	[sflag:s13] =	ssyncset.done $0x0  }
0xd0: {  	s30 =	sor.u32 $0xB00, s28;
	[sflag:s13] =	ssyncadd.s32 $0xFFFFD800  }
0xd1: {  	[tilespmem:s19], [sflag:$0x2] =	stream.indirect.gather [hbm4b:s5+s17], $0x80, s30, s17, $0xb8;
	[tilespmem:$0x1F800] =	vst v63  }
0xd2: {  	_ =	swait.ge [sflag:s20], $0x2800  }
0xd3: {  	[sflag:s20] =	ssyncset.done $0x0  }
0xd4: {  	s31 =	sor.u32 $0x2A80, s28;
	[sflag:s20] =	ssyncadd.s32 $0xFFFFD800  }
0xd5: {  	[spmem:s3] =	stream.indirect.scatter.add.f32 [tilespmem:s18], [sflag:$0x5], $0x80, s31, s17, $0xb8;
	[tilespmem:$0x1F800] =	vst v63  }
0xd6: {  	_ =	swait.ge [sflag:s13], $0x2800  }
0xd7: {  	[sflag:s13] =	ssyncset.done $0x0  }
0xd8: {  	s30 =	sor.u32 $0xB80, s28;
	[sflag:s13] =	ssyncadd.s32 $0xFFFFD800  }
0xd9: {  	[tilespmem:s21], [sflag:$0x3] =	stream.indirect.gather [hbm4b:s5+s17], $0x80, s30, s17, $0xb8;
	[tilespmem:$0x1F800] =	vst v63  }
0xda: {  	_ =	swait.ge [sflag:s22], $0x2800  }
0xdb: {  	[sflag:s22] =	ssyncset.done $0x0  }
0xdc: {  	s31 =	sor.u32 $0x2B00, s28;
	[sflag:s22] =	ssyncadd.s32 $0xFFFFD800  }
0xdd: {  	[spmem:s3] =	stream.indirect.scatter.add.f32 [tilespmem:s19], [sflag:$0x5], $0x80, s31, s17, $0xb8;
	[tilespmem:$0x1F800] =	vst v63  }
0xde: {  	_ =	swait.ge [sflag:s13], $0x2800  }
0xdf: {  	[sflag:s13] =	ssyncset.done $0x0  }
0xe0: {  	s30 =	sor.u32 $0xC00, s28;
	[sflag:s13] =	ssyncadd.s32 $0xFFFFD800  }
0xe1: {  	[tilespmem:s18], [sflag:$0x1] =	stream.indirect.gather [hbm4b:s5+s17], $0x80, s30, s17, $0xb8;
	[tilespmem:$0x1F800] =	vst v63  }
0xe2: {  	_ =	swait.ge [sflag:s23], $0x2800  }
0xe3: {  	[sflag:s23] =	ssyncset.done $0x0  }
0xe4: {  	s31 =	sor.u32 $0x2B80, s28;
	[sflag:s23] =	ssyncadd.s32 $0xFFFFD800  }
0xe5: {  	[spmem:s3] =	stream.indirect.scatter.add.f32 [tilespmem:s21], [sflag:$0x5], $0x80, s31, s17, $0xb8;
	[tilespmem:$0x1F800] =	vst v63  }
0xe6: {  	_ =	swait.ge [sflag:s13], $0x2800  }
0xe7: {  	[sflag:s13] =	ssyncset.done $0x0  }
0xe8: {  	[sflag:s13] =	ssyncadd.s32 $0xFFFFD800  }
0xe9: {  	_ =	swait.ge [sflag:s20], $0x2800  }
0xea: {  	[sflag:s20] =	ssyncset.done $0x0  }
0xeb: {  	s28 =	sor.u32 $0x2C00, s28;
	[sflag:s20] =	ssyncadd.s32 $0xFFFFD800  }
0xec: {  	[spmem:s3] =	stream.indirect.scatter.add.f32 [tilespmem:s18], [sflag:$0x5], $0x80, s28, s17, $0xb8;
	[tilespmem:$0x1F800] =	vst v63  }
0xed: {  	_ =	swait.ge [sflag:s13], $0x2800  }
0xee: {  	s26 =	sadd.s32 @!p0 $0x1000, s26;
	[sflag:s13] =	ssyncset.done $0x0  }
0xef: {  	p1 =	sne.s32 @!p0 s26, $0x5000;
	s28 =	simm.s32 @!p0 $0x4;
	[sflag:s13] =	ssyncadd.s32 $0xFFFFD800  }
0xf0: {  	p1 =	por p0, !p1;
	_ =	swait.ge @!p0 [sflag:s28], $0xC80  }
.Ltmp0:
0xf1: {  	[sflag:s28] =	ssyncset.done @!p0 $0x0;
	(pc) =	sbr.rel @!p1 .LBB2_2-.Ltmp0, $4  }
0xf2: {  	[sflag:s28] =	ssyncadd.s32 @!p0 $0xFFFFF380  }
0xf3: {  	_ =	swait.ge @!p0 [sflag:s28], $0xC80  }
0xf4: {  	[sflag:s28] =	ssyncset.done @!p0 $0x0  }
0xf5: {  	s25 =	sadd.s32 @!p0 $0x200, s25;
	[sflag:s28] =	ssyncadd.s32 @!p0 $0xFFFFF380  }
0xf6: {  	s24 =	sadd.s32 $0x1, s24  }
0xf7: {  	p0 =	sne.s32 s24, s10  }
.Ltmp1:
0xf8: {  	[bflag:$0x0] =	sbarrier.arrive $0xFFFF;
	(pc) =	sbr.rel @p0 .LBB2_1-.Ltmp1, $4  }
0xf9: {  	[hbm:s9], [sflag:s15] =	dma.local [spmem:s16], $0x2800  }
0xfa: {  	_ =	swait.ge [sflag:s13], $0x2800  }
0xfb: {  	[sflag:s13] =	ssyncset.done $0x0  }
0xfc: {  	[sflag:s13] =	ssyncadd.s32 $0xFFFFD800  }
0xfd: {  	_ =	sfence.sel $0x180000  }
0xfe: {  	[bflag:$0x0] =	sbarrier.arrive $0xFFFF  }
0xff: {  	p0 =	sne.s32 s1, $0x0;
	_ =	strace $0x9000004D  }
0x100: {  	s0 =	sadd.s32 @!p0 $0x100000, s0;
	[bflag:$0x2] =	sbarrier.arrive $0xFFFF  }
0x101: {  	[sflag:s0] =	ssyncadd.tile.s32 @!p0 $0x1;
	_ =	shalt  }
.Lfunc_end2:
_tile_overlayer_lowered:
.L_overlay_start_2:
0x102: {  	(tag) =	ssettag $0x2  }
0x103: {  	s0 =	rddreg [dreg:$0x0];
	s2 =	stileid.u32  }
0x104: {  	s1 =	rddreg [dreg:$0x1];
	p0 =	sne.s32 s2, $0x0  }
0x105: {  	s3 =	rddreg [dreg:$0x2];
	[bflag:$0x3] =	sbarrier.arrive $0xFFFF;
	s2 =	simm.s32 @!p0 $0x1C05  }
0x106: {  	[timem:s3], [sflag:s2] =	dma.local @!p0 [hbm:s0], s1  }
0x107: {  	s0 =	simm.s32 @!p0 $0x5  }
0x108: {  	_ =	swait.ge @!p0 [sflag:s0], s1  }
0x109: {  	s1 =	ssub.s32 @!p0 $0x0, s1;
	[sflag:s0] =	ssyncset.done @!p0 $0x0  }
0x10a: {  	[sflag:s0] =	ssyncadd.s32 @!p0 s1  }
0x10b: {  	[bflag:$0x3] =	sbarrier.arrive $0xFFFF  }
0x10c: {  	_ =	shalt  }

// kernel: kernel.9.cloned.1.call-start
scs
__scs_entry_jumppad:
0x0: {  	(pc) =	sbr.rel $0x88, $3  }
0x1: {  	(tag) =	ssettag $0x0;
	lr =	simm.s32 $0x1  }
0x2: {  	[smem:$0x3F99] =	sst lr;
	_ =	strace $0xD0000000  }
0x3: {  	_ = 	snop  }
0x4: {  	_ = 	snop  }
0x5: {  	_ = 	snop  }
0x6: {  	_ = 	snop  }
0x7: {  	_ = 	snop  }
__scs_overlays_trampoline_lowered:
0x8: {  	[smem:$0x3FA8] =	sst s0  }
0x9: {  	[smem:$0x3FA9] =	sst s1  }
0xa: {  	[smem:$0x3FAA] =	sst s2  }
0xb: {  	[smem:$0x3FAB] =	sst s3  }
0xc: {  	[smem:$0x3FAC] =	sst s4  }
0xd: {  	[smem:$0x3FAD] =	sst s5  }
0xe: {  	[smem:$0x3FAE] =	sst s6  }
0xf: {  	[smem:$0x3FAF] =	sst s7  }
0x10: {  	[smem:$0x3FB0] =	sst s8  }
0x11: {  	[smem:$0x3FB1] =	sst s9;
	s0 =	simm.s32 @!p0 $0x0  }
0x12: {  	s1 =	sld [smem:$0x3F97];
	s0 =	simm.s32 @p0 $0x1  }
0x13: {  	[smem:$0x3FB2] =	sst s0;
	s0 =	simm.s32 @!p1 $0x0  }
0x14: {  	s2 =	sld [smem:$0x3F96];
	s0 =	simm.s32 @p1 $0x1  }
0x15: {  	[smem:$0x3FB3] =	sst s0;
	s0 =	simm.s32 @!p2 $0x0  }
0x16: {  	s3 =	sld [smem:$0x3FDB];
	s0 =	simm.s32 @p2 $0x1  }
0x17: {  	s4 =	simm.s32 $0x1BF5;
	[smem:$0x3FB5] =	sst s0  }
0x18: {  	s0 =	sld [smem:$0x3F98];
	_ =	swait.ge [sflag:s4], $0x0  }
0x19: {  	s7 =	sld [smem:$0x3F99]  }
0x1a: {  	s8 =	sadd.s32 $0xFFFFE003, lr  }
0x1b: {  	s9 =	sadd.s32 $0xFFFFFEF7, lr;
	s5 =	simm.s32 $0xFFFFFFFF;
	p2 =	slt.u32 s8, $0xFFFFF086  }
0x1c: {  	p1 =	slt.u32 s9, $0xF7A;
	s5 =	simm.s32 @!p2 $0x0  }
0x1d: {  	s5 =	simm.s32 @p1 $0x1;
	p0 =	seq.s32 s7, s2  }
0x1e: {  	s7 =	smul.u32 @!p0 $0xF7A, s2;
	p2 =	seq.s32 @!p0 s5, $0x0  }
0x1f: {  	s9 =	smul.u32 $0xF7A, s1;
	s8 =	simm.s32 @!p0 $0x1BF5;
	p2 =	por !p2, p0  }
0x20: {  	[sflag:s8] =	ssyncset.s32 @!p0 $0xFFFFF086;
	s6 =	sadd.s32 @!p0 s3, s7;
	s7 =	simm.s32 @!p0 $0x108  }
0x21: {  	s3 =	sadd.s32 s3, s9;
	s6 =	sadd.s32 @!p0 $0x88, s6;
	s7 =	simm.s32 @p2 $0x1082  }
0x22: {  	[simem:s7], [sflag:s8] =	dma.local @!p0 [hbm:s6], $0xF7A  }
0x23: {  	s9 =	sor.u32 $0xD0000000, s2;
	s6 =	simm.s32 $0x108;
	_ =	swait.ge @!p0 [sflag:s8], $0x0  }
0x24: {  	s3 =	sadd.s32 $0x88, s3;
	s6 =	simm.s32 @!p1 $0x1082;
	[sflag:s4] =	ssyncset.s32 $0xFFFFF086  }
0x25: {  	[simem:s6], [sflag:s4] =	dma.local [hbm:s3], $0xF7A  }
0x26: {  	[smem:$0x3F99] =	sst s1;
	(tag) =	ssettag s2;
	_ =	strace s9  }
0x27: {  	s1 =	sld [smem:$0x3FA9]  }
0x28: {  	s2 =	sld [smem:$0x3FAA]  }
0x29: {  	s4 =	sld [smem:$0x3FAC]  }
0x2a: {  	p0 =	seq.s32 s5, $0x0;
	s5 =	sld [smem:$0x3FAD]  }
0x2b: {  	s6 =	sld [smem:$0x3FAE]  }
0x2c: {  	s7 =	sld [smem:$0x3FAF]  }
0x2d: {  	s3 =	simm.s32 $0x108;
	s8 =	sld [smem:$0x3FB0]  }
0x2e: {  	s3 =	simm.s32 @!p0 $0x1082;
	s9 =	sld [smem:$0x3FB1]  }
0x2f: {  	lr =	sadd.s32 s0, s3;
	s0 =	sld [smem:$0x3FA8]  }
0x30: {  	s3 =	sld [smem:$0x3FAB]  }
0x31: {  	[smem:$0x3FB4] =	sst s10  }
0x32: {  	s10 =	sld [smem:$0x3FB2];
	_ =	sdelay $0x3  }
0x33: {  	p0 =	seq.s32 s10, $0x1;
	s10 =	sld [smem:$0x3FB4];
	_ =	sdelay $0x3  }
0x34: {  	[smem:$0x3FB4] =	sst s10  }
0x35: {  	s10 =	sld [smem:$0x3FB3];
	_ =	sdelay $0x3  }
0x36: {  	p1 =	seq.s32 s10, $0x1;
	s10 =	sld [smem:$0x3FB4];
	_ =	sdelay $0x3  }
0x37: {  	[smem:$0x3FB4] =	sst s10  }
0x38: {  	s10 =	sld [smem:$0x3FB5]  }
0x39: {  	_ = 	snop;
	(pc) =	sbr.ind lr, $3  }
0x3a: {  	_ = 	snop  }
0x3b: {  	_ = 	snop  }
0x3c: {  	p2 =	seq.s32 s10, $0x1;
	s10 =	sld [smem:$0x3FB4]  }
0x3d: {  	_ =	shalt  }
0x3e: {  	_ =	shalt  }
0x3f: {  	_ =	shalt  }
0x40: {  	_ =	shalt  }
0x41: {  	_ =	shalt  }
0x42: {  	_ =	shalt  }
0x43: {  	_ =	shalt  }
0x44: {  	_ =	shalt  }
0x45: {  	_ =	shalt  }
0x46: {  	_ =	shalt  }
0x47: {  	_ =	shalt  }
0x48: {  	_ =	shalt  }
0x49: {  	_ =	shalt  }
0x4a: {  	_ =	shalt  }
0x4b: {  	_ =	shalt  }
0x4c: {  	_ =	shalt  }
0x4d: {  	_ =	shalt  }
0x4e: {  	_ =	shalt  }
0x4f: {  	_ =	shalt  }
0x50: {  	_ =	shalt  }
0x51: {  	_ =	shalt  }
0x52: {  	_ =	shalt  }
0x53: {  	_ =	shalt  }
0x54: {  	_ =	shalt  }
0x55: {  	_ =	shalt  }
0x56: {  	_ =	shalt  }
0x57: {  	_ =	shalt  }
0x58: {  	_ =	shalt  }
0x59: {  	_ =	shalt  }
0x5a: {  	_ =	shalt  }
0x5b: {  	_ =	shalt  }
0x5c: {  	_ =	shalt  }
0x5d: {  	_ =	shalt  }
0x5e: {  	_ =	shalt  }
0x5f: {  	_ =	shalt  }
0x60: {  	_ =	shalt  }
0x61: {  	_ =	shalt  }
0x62: {  	_ =	shalt  }
0x63: {  	_ =	shalt  }
0x64: {  	_ =	shalt  }
0x65: {  	_ =	shalt  }
0x66: {  	_ =	shalt  }
0x67: {  	_ =	shalt  }
0x68: {  	_ =	shalt  }
0x69: {  	_ =	shalt  }
0x6a: {  	_ =	shalt  }
0x6b: {  	_ =	shalt  }
0x6c: {  	_ =	shalt  }
0x6d: {  	_ =	shalt  }
0x6e: {  	_ =	shalt  }
0x6f: {  	_ =	shalt  }
0x70: {  	_ =	shalt  }
0x71: {  	_ =	shalt  }
0x72: {  	_ =	shalt  }
0x73: {  	_ =	shalt  }
0x74: {  	_ =	shalt  }
0x75: {  	_ =	shalt  }
0x76: {  	_ =	shalt  }
0x77: {  	_ =	shalt  }
0x78: {  	_ =	shalt  }
0x79: {  	_ =	shalt  }
0x7a: {  	_ =	shalt  }
0x7b: {  	_ =	shalt  }
0x7c: {  	_ =	shalt  }
0x7d: {  	_ =	shalt  }
0x7e: {  	_ =	shalt  }
0x7f: {  	_ =	shalt  }
0x80: {  	_ =	shalt  }
0x81: {  	_ =	shalt  }
0x82: {  	_ =	shalt  }
0x83: {  	_ =	shalt  }
0x84: {  	_ =	shalt  }
0x85: {  	_ =	shalt  }
0x86: {  	_ =	shalt  }
0x87: {  	_ =	shalt  }
.Lfunc_end0:
.L_simem_size_0:
called_computation_lowered:
.L_overlay_start_0:
0x88: {  	s2 =	sld [smem:$0x3FD9]  }
0x89: {  	s3 =	sld [smem:$0x3FFE];
	_ =	sdelay $0x1  }
0x8a: {  	s1 =	srdreg.scid  }
0x8b: {  	s0 =	sand.u32 $0x1, s1  }
0x8c: {  	s17 =	sshll.u32 s0, $0xA;
	s2 =	sadd.s32 s3, s2  }
0x8d: {  	s2 =	sadd.s32 s2, s17  }
0x8e: {  	[smem:$0x3FC0] =	sst s2  }
0x8f: {  	_ = 	snop  }
0x90: {  	s2 =	sld [smem:$0x3FD0];
	(tm) =	ssettm $0x1  }
0x91: {  	s18 =	sld [smem:$0x3FFB];
	_ =	sdelay $0x3  }
0x92: {  	_ =	strace s18  }
0x93: {  	s3 =	sld [smem:$0x3FFC];
	_ =	sdelay $0x3  }
0x94: {  	_ =	strace s3  }
0x95: {  	s3 =	sld [smem:$0x3FFD];
	_ =	sdelay $0x3  }
0x96: {  	_ =	strace s3  }
0x97: {  	_ =	strace $0x8FFFFFFF  }
0x98: {  	s19 =	sld [smem:$0x3FDB];
	_ =	sdelay $0x1  }
0x99: {  	s4 =	simm.s32 $_scs_section_size  }
0x9a: {  	s5 =	simm.s32 $_size__tile_overlayer_lowered;
	s6 =	simm.s32 $_tile_overlayer_lowered  }
0x9b: {  	s22 =	simm.s32 $0x1BFF;
	s21 =	sshll.u32 s6, $0x1;
	s3 =	sadd.s32 s4, s19  }
0x9c: {  	s7 =	simm.s32 $0x0;
	s20 =	sshll.u32 s5, $0x1;
	s5 =	sadd.s32 s21, s3  }
0x9d: {  	[timem:s7], [sflag:s22] =	dma.local [hbm:s5], s20  }
0x9e: {  	_ =	swait.ge [sflag:s22], s20  }
0x9f: {  	s4 =	ssub.s32 $0x0, s20;
	[sflag:s22] =	ssyncset.done $0x0  }
0xa0: {  	[sflag:s22] =	ssyncadd.s32 s4;
	_ =	sdelay $0x1  }
0xa1: {  	s23 =	simm.s32 $0x1B8B  }
0xa2: {  	_ =	swait.ge [sflag:s23], $0x1  }
0xa3: {  	[sflag:s23] =	ssyncset.done $0x0  }
0xa4: {  	s25 =	simm.s32 $0x1B8E;
	s24 =	sld [smem:$0x3FFE];
	[sflag:s23] =	ssyncadd.s32 $0xFFFFFFFF  }
0xa5: {  	s26 =	simm.s32 $execute0_lowered;
	[smem:$0x3FD2] =	sst s25  }
0xa6: {  	s5 =	sshll.u32 s26, $0x1;
	_ =	strace $0x80000046;
	[dreg:$0x1] =	wrdreg $0xFFFFFFFF  }
0xa7: {  	s28 =	simm.s32 $_size_execute0_lowered;
	s3 =	sadd.s32 s3, s5;
	[dreg:$0x0] =	wrdreg $0x0  }
0xa8: {  	s5 =	sshll.u32 s28, $0x1;
	[dreg:$0x2] =	wrdreg s3  }
0xa9: {  	[dreg:$0x3] =	wrdreg s5  }
0xaa: {  	[dreg:$0x4] =	wrdreg $0xC0  }
0xab: {  	_ =	task [dreg:s7], $0x5FFFF  }
0xac: {  	[dreg:$0x1] =	wrdreg $0xFFFFFFFF  }
0xad: {  	[dreg:$0x0] =	wrdreg $0x60  }
0xae: {  	[dreg:$0x2] =	wrdreg s24  }
0xaf: {  	[dreg:$0x3] =	wrdreg s2  }
0xb0: {  	[dreg:$0x4] =	wrdreg $0x40800  }
0xb1: {  	[dreg:$0x5] =	wrdreg $0x43000  }
0xb2: {  	[dreg:$0x6] =	wrdreg $0x9  }
0xb3: {  	_ =	task.clear_ibuf [dreg:s7], $0x7FFFF;
	_ =	strace $0x90000046  }
0xb4: {  	s29 =	simm.s32 $0x9;
	_ =	strace $0x80000048  }
0xb5: {  	_ =	swait.ge [sflag:s29], $0x1  }
0xb6: {  	[sflag:s29] =	ssyncadd.s32 $0xFFFFFFFF  }
0xb7: {  	_ =	strace $0x90000048  }
0xb8: {  	_ =	sfence  }
0xb9: {  	s30 =	sld [smem:$0x0];
	_ =	sdelay $0x2  }
0xba: {  	s31 =	sshll.u32 s1, $0xD;
	s1 =	sshrl.u32 s1, $0x2  }
0xbb: {  	s3 =	sand.u32 $0x4000, s31;
	s1 =	sadd.s32 s1, s30  }
0xbc: {  	s0 =	sor.u32 s3, s0;
	s1 =	sshll.u32 s1, $0x11  }
0xbd: {  	s0 =	sor.u32 s1, s0  }
0xbe: {  	s0 =	sadd.s32 $0x8F2B, s0  }
0xbf: {  	[sflag:s0] =	ssyncadd.remote.s32 $0x1  }
0xc0: {  	_ =	sfence.sel $0xFFFF  }
0xc1: {  	[dreg:$0x0] =	wrdreg $0xFFFFFFFF;
	(pc) =	sbr.abs _section_cstart, $3  }
0xc2: {  	[dreg:$0x1] =	wrdreg $0xFFFFFFFF  }
0xc3: {  	_ =	task.clear_ibuf [dreg:s7], $0x2FFFF;
	_ =	strace $0x9FFFFFFF  }
0xc4: {  	(tm) =	ssettm $0x7FFFFFFF  }
0xc5: {  	_ =	shalt  }
tec
execute0_lowered:
.L_overlay_start_1:
0x0: {  	(tag) =	ssettag $0x1  }
0x1: {  	s0 =	rddreg [dreg:$0x0]  }
0x2: {  	s1 =	rddreg [dreg:$0x1];
	s3 =	srdreg.scid  }
0x3: {  	s2 =	rddreg [dreg:$0x2];
	s9 =	stileid.u32;
	s4 =	simm.s32 $0x0  }
0x4: {  	s19 =	simm.s32 $0x2;
	s28 =	simm.s32 $0x4000;
	s7 =	smul.u32 $0x5000, s9  }
0x5: {  	s29 =	simm.s32 $0x1;
	s6 =	sand.u32 $0x1, s3;
	s10 =	smul.u32 $0x500, s9  }
0x6: {  	s30 =	simm.s32 $0x20;
	s31 =	simm.s32 $0x10;
	s5 =	smul.u32 $0x50000, s6  }
0x7: {  	s3 =	rddreg [dreg:$0x3];
	s20 =	ssub.s32 $0x2, s6;
	s6 =	smul.u32 $0x5000, s6  }
0x8: {  	[smem:$0x7FF] =	sst s4;
	s8 =	smul.u32 $0x280, s9;
	s26 =	sshll.u32 s9, $0x6  }
0x9: {  	_ =	strace $0x80000047;
	s5 =	sadd.s32 s7, s5;
	s6 =	sadd.s32 s10, s6  }
0xa: {  	s21 =	sshrl.u32 s20, $0x1;
	s5 =	sshrl.u32 s5, $0x3;
	s6 =	sshrl.u32 s6, $0x3  }
0xb: {  	s16 =	sadd.s32 s5, s0;
	s5 =	sadd.s32 $0x2AA00, s0;
	s0 =	ssub.s32 s20, s21  }
0xc: {  	s14 =	sadd.s32 s1, s6;
	s20 =	simm.s32 $0x2000;
	s21 =	sor.u32 $0x1C02, s26  }
0xd: {  	s26 =	simm.s32 $0x50;
	s1 =	simm.s32 $0x0;
	s22 =	sadd.s32 $0x2A00, s16  }
0xe: {  	s23 =	sadd.s32 $0x16A00, s16;
	s24 =	sadd.s32 $0x2C00, s16;
	s25 =	sadd.s32 $0x16C00, s16  }
0xf: {  	s10 =	sadd.s32 $0x2E00, s16;
	s11 =	sadd.s32 $0x16E00, s16;
	s12 =	sadd.s32 $0x3000, s16  }
0x10: {  	s13 =	sadd.s32 $0x17000, s16;
	s15 =	sadd.s32 $0x3200, s16;
	[dreg:$0x5] =	wrdreg s22  }
0x11: {  	s16 =	sadd.s32 $0x17200, s16;
	s17 =	sadd.s32 $0x10, s14;
	[dreg:$0x6] =	wrdreg s23  }
0x12: {  	s18 =	smax.u32 s0, $0x1;
	s22 =	sadd.s32 s8, s2;
	[dreg:$0x7] =	wrdreg s24  }
0x13: {  	s23 =	sadd.s32 s8, s3;
	[dreg:$0x8] =	wrdreg s25;
	s24 =	simm.s32 $0x1000  }
0x14: {  	v0 =	vimm.f32 $1.000000000e+00;
	s25 =	simm.s32 $0x3000;
	s22 =	sshrl.u32 s22, $0x3;
	s23 =	sshrl.u32 s23, $0x3  }
.LBB2_1:
0x15: {  	[tilespmem:$0x4000] =	vst v0  }
0x16: {  	[tilespmem:$0x4010] =	vst v0  }
0x17: {  	[tilespmem:$0x4020] =	vst v0  }
0x18: {  	[tilespmem:$0x4030] =	vst v0  }
0x19: {  	[tilespmem:$0x4040] =	vst v0;
	s0 =	rddreg [dreg:$0x5]  }
0x1a: {  	[tilespmem:s4], [sflag:$0x2] =	stream.linear.gather [hbm4b:s0+s4], $0xC80, $0x38;
	[tilespmem:$0x4580] =	vst v63  }
0x1b: {  	_ =	swait.ge [sflag:s19], $0xC80  }
0x1c: {  	[sflag:s19] =	ssyncset.done $0x0  }
0x1d: {  	s9 =	rddreg [dreg:$0x6];
	[sflag:s19] =	ssyncadd.s32 $0xFFFFF380  }
0x1e: {  	[tilespmem:s20], [sflag:$0x2] =	stream.linear.gather [hbm4b:s9+s4], $0xC80, $0x38;
	[tilespmem:$0x4580] =	vst v63  }
0x1f: {  	_ =	swait.ge [sflag:s19], $0xC80  }
0x20: {  	[sflag:s19] =	ssyncset.done $0x0  }
0x21: {  	[sflag:s19] =	ssyncadd.s32 $0xFFFFF380  }
0x22: {  	[spmem:s22], [sflag:s21] =	dma.local [hbm:s5], $0x50  }
0x23: {  	_ =	swait.ge [sflag:s19], $0x50  }
0x24: {  	[sflag:s19] =	ssyncset.done $0x0  }
0x25: {  	[sflag:s19] =	ssyncadd.s32 $0xFFFFFFB0  }
0x26: {  	[spmem:s23], [sflag:s21] =	dma.local [hbm:s5], $0x50  }
0x27: {  	_ =	swait.ge [sflag:s19], $0x50  }
0x28: {  	[sflag:s19] =	ssyncset.done $0x0  }
0x29: {  	[sflag:s19] =	ssyncadd.s32 $0xFFFFFFB0  }
0x2a: {  	[bflag:$0x0] =	sbarrier.arrive $0xFFFF  }
0x2b: {  	s6 =	rddreg [dreg:$0x7]  }
0x2c: {  	[tilespmem:s24], [sflag:$0x1] =	stream.linear.gather [hbm4b:s6+s4], $0xC80, $0x38;
	[tilespmem:$0x4580] =	vst v63  }
0x2d: {  	s7 =	rddreg [dreg:$0x8]  }
0x2e: {  	[tilespmem:s25], [sflag:$0x1] =	stream.linear.gather [hbm4b:s7+s4], $0xC80, $0x38;
	[tilespmem:$0x4580] =	vst v63  }
0x2f: {  	s8 =	simm.s32 $0x0  }
0x30: {  	[spmem:s2] =	stream.indirect.scatter.add.f32 [tilespmem:s28], [sflag:$0x2], $0x1, s8, s26, $0xb8;
	[tilespmem:$0x4580] =	vst v63  }
0x31: {  	_ =	swait.ge [sflag:s19], $0x50  }
0x32: {  	[sflag:s19] =	ssyncset.done $0x0  }
0x33: {  	s9 =	simm.s32 $0x2000;
	[sflag:s19] =	ssyncadd.s32 $0xFFFFFFB0  }
0x34: {  	[spmem:s3] =	stream.indirect.scatter.add.f32 [tilespmem:s28], [sflag:$0x2], $0x1, s9, s26, $0xb8;
	[tilespmem:$0x4580] =	vst v63  }
0x35: {  	_ =	swait.ge [sflag:s19], $0x50  }
0x36: {  	s0 =	simm.s32 $0x200;
	s6 =	simm.s32 $0x400;
	[sflag:s19] =	ssyncset.done $0x0  }
.LBB2_2:
0x37: {  	s7 =	sshra.s32 s0, $0x2  }
0x38: {  	[sflag:s19] =	ssyncadd.s32 $0xFFFFFFB0;
	s0 =	smov.u32 s6;
	s8 =	sadd.s32 $0x200, s6  }
0x39: {  	[spmem:s2] =	stream.indirect.scatter.add.f32 [tilespmem:s28], [sflag:$0x2], $0x1, s7, s26, $0xb8;
	[tilespmem:$0x4580] =	vst v63  }
0x3a: {  	p0 =	sne.s32 s6, $0x3000;
	_ =	swait.ge [sflag:s19], $0x50  }
.Ltmp0:
0x3b: {  	[sflag:s19] =	ssyncset.done $0x0;
	(pc) =	sbr.rel @p0 .LBB2_2-.Ltmp0, $4  }
0x3c: {  	s6 =	sadd.s32 $0x2000, s7;
	[sflag:s19] =	ssyncadd.s32 $0xFFFFFFB0  }
0x3d: {  	[spmem:s3] =	stream.indirect.scatter.add.f32 [tilespmem:s28], [sflag:$0x2], $0x1, s6, s26, $0xb8;
	[tilespmem:$0x4580] =	vst v63  }
0x3e: {  	_ =	swait.ge [sflag:s19], $0x50  }
0x3f: {  	s6 =	smov.u32 s8;
	[sflag:s19] =	ssyncset.done $0x0  }
0x40: {  	s0 =	sshra.s32 s0, $0x2;
	[sflag:s19] =	ssyncadd.s32 $0xFFFFFFB0  }
0x41: {  	[spmem:s2] =	stream.indirect.scatter.add.f32 [tilespmem:s28], [sflag:$0x2], $0x1, s0, s26, $0xb8;
	[tilespmem:$0x4580] =	vst v63  }
0x42: {  	_ =	swait.ge [sflag:s19], $0x50  }
0x43: {  	[sflag:s19] =	ssyncset.done $0x0  }
0x44: {  	s0 =	sadd.s32 $0x2000, s0;
	[sflag:s19] =	ssyncadd.s32 $0xFFFFFFB0  }
0x45: {  	[spmem:s3] =	stream.indirect.scatter.add.f32 [tilespmem:s28], [sflag:$0x2], $0x1, s0, s26, $0xb8;
	[tilespmem:$0x4580] =	vst v63  }
0x46: {  	_ =	swait.ge [sflag:s19], $0x50  }
0x47: {  	[sflag:s19] =	ssyncset.done $0x0  }
0x48: {  	[sflag:s19] =	ssyncadd.s32 $0xFFFFFFB0  }
0x49: {  	_ =	swait.ge [sflag:s29], $0xC80  }
0x4a: {  	[sflag:s29] =	ssyncset.done $0x0  }
0x4b: {  	[sflag:s29] =	ssyncadd.s32 $0xFFFFF380  }
0x4c: {  	_ =	swait.ge [sflag:s29], $0xC80  }
0x4d: {  	[sflag:s29] =	ssyncset.done $0x0  }
0x4e: {  	[sflag:s29] =	ssyncadd.s32 $0xFFFFF380  }
0x4f: {  	[tilespmem:s4], [sflag:$0x1] =	stream.linear.gather [hbm4b:s10+s4], $0xC80, $0x38;
	[tilespmem:$0x4580] =	vst v63  }
0x50: {  	_ = 	snop  }
0x51: {  	[tilespmem:s20], [sflag:$0x1] =	stream.linear.gather [hbm4b:s11+s4], $0xC80, $0x38;
	[tilespmem:$0x4580] =	vst v63  }
0x52: {  	s8 =	simm.s32 $0x1000  }
0x53: {  	[spmem:s2] =	stream.indirect.scatter.add.f32 [tilespmem:s28], [sflag:$0x2], $0x1, s8, s26, $0xb8;
	[tilespmem:$0x4580] =	vst v63  }
0x54: {  	_ =	swait.ge [sflag:s19], $0x50  }
0x55: {  	[sflag:s19] =	ssyncset.done $0x0  }
0x56: {  	s9 =	simm.s32 $0x3000;
	[sflag:s19] =	ssyncadd.s32 $0xFFFFFFB0  }
0x57: {  	[spmem:s3] =	stream.indirect.scatter.add.f32 [tilespmem:s28], [sflag:$0x2], $0x1, s9, s26, $0xb8;
	[tilespmem:$0x4580] =	vst v63  }
0x58: {  	_ =	swait.ge [sflag:s19], $0x50  }
0x59: {  	s6 =	simm.s32 $0xFFFFD200;
	s0 =	simm.s32 $0xFFFFF400;
	[sflag:s19] =	ssyncset.done $0x0  }
.LBB2_4:
0x5a: {  	s7 =	sadd.s32 $0x1C80, s0  }
0x5b: {  	[sflag:s19] =	ssyncadd.s32 $0xFFFFFFB0;
	s8 =	smov.u32 s6;
	s9 =	sadd.s32 $0x200, s6  }
0x5c: {  	[spmem:s2] =	stream.indirect.scatter.add.f32 [tilespmem:s28], [sflag:$0x2], $0x1, s7, s26, $0xb8;
	[tilespmem:$0x4580] =	vst v63  }
0x5d: {  	p0 =	sne.s32 s6, $0xFFFFFE00;
	_ =	swait.ge [sflag:s19], $0x50  }
.Ltmp1:
0x5e: {  	[sflag:s19] =	ssyncset.done $0x0;
	(pc) =	sbr.rel @p0 .LBB2_4-.Ltmp1, $4  }
0x5f: {  	s0 =	sadd.s32 $0x3C80, s0;
	[sflag:s19] =	ssyncadd.s32 $0xFFFFFFB0  }
0x60: {  	[spmem:s3] =	stream.indirect.scatter.add.f32 [tilespmem:s28], [sflag:$0x2], $0x1, s0, s26, $0xb8;
	[tilespmem:$0x4580] =	vst v63  }
0x61: {  	_ =	swait.ge [sflag:s19], $0x50  }
0x62: {  	s6 =	smov.u32 s9;
	s0 =	sshra.s32 s8, $0x2;
	[sflag:s19] =	ssyncset.done $0x0  }
0x63: {  	s6 =	sadd.s32 $0x1C80, s0;
	[sflag:s19] =	ssyncadd.s32 $0xFFFFFFB0  }
0x64: {  	[spmem:s2] =	stream.indirect.scatter.add.f32 [tilespmem:s28], [sflag:$0x2], $0x1, s6, s26, $0xb8;
	[tilespmem:$0x4580] =	vst v63  }
0x65: {  	_ =	swait.ge [sflag:s19], $0x50  }
0x66: {  	[sflag:s19] =	ssyncset.done $0x0  }
0x67: {  	s6 =	sadd.s32 $0x3C80, s0;
	[sflag:s19] =	ssyncadd.s32 $0xFFFFFFB0  }
0x68: {  	[spmem:s3] =	stream.indirect.scatter.add.f32 [tilespmem:s28], [sflag:$0x2], $0x1, s6, s26, $0xb8;
	[tilespmem:$0x4580] =	vst v63  }
0x69: {  	_ =	swait.ge [sflag:s19], $0x50  }
0x6a: {  	[sflag:s19] =	ssyncset.done $0x0  }
0x6b: {  	[sflag:s19] =	ssyncadd.s32 $0xFFFFFFB0  }
0x6c: {  	_ =	swait.ge [sflag:s29], $0xC80  }
0x6d: {  	[sflag:s29] =	ssyncset.done $0x0  }
0x6e: {  	[sflag:s29] =	ssyncadd.s32 $0xFFFFF380  }
0x6f: {  	_ =	swait.ge [sflag:s29], $0xC80  }
0x70: {  	[sflag:s29] =	ssyncset.done $0x0  }
0x71: {  	s7 =	simm.s32 $0x0;
	[sflag:s29] =	ssyncadd.s32 $0xFFFFF380  }
0x72: {  	[tilespmem:s24], [sflag:$0x1] =	stream.linear.gather [hbm4b:s12+s7], $0xC80, $0x38;
	[tilespmem:$0x4580] =	vst v63  }
0x73: {  	_ = 	snop  }
0x74: {  	[tilespmem:s25], [sflag:$0x1] =	stream.linear.gather [hbm4b:s13+s7], $0xC80, $0x38;
	[tilespmem:$0x4580] =	vst v63  }
0x75: {  	s8 =	simm.s32 $0x0  }
0x76: {  	[spmem:s2] =	stream.indirect.scatter.add.f32 [tilespmem:s28], [sflag:$0x2], $0x1, s8, s26, $0xb8;
	[tilespmem:$0x4580] =	vst v63  }
0x77: {  	_ =	swait.ge [sflag:s19], $0x50  }
0x78: {  	[sflag:s19] =	ssyncset.done $0x0  }
0x79: {  	s9 =	simm.s32 $0x2000;
	[sflag:s19] =	ssyncadd.s32 $0xFFFFFFB0  }
0x7a: {  	[spmem:s3] =	stream.indirect.scatter.add.f32 [tilespmem:s28], [sflag:$0x2], $0x1, s9, s26, $0xb8;
	[tilespmem:$0x4580] =	vst v63  }
0x7b: {  	_ =	swait.ge [sflag:s19], $0x50  }
0x7c: {  	s0 =	simm.s32 $0x200;
	s6 =	simm.s32 $0x400;
	[sflag:s19] =	ssyncset.done $0x0  }
.LBB2_6:
0x7d: {  	s7 =	sshra.s32 s0, $0x2  }
0x7e: {  	[sflag:s19] =	ssyncadd.s32 $0xFFFFFFB0;
	s0 =	smov.u32 s6;
	s8 =	sadd.s32 $0x200, s6  }
0x7f: {  	[spmem:s2] =	stream.indirect.scatter.add.f32 [tilespmem:s28], [sflag:$0x2], $0x1, s7, s26, $0xb8;
	[tilespmem:$0x4580] =	vst v63  }
0x80: {  	p0 =	sne.s32 s6, $0x3000;
	_ =	swait.ge [sflag:s19], $0x50  }
.Ltmp2:
0x81: {  	[sflag:s19] =	ssyncset.done $0x0;
	(pc) =	sbr.rel @p0 .LBB2_6-.Ltmp2, $4  }
0x82: {  	s6 =	sadd.s32 $0x2000, s7;
	[sflag:s19] =	ssyncadd.s32 $0xFFFFFFB0  }
0x83: {  	[spmem:s3] =	stream.indirect.scatter.add.f32 [tilespmem:s28], [sflag:$0x2], $0x1, s6, s26, $0xb8;
	[tilespmem:$0x4580] =	vst v63  }
0x84: {  	_ =	swait.ge [sflag:s19], $0x50  }
0x85: {  	s6 =	smov.u32 s8;
	[sflag:s19] =	ssyncset.done $0x0  }
0x86: {  	s0 =	sshra.s32 s0, $0x2;
	[sflag:s19] =	ssyncadd.s32 $0xFFFFFFB0  }
0x87: {  	[spmem:s2] =	stream.indirect.scatter.add.f32 [tilespmem:s28], [sflag:$0x2], $0x1, s0, s26, $0xb8;
	[tilespmem:$0x4580] =	vst v63  }
0x88: {  	_ =	swait.ge [sflag:s19], $0x50  }
0x89: {  	[sflag:s19] =	ssyncset.done $0x0  }
0x8a: {  	s0 =	sadd.s32 $0x2000, s0;
	[sflag:s19] =	ssyncadd.s32 $0xFFFFFFB0  }
0x8b: {  	[spmem:s3] =	stream.indirect.scatter.add.f32 [tilespmem:s28], [sflag:$0x2], $0x1, s0, s26, $0xb8;
	[tilespmem:$0x4580] =	vst v63  }
0x8c: {  	_ =	swait.ge [sflag:s19], $0x50  }
0x8d: {  	[sflag:s19] =	ssyncset.done $0x0  }
0x8e: {  	[sflag:s19] =	ssyncadd.s32 $0xFFFFFFB0  }
0x8f: {  	_ =	swait.ge [sflag:s29], $0xC80  }
0x90: {  	[sflag:s29] =	ssyncset.done $0x0  }
0x91: {  	[sflag:s29] =	ssyncadd.s32 $0xFFFFF380  }
0x92: {  	_ =	swait.ge [sflag:s29], $0xC80  }
0x93: {  	[sflag:s29] =	ssyncset.done $0x0  }
0x94: {  	[sflag:s29] =	ssyncadd.s32 $0xFFFFF380  }
0x95: {  	[tilespmem:s4], [sflag:$0x1] =	stream.linear.gather [hbm4b:s15+s4], $0xC80, $0x38;
	[tilespmem:$0x4580] =	vst v63  }
0x96: {  	_ = 	snop  }
0x97: {  	[tilespmem:s20], [sflag:$0x1] =	stream.linear.gather [hbm4b:s16+s4], $0xC80, $0x38;
	[tilespmem:$0x4580] =	vst v63  }
0x98: {  	s8 =	simm.s32 $0x1000  }
0x99: {  	[spmem:s2] =	stream.indirect.scatter.add.f32 [tilespmem:s28], [sflag:$0x2], $0x1, s8, s26, $0xb8;
	[tilespmem:$0x4580] =	vst v63  }
0x9a: {  	_ =	swait.ge [sflag:s19], $0x50  }
0x9b: {  	[sflag:s19] =	ssyncset.done $0x0  }
0x9c: {  	s9 =	simm.s32 $0x3000;
	[sflag:s19] =	ssyncadd.s32 $0xFFFFFFB0  }
0x9d: {  	[spmem:s3] =	stream.indirect.scatter.add.f32 [tilespmem:s28], [sflag:$0x2], $0x1, s9, s26, $0xb8;
	[tilespmem:$0x4580] =	vst v63  }
0x9e: {  	_ =	swait.ge [sflag:s19], $0x50  }
0x9f: {  	s6 =	simm.s32 $0xFFFFD200;
	s0 =	simm.s32 $0xFFFFF400;
	[sflag:s19] =	ssyncset.done $0x0  }
.LBB2_8:
0xa0: {  	s7 =	sadd.s32 $0x1C80, s0  }
0xa1: {  	[sflag:s19] =	ssyncadd.s32 $0xFFFFFFB0;
	s8 =	smov.u32 s6;
	s9 =	sadd.s32 $0x200, s6  }
0xa2: {  	[spmem:s2] =	stream.indirect.scatter.add.f32 [tilespmem:s28], [sflag:$0x2], $0x1, s7, s26, $0xb8;
	[tilespmem:$0x4580] =	vst v63  }
0xa3: {  	p0 =	sne.s32 s6, $0xFFFFFE00;
	_ =	swait.ge [sflag:s19], $0x50  }
.Ltmp3:
0xa4: {  	[sflag:s19] =	ssyncset.done $0x0;
	(pc) =	sbr.rel @p0 .LBB2_8-.Ltmp3, $4  }
0xa5: {  	s0 =	sadd.s32 $0x3C80, s0;
	[sflag:s19] =	ssyncadd.s32 $0xFFFFFFB0  }
0xa6: {  	[spmem:s3] =	stream.indirect.scatter.add.f32 [tilespmem:s28], [sflag:$0x2], $0x1, s0, s26, $0xb8;
	[tilespmem:$0x4580] =	vst v63  }
0xa7: {  	_ =	swait.ge [sflag:s19], $0x50  }
0xa8: {  	s6 =	smov.u32 s9;
	s0 =	sshra.s32 s8, $0x2;
	[sflag:s19] =	ssyncset.done $0x0  }
0xa9: {  	s6 =	sadd.s32 $0x1C80, s0;
	[sflag:s19] =	ssyncadd.s32 $0xFFFFFFB0  }
0xaa: {  	[spmem:s2] =	stream.indirect.scatter.add.f32 [tilespmem:s28], [sflag:$0x2], $0x1, s6, s26, $0xb8;
	[tilespmem:$0x4580] =	vst v63  }
0xab: {  	_ =	swait.ge [sflag:s19], $0x50  }
0xac: {  	[sflag:s19] =	ssyncset.done $0x0  }
0xad: {  	s7 =	sadd.s32 $0x3C80, s0;
	[sflag:s19] =	ssyncadd.s32 $0xFFFFFFB0  }
0xae: {  	[spmem:s3] =	stream.indirect.scatter.add.f32 [tilespmem:s28], [sflag:$0x2], $0x1, s7, s26, $0xb8;
	[tilespmem:$0x4580] =	vst v63  }
0xaf: {  	_ =	swait.ge [sflag:s19], $0x50  }
0xb0: {  	[sflag:s19] =	ssyncset.done $0x0  }
0xb1: {  	[sflag:s19] =	ssyncadd.s32 $0xFFFFFFB0  }
0xb2: {  	_ =	swait.ge [sflag:s29], $0xC80  }
0xb3: {  	[sflag:s29] =	ssyncset.done $0x0  }
0xb4: {  	[sflag:s29] =	ssyncadd.s32 $0xFFFFF380  }
0xb5: {  	_ =	swait.ge [sflag:s29], $0xC80  }
0xb6: {  	[sflag:s29] =	ssyncset.done $0x0  }
0xb7: {  	s8 =	simm.s32 $0x0;
	[sflag:s29] =	ssyncadd.s32 $0xFFFFF380  }
0xb8: {  	[spmem:s2] =	stream.indirect.scatter.add.f32 [tilespmem:s28], [sflag:$0x2], $0x1, s8, s26, $0xb8;
	[tilespmem:$0x4580] =	vst v63  }
0xb9: {  	_ =	swait.ge [sflag:s19], $0x50  }
0xba: {  	[sflag:s19] =	ssyncset.done $0x0  }
0xbb: {  	s9 =	simm.s32 $0x2000;
	[sflag:s19] =	ssyncadd.s32 $0xFFFFFFB0  }
0xbc: {  	[spmem:s3] =	stream.indirect.scatter.add.f32 [tilespmem:s28], [sflag:$0x2], $0x1, s9, s26, $0xb8;
	[tilespmem:$0x4580] =	vst v63  }
0xbd: {  	_ =	swait.ge [sflag:s19], $0x50  }
0xbe: {  	s0 =	simm.s32 $0x200;
	s6 =	simm.s32 $0x400;
	[sflag:s19] =	ssyncset.done $0x0  }
.LBB2_10:
0xbf: {  	s7 =	sshra.s32 s0, $0x2  }
0xc0: {  	[sflag:s19] =	ssyncadd.s32 $0xFFFFFFB0;
	s0 =	smov.u32 s6;
	s8 =	sadd.s32 $0x200, s6  }
0xc1: {  	[spmem:s2] =	stream.indirect.scatter.add.f32 [tilespmem:s28], [sflag:$0x2], $0x1, s7, s26, $0xb8;
	[tilespmem:$0x4580] =	vst v63  }
0xc2: {  	p0 =	sne.s32 s6, $0x3000;
	_ =	swait.ge [sflag:s19], $0x50  }
.Ltmp4:
0xc3: {  	[sflag:s19] =	ssyncset.done $0x0;
	(pc) =	sbr.rel @p0 .LBB2_10-.Ltmp4, $4  }
0xc4: {  	s6 =	sadd.s32 $0x2000, s7;
	[sflag:s19] =	ssyncadd.s32 $0xFFFFFFB0  }
0xc5: {  	[spmem:s3] =	stream.indirect.scatter.add.f32 [tilespmem:s28], [sflag:$0x2], $0x1, s6, s26, $0xb8;
	[tilespmem:$0x4580] =	vst v63  }
0xc6: {  	_ =	swait.ge [sflag:s19], $0x50  }
0xc7: {  	s6 =	smov.u32 s8;
	[sflag:s19] =	ssyncset.done $0x0  }
0xc8: {  	s0 =	sshra.s32 s0, $0x2;
	[sflag:s19] =	ssyncadd.s32 $0xFFFFFFB0  }
0xc9: {  	[spmem:s2] =	stream.indirect.scatter.add.f32 [tilespmem:s28], [sflag:$0x2], $0x1, s0, s26, $0xb8;
	[tilespmem:$0x4580] =	vst v63  }
0xca: {  	_ =	swait.ge [sflag:s19], $0x50  }
0xcb: {  	[sflag:s19] =	ssyncset.done $0x0  }
0xcc: {  	s0 =	sadd.s32 $0x2000, s0;
	[sflag:s19] =	ssyncadd.s32 $0xFFFFFFB0  }
0xcd: {  	[spmem:s3] =	stream.indirect.scatter.add.f32 [tilespmem:s28], [sflag:$0x2], $0x1, s0, s26, $0xb8;
	[tilespmem:$0x4580] =	vst v63  }
0xce: {  	_ =	swait.ge [sflag:s19], $0x50  }
0xcf: {  	[sflag:s19] =	ssyncset.done $0x0  }
0xd0: {  	[sflag:s19] =	ssyncadd.s32 $0xFFFFFFB0  }
0xd1: {  	[bflag:$0x0] =	sbarrier.arrive $0xFFFF  }
0xd2: {  	[hbm:s14@s30], [sflag:s21] =	dma.strided [spmem:s22@s31], $0x50, s29, $0x10   }
0xd3: {  	s1 =	sadd.s32 $0x1, s1;
	_ =	swait.ge [sflag:s19], $0x50  }
0xd4: {  	p0 =	sne.s32 s1, s18;
	[sflag:s19] =	ssyncset.done $0x0  }
.Ltmp5:
0xd5: {  	[sflag:s19] =	ssyncadd.s32 $0xFFFFFFB0;
	(pc) =	sbr.rel @p0 .LBB2_1-.Ltmp5, $4  }
0xd6: {  	[hbm:s17@s30], [sflag:s21] =	dma.strided [spmem:s23@s31], $0x50, s29, $0x10   }
0xd7: {  	_ =	swait.ge [sflag:s19], $0x50  }
0xd8: {  	[sflag:s19] =	ssyncset.done $0x0  }
0xd9: {  	[sflag:s19] =	ssyncadd.s32 $0xFFFFFFB0  }
0xda: {  	_ =	sfence.sel $0x180000  }
0xdb: {  	[bflag:$0x0] =	sbarrier.arrive $0xFFFF  }
0xdc: {  	_ =	strace $0x90000047  }
0xdd: {  	s0 =	stileid.u32;
	[bflag:$0x2] =	sbarrier.arrive $0xFFFF  }
0xde: {  	p0 =	sne.s32 s0, $0x0;
	s0 =	rddreg [dreg:$0x4]  }
0xdf: {  	s0 =	sadd.s32 @!p0 $0x100000, s0  }
0xe0: {  	[sflag:s0] =	ssyncadd.tile.s32 @!p0 $0x1;
	_ =	shalt  }
.Lfunc_end2:
_tile_overlayer_lowered:
.L_overlay_start_2:
0xe1: {  	(tag) =	ssettag $0x2  }
0xe2: {  	s0 =	rddreg [dreg:$0x0];
	s2 =	stileid.u32  }
0xe3: {  	s1 =	rddreg [dreg:$0x1];
	p0 =	sne.s32 s2, $0x0  }
0xe4: {  	s3 =	rddreg [dreg:$0x2];
	[bflag:$0x3] =	sbarrier.arrive $0xFFFF;
	s2 =	simm.s32 @!p0 $0x1C02  }
0xe5: {  	[timem:s3], [sflag:s2] =	dma.local @!p0 [hbm:s0], s1  }
0xe6: {  	s0 =	simm.s32 @!p0 $0x2  }
0xe7: {  	_ =	swait.ge @!p0 [sflag:s0], s1  }
0xe8: {  	s1 =	ssub.s32 @!p0 $0x0, s1;
	[sflag:s0] =	ssyncset.done @!p0 $0x0  }
0xe9: {  	[sflag:s0] =	ssyncadd.s32 @!p0 s1  }
0xea: {  	[bflag:$0x3] =	sbarrier.arrive $0xFFFF  }
0xeb: {  	_ =	shalt  }

</sc_bundles>
